<compile_context>
chip_gen: v7x
topology: tpu7x:2x2x1
jax: 0.10.2.dev20260603
libtpu: 0.0.44.dev20260713+nightly
codegen_flags: <defaults>
</compile_context>

<pallas_src>
import functools

import jax
import jax.numpy as jnp
from jax import lax
from jax.experimental import pallas as pl
from jax.experimental.pallas import tpu as pltpu
from jax.experimental.pallas import tpu_sc as plsc

A = 16
K = 8
F = 26
V = 1000
D = 32
RAW = 128
B = 1024
H1 = 64
H2 = 64
C_BW = 1000.0
FD = F * D

NC = 2
NS = 16
BH = B // 2
NG = BH // 16


@functools.cache
def _make_sc_gather():
    mesh = plsc.VectorSubcoreMesh(
        core_axis_name="c", subcore_axis_name="s",
        num_cores=NC, num_subcores=NS)

    @functools.partial(
        pl.kernel,
        out_type=jax.ShapeDtypeStruct((A * FD, B), jnp.float32),
        mesh=mesh,
        scratch_types=[
            pltpu.VMEM((D, V), jnp.float32),
            pltpu.VMEM((D, V), jnp.float32),
            pltpu.VMEM((D, BH), jnp.float32),
            pltpu.VMEM((D, BH), jnp.float32),
            pltpu.VMEM((F * BH,), jnp.int32),
            pltpu.SemaphoreType.DMA,
            pltpu.SemaphoreType.DMA,
            pltpu.SemaphoreType.DMA,
            pltpu.SemaphoreType.DMA,
            pltpu.SemaphoreType.DMA,
        ],
        compiler_params=pltpu.CompilerParams(
            use_tc_tiling_on_sc=True, needs_layout_passes=False),
    )
    def sc_gather(embt_hbm, xit_hbm, out_hbm,
                  sl0, sl1, st0, st1, xi_v, sa0, sa1, sb0, sb1, sx):
        wid = lax.axis_index("s") * NC + lax.axis_index("c")
        a = wid // 2
        b0 = (wid % 2) * BH
        sls = (sl0, sl1)
        sts = (st0, st1)
        sas = (sa0, sa1)
        sbs = (sb0, sb1)

        for f in range(F):
            pltpu.async_copy(xit_hbm.at[pl.ds(f * B + b0, BH)],
                             xi_v.at[pl.ds(f * BH, BH)], sx)
        for f in range(F):
            pltpu.make_async_copy(xit_hbm.at[pl.ds(f * B + b0, BH)],
                                  xi_v.at[pl.ds(f * BH, BH)], sx).wait()

        def out_dst(f):
            return out_hbm.at[pl.ds(a * FD + f * D, D), pl.ds(b0, BH)]

        pltpu.async_copy(embt_hbm.at[a, 0], sl0, sa0)

        def pair(p, _):
            for par in range(2):
                f = 2 * p + par
                pltpu.make_async_copy(
                    embt_hbm.at[a, f], sls[par], sas[par]).wait()

                @pl.when(f + 1 < F)
                def _():
                    pltpu.async_copy(
                        embt_hbm.at[a, f + 1], sls[1 - par], sas[1 - par])

                @pl.when(f >= 2)
                def _():
                    pltpu.make_async_copy(
                        sts[par], out_dst(f - 2), sbs[par]).wait()

                def per_g(g2, carry):
                    for sub in range(4):
                        g = 4 * g2 + sub
                        v16 = xi_v[pl.ds(f * BH + g * 16, 16)]
                        for d in range(D):
                            dvec = jnp.full((16,), d, jnp.int32)
                            vals = plsc.load_gather(sls[par], [dvec, v16])
                            sts[par][d, pl.ds(g * 16, 16)] = vals
                    return carry

                lax.fori_loop(0, NG // 4, per_g, 0)
                pltpu.async_copy(sts[par], out_dst(f), sbs[par])
            return 0

        lax.fori_loop(0, F // 2, pair, 0)
        pltpu.make_async_copy(st0, out_dst(F - 2), sb0).wait()
        pltpu.make_async_copy(st1, out_dst(F - 1), sb1).wait()

    return sc_gather


def _dot0(x, y, prec=lax.Precision.DEFAULT):
    return lax.dot_general(x, y, (((0,), (0,)), ((), ())),
                           preferred_element_type=jnp.float32,
                           precision=prec)


def _tc_body(emb_ref, xv_ref, x_ref, ap_ref, bias_ref,
             w1_ref, b1_ref, w2_ref, b2_ref,
             out_ref, es_ref, xe_ref, wsel_ref, wb_ref):
    a = pl.program_id(0)

    @pl.when(a == 0)
    def _():
        xt = x_ref[...]
        ap = ap_ref[...]
        x2 = jnp.sum(xt * xt, axis=0, keepdims=True)
        xa = lax.dot_general(ap, xt, (((1,), (0,)), ((), ())),
                             preferred_element_type=jnp.float32,
                             precision=lax.Precision.HIGHEST)
        a2 = jnp.sum(ap * ap, axis=1, keepdims=True)
        dist = a2 - 2.0 * xa + x2
        sim = jnp.exp(dist * (-1.0 / C_BW))
        iota0 = lax.broadcasted_iota(jnp.int32, (A, B), 0)
        work = sim
        sel = jnp.zeros((A, B), jnp.float32)
        for _ in range(K):
            m = jnp.max(work, axis=0, keepdims=True)
            cand = jnp.where(work >= m, iota0, A + 1)
            amin = jnp.min(cand, axis=0, keepdims=True)
            pick = iota0 == amin
            sel = jnp.where(pick, 1.0, sel)
            work = jnp.where(pick, -1e30, work)
        wun = sim * sel
        den = jnp.sum(wun, axis=0, keepdims=True) + 1e-12
        wsel = wun / den
        wsel_ref[...] = wsel
        wb_ref[...] = _dot0(bias_ref[...], wsel)
        rmat = (lax.broadcasted_iota(jnp.int32, (FD, F), 0) // D
                == lax.broadcasted_iota(jnp.int32, (FD, F), 1)
                ).astype(jnp.float32)
        xe_ref[...] = lax.dot_general(
            rmat, xv_ref[...], (((1,), (0,)), ((), ())),
            preferred_element_type=jnp.float32)

    es = emb_ref[0] * xe_ref[...]
    es_ref[...] = es
    smat = (lax.broadcasted_iota(jnp.int32, (FD, D), 0) % D
            == lax.broadcasted_iota(jnp.int32, (FD, D), 1)).astype(jnp.float32)
    cat = jnp.concatenate([w1_ref[a], smat], axis=1)
    hs = _dot0(cat, es_ref[...])
    s = hs[H1:, :]
    fm = 0.5 * (jnp.sum(s * s, axis=0, keepdims=True)
                - jnp.sum(es * es, axis=0, keepdims=True))

    h1 = jnp.maximum(hs[:H1, :] + b1_ref[0], 0.0)
    h2 = jnp.maximum(_dot0(w2_ref[a], h1) + b2_ref[0], 0.0)
    deep = jnp.sum(h2, axis=0, keepdims=True)

    amask = lax.broadcasted_iota(jnp.int32, (A, B), 0) == a
    wrow = jnp.sum(jnp.where(amask, wsel_ref[...], 0.0),
                   axis=0, keepdims=True)
    contrib = wrow * (fm + deep)

    @pl.when(a == 0)
    def _():
        out_ref[...] = wb_ref[...] + contrib

    @pl.when(a != 0)
    def _():
        out_ref[...] = out_ref[...] + contrib


_tc_fused = pl.pallas_call(
    _tc_body,
    grid=(A,),
    in_specs=[
        pl.BlockSpec((1, FD, B), lambda a: (a, 0, 0)),
        pl.BlockSpec((F, B), lambda a: (0, 0)),
        pl.BlockSpec((RAW, B), lambda a: (0, 0)),
        pl.BlockSpec((A, RAW), lambda a: (0, 0)),
        pl.BlockSpec((A, 1), lambda a: (0, 0)),
        pl.BlockSpec((A, FD, H1), lambda a: (0, 0, 0)),
        pl.BlockSpec((1, H1, 1), lambda a: (a, 0, 0)),
        pl.BlockSpec((A, H1, H2), lambda a: (0, 0, 0)),
        pl.BlockSpec((1, H2, 1), lambda a: (a, 0, 0)),
    ],
    out_specs=pl.BlockSpec((1, B), lambda a: (0, 0)),
    out_shape=jax.ShapeDtypeStruct((1, B), jnp.float32),
    scratch_shapes=[
        pltpu.VMEM((FD, B), jnp.float32),
        pltpu.VMEM((FD, B), jnp.float32),
        pltpu.VMEM((A, B), jnp.float32),
        pltpu.VMEM((1, B), jnp.float32),
    ],
    compiler_params=pltpu.CompilerParams(
        dimension_semantics=("arbitrary",)),
)


def kernel(Xi, Xv, X, anchor_points, bias, emb_tables, W1, b1, W2, b2):
    embt = jnp.transpose(emb_tables, (0, 1, 3, 2))
    xit = jnp.transpose(Xi).astype(jnp.int32).reshape(F * B)
    rows = _make_sc_gather()(embt, xit)
    emb3 = rows.reshape(A, FD, B)
    out = _tc_fused(emb3, jnp.transpose(Xv), jnp.transpose(X),
                    anchor_points, bias, W1,
                    b1.reshape(A, H1, 1), W2, b2.reshape(A, H2, 1))
    return out.reshape(B)

# --- scband reference (transcript-rebuilt; emitter-appended) ---
"""Pipeline reference for scband-lldeep-fm-6820408066825 (READ-ONLY COPY).

The authoritative reference and input builder live on the scoring server;
editing this copy changes nothing except your own understanding.
"""

import jax, jax.numpy as jnp
import numpy as np

A = 16      # anchor_num
K = 8       # nn_num
F = 26      # field_size
V = 1000    # per-field vocab
D = 32      # embedding_size
RAW = 128   # raw_feature_size
B = 1024    # batch
H1 = 64
H2 = 64
C_BW = 1000.0  # kernel bandwidth c


def setup_inputs(seed: int = 0) -> dict:
    key = jax.random.key(seed)
    ks = jax.random.split(key, 10)
    Xi = jax.random.randint(ks[0], (B, F), 0, V)
    Xv = jax.random.uniform(ks[1], (B, F), dtype=jnp.float32)
    X = jax.random.normal(ks[2], (B, RAW), dtype=jnp.float32)
    anchor_points = jax.random.normal(ks[3], (A, RAW), dtype=jnp.float32)
    bias = jax.random.normal(ks[4], (A, 1), dtype=jnp.float32)
    emb_tables = jax.random.normal(ks[5], (A, F, V, D), dtype=jnp.float32) * 0.01
    W1 = jax.random.normal(ks[6], (A, F * D, H1), dtype=jnp.float32) * (1.0 / np.sqrt(F * D))
    b1 = jnp.zeros((A, H1), jnp.float32)
    W2 = jax.random.normal(ks[7], (A, H1, H2), dtype=jnp.float32) * (1.0 / np.sqrt(H1))
    b2 = jnp.zeros((A, H2), jnp.float32)
    return {"Xi": Xi, "Xv": Xv, "X": X, "anchor_points": anchor_points,
            "bias": bias, "emb_tables": emb_tables, "W1": W1, "b1": b1, "W2": W2, "b2": b2}


def reference(Xi, Xv, X, anchor_points, bias, emb_tables, W1, b1, W2, b2):
    # Locally-linear DeepFM: each sample is soft-assigned to its nn_num nearest
    # anchor points; each anchor owns a full set of FM embedding tables, a bias,
    # and a deep MLP. Outputs are the kernel-weighted combination over anchors.
    Bn, Fn = Xi.shape
    An = anchor_points.shape[0]
    Dn = emb_tables.shape[-1]
    # nearest_neighbour: squared L2 distance to anchors, Gaussian kernel weights,
    # keep top nn_num, renormalize.
    dist = jnp.sum((X[:, None, :] - anchor_points[None, :, :]) ** 2, axis=-1)  # [B, A]
    sim = jnp.exp(-dist / C_BW)
    nn_w, nn_idx = jax.lax.top_k(sim, K)                                       # [B, K]
    nn_w = nn_w / (jnp.sum(nn_w, axis=1, keepdims=True) + 1e-12)
    # gather anchor-specific per-field embeddings: [B, K, F, D]
    f_idx = jnp.arange(Fn)
    emb = emb_tables[nn_idx[:, :, None], f_idx[None, None, :], Xi[:, None, :]]
    emb = emb * Xv[:, None, :, None]
    # FM second order: 0.5 * ((sum e)^2 - sum e^2)
    s = jnp.sum(emb, axis=2)                                                   # [B, K, D]
    fm_second = 0.5 * (s * s - jnp.sum(emb * emb, axis=2))                     # [B, K, D]
    fm_sum = jnp.sum(fm_second, axis=-1)                                       # [B, K]
    # deep part: per-anchor 2-layer relu MLP on the concatenated embeddings
    x0_flat = emb.reshape(Bn * K, Fn * Dn)
    idx_flat = nn_idx.reshape(Bn * K)
    h2_flat = jnp.zeros((Bn * K, W2.shape[-1]), jnp.float32)
    for a in range(An):
        h1a = jax.nn.relu(x0_flat @ W1[a] + b1[a])
        h2a = jax.nn.relu(h1a @ W2[a] + b2[a])
        h2_flat = jnp.where((idx_flat == a)[:, None], h2a, h2_flat)
    deep_sum = jnp.sum(h2_flat.reshape(Bn, K, -1), axis=-1)                    # [B, K]
    bias_k = bias[nn_idx, 0]                                                   # [B, K]
    total = jnp.sum(nn_w * (fm_sum + deep_sum + bias_k), axis=1)               # [B]
    return total

if __name__ == "__main__":
    import jax
    _d = setup_inputs()
    print(jax.jit(kernel)(*tuple(_d.values())))

</pallas_src>

<mosaic_0001>
#map = affine_map<(d0, d1) -> (0, 0, 0, 0)>
#map1 = affine_map<(d0, d1) -> (0)>
#map2 = affine_map<(d0, d1) -> (0, 0)>
module attributes {stable_mosaic.version = 14 : i64} {
  func.func @sc_gather(%arg0: i32, %arg1: i32, %arg2: memref<16x26x32x1000xf32, #tpu.memory_space<hbm>>, %arg3: memref<26624xi32, #tpu.memory_space<hbm>>, %arg4: memref<13312x1024xf32, #tpu.memory_space<hbm>>, %arg5: memref<32x1000xf32, #tpu.memory_space<vmem>>, %arg6: memref<32x1000xf32, #tpu.memory_space<vmem>>, %arg7: memref<32x512xf32, #tpu.memory_space<vmem>>, %arg8: memref<32x512xf32, #tpu.memory_space<vmem>>, %arg9: memref<13312xi32, #tpu.memory_space<vmem>>, %arg10: memref<!tpu.dma_semaphore, #tpu.memory_space<semaphore_mem>>, %arg11: memref<!tpu.dma_semaphore, #tpu.memory_space<semaphore_mem>>, %arg12: memref<!tpu.dma_semaphore, #tpu.memory_space<semaphore_mem>>, %arg13: memref<!tpu.dma_semaphore, #tpu.memory_space<semaphore_mem>>, %arg14: memref<!tpu.dma_semaphore, #tpu.memory_space<semaphore_mem>>) attributes {dimension_semantics = [#tpu.dimension_semantics<core_parallel>, #tpu.dimension_semantics<subcore_parallel>], iteration_bounds = array<i64: 2, 16>, scalar_prefetch = 0 : i64, scratch_operands = 10 : i64, tpu.core_type = #tpu.core_type<sc_vector_subcore>, window_params = [{transform_indices = #map}, {transform_indices = #map1}, {transform_indices = #map2}]} {
    %mul3A = arith.constant 2 : i32
    %mul3A_0 = arith.muli %arg1, %mul3A : i32
    %add3A = arith.addi %mul3A_0, %arg0 : i32
    %jit3A = arith.constant 2 : i32
    %div3A = arith.divsi %add3A, %jit3A : i32
    %sign3A = arith.constant 0 : i32
    %sign3A_1 = arith.cmpi sgt, %add3A, %sign3A : i32
    %sign3A_2 = arith.extui %sign3A_1 : i1 to i32
    %sign3A_3 = arith.constant 0 : i32
    %sign3A_4 = arith.cmpi slt, %add3A, %sign3A_3 : i32
    %sign3A_5 = arith.extui %sign3A_4 : i1 to i32
    %sign3A_6 = arith.subi %sign3A_2, %sign3A_5 : i32
    %sign3A_7 = arith.constant 0 : i32
    %sign3A_8 = arith.cmpi sgt, %jit3A, %sign3A_7 : i32
    %sign3A_9 = arith.extui %sign3A_8 : i1 to i32
    %sign3A_10 = arith.constant 0 : i32
    %sign3A_11 = arith.cmpi slt, %jit3A, %sign3A_10 : i32
    %sign3A_12 = arith.extui %sign3A_11 : i1 to i32
    %sign3A_13 = arith.subi %sign3A_9, %sign3A_12 : i32
    %ne3A = arith.cmpi ne, %sign3A_6, %sign3A_13 : i32
    %rem3A = arith.remsi %add3A, %jit3A : i32
    %ne3A_14 = arith.constant 0 : i32
    %ne3A_15 = arith.cmpi ne, %rem3A, %ne3A_14 : i32
    %and3A = arith.andi %ne3A, %ne3A_15 : i1
    %sub3A = arith.constant 1 : i32
    %sub3A_16 = arith.subi %div3A, %sub3A : i32
    %select_n3A = arith.select %and3A, %sub3A_16, %div3A : i32
    %jit3A_17 = arith.constant 2 : i32
    %eq3A = arith.constant 0 : i32
    %eq3A_18 = arith.cmpi eq, %jit3A_17, %eq3A : i32
    %jit3A_19 = arith.constant 1 : i32
    %select_n3A_20 = arith.select %eq3A_18, %jit3A_19, %jit3A_17 : i32
    %rem3A_21 = arith.remsi %add3A, %select_n3A_20 : i32
    %ne3A_22 = arith.constant 0 : i32
    %ne3A_23 = arith.cmpi ne, %rem3A_21, %ne3A_22 : i32
    %lt3A = arith.constant 0 : i32
    %lt3A_24 = arith.cmpi slt, %rem3A_21, %lt3A : i32
    %lt3A_25 = arith.constant 0 : i32
    %lt3A_26 = arith.cmpi slt, %select_n3A_20, %lt3A_25 : i32
    %ne3A_27 = arith.xori %lt3A_24, %lt3A_26 : i1
    %and3A_28 = arith.andi %ne3A_27, %ne3A_23 : i1
    %add3A_29 = arith.addi %rem3A_21, %select_n3A_20 : i32
    %select_n3A_30 = arith.select %and3A_28, %add3A_29, %rem3A_21 : i32
    %mul3A_31 = arith.constant 512 : i32
    %mul3A_32 = arith.muli %select_n3A_30, %mul3A_31 : i32
    %add3A_33 = arith.constant 0 : i32
    %add3A_34 = arith.addi %add3A_33, %mul3A_32 : i32
    %dma_start3A = arith.constant 0 : i32
    %dma_start3A_35 = tpu.memref_slice %arg9[%dma_start3A] : memref<13312xi32, #tpu.memory_space<vmem>> -> memref<512xi32, #tpu.memory_space<vmem>>
    %dma_start3A_36 = tpu.memref_slice %arg3[%add3A_34] : memref<26624xi32, #tpu.memory_space<hbm>> -> memref<512xi32, #tpu.memory_space<hbm>>
    %dma_start3A_37 = arith.constant 0 : i32
    %dma_start3A_38 = tpu.memref_slice %arg9[%dma_start3A_37] : memref<13312xi32, #tpu.memory_space<vmem>> -> memref<512xi32, #tpu.memory_space<vmem>>
    %dma_start3A_39 = tpu.memref_slice %arg3[%add3A_34] : memref<26624xi32, #tpu.memory_space<hbm>> -> memref<512xi32, #tpu.memory_space<hbm>>
    tpu.enqueue_dma source(%dma_start3A_39 : memref<512xi32, #tpu.memory_space<hbm>>) target(%dma_start3A_38 : memref<512xi32, #tpu.memory_space<vmem>>) target_semaphore(%arg14 : memref<!tpu.dma_semaphore, #tpu.memory_space<semaphore_mem>>)
    %add3A_40 = arith.constant 1024 : i32
    %add3A_41 = arith.addi %add3A_40, %mul3A_32 : i32
    %dma_start3A_42 = arith.constant 512 : i32
    %dma_start3A_43 = tpu.memref_slice %arg9[%dma_start3A_42] : memref<13312xi32, #tpu.memory_space<vmem>> -> memref<512xi32, #tpu.memory_space<vmem>>
    %dma_start3A_44 = tpu.memref_slice %arg3[%add3A_41] : memref<26624xi32, #tpu.memory_space<hbm>> -> memref<512xi32, #tpu.memory_space<hbm>>
    %dma_start3A_45 = arith.constant 512 : i32
    %dma_start3A_46 = tpu.memref_slice %arg9[%dma_start3A_45] : memref<13312xi32, #tpu.memory_space<vmem>> -> memref<512xi32, #tpu.memory_space<vmem>>
    %dma_start3A_47 = tpu.memref_slice %arg3[%add3A_41] : memref<26624xi32, #tpu.memory_space<hbm>> -> memref<512xi32, #tpu.memory_space<hbm>>
    tpu.enqueue_dma source(%dma_start3A_47 : memref<512xi32, #tpu.memory_space<hbm>>) target(%dma_start3A_46 : memref<512xi32, #tpu.memory_space<vmem>>) target_semaphore(%arg14 : memref<!tpu.dma_semaphore, #tpu.memory_space<semaphore_mem>>)
    %add3A_48 = arith.constant 2048 : i32
    %add3A_49 = arith.addi %add3A_48, %mul3A_32 : i32
    %dma_start3A_50 = arith.constant 1024 : i32
    %dma_start3A_51 = tpu.memref_slice %arg9[%dma_start3A_50] : memref<13312xi32, #tpu.memory_space<vmem>> -> memref<512xi32, #tpu.memory_space<vmem>>
    %dma_start3A_52 = tpu.memref_slice %arg3[%add3A_49] : memref<26624xi32, #tpu.memory_space<hbm>> -> memref<512xi32, #tpu.memory_space<hbm>>
    %dma_start3A_53 = arith.constant 1024 : i32
    %dma_start3A_54 = tpu.memref_slice %arg9[%dma_start3A_53] : memref<13312xi32, #tpu.memory_space<vmem>> -> memref<512xi32, #tpu.memory_space<vmem>>
    %dma_start3A_55 = tpu.memref_slice %arg3[%add3A_49] : memref<26624xi32, #tpu.memory_space<hbm>> -> memref<512xi32, #tpu.memory_space<hbm>>
    tpu.enqueue_dma source(%dma_start3A_55 : memref<512xi32, #tpu.memory_space<hbm>>) target(%dma_start3A_54 : memref<512xi32, #tpu.memory_space<vmem>>) target_semaphore(%arg14 : memref<!tpu.dma_semaphore, #tpu.memory_space<semaphore_mem>>)
    %add3A_56 = arith.constant 3072 : i32
    %add3A_57 = arith.addi %add3A_56, %mul3A_32 : i32
    %dma_start3A_58 = arith.constant 1536 : i32
    %dma_start3A_59 = tpu.memref_slice %arg9[%dma_start3A_58] : memref<13312xi32, #tpu.memory_space<vmem>> -> memref<512xi32, #tpu.memory_space<vmem>>
    %dma_start3A_60 = tpu.memref_slice %arg3[%add3A_57] : memref<26624xi32, #tpu.memory_space<hbm>> -> memref<512xi32, #tpu.memory_space<hbm>>
    %dma_start3A_61 = arith.constant 1536 : i32
    %dma_start3A_62 = tpu.memref_slice %arg9[%dma_start3A_61] : memref<13312xi32, #tpu.memory_space<vmem>> -> memref<512xi32, #tpu.memory_space<vmem>>
    %dma_start3A_63 = tpu.memref_slice %arg3[%add3A_57] : memref<26624xi32, #tpu.memory_space<hbm>> -> memref<512xi32, #tpu.memory_space<hbm>>
    tpu.enqueue_dma source(%dma_start3A_63 : memref<512xi32, #tpu.memory_space<hbm>>) target(%dma_start3A_62 : memref<512xi32, #tpu.memory_space<vmem>>) target_semaphore(%arg14 : memref<!tpu.dma_semaphore, #tpu.memory_space<semaphore_mem>>)
    %add3A_64 = arith.constant 4096 : i32
    %add3A_65 = arith.addi %add3A_64, %mul3A_32 : i32
    %dma_start3A_66 = arith.constant 2048 : i32
    %dma_start3A_67 = tpu.memref_slice %arg9[%dma_start3A_66] : memref<13312xi32, #tpu.memory_space<vmem>> -> memref<512xi32, #tpu.memory_space<vmem>>
    %dma_start3A_68 = tpu.memref_slice %arg3[%add3A_65] : memref<26624xi32, #tpu.memory_space<hbm>> -> memref<512xi32, #tpu.memory_space<hbm>>
    %dma_start3A_69 = arith.constant 2048 : i32
    %dma_start3A_70 = tpu.memref_slice %arg9[%dma_start3A_69] : memref<13312xi32, #tpu.memory_space<vmem>> -> memref<512xi32, #tpu.memory_space<vmem>>
    %dma_start3A_71 = tpu.memref_slice %arg3[%add3A_65] : memref<26624xi32, #tpu.memory_space<hbm>> -> memref<512xi32, #tpu.memory_space<hbm>>
    tpu.enqueue_dma source(%dma_start3A_71 : memref<512xi32, #tpu.memory_space<hbm>>) target(%dma_start3A_70 : memref<512xi32, #tpu.memory_space<vmem>>) target_semaphore(%arg14 : memref<!tpu.dma_semaphore, #tpu.memory_space<semaphore_mem>>)
    %add3A_72 = arith.constant 5120 : i32
    %add3A_73 = arith.addi %add3A_72, %mul3A_32 : i32
    %dma_start3A_74 = arith.constant 2560 : i32
    %dma_start3A_75 = tpu.memref_slice %arg9[%dma_start3A_74] : memref<13312xi32, #tpu.memory_space<vmem>> -> memref<512xi32, #tpu.memory_space<vmem>>
    %dma_start3A_76 = tpu.memref_slice %arg3[%add3A_73] : memref<26624xi32, #tpu.memory_space<hbm>> -> memref<512xi32, #tpu.memory_space<hbm>>
    %dma_start3A_77 = arith.constant 2560 : i32
    %dma_start3A_78 = tpu.memref_slice %arg9[%dma_start3A_77] : memref<13312xi32, #tpu.memory_space<vmem>> -> memref<512xi32, #tpu.memory_space<vmem>>
    %dma_start3A_79 = tpu.memref_slice %arg3[%add3A_73] : memref<26624xi32, #tpu.memory_space<hbm>> -> memref<512xi32, #tpu.memory_space<hbm>>
    tpu.enqueue_dma source(%dma_start3A_79 : memref<512xi32, #tpu.memory_space<hbm>>) target(%dma_start3A_78 : memref<512xi32, #tpu.memory_space<vmem>>) target_semaphore(%arg14 : memref<!tpu.dma_semaphore, #tpu.memory_space<semaphore_mem>>)
    %add3A_80 = arith.constant 6144 : i32
    %add3A_81 = arith.addi %add3A_80, %mul3A_32 : i32
    %dma_start3A_82 = arith.constant 3072 : i32
    %dma_start3A_83 = tpu.memref_slice %arg9[%dma_start3A_82] : memref<13312xi32, #tpu.memory_space<vmem>> -> memref<512xi32, #tpu.memory_space<vmem>>
    %dma_start3A_84 = tpu.memref_slice %arg3[%add3A_81] : memref<26624xi32, #tpu.memory_space<hbm>> -> memref<512xi32, #tpu.memory_space<hbm>>
    %dma_start3A_85 = arith.constant 3072 : i32
    %dma_start3A_86 = tpu.memref_slice %arg9[%dma_start3A_85] : memref<13312xi32, #tpu.memory_space<vmem>> -> memref<512xi32, #tpu.memory_space<vmem>>
    %dma_start3A_87 = tpu.memref_slice %arg3[%add3A_81] : memref<26624xi32, #tpu.memory_space<hbm>> -> memref<512xi32, #tpu.memory_space<hbm>>
    tpu.enqueue_dma source(%dma_start3A_87 : memref<512xi32, #tpu.memory_space<hbm>>) target(%dma_start3A_86 : memref<512xi32, #tpu.memory_space<vmem>>) target_semaphore(%arg14 : memref<!tpu.dma_semaphore, #tpu.memory_space<semaphore_mem>>)
    %add3A_88 = arith.constant 7168 : i32
    %add3A_89 = arith.addi %add3A_88, %mul3A_32 : i32
    %dma_start3A_90 = arith.constant 3584 : i32
    %dma_start3A_91 = tpu.memref_slice %arg9[%dma_start3A_90] : memref<13312xi32, #tpu.memory_space<vmem>> -> memref<512xi32, #tpu.memory_space<vmem>>
    %dma_start3A_92 = tpu.memref_slice %arg3[%add3A_89] : memref<26624xi32, #tpu.memory_space<hbm>> -> memref<512xi32, #tpu.memory_space<hbm>>
    %dma_start3A_93 = arith.constant 3584 : i32
    %dma_start3A_94 = tpu.memref_slice %arg9[%dma_start3A_93] : memref<13312xi32, #tpu.memory_space<vmem>> -> memref<512xi32, #tpu.memory_space<vmem>>
    %dma_start3A_95 = tpu.memref_slice %arg3[%add3A_89] : memref<26624xi32, #tpu.memory_space<hbm>> -> memref<512xi32, #tpu.memory_space<hbm>>
    tpu.enqueue_dma source(%dma_start3A_95 : memref<512xi32, #tpu.memory_space<hbm>>) target(%dma_start3A_94 : memref<512xi32, #tpu.memory_space<vmem>>) target_semaphore(%arg14 : memref<!tpu.dma_semaphore, #tpu.memory_space<semaphore_mem>>)
    %add3A_96 = arith.constant 8192 : i32
    %add3A_97 = arith.addi %add3A_96, %mul3A_32 : i32
    %dma_start3A_98 = arith.constant 4096 : i32
    %dma_start3A_99 = tpu.memref_slice %arg9[%dma_start3A_98] : memref<13312xi32, #tpu.memory_space<vmem>> -> memref<512xi32, #tpu.memory_space<vmem>>
    %dma_start3A_100 = tpu.memref_slice %arg3[%add3A_97] : memref<26624xi32, #tpu.memory_space<hbm>> -> memref<512xi32, #tpu.memory_space<hbm>>
    %dma_start3A_101 = arith.constant 4096 : i32
    %dma_start3A_102 = tpu.memref_slice %arg9[%dma_start3A_101] : memref<13312xi32, #tpu.memory_space<vmem>> -> memref<512xi32, #tpu.memory_space<vmem>>
    %dma_start3A_103 = tpu.memref_slice %arg3[%add3A_97] : memref<26624xi32, #tpu.memory_space<hbm>> -> memref<512xi32, #tpu.memory_space<hbm>>
    tpu.enqueue_dma source(%dma_start3A_103 : memref<512xi32, #tpu.memory_space<hbm>>) target(%dma_start3A_102 : memref<512xi32, #tpu.memory_space<vmem>>) target_semaphore(%arg14 : memref<!tpu.dma_semaphore, #tpu.memory_space<semaphore_mem>>)
    %add3A_104 = arith.constant 9216 : i32
    %add3A_105 = arith.addi %add3A_104, %mul3A_32 : i32
    %dma_start3A_106 = arith.constant 4608 : i32
    %dma_start3A_107 = tpu.memref_slice %arg9[%dma_start3A_106] : memref<13312xi32, #tpu.memory_space<vmem>> -> memref<512xi32, #tpu.memory_space<vmem>>
    %dma_start3A_108 = tpu.memref_slice %arg3[%add3A_105] : memref<26624xi32, #tpu.memory_space<hbm>> -> memref<512xi32, #tpu.memory_space<hbm>>
    %dma_start3A_109 = arith.constant 4608 : i32
    %dma_start3A_110 = tpu.memref_slice %arg9[%dma_start3A_109] : memref<13312xi32, #tpu.memory_space<vmem>> -> memref<512xi32, #tpu.memory_space<vmem>>
    %dma_start3A_111 = tpu.memref_slice %arg3[%add3A_105] : memref<26624xi32, #tpu.memory_space<hbm>> -> memref<512xi32, #tpu.memory_space<hbm>>
    tpu.enqueue_dma source(%dma_start3A_111 : memref<512xi32, #tpu.memory_space<hbm>>) target(%dma_start3A_110 : memref<512xi32, #tpu.memory_space<vmem>>) target_semaphore(%arg14 : memref<!tpu.dma_semaphore, #tpu.memory_space<semaphore_mem>>)
    %add3A_112 = arith.constant 10240 : i32
    %add3A_113 = arith.addi %add3A_112, %mul3A_32 : i32
    %dma_start3A_114 = arith.constant 5120 : i32
    %dma_start3A_115 = tpu.memref_slice %arg9[%dma_start3A_114] : memref<13312xi32, #tpu.memory_space<vmem>> -> memref<512xi32, #tpu.memory_space<vmem>>
    %dma_start3A_116 = tpu.memref_slice %arg3[%add3A_113] : memref<26624xi32, #tpu.memory_space<hbm>> -> memref<512xi32, #tpu.memory_space<hbm>>
    %dma_start3A_117 = arith.constant 5120 : i32
    %dma_start3A_118 = tpu.memref_slice %arg9[%dma_start3A_117] : memref<13312xi32, #tpu.memory_space<vmem>> -> memref<512xi32, #tpu.memory_space<vmem>>
    %dma_start3A_119 = tpu.memref_slice %arg3[%add3A_113] : memref<26624xi32, #tpu.memory_space<hbm>> -> memref<512xi32, #tpu.memory_space<hbm>>
    tpu.enqueue_dma source(%dma_start3A_119 : memref<512xi32, #tpu.memory_space<hbm>>) target(%dma_start3A_118 : memref<512xi32, #tpu.memory_space<vmem>>) target_semaphore(%arg14 : memref<!tpu.dma_semaphore, #tpu.memory_space<semaphore_mem>>)
    %add3A_120 = arith.constant 11264 : i32
    %add3A_121 = arith.addi %add3A_120, %mul3A_32 : i32
    %dma_start3A_122 = arith.constant 5632 : i32
    %dma_start3A_123 = tpu.memref_slice %arg9[%dma_start3A_122] : memref<13312xi32, #tpu.memory_space<vmem>> -> memref<512xi32, #tpu.memory_space<vmem>>
    %dma_start3A_124 = tpu.memref_slice %arg3[%add3A_121] : memref<26624xi32, #tpu.memory_space<hbm>> -> memref<512xi32, #tpu.memory_space<hbm>>
    %dma_start3A_125 = arith.constant 5632 : i32
    %dma_start3A_126 = tpu.memref_slice %arg9[%dma_start3A_125] : memref<13312xi32, #tpu.memory_space<vmem>> -> memref<512xi32, #tpu.memory_space<vmem>>
    %dma_start3A_127 = tpu.memref_slice %arg3[%add3A_121] : memref<26624xi32, #tpu.memory_space<hbm>> -> memref<512xi32, #tpu.memory_space<hbm>>
    tpu.enqueue_dma source(%dma_start3A_127 : memref<512xi32, #tpu.memory_space<hbm>>) target(%dma_start3A_126 : memref<512xi32, #tpu.memory_space<vmem>>) target_semaphore(%arg14 : memref<!tpu.dma_semaphore, #tpu.memory_space<semaphore_mem>>)
    %add3A_128 = arith.constant 12288 : i32
    %add3A_129 = arith.addi %add3A_128, %mul3A_32 : i32
    %dma_start3A_130 = arith.constant 6144 : i32
    %dma_start3A_131 = tpu.memref_slice %arg9[%dma_start3A_130] : memref<13312xi32, #tpu.memory_space<vmem>> -> memref<512xi32, #tpu.memory_space<vmem>>
    %dma_start3A_132 = tpu.memref_slice %arg3[%add3A_129] : memref<26624xi32, #tpu.memory_space<hbm>> -> memref<512xi32, #tpu.memory_space<hbm>>
    %dma_start3A_133 = arith.constant 6144 : i32
    %dma_start3A_134 = tpu.memref_slice %arg9[%dma_start3A_133] : memref<13312xi32, #tpu.memory_space<vmem>> -> memref<512xi32, #tpu.memory_space<vmem>>
    %dma_start3A_135 = tpu.memref_slice %arg3[%add3A_129] : memref<26624xi32, #tpu.memory_space<hbm>> -> memref<512xi32, #tpu.memory_space<hbm>>
    tpu.enqueue_dma source(%dma_start3A_135 : memref<512xi32, #tpu.memory_space<hbm>>) target(%dma_start3A_134 : memref<512xi32, #tpu.memory_space<vmem>>) target_semaphore(%arg14 : memref<!tpu.dma_semaphore, #tpu.memory_space<semaphore_mem>>)
    %add3A_136 = arith.constant 13312 : i32
    %add3A_137 = arith.addi %add3A_136, %mul3A_32 : i32
    %dma_start3A_138 = arith.constant 6656 : i32
    %dma_start3A_139 = tpu.memref_slice %arg9[%dma_start3A_138] : memref<13312xi32, #tpu.memory_space<vmem>> -> memref<512xi32, #tpu.memory_space<vmem>>
    %dma_start3A_140 = tpu.memref_slice %arg3[%add3A_137] : memref<26624xi32, #tpu.memory_space<hbm>> -> memref<512xi32, #tpu.memory_space<hbm>>
    %dma_start3A_141 = arith.constant 6656 : i32
    %dma_start3A_142 = tpu.memref_slice %arg9[%dma_start3A_141] : memref<13312xi32, #tpu.memory_space<vmem>> -> memref<512xi32, #tpu.memory_space<vmem>>
    %dma_start3A_143 = tpu.memref_slice %arg3[%add3A_137] : memref<26624xi32, #tpu.memory_space<hbm>> -> memref<512xi32, #tpu.memory_space<hbm>>
    tpu.enqueue_dma source(%dma_start3A_143 : memref<512xi32, #tpu.memory_space<hbm>>) target(%dma_start3A_142 : memref<512xi32, #tpu.memory_space<vmem>>) target_semaphore(%arg14 : memref<!tpu.dma_semaphore, #tpu.memory_space<semaphore_mem>>)
    %add3A_144 = arith.constant 14336 : i32
    %add3A_145 = arith.addi %add3A_144, %mul3A_32 : i32
    %dma_start3A_146 = arith.constant 7168 : i32
    %dma_start3A_147 = tpu.memref_slice %arg9[%dma_start3A_146] : memref<13312xi32, #tpu.memory_space<vmem>> -> memref<512xi32, #tpu.memory_space<vmem>>
    %dma_start3A_148 = tpu.memref_slice %arg3[%add3A_145] : memref<26624xi32, #tpu.memory_space<hbm>> -> memref<512xi32, #tpu.memory_space<hbm>>
    %dma_start3A_149 = arith.constant 7168 : i32
    %dma_start3A_150 = tpu.memref_slice %arg9[%dma_start3A_149] : memref<13312xi32, #tpu.memory_space<vmem>> -> memref<512xi32, #tpu.memory_space<vmem>>
    %dma_start3A_151 = tpu.memref_slice %arg3[%add3A_145] : memref<26624xi32, #tpu.memory_space<hbm>> -> memref<512xi32, #tpu.memory_space<hbm>>
    tpu.enqueue_dma source(%dma_start3A_151 : memref<512xi32, #tpu.memory_space<hbm>>) target(%dma_start3A_150 : memref<512xi32, #tpu.memory_space<vmem>>) target_semaphore(%arg14 : memref<!tpu.dma_semaphore, #tpu.memory_space<semaphore_mem>>)
    %add3A_152 = arith.constant 15360 : i32
    %add3A_153 = arith.addi %add3A_152, %mul3A_32 : i32
    %dma_start3A_154 = arith.constant 7680 : i32
    %dma_start3A_155 = tpu.memref_slice %arg9[%dma_start3A_154] : memref<13312xi32, #tpu.memory_space<vmem>> -> memref<512xi32, #tpu.memory_space<vmem>>
    %dma_start3A_156 = tpu.memref_slice %arg3[%add3A_153] : memref<26624xi32, #tpu.memory_space<hbm>> -> memref<512xi32, #tpu.memory_space<hbm>>
    %dma_start3A_157 = arith.constant 7680 : i32
    %dma_start3A_158 = tpu.memref_slice %arg9[%dma_start3A_157] : memref<13312xi32, #tpu.memory_space<vmem>> -> memref<512xi32, #tpu.memory_space<vmem>>
    %dma_start3A_159 = tpu.memref_slice %arg3[%add3A_153] : memref<26624xi32, #tpu.memory_space<hbm>> -> memref<512xi32, #tpu.memory_space<hbm>>
    tpu.enqueue_dma source(%dma_start3A_159 : memref<512xi32, #tpu.memory_space<hbm>>) target(%dma_start3A_158 : memref<512xi32, #tpu.memory_space<vmem>>) target_semaphore(%arg14 : memref<!tpu.dma_semaphore, #tpu.memory_space<semaphore_mem>>)
    %add3A_160 = arith.constant 16384 : i32
    %add3A_161 = arith.addi %add3A_160, %mul3A_32 : i32
    %dma_start3A_162 = arith.constant 8192 : i32
    %dma_start3A_163 = tpu.memref_slice %arg9[%dma_start3A_162] : memref<13312xi32, #tpu.memory_space<vmem>> -> memref<512xi32, #tpu.memory_space<vmem>>
    %dma_start3A_164 = tpu.memref_slice %arg3[%add3A_161] : memref<26624xi32, #tpu.memory_space<hbm>> -> memref<512xi32, #tpu.memory_space<hbm>>
    %dma_start3A_165 = arith.constant 8192 : i32
    %dma_start3A_166 = tpu.memref_slice %arg9[%dma_start3A_165] : memref<13312xi32, #tpu.memory_space<vmem>> -> memref<512xi32, #tpu.memory_space<vmem>>
    %dma_start3A_167 = tpu.memref_slice %arg3[%add3A_161] : memref<26624xi32, #tpu.memory_space<hbm>> -> memref<512xi32, #tpu.memory_space<hbm>>
    tpu.enqueue_dma source(%dma_start3A_167 : memref<512xi32, #tpu.memory_space<hbm>>) target(%dma_start3A_166 : memref<512xi32, #tpu.memory_space<vmem>>) target_semaphore(%arg14 : memref<!tpu.dma_semaphore, #tpu.memory_space<semaphore_mem>>)
    %add3A_168 = arith.constant 17408 : i32
    %add3A_169 = arith.addi %add3A_168, %mul3A_32 : i32
    %dma_start3A_170 = arith.constant 8704 : i32
    %dma_start3A_171 = tpu.memref_slice %arg9[%dma_start3A_170] : memref<13312xi32, #tpu.memory_space<vmem>> -> memref<512xi32, #tpu.memory_space<vmem>>
    %dma_start3A_172 = tpu.memref_slice %arg3[%add3A_169] : memref<26624xi32, #tpu.memory_space<hbm>> -> memref<512xi32, #tpu.memory_space<hbm>>
    %dma_start3A_173 = arith.constant 8704 : i32
    %dma_start3A_174 = tpu.memref_slice %arg9[%dma_start3A_173] : memref<13312xi32, #tpu.memory_space<vmem>> -> memref<512xi32, #tpu.memory_space<vmem>>
    %dma_start3A_175 = tpu.memref_slice %arg3[%add3A_169] : memref<26624xi32, #tpu.memory_space<hbm>> -> memref<512xi32, #tpu.memory_space<hbm>>
    tpu.enqueue_dma source(%dma_start3A_175 : memref<512xi32, #tpu.memory_space<hbm>>) target(%dma_start3A_174 : memref<512xi32, #tpu.memory_space<vmem>>) target_semaphore(%arg14 : memref<!tpu.dma_semaphore, #tpu.memory_space<semaphore_mem>>)
    %add3A_176 = arith.constant 18432 : i32
    %add3A_177 = arith.addi %add3A_176, %mul3A_32 : i32
    %dma_start3A_178 = arith.constant 9216 : i32
    %dma_start3A_179 = tpu.memref_slice %arg9[%dma_start3A_178] : memref<13312xi32, #tpu.memory_space<vmem>> -> memref<512xi32, #tpu.memory_space<vmem>>
    %dma_start3A_180 = tpu.memref_slice %arg3[%add3A_177] : memref<26624xi32, #tpu.memory_space<hbm>> -> memref<512xi32, #tpu.memory_space<hbm>>
    %dma_start3A_181 = arith.constant 9216 : i32
    %dma_start3A_182 = tpu.memref_slice %arg9[%dma_start3A_181] : memref<13312xi32, #tpu.memory_space<vmem>> -> memref<512xi32, #tpu.memory_space<vmem>>
    %dma_start3A_183 = tpu.memref_slice %arg3[%add3A_177] : memref<26624xi32, #tpu.memory_space<hbm>> -> memref<512xi32, #tpu.memory_space<hbm>>
    tpu.enqueue_dma source(%dma_start3A_183 : memref<512xi32, #tpu.memory_space<hbm>>) target(%dma_start3A_182 : memref<512xi32, #tpu.memory_space<vmem>>) target_semaphore(%arg14 : memref<!tpu.dma_semaphore, #tpu.memory_space<semaphore_mem>>)
    %add3A_184 = arith.constant 19456 : i32
    %add3A_185 = arith.addi %add3A_184, %mul3A_32 : i32
    %dma_start3A_186 = arith.constant 9728 : i32
    %dma_start3A_187 = tpu.memref_slice %arg9[%dma_start3A_186] : memref<13312xi32, #tpu.memory_space<vmem>> -> memref<512xi32, #tpu.memory_space<vmem>>
    %dma_start3A_188 = tpu.memref_slice %arg3[%add3A_185] : memref<26624xi32, #tpu.memory_space<hbm>> -> memref<512xi32, #tpu.memory_space<hbm>>
    %dma_start3A_189 = arith.constant 9728 : i32
    %dma_start3A_190 = tpu.memref_slice %arg9[%dma_start3A_189] : memref<13312xi32, #tpu.memory_space<vmem>> -> memref<512xi32, #tpu.memory_space<vmem>>
    %dma_start3A_191 = tpu.memref_slice %arg3[%add3A_185] : memref<26624xi32, #tpu.memory_space<hbm>> -> memref<512xi32, #tpu.memory_space<hbm>>
    tpu.enqueue_dma source(%dma_start3A_191 : memref<512xi32, #tpu.memory_space<hbm>>) target(%dma_start3A_190 : memref<512xi32, #tpu.memory_space<vmem>>) target_semaphore(%arg14 : memref<!tpu.dma_semaphore, #tpu.memory_space<semaphore_mem>>)
    %add3A_192 = arith.constant 20480 : i32
    %add3A_193 = arith.addi %add3A_192, %mul3A_32 : i32
    %dma_start3A_194 = arith.constant 10240 : i32
    %dma_start3A_195 = tpu.memref_slice %arg9[%dma_start3A_194] : memref<13312xi32, #tpu.memory_space<vmem>> -> memref<512xi32, #tpu.memory_space<vmem>>
    %dma_start3A_196 = tpu.memref_slice %arg3[%add3A_193] : memref<26624xi32, #tpu.memory_space<hbm>> -> memref<512xi32, #tpu.memory_space<hbm>>
    %dma_start3A_197 = arith.constant 10240 : i32
    %dma_start3A_198 = tpu.memref_slice %arg9[%dma_start3A_197] : memref<13312xi32, #tpu.memory_space<vmem>> -> memref<512xi32, #tpu.memory_space<vmem>>
    %dma_start3A_199 = tpu.memref_slice %arg3[%add3A_193] : memref<26624xi32, #tpu.memory_space<hbm>> -> memref<512xi32, #tpu.memory_space<hbm>>
    tpu.enqueue_dma source(%dma_start3A_199 : memref<512xi32, #tpu.memory_space<hbm>>) target(%dma_start3A_198 : memref<512xi32, #tpu.memory_space<vmem>>) target_semaphore(%arg14 : memref<!tpu.dma_semaphore, #tpu.memory_space<semaphore_mem>>)
    %add3A_200 = arith.constant 21504 : i32
    %add3A_201 = arith.addi %add3A_200, %mul3A_32 : i32
    %dma_start3A_202 = arith.constant 10752 : i32
    %dma_start3A_203 = tpu.memref_slice %arg9[%dma_start3A_202] : memref<13312xi32, #tpu.memory_space<vmem>> -> memref<512xi32, #tpu.memory_space<vmem>>
    %dma_start3A_204 = tpu.memref_slice %arg3[%add3A_201] : memref<26624xi32, #tpu.memory_space<hbm>> -> memref<512xi32, #tpu.memory_space<hbm>>
    %dma_start3A_205 = arith.constant 10752 : i32
    %dma_start3A_206 = tpu.memref_slice %arg9[%dma_start3A_205] : memref<13312xi32, #tpu.memory_space<vmem>> -> memref<512xi32, #tpu.memory_space<vmem>>
    %dma_start3A_207 = tpu.memref_slice %arg3[%add3A_201] : memref<26624xi32, #tpu.memory_space<hbm>> -> memref<512xi32, #tpu.memory_space<hbm>>
    tpu.enqueue_dma source(%dma_start3A_207 : memref<512xi32, #tpu.memory_space<hbm>>) target(%dma_start3A_206 : memref<512xi32, #tpu.memory_space<vmem>>) target_semaphore(%arg14 : memref<!tpu.dma_semaphore, #tpu.memory_space<semaphore_mem>>)
    %add3A_208 = arith.constant 22528 : i32
    %add3A_209 = arith.addi %add3A_208, %mul3A_32 : i32
    %dma_start3A_210 = arith.constant 11264 : i32
    %dma_start3A_211 = tpu.memref_slice %arg9[%dma_start3A_210] : memref<13312xi32, #tpu.memory_space<vmem>> -> memref<512xi32, #tpu.memory_space<vmem>>
    %dma_start3A_212 = tpu.memref_slice %arg3[%add3A_209] : memref<26624xi32, #tpu.memory_space<hbm>> -> memref<512xi32, #tpu.memory_space<hbm>>
    %dma_start3A_213 = arith.constant 11264 : i32
    %dma_start3A_214 = tpu.memref_slice %arg9[%dma_start3A_213] : memref<13312xi32, #tpu.memory_space<vmem>> -> memref<512xi32, #tpu.memory_space<vmem>>
    %dma_start3A_215 = tpu.memref_slice %arg3[%add3A_209] : memref<26624xi32, #tpu.memory_space<hbm>> -> memref<512xi32, #tpu.memory_space<hbm>>
    tpu.enqueue_dma source(%dma_start3A_215 : memref<512xi32, #tpu.memory_space<hbm>>) target(%dma_start3A_214 : memref<512xi32, #tpu.memory_space<vmem>>) target_semaphore(%arg14 : memref<!tpu.dma_semaphore, #tpu.memory_space<semaphore_mem>>)
    %add3A_216 = arith.constant 23552 : i32
    %add3A_217 = arith.addi %add3A_216, %mul3A_32 : i32
    %dma_start3A_218 = arith.constant 11776 : i32
    %dma_start3A_219 = tpu.memref_slice %arg9[%dma_start3A_218] : memref<13312xi32, #tpu.memory_space<vmem>> -> memref<512xi32, #tpu.memory_space<vmem>>
    %dma_start3A_220 = tpu.memref_slice %arg3[%add3A_217] : memref<26624xi32, #tpu.memory_space<hbm>> -> memref<512xi32, #tpu.memory_space<hbm>>
    %dma_start3A_221 = arith.constant 11776 : i32
    %dma_start3A_222 = tpu.memref_slice %arg9[%dma_start3A_221] : memref<13312xi32, #tpu.memory_space<vmem>> -> memref<512xi32, #tpu.memory_space<vmem>>
    %dma_start3A_223 = tpu.memref_slice %arg3[%add3A_217] : memref<26624xi32, #tpu.memory_space<hbm>> -> memref<512xi32, #tpu.memory_space<hbm>>
    tpu.enqueue_dma source(%dma_start3A_223 : memref<512xi32, #tpu.memory_space<hbm>>) target(%dma_start3A_222 : memref<512xi32, #tpu.memory_space<vmem>>) target_semaphore(%arg14 : memref<!tpu.dma_semaphore, #tpu.memory_space<semaphore_mem>>)
    %add3A_224 = arith.constant 24576 : i32
    %add3A_225 = arith.addi %add3A_224, %mul3A_32 : i32
    %dma_start3A_226 = arith.constant 12288 : i32
    %dma_start3A_227 = tpu.memref_slice %arg9[%dma_start3A_226] : memref<13312xi32, #tpu.memory_space<vmem>> -> memref<512xi32, #tpu.memory_space<vmem>>
    %dma_start3A_228 = tpu.memref_slice %arg3[%add3A_225] : memref<26624xi32, #tpu.memory_space<hbm>> -> memref<512xi32, #tpu.memory_space<hbm>>
    %dma_start3A_229 = arith.constant 12288 : i32
    %dma_start3A_230 = tpu.memref_slice %arg9[%dma_start3A_229] : memref<13312xi32, #tpu.memory_space<vmem>> -> memref<512xi32, #tpu.memory_space<vmem>>
    %dma_start3A_231 = tpu.memref_slice %arg3[%add3A_225] : memref<26624xi32, #tpu.memory_space<hbm>> -> memref<512xi32, #tpu.memory_space<hbm>>
    tpu.enqueue_dma source(%dma_start3A_231 : memref<512xi32, #tpu.memory_space<hbm>>) target(%dma_start3A_230 : memref<512xi32, #tpu.memory_space<vmem>>) target_semaphore(%arg14 : memref<!tpu.dma_semaphore, #tpu.memory_space<semaphore_mem>>)
    %add3A_232 = arith.constant 25600 : i32
    %add3A_233 = arith.addi %add3A_232, %mul3A_32 : i32
    %dma_start3A_234 = arith.constant 12800 : i32
    %dma_start3A_235 = tpu.memref_slice %arg9[%dma_start3A_234] : memref<13312xi32, #tpu.memory_space<vmem>> -> memref<512xi32, #tpu.memory_space<vmem>>
    %dma_start3A_236 = tpu.memref_slice %arg3[%add3A_233] : memref<26624xi32, #tpu.memory_space<hbm>> -> memref<512xi32, #tpu.memory_space<hbm>>
    %dma_start3A_237 = arith.constant 12800 : i32
    %dma_start3A_238 = tpu.memref_slice %arg9[%dma_start3A_237] : memref<13312xi32, #tpu.memory_space<vmem>> -> memref<512xi32, #tpu.memory_space<vmem>>
    %dma_start3A_239 = tpu.memref_slice %arg3[%add3A_233] : memref<26624xi32, #tpu.memory_space<hbm>> -> memref<512xi32, #tpu.memory_space<hbm>>
    tpu.enqueue_dma source(%dma_start3A_239 : memref<512xi32, #tpu.memory_space<hbm>>) target(%dma_start3A_238 : memref<512xi32, #tpu.memory_space<vmem>>) target_semaphore(%arg14 : memref<!tpu.dma_semaphore, #tpu.memory_space<semaphore_mem>>)
    %add3A_240 = arith.constant 0 : i32
    %add3A_241 = arith.addi %add3A_240, %mul3A_32 : i32
    %dma_wait3A = arith.constant 0 : i32
    %dma_wait3A_242 = tpu.memref_slice %arg9[%dma_wait3A] : memref<13312xi32, #tpu.memory_space<vmem>> -> memref<512xi32, #tpu.memory_space<vmem>>
    %dma_wait3A_243 = tpu.memref_slice %arg3[%add3A_241] : memref<26624xi32, #tpu.memory_space<hbm>> -> memref<512xi32, #tpu.memory_space<hbm>>
    %dma_wait3A_244 = arith.constant 0 : i32
    %dma_wait3A_245 = tpu.memref_slice %arg9[%dma_wait3A_244] : memref<13312xi32, #tpu.memory_space<vmem>> -> memref<512xi32, #tpu.memory_space<vmem>>
    %dma_wait3A_246 = tpu.memref_slice %arg3[%add3A_241] : memref<26624xi32, #tpu.memory_space<hbm>> -> memref<512xi32, #tpu.memory_space<hbm>>
    tpu.wait_dma2 semaphore(%arg14 : memref<!tpu.dma_semaphore, #tpu.memory_space<semaphore_mem>>) src(%dma_wait3A_246 : memref<512xi32, #tpu.memory_space<hbm>>) dst(%dma_wait3A_245 : memref<512xi32, #tpu.memory_space<vmem>>)
    %add3A_247 = arith.constant 1024 : i32
    %add3A_248 = arith.addi %add3A_247, %mul3A_32 : i32
    %dma_wait3A_249 = arith.constant 512 : i32
    %dma_wait3A_250 = tpu.memref_slice %arg9[%dma_wait3A_249] : memref<13312xi32, #tpu.memory_space<vmem>> -> memref<512xi32, #tpu.memory_space<vmem>>
    %dma_wait3A_251 = tpu.memref_slice %arg3[%add3A_248] : memref<26624xi32, #tpu.memory_space<hbm>> -> memref<512xi32, #tpu.memory_space<hbm>>
    %dma_wait3A_252 = arith.constant 512 : i32
    %dma_wait3A_253 = tpu.memref_slice %arg9[%dma_wait3A_252] : memref<13312xi32, #tpu.memory_space<vmem>> -> memref<512xi32, #tpu.memory_space<vmem>>
    %dma_wait3A_254 = tpu.memref_slice %arg3[%add3A_248] : memref<26624xi32, #tpu.memory_space<hbm>> -> memref<512xi32, #tpu.memory_space<hbm>>
    tpu.wait_dma2 semaphore(%arg14 : memref<!tpu.dma_semaphore, #tpu.memory_space<semaphore_mem>>) src(%dma_wait3A_254 : memref<512xi32, #tpu.memory_space<hbm>>) dst(%dma_wait3A_253 : memref<512xi32, #tpu.memory_space<vmem>>)
    %add3A_255 = arith.constant 2048 : i32
    %add3A_256 = arith.addi %add3A_255, %mul3A_32 : i32
    %dma_wait3A_257 = arith.constant 1024 : i32
    %dma_wait3A_258 = tpu.memref_slice %arg9[%dma_wait3A_257] : memref<13312xi32, #tpu.memory_space<vmem>> -> memref<512xi32, #tpu.memory_space<vmem>>
    %dma_wait3A_259 = tpu.memref_slice %arg3[%add3A_256] : memref<26624xi32, #tpu.memory_space<hbm>> -> memref<512xi32, #tpu.memory_space<hbm>>
    %dma_wait3A_260 = arith.constant 1024 : i32
    %dma_wait3A_261 = tpu.memref_slice %arg9[%dma_wait3A_260] : memref<13312xi32, #tpu.memory_space<vmem>> -> memref<512xi32, #tpu.memory_space<vmem>>
    %dma_wait3A_262 = tpu.memref_slice %arg3[%add3A_256] : memref<26624xi32, #tpu.memory_space<hbm>> -> memref<512xi32, #tpu.memory_space<hbm>>
    tpu.wait_dma2 semaphore(%arg14 : memref<!tpu.dma_semaphore, #tpu.memory_space<semaphore_mem>>) src(%dma_wait3A_262 : memref<512xi32, #tpu.memory_space<hbm>>) dst(%dma_wait3A_261 : memref<512xi32, #tpu.memory_space<vmem>>)
    %add3A_263 = arith.constant 3072 : i32
    %add3A_264 = arith.addi %add3A_263, %mul3A_32 : i32
    %dma_wait3A_265 = arith.constant 1536 : i32
    %dma_wait3A_266 = tpu.memref_slice %arg9[%dma_wait3A_265] : memref<13312xi32, #tpu.memory_space<vmem>> -> memref<512xi32, #tpu.memory_space<vmem>>
    %dma_wait3A_267 = tpu.memref_slice %arg3[%add3A_264] : memref<26624xi32, #tpu.memory_space<hbm>> -> memref<512xi32, #tpu.memory_space<hbm>>
    %dma_wait3A_268 = arith.constant 1536 : i32
    %dma_wait3A_269 = tpu.memref_slice %arg9[%dma_wait3A_268] : memref<13312xi32, #tpu.memory_space<vmem>> -> memref<512xi32, #tpu.memory_space<vmem>>
    %dma_wait3A_270 = tpu.memref_slice %arg3[%add3A_264] : memref<26624xi32, #tpu.memory_space<hbm>> -> memref<512xi32, #tpu.memory_space<hbm>>
    tpu.wait_dma2 semaphore(%arg14 : memref<!tpu.dma_semaphore, #tpu.memory_space<semaphore_mem>>) src(%dma_wait3A_270 : memref<512xi32, #tpu.memory_space<hbm>>) dst(%dma_wait3A_269 : memref<512xi32, #tpu.memory_space<vmem>>)
    %add3A_271 = arith.constant 4096 : i32
    %add3A_272 = arith.addi %add3A_271, %mul3A_32 : i32
    %dma_wait3A_273 = arith.constant 2048 : i32
    %dma_wait3A_274 = tpu.memref_slice %arg9[%dma_wait3A_273] : memref<13312xi32, #tpu.memory_space<vmem>> -> memref<512xi32, #tpu.memory_space<vmem>>
    %dma_wait3A_275 = tpu.memref_slice %arg3[%add3A_272] : memref<26624xi32, #tpu.memory_space<hbm>> -> memref<512xi32, #tpu.memory_space<hbm>>
    %dma_wait3A_276 = arith.constant 2048 : i32
    %dma_wait3A_277 = tpu.memref_slice %arg9[%dma_wait3A_276] : memref<13312xi32, #tpu.memory_space<vmem>> -> memref<512xi32, #tpu.memory_space<vmem>>
    %dma_wait3A_278 = tpu.memref_slice %arg3[%add3A_272] : memref<26624xi32, #tpu.memory_space<hbm>> -> memref<512xi32, #tpu.memory_space<hbm>>
    tpu.wait_dma2 semaphore(%arg14 : memref<!tpu.dma_semaphore, #tpu.memory_space<semaphore_mem>>) src(%dma_wait3A_278 : memref<512xi32, #tpu.memory_space<hbm>>) dst(%dma_wait3A_277 : memref<512xi32, #tpu.memory_space<vmem>>)
    %add3A_279 = arith.constant 5120 : i32
    %add3A_280 = arith.addi %add3A_279, %mul3A_32 : i32
    %dma_wait3A_281 = arith.constant 2560 : i32
    %dma_wait3A_282 = tpu.memref_slice %arg9[%dma_wait3A_281] : memref<13312xi32, #tpu.memory_space<vmem>> -> memref<512xi32, #tpu.memory_space<vmem>>
    %dma_wait3A_283 = tpu.memref_slice %arg3[%add3A_280] : memref<26624xi32, #tpu.memory_space<hbm>> -> memref<512xi32, #tpu.memory_space<hbm>>
    %dma_wait3A_284 = arith.constant 2560 : i32
    %dma_wait3A_285 = tpu.memref_slice %arg9[%dma_wait3A_284] : memref<13312xi32, #tpu.memory_space<vmem>> -> memref<512xi32, #tpu.memory_space<vmem>>
    %dma_wait3A_286 = tpu.memref_slice %arg3[%add3A_280] : memref<26624xi32, #tpu.memory_space<hbm>> -> memref<512xi32, #tpu.memory_space<hbm>>
    tpu.wait_dma2 semaphore(%arg14 : memref<!tpu.dma_semaphore, #tpu.memory_space<semaphore_mem>>) src(%dma_wait3A_286 : memref<512xi32, #tpu.memory_space<hbm>>) dst(%dma_wait3A_285 : memref<512xi32, #tpu.memory_space<vmem>>)
    %add3A_287 = arith.constant 6144 : i32
    %add3A_288 = arith.addi %add3A_287, %mul3A_32 : i32
    %dma_wait3A_289 = arith.constant 3072 : i32
    %dma_wait3A_290 = tpu.memref_slice %arg9[%dma_wait3A_289] : memref<13312xi32, #tpu.memory_space<vmem>> -> memref<512xi32, #tpu.memory_space<vmem>>
    %dma_wait3A_291 = tpu.memref_slice %arg3[%add3A_288] : memref<26624xi32, #tpu.memory_space<hbm>> -> memref<512xi32, #tpu.memory_space<hbm>>
    %dma_wait3A_292 = arith.constant 3072 : i32
    %dma_wait3A_293 = tpu.memref_slice %arg9[%dma_wait3A_292] : memref<13312xi32, #tpu.memory_space<vmem>> -> memref<512xi32, #tpu.memory_space<vmem>>
    %dma_wait3A_294 = tpu.memref_slice %arg3[%add3A_288] : memref<26624xi32, #tpu.memory_space<hbm>> -> memref<512xi32, #tpu.memory_space<hbm>>
    tpu.wait_dma2 semaphore(%arg14 : memref<!tpu.dma_semaphore, #tpu.memory_space<semaphore_mem>>) src(%dma_wait3A_294 : memref<512xi32, #tpu.memory_space<hbm>>) dst(%dma_wait3A_293 : memref<512xi32, #tpu.memory_space<vmem>>)
    %add3A_295 = arith.constant 7168 : i32
    %add3A_296 = arith.addi %add3A_295, %mul3A_32 : i32
    %dma_wait3A_297 = arith.constant 3584 : i32
    %dma_wait3A_298 = tpu.memref_slice %arg9[%dma_wait3A_297] : memref<13312xi32, #tpu.memory_space<vmem>> -> memref<512xi32, #tpu.memory_space<vmem>>
    %dma_wait3A_299 = tpu.memref_slice %arg3[%add3A_296] : memref<26624xi32, #tpu.memory_space<hbm>> -> memref<512xi32, #tpu.memory_space<hbm>>
    %dma_wait3A_300 = arith.constant 3584 : i32
    %dma_wait3A_301 = tpu.memref_slice %arg9[%dma_wait3A_300] : memref<13312xi32, #tpu.memory_space<vmem>> -> memref<512xi32, #tpu.memory_space<vmem>>
    %dma_wait3A_302 = tpu.memref_slice %arg3[%add3A_296] : memref<26624xi32, #tpu.memory_space<hbm>> -> memref<512xi32, #tpu.memory_space<hbm>>
    tpu.wait_dma2 semaphore(%arg14 : memref<!tpu.dma_semaphore, #tpu.memory_space<semaphore_mem>>) src(%dma_wait3A_302 : memref<512xi32, #tpu.memory_space<hbm>>) dst(%dma_wait3A_301 : memref<512xi32, #tpu.memory_space<vmem>>)
    %add3A_303 = arith.constant 8192 : i32
    %add3A_304 = arith.addi %add3A_303, %mul3A_32 : i32
    %dma_wait3A_305 = arith.constant 4096 : i32
    %dma_wait3A_306 = tpu.memref_slice %arg9[%dma_wait3A_305] : memref<13312xi32, #tpu.memory_space<vmem>> -> memref<512xi32, #tpu.memory_space<vmem>>
    %dma_wait3A_307 = tpu.memref_slice %arg3[%add3A_304] : memref<26624xi32, #tpu.memory_space<hbm>> -> memref<512xi32, #tpu.memory_space<hbm>>
    %dma_wait3A_308 = arith.constant 4096 : i32
    %dma_wait3A_309 = tpu.memref_slice %arg9[%dma_wait3A_308] : memref<13312xi32, #tpu.memory_space<vmem>> -> memref<512xi32, #tpu.memory_space<vmem>>
    %dma_wait3A_310 = tpu.memref_slice %arg3[%add3A_304] : memref<26624xi32, #tpu.memory_space<hbm>> -> memref<512xi32, #tpu.memory_space<hbm>>
    tpu.wait_dma2 semaphore(%arg14 : memref<!tpu.dma_semaphore, #tpu.memory_space<semaphore_mem>>) src(%dma_wait3A_310 : memref<512xi32, #tpu.memory_space<hbm>>) dst(%dma_wait3A_309 : memref<512xi32, #tpu.memory_space<vmem>>)
    %add3A_311 = arith.constant 9216 : i32
    %add3A_312 = arith.addi %add3A_311, %mul3A_32 : i32
    %dma_wait3A_313 = arith.constant 4608 : i32
    %dma_wait3A_314 = tpu.memref_slice %arg9[%dma_wait3A_313] : memref<13312xi32, #tpu.memory_space<vmem>> -> memref<512xi32, #tpu.memory_space<vmem>>
    %dma_wait3A_315 = tpu.memref_slice %arg3[%add3A_312] : memref<26624xi32, #tpu.memory_space<hbm>> -> memref<512xi32, #tpu.memory_space<hbm>>
    %dma_wait3A_316 = arith.constant 4608 : i32
    %dma_wait3A_317 = tpu.memref_slice %arg9[%dma_wait3A_316] : memref<13312xi32, #tpu.memory_space<vmem>> -> memref<512xi32, #tpu.memory_space<vmem>>
    %dma_wait3A_318 = tpu.memref_slice %arg3[%add3A_312] : memref<26624xi32, #tpu.memory_space<hbm>> -> memref<512xi32, #tpu.memory_space<hbm>>
    tpu.wait_dma2 semaphore(%arg14 : memref<!tpu.dma_semaphore, #tpu.memory_space<semaphore_mem>>) src(%dma_wait3A_318 : memref<512xi32, #tpu.memory_space<hbm>>) dst(%dma_wait3A_317 : memref<512xi32, #tpu.memory_space<vmem>>)
    %add3A_319 = arith.constant 10240 : i32
    %add3A_320 = arith.addi %add3A_319, %mul3A_32 : i32
    %dma_wait3A_321 = arith.constant 5120 : i32
    %dma_wait3A_322 = tpu.memref_slice %arg9[%dma_wait3A_321] : memref<13312xi32, #tpu.memory_space<vmem>> -> memref<512xi32, #tpu.memory_space<vmem>>
    %dma_wait3A_323 = tpu.memref_slice %arg3[%add3A_320] : memref<26624xi32, #tpu.memory_space<hbm>> -> memref<512xi32, #tpu.memory_space<hbm>>
    %dma_wait3A_324 = arith.constant 5120 : i32
    %dma_wait3A_325 = tpu.memref_slice %arg9[%dma_wait3A_324] : memref<13312xi32, #tpu.memory_space<vmem>> -> memref<512xi32, #tpu.memory_space<vmem>>
    %dma_wait3A_326 = tpu.memref_slice %arg3[%add3A_320] : memref<26624xi32, #tpu.memory_space<hbm>> -> memref<512xi32, #tpu.memory_space<hbm>>
    tpu.wait_dma2 semaphore(%arg14 : memref<!tpu.dma_semaphore, #tpu.memory_space<semaphore_mem>>) src(%dma_wait3A_326 : memref<512xi32, #tpu.memory_space<hbm>>) dst(%dma_wait3A_325 : memref<512xi32, #tpu.memory_space<vmem>>)
    %add3A_327 = arith.constant 11264 : i32
    %add3A_328 = arith.addi %add3A_327, %mul3A_32 : i32
    %dma_wait3A_329 = arith.constant 5632 : i32
    %dma_wait3A_330 = tpu.memref_slice %arg9[%dma_wait3A_329] : memref<13312xi32, #tpu.memory_space<vmem>> -> memref<512xi32, #tpu.memory_space<vmem>>
    %dma_wait3A_331 = tpu.memref_slice %arg3[%add3A_328] : memref<26624xi32, #tpu.memory_space<hbm>> -> memref<512xi32, #tpu.memory_space<hbm>>
    %dma_wait3A_332 = arith.constant 5632 : i32
    %dma_wait3A_333 = tpu.memref_slice %arg9[%dma_wait3A_332] : memref<13312xi32, #tpu.memory_space<vmem>> -> memref<512xi32, #tpu.memory_space<vmem>>
    %dma_wait3A_334 = tpu.memref_slice %arg3[%add3A_328] : memref<26624xi32, #tpu.memory_space<hbm>> -> memref<512xi32, #tpu.memory_space<hbm>>
    tpu.wait_dma2 semaphore(%arg14 : memref<!tpu.dma_semaphore, #tpu.memory_space<semaphore_mem>>) src(%dma_wait3A_334 : memref<512xi32, #tpu.memory_space<hbm>>) dst(%dma_wait3A_333 : memref<512xi32, #tpu.memory_space<vmem>>)
    %add3A_335 = arith.constant 12288 : i32
    %add3A_336 = arith.addi %add3A_335, %mul3A_32 : i32
    %dma_wait3A_337 = arith.constant 6144 : i32
    %dma_wait3A_338 = tpu.memref_slice %arg9[%dma_wait3A_337] : memref<13312xi32, #tpu.memory_space<vmem>> -> memref<512xi32, #tpu.memory_space<vmem>>
    %dma_wait3A_339 = tpu.memref_slice %arg3[%add3A_336] : memref<26624xi32, #tpu.memory_space<hbm>> -> memref<512xi32, #tpu.memory_space<hbm>>
    %dma_wait3A_340 = arith.constant 6144 : i32
    %dma_wait3A_341 = tpu.memref_slice %arg9[%dma_wait3A_340] : memref<13312xi32, #tpu.memory_space<vmem>> -> memref<512xi32, #tpu.memory_space<vmem>>
    %dma_wait3A_342 = tpu.memref_slice %arg3[%add3A_336] : memref<26624xi32, #tpu.memory_space<hbm>> -> memref<512xi32, #tpu.memory_space<hbm>>
    tpu.wait_dma2 semaphore(%arg14 : memref<!tpu.dma_semaphore, #tpu.memory_space<semaphore_mem>>) src(%dma_wait3A_342 : memref<512xi32, #tpu.memory_space<hbm>>) dst(%dma_wait3A_341 : memref<512xi32, #tpu.memory_space<vmem>>)
    %add3A_343 = arith.constant 13312 : i32
    %add3A_344 = arith.addi %add3A_343, %mul3A_32 : i32
    %dma_wait3A_345 = arith.constant 6656 : i32
    %dma_wait3A_346 = tpu.memref_slice %arg9[%dma_wait3A_345] : memref<13312xi32, #tpu.memory_space<vmem>> -> memref<512xi32, #tpu.memory_space<vmem>>
    %dma_wait3A_347 = tpu.memref_slice %arg3[%add3A_344] : memref<26624xi32, #tpu.memory_space<hbm>> -> memref<512xi32, #tpu.memory_space<hbm>>
    %dma_wait3A_348 = arith.constant 6656 : i32
    %dma_wait3A_349 = tpu.memref_slice %arg9[%dma_wait3A_348] : memref<13312xi32, #tpu.memory_space<vmem>> -> memref<512xi32, #tpu.memory_space<vmem>>
    %dma_wait3A_350 = tpu.memref_slice %arg3[%add3A_344] : memref<26624xi32, #tpu.memory_space<hbm>> -> memref<512xi32, #tpu.memory_space<hbm>>
    tpu.wait_dma2 semaphore(%arg14 : memref<!tpu.dma_semaphore, #tpu.memory_space<semaphore_mem>>) src(%dma_wait3A_350 : memref<512xi32, #tpu.memory_space<hbm>>) dst(%dma_wait3A_349 : memref<512xi32, #tpu.memory_space<vmem>>)
    %add3A_351 = arith.constant 14336 : i32
    %add3A_352 = arith.addi %add3A_351, %mul3A_32 : i32
    %dma_wait3A_353 = arith.constant 7168 : i32
    %dma_wait3A_354 = tpu.memref_slice %arg9[%dma_wait3A_353] : memref<13312xi32, #tpu.memory_space<vmem>> -> memref<512xi32, #tpu.memory_space<vmem>>
    %dma_wait3A_355 = tpu.memref_slice %arg3[%add3A_352] : memref<26624xi32, #tpu.memory_space<hbm>> -> memref<512xi32, #tpu.memory_space<hbm>>
    %dma_wait3A_356 = arith.constant 7168 : i32
    %dma_wait3A_357 = tpu.memref_slice %arg9[%dma_wait3A_356] : memref<13312xi32, #tpu.memory_space<vmem>> -> memref<512xi32, #tpu.memory_space<vmem>>
    %dma_wait3A_358 = tpu.memref_slice %arg3[%add3A_352] : memref<26624xi32, #tpu.memory_space<hbm>> -> memref<512xi32, #tpu.memory_space<hbm>>
    tpu.wait_dma2 semaphore(%arg14 : memref<!tpu.dma_semaphore, #tpu.memory_space<semaphore_mem>>) src(%dma_wait3A_358 : memref<512xi32, #tpu.memory_space<hbm>>) dst(%dma_wait3A_357 : memref<512xi32, #tpu.memory_space<vmem>>)
    %add3A_359 = arith.constant 15360 : i32
    %add3A_360 = arith.addi %add3A_359, %mul3A_32 : i32
    %dma_wait3A_361 = arith.constant 7680 : i32
    %dma_wait3A_362 = tpu.memref_slice %arg9[%dma_wait3A_361] : memref<13312xi32, #tpu.memory_space<vmem>> -> memref<512xi32, #tpu.memory_space<vmem>>
    %dma_wait3A_363 = tpu.memref_slice %arg3[%add3A_360] : memref<26624xi32, #tpu.memory_space<hbm>> -> memref<512xi32, #tpu.memory_space<hbm>>
    %dma_wait3A_364 = arith.constant 7680 : i32
    %dma_wait3A_365 = tpu.memref_slice %arg9[%dma_wait3A_364] : memref<13312xi32, #tpu.memory_space<vmem>> -> memref<512xi32, #tpu.memory_space<vmem>>
    %dma_wait3A_366 = tpu.memref_slice %arg3[%add3A_360] : memref<26624xi32, #tpu.memory_space<hbm>> -> memref<512xi32, #tpu.memory_space<hbm>>
    tpu.wait_dma2 semaphore(%arg14 : memref<!tpu.dma_semaphore, #tpu.memory_space<semaphore_mem>>) src(%dma_wait3A_366 : memref<512xi32, #tpu.memory_space<hbm>>) dst(%dma_wait3A_365 : memref<512xi32, #tpu.memory_space<vmem>>)
    %add3A_367 = arith.constant 16384 : i32
    %add3A_368 = arith.addi %add3A_367, %mul3A_32 : i32
    %dma_wait3A_369 = arith.constant 8192 : i32
    %dma_wait3A_370 = tpu.memref_slice %arg9[%dma_wait3A_369] : memref<13312xi32, #tpu.memory_space<vmem>> -> memref<512xi32, #tpu.memory_space<vmem>>
    %dma_wait3A_371 = tpu.memref_slice %arg3[%add3A_368] : memref<26624xi32, #tpu.memory_space<hbm>> -> memref<512xi32, #tpu.memory_space<hbm>>
    %dma_wait3A_372 = arith.constant 8192 : i32
    %dma_wait3A_373 = tpu.memref_slice %arg9[%dma_wait3A_372] : memref<13312xi32, #tpu.memory_space<vmem>> -> memref<512xi32, #tpu.memory_space<vmem>>
    %dma_wait3A_374 = tpu.memref_slice %arg3[%add3A_368] : memref<26624xi32, #tpu.memory_space<hbm>> -> memref<512xi32, #tpu.memory_space<hbm>>
    tpu.wait_dma2 semaphore(%arg14 : memref<!tpu.dma_semaphore, #tpu.memory_space<semaphore_mem>>) src(%dma_wait3A_374 : memref<512xi32, #tpu.memory_space<hbm>>) dst(%dma_wait3A_373 : memref<512xi32, #tpu.memory_space<vmem>>)
    %add3A_375 = arith.constant 17408 : i32
    %add3A_376 = arith.addi %add3A_375, %mul3A_32 : i32
    %dma_wait3A_377 = arith.constant 8704 : i32
    %dma_wait3A_378 = tpu.memref_slice %arg9[%dma_wait3A_377] : memref<13312xi32, #tpu.memory_space<vmem>> -> memref<512xi32, #tpu.memory_space<vmem>>
    %dma_wait3A_379 = tpu.memref_slice %arg3[%add3A_376] : memref<26624xi32, #tpu.memory_space<hbm>> -> memref<512xi32, #tpu.memory_space<hbm>>
    %dma_wait3A_380 = arith.constant 8704 : i32
    %dma_wait3A_381 = tpu.memref_slice %arg9[%dma_wait3A_380] : memref<13312xi32, #tpu.memory_space<vmem>> -> memref<512xi32, #tpu.memory_space<vmem>>
    %dma_wait3A_382 = tpu.memref_slice %arg3[%add3A_376] : memref<26624xi32, #tpu.memory_space<hbm>> -> memref<512xi32, #tpu.memory_space<hbm>>
    tpu.wait_dma2 semaphore(%arg14 : memref<!tpu.dma_semaphore, #tpu.memory_space<semaphore_mem>>) src(%dma_wait3A_382 : memref<512xi32, #tpu.memory_space<hbm>>) dst(%dma_wait3A_381 : memref<512xi32, #tpu.memory_space<vmem>>)
    %add3A_383 = arith.constant 18432 : i32
    %add3A_384 = arith.addi %add3A_383, %mul3A_32 : i32
    %dma_wait3A_385 = arith.constant 9216 : i32
    %dma_wait3A_386 = tpu.memref_slice %arg9[%dma_wait3A_385] : memref<13312xi32, #tpu.memory_space<vmem>> -> memref<512xi32, #tpu.memory_space<vmem>>
    %dma_wait3A_387 = tpu.memref_slice %arg3[%add3A_384] : memref<26624xi32, #tpu.memory_space<hbm>> -> memref<512xi32, #tpu.memory_space<hbm>>
    %dma_wait3A_388 = arith.constant 9216 : i32
    %dma_wait3A_389 = tpu.memref_slice %arg9[%dma_wait3A_388] : memref<13312xi32, #tpu.memory_space<vmem>> -> memref<512xi32, #tpu.memory_space<vmem>>
    %dma_wait3A_390 = tpu.memref_slice %arg3[%add3A_384] : memref<26624xi32, #tpu.memory_space<hbm>> -> memref<512xi32, #tpu.memory_space<hbm>>
    tpu.wait_dma2 semaphore(%arg14 : memref<!tpu.dma_semaphore, #tpu.memory_space<semaphore_mem>>) src(%dma_wait3A_390 : memref<512xi32, #tpu.memory_space<hbm>>) dst(%dma_wait3A_389 : memref<512xi32, #tpu.memory_space<vmem>>)
    %add3A_391 = arith.constant 19456 : i32
    %add3A_392 = arith.addi %add3A_391, %mul3A_32 : i32
    %dma_wait3A_393 = arith.constant 9728 : i32
    %dma_wait3A_394 = tpu.memref_slice %arg9[%dma_wait3A_393] : memref<13312xi32, #tpu.memory_space<vmem>> -> memref<512xi32, #tpu.memory_space<vmem>>
    %dma_wait3A_395 = tpu.memref_slice %arg3[%add3A_392] : memref<26624xi32, #tpu.memory_space<hbm>> -> memref<512xi32, #tpu.memory_space<hbm>>
    %dma_wait3A_396 = arith.constant 9728 : i32
    %dma_wait3A_397 = tpu.memref_slice %arg9[%dma_wait3A_396] : memref<13312xi32, #tpu.memory_space<vmem>> -> memref<512xi32, #tpu.memory_space<vmem>>
    %dma_wait3A_398 = tpu.memref_slice %arg3[%add3A_392] : memref<26624xi32, #tpu.memory_space<hbm>> -> memref<512xi32, #tpu.memory_space<hbm>>
    tpu.wait_dma2 semaphore(%arg14 : memref<!tpu.dma_semaphore, #tpu.memory_space<semaphore_mem>>) src(%dma_wait3A_398 : memref<512xi32, #tpu.memory_space<hbm>>) dst(%dma_wait3A_397 : memref<512xi32, #tpu.memory_space<vmem>>)
    %add3A_399 = arith.constant 20480 : i32
    %add3A_400 = arith.addi %add3A_399, %mul3A_32 : i32
    %dma_wait3A_401 = arith.constant 10240 : i32
    %dma_wait3A_402 = tpu.memref_slice %arg9[%dma_wait3A_401] : memref<13312xi32, #tpu.memory_space<vmem>> -> memref<512xi32, #tpu.memory_space<vmem>>
    %dma_wait3A_403 = tpu.memref_slice %arg3[%add3A_400] : memref<26624xi32, #tpu.memory_space<hbm>> -> memref<512xi32, #tpu.memory_space<hbm>>
    %dma_wait3A_404 = arith.constant 10240 : i32
    %dma_wait3A_405 = tpu.memref_slice %arg9[%dma_wait3A_404] : memref<13312xi32, #tpu.memory_space<vmem>> -> memref<512xi32, #tpu.memory_space<vmem>>
    %dma_wait3A_406 = tpu.memref_slice %arg3[%add3A_400] : memref<26624xi32, #tpu.memory_space<hbm>> -> memref<512xi32, #tpu.memory_space<hbm>>
    tpu.wait_dma2 semaphore(%arg14 : memref<!tpu.dma_semaphore, #tpu.memory_space<semaphore_mem>>) src(%dma_wait3A_406 : memref<512xi32, #tpu.memory_space<hbm>>) dst(%dma_wait3A_405 : memref<512xi32, #tpu.memory_space<vmem>>)
    %add3A_407 = arith.constant 21504 : i32
    %add3A_408 = arith.addi %add3A_407, %mul3A_32 : i32
    %dma_wait3A_409 = arith.constant 10752 : i32
    %dma_wait3A_410 = tpu.memref_slice %arg9[%dma_wait3A_409] : memref<13312xi32, #tpu.memory_space<vmem>> -> memref<512xi32, #tpu.memory_space<vmem>>
    %dma_wait3A_411 = tpu.memref_slice %arg3[%add3A_408] : memref<26624xi32, #tpu.memory_space<hbm>> -> memref<512xi32, #tpu.memory_space<hbm>>
    %dma_wait3A_412 = arith.constant 10752 : i32
    %dma_wait3A_413 = tpu.memref_slice %arg9[%dma_wait3A_412] : memref<13312xi32, #tpu.memory_space<vmem>> -> memref<512xi32, #tpu.memory_space<vmem>>
    %dma_wait3A_414 = tpu.memref_slice %arg3[%add3A_408] : memref<26624xi32, #tpu.memory_space<hbm>> -> memref<512xi32, #tpu.memory_space<hbm>>
    tpu.wait_dma2 semaphore(%arg14 : memref<!tpu.dma_semaphore, #tpu.memory_space<semaphore_mem>>) src(%dma_wait3A_414 : memref<512xi32, #tpu.memory_space<hbm>>) dst(%dma_wait3A_413 : memref<512xi32, #tpu.memory_space<vmem>>)
    %add3A_415 = arith.constant 22528 : i32
    %add3A_416 = arith.addi %add3A_415, %mul3A_32 : i32
    %dma_wait3A_417 = arith.constant 11264 : i32
    %dma_wait3A_418 = tpu.memref_slice %arg9[%dma_wait3A_417] : memref<13312xi32, #tpu.memory_space<vmem>> -> memref<512xi32, #tpu.memory_space<vmem>>
    %dma_wait3A_419 = tpu.memref_slice %arg3[%add3A_416] : memref<26624xi32, #tpu.memory_space<hbm>> -> memref<512xi32, #tpu.memory_space<hbm>>
    %dma_wait3A_420 = arith.constant 11264 : i32
    %dma_wait3A_421 = tpu.memref_slice %arg9[%dma_wait3A_420] : memref<13312xi32, #tpu.memory_space<vmem>> -> memref<512xi32, #tpu.memory_space<vmem>>
    %dma_wait3A_422 = tpu.memref_slice %arg3[%add3A_416] : memref<26624xi32, #tpu.memory_space<hbm>> -> memref<512xi32, #tpu.memory_space<hbm>>
    tpu.wait_dma2 semaphore(%arg14 : memref<!tpu.dma_semaphore, #tpu.memory_space<semaphore_mem>>) src(%dma_wait3A_422 : memref<512xi32, #tpu.memory_space<hbm>>) dst(%dma_wait3A_421 : memref<512xi32, #tpu.memory_space<vmem>>)
    %add3A_423 = arith.constant 23552 : i32
    %add3A_424 = arith.addi %add3A_423, %mul3A_32 : i32
    %dma_wait3A_425 = arith.constant 11776 : i32
    %dma_wait3A_426 = tpu.memref_slice %arg9[%dma_wait3A_425] : memref<13312xi32, #tpu.memory_space<vmem>> -> memref<512xi32, #tpu.memory_space<vmem>>
    %dma_wait3A_427 = tpu.memref_slice %arg3[%add3A_424] : memref<26624xi32, #tpu.memory_space<hbm>> -> memref<512xi32, #tpu.memory_space<hbm>>
    %dma_wait3A_428 = arith.constant 11776 : i32
    %dma_wait3A_429 = tpu.memref_slice %arg9[%dma_wait3A_428] : memref<13312xi32, #tpu.memory_space<vmem>> -> memref<512xi32, #tpu.memory_space<vmem>>
    %dma_wait3A_430 = tpu.memref_slice %arg3[%add3A_424] : memref<26624xi32, #tpu.memory_space<hbm>> -> memref<512xi32, #tpu.memory_space<hbm>>
    tpu.wait_dma2 semaphore(%arg14 : memref<!tpu.dma_semaphore, #tpu.memory_space<semaphore_mem>>) src(%dma_wait3A_430 : memref<512xi32, #tpu.memory_space<hbm>>) dst(%dma_wait3A_429 : memref<512xi32, #tpu.memory_space<vmem>>)
    %add3A_431 = arith.constant 24576 : i32
    %add3A_432 = arith.addi %add3A_431, %mul3A_32 : i32
    %dma_wait3A_433 = arith.constant 12288 : i32
    %dma_wait3A_434 = tpu.memref_slice %arg9[%dma_wait3A_433] : memref<13312xi32, #tpu.memory_space<vmem>> -> memref<512xi32, #tpu.memory_space<vmem>>
    %dma_wait3A_435 = tpu.memref_slice %arg3[%add3A_432] : memref<26624xi32, #tpu.memory_space<hbm>> -> memref<512xi32, #tpu.memory_space<hbm>>
    %dma_wait3A_436 = arith.constant 12288 : i32
    %dma_wait3A_437 = tpu.memref_slice %arg9[%dma_wait3A_436] : memref<13312xi32, #tpu.memory_space<vmem>> -> memref<512xi32, #tpu.memory_space<vmem>>
    %dma_wait3A_438 = tpu.memref_slice %arg3[%add3A_432] : memref<26624xi32, #tpu.memory_space<hbm>> -> memref<512xi32, #tpu.memory_space<hbm>>
    tpu.wait_dma2 semaphore(%arg14 : memref<!tpu.dma_semaphore, #tpu.memory_space<semaphore_mem>>) src(%dma_wait3A_438 : memref<512xi32, #tpu.memory_space<hbm>>) dst(%dma_wait3A_437 : memref<512xi32, #tpu.memory_space<vmem>>)
    %add3A_439 = arith.constant 25600 : i32
    %add3A_440 = arith.addi %add3A_439, %mul3A_32 : i32
    %dma_wait3A_441 = arith.constant 12800 : i32
    %dma_wait3A_442 = tpu.memref_slice %arg9[%dma_wait3A_441] : memref<13312xi32, #tpu.memory_space<vmem>> -> memref<512xi32, #tpu.memory_space<vmem>>
    %dma_wait3A_443 = tpu.memref_slice %arg3[%add3A_440] : memref<26624xi32, #tpu.memory_space<hbm>> -> memref<512xi32, #tpu.memory_space<hbm>>
    %dma_wait3A_444 = arith.constant 12800 : i32
    %dma_wait3A_445 = tpu.memref_slice %arg9[%dma_wait3A_444] : memref<13312xi32, #tpu.memory_space<vmem>> -> memref<512xi32, #tpu.memory_space<vmem>>
    %dma_wait3A_446 = tpu.memref_slice %arg3[%add3A_440] : memref<26624xi32, #tpu.memory_space<hbm>> -> memref<512xi32, #tpu.memory_space<hbm>>
    tpu.wait_dma2 semaphore(%arg14 : memref<!tpu.dma_semaphore, #tpu.memory_space<semaphore_mem>>) src(%dma_wait3A_446 : memref<512xi32, #tpu.memory_space<hbm>>) dst(%dma_wait3A_445 : memref<512xi32, #tpu.memory_space<vmem>>)
    %dma_start3A_447 = arith.constant 0 : i32
    %dma_start3A_448 = arith.constant 0 : i32
    %dma_start3A_449 = arith.constant 0 : i32
    %dma_start3A_450 = tpu.memref_slice %arg2[%select_n3A, %dma_start3A_447, %dma_start3A_448, %dma_start3A_449] : memref<16x26x32x1000xf32, #tpu.memory_space<hbm>> -> memref<1x1x32x1000xf32, #tpu.memory_space<hbm>>
    %dma_start3A_451 = tpu.memref_squeeze %dma_start3A_450 : memref<1x1x32x1000xf32, #tpu.memory_space<hbm>> -> memref<32x1000xf32, #tpu.memory_space<hbm>>
    %dma_start3A_452 = arith.constant 0 : i32
    %dma_start3A_453 = arith.constant 0 : i32
    %dma_start3A_454 = tpu.memref_slice %arg2[%select_n3A, %dma_start3A_447, %dma_start3A_452, %dma_start3A_453] : memref<16x26x32x1000xf32, #tpu.memory_space<hbm>> -> memref<1x1x32x1000xf32, #tpu.memory_space<hbm>>
    %dma_start3A_455 = tpu.memref_squeeze %dma_start3A_454 : memref<1x1x32x1000xf32, #tpu.memory_space<hbm>> -> memref<32x1000xf32, #tpu.memory_space<hbm>>
    tpu.enqueue_dma source(%dma_start3A_455 : memref<32x1000xf32, #tpu.memory_space<hbm>>) target(%arg5 : memref<32x1000xf32, #tpu.memory_space<vmem>>) target_semaphore(%arg10 : memref<!tpu.dma_semaphore, #tpu.memory_space<semaphore_mem>>)
    %scan3A = arith.constant 0 : i32
    %scan3A_456 = arith.constant 0 : i32
    %scan3A_457 = arith.constant 13 : i32
    %scan3A_458 = arith.addi %scan3A_456, %scan3A_457 : i32
    %scan3A_459 = arith.constant 1 : i32
    %scan3A_460 = scf.for %scan3A_474 = %scan3A_456 to %scan3A_458 step %scan3A_459 iter_args(%scan3A_475 = %scan3A) -> (i32)  : i32 {
      %mul3A_476 = arith.constant 2 : i32
      %mul3A_477 = arith.muli %mul3A_476, %scan3A_474 : i32
      %add3A_478 = arith.constant 0 : i32
      %add3A_479 = arith.addi %mul3A_477, %add3A_478 : i32
      %dma_wait3A_480 = arith.constant 0 : i32
      %dma_wait3A_481 = arith.constant 0 : i32
      %dma_wait3A_482 = tpu.memref_slice %arg2[%select_n3A, %add3A_479, %dma_wait3A_480, %dma_wait3A_481] : memref<16x26x32x1000xf32, #tpu.memory_space<hbm>> -> memref<1x1x32x1000xf32, #tpu.memory_space<hbm>>
      %dma_wait3A_483 = tpu.memref_squeeze %dma_wait3A_482 : memref<1x1x32x1000xf32, #tpu.memory_space<hbm>> -> memref<32x1000xf32, #tpu.memory_space<hbm>>
      %dma_wait3A_484 = arith.constant 0 : i32
      %dma_wait3A_485 = arith.constant 0 : i32
      %dma_wait3A_486 = tpu.memref_slice %arg2[%select_n3A, %add3A_479, %dma_wait3A_484, %dma_wait3A_485] : memref<16x26x32x1000xf32, #tpu.memory_space<hbm>> -> memref<1x1x32x1000xf32, #tpu.memory_space<hbm>>
      %dma_wait3A_487 = tpu.memref_squeeze %dma_wait3A_486 : memref<1x1x32x1000xf32, #tpu.memory_space<hbm>> -> memref<32x1000xf32, #tpu.memory_space<hbm>>
      tpu.wait_dma2 semaphore(%arg10 : memref<!tpu.dma_semaphore, #tpu.memory_space<semaphore_mem>>) src(%dma_wait3A_487 : memref<32x1000xf32, #tpu.memory_space<hbm>>) dst(%arg5 : memref<32x1000xf32, #tpu.memory_space<vmem>>)
      %add3A_488 = arith.constant 1 : i32
      %add3A_489 = arith.addi %add3A_479, %add3A_488 : i32
      %lt3A_490 = arith.constant 26 : i32
      %lt3A_491 = arith.cmpi slt, %add3A_489, %lt3A_490 : i32
      %convert_element_type3A = arith.extui %lt3A_491 : i1 to i32
      %cond3A = arith.constant 0 : i32
      %cond3A_492 = arith.cmpi ne, %convert_element_type3A, %cond3A : i32
      scf.if %cond3A_492 {
        %add3A_548 = arith.constant 1 : i32
        %add3A_549 = arith.addi %add3A_479, %add3A_548 : i32
        %dma_start3A_550 = arith.constant 0 : i32
        %dma_start3A_551 = arith.constant 0 : i32
        %dma_start3A_552 = tpu.memref_slice %arg2[%select_n3A, %add3A_549, %dma_start3A_550, %dma_start3A_551] : memref<16x26x32x1000xf32, #tpu.memory_space<hbm>> -> memref<1x1x32x1000xf32, #tpu.memory_space<hbm>>
        %dma_start3A_553 = tpu.memref_squeeze %dma_start3A_552 : memref<1x1x32x1000xf32, #tpu.memory_space<hbm>> -> memref<32x1000xf32, #tpu.memory_space<hbm>>
        %dma_start3A_554 = arith.constant 0 : i32
        %dma_start3A_555 = arith.constant 0 : i32
        %dma_start3A_556 = tpu.memref_slice %arg2[%select_n3A, %add3A_549, %dma_start3A_554, %dma_start3A_555] : memref<16x26x32x1000xf32, #tpu.memory_space<hbm>> -> memref<1x1x32x1000xf32, #tpu.memory_space<hbm>>
        %dma_start3A_557 = tpu.memref_squeeze %dma_start3A_556 : memref<1x1x32x1000xf32, #tpu.memory_space<hbm>> -> memref<32x1000xf32, #tpu.memory_space<hbm>>
        tpu.enqueue_dma source(%dma_start3A_557 : memref<32x1000xf32, #tpu.memory_space<hbm>>) target(%arg6 : memref<32x1000xf32, #tpu.memory_space<vmem>>) target_semaphore(%arg11 : memref<!tpu.dma_semaphore, #tpu.memory_space<semaphore_mem>>)
      } else {
      }
      %ge3A = arith.constant 2 : i32
      %ge3A_493 = arith.cmpi sge, %add3A_479, %ge3A : i32
      %convert_element_type3A_494 = arith.extui %ge3A_493 : i1 to i32
      %cond3A_495 = arith.constant 0 : i32
      %cond3A_496 = arith.cmpi ne, %convert_element_type3A_494, %cond3A_495 : i32
      scf.if %cond3A_496 {
        %sub3A_548 = arith.constant 2 : i32
        %sub3A_549 = arith.subi %add3A_479, %sub3A_548 : i32
        %mul3A_550 = arith.constant 832 : i32
        %mul3A_551 = arith.muli %select_n3A, %mul3A_550 : i32
        %mul3A_552 = arith.constant 32 : i32
        %mul3A_553 = arith.muli %sub3A_549, %mul3A_552 : i32
        %add3A_554 = arith.addi %mul3A_551, %mul3A_553 : i32
        %dma_wait3A_555 = tpu.memref_slice %arg4[%add3A_554, %mul3A_32] : memref<13312x1024xf32, #tpu.memory_space<hbm>> -> memref<32x512xf32, #tpu.memory_space<hbm>>
        %dma_wait3A_556 = tpu.memref_slice %arg4[%add3A_554, %mul3A_32] : memref<13312x1024xf32, #tpu.memory_space<hbm>> -> memref<32x512xf32, #tpu.memory_space<hbm>>
        tpu.wait_dma2 semaphore(%arg12 : memref<!tpu.dma_semaphore, #tpu.memory_space<semaphore_mem>>) src(%arg7 : memref<32x512xf32, #tpu.memory_space<vmem>>) dst(%dma_wait3A_556 : memref<32x512xf32, #tpu.memory_space<hbm>>)
      } else {
      }
      %scan3A_497 = arith.constant 0 : i32
      %scan3A_498 = arith.constant 0 : i32
      %scan3A_499 = arith.constant 8 : i32
      %scan3A_500 = arith.addi %scan3A_498, %scan3A_499 : i32
      %scan3A_501 = arith.constant 1 : i32
      scf.for %scan3A_548 = %scan3A_498 to %scan3A_500 step %scan3A_501  : i32 {
        %mul3A_549 = arith.constant 4 : i32
        %mul3A_550 = arith.muli %mul3A_549, %scan3A_548 : i32
        %add3A_551 = arith.constant 0 : i32
        %add3A_552 = arith.addi %mul3A_550, %add3A_551 : i32
        %mul3A_553 = arith.constant 512 : i32
        %mul3A_554 = arith.muli %add3A_479, %mul3A_553 : i32
        %mul3A_555 = arith.constant 16 : i32
        %mul3A_556 = arith.muli %add3A_552, %mul3A_555 : i32
        %add3A_557 = arith.addi %mul3A_554, %mul3A_556 : i32
        %get3A = arith.index_cast %add3A_557 : i32 to index
        %get3A_558 = tpu.vector_load %arg9[%get3A] {strides = array<i32>} : memref<13312xi32, #tpu.memory_space<vmem>>, vector<16xi32>,
        %broadcast_in_dim3A = arith.constant 0 : i32
        %broadcast_in_dim3A_559 = vector.broadcast %broadcast_in_dim3A : i32 to vector<16xi32>
        %gather3A = tpu.vector_load_idx %arg5[%broadcast_in_dim3A_559, %get3A_558] : memref<32x1000xf32, #tpu.memory_space<vmem>>[vector<16xi32>, vector<16xi32>], vector<16xf32>,
        %mul3A_560 = arith.constant 16 : i32
        %mul3A_561 = arith.muli %add3A_552, %mul3A_560 : i32
        %swap3A = arith.constant 0 : i32
        %swap3A_562 = arith.index_cast %swap3A : i32 to index
        %swap3A_563 = arith.index_cast %mul3A_561 : i32 to index
        %swap3A_564 = tpu.vector_load %arg7[%swap3A_562, %swap3A_563] {strides = array<i32>} : memref<32x512xf32, #tpu.memory_space<vmem>>, vector<16xf32>,
        tpu.vector_store %arg7[%swap3A_562, %swap3A_563], %gather3A {strides = array<i32>} : memref<32x512xf32, #tpu.memory_space<vmem>>, vector<16xf32>,
        %broadcast_in_dim3A_565 = arith.constant 1 : i32
        %broadcast_in_dim3A_566 = vector.broadcast %broadcast_in_dim3A_565 : i32 to vector<16xi32>
        %gather3A_567 = tpu.vector_load_idx %arg5[%broadcast_in_dim3A_566, %get3A_558] : memref<32x1000xf32, #tpu.memory_space<vmem>>[vector<16xi32>, vector<16xi32>], vector<16xf32>,
        %mul3A_568 = arith.constant 16 : i32
        %mul3A_569 = arith.muli %add3A_552, %mul3A_568 : i32
        %swap3A_570 = arith.constant 1 : i32
        %swap3A_571 = arith.index_cast %swap3A_570 : i32 to index
        %swap3A_572 = arith.index_cast %mul3A_569 : i32 to index
        %swap3A_573 = tpu.vector_load %arg7[%swap3A_571, %swap3A_572] {strides = array<i32>} : memref<32x512xf32, #tpu.memory_space<vmem>>, vector<16xf32>,
        tpu.vector_store %arg7[%swap3A_571, %swap3A_572], %gather3A_567 {strides = array<i32>} : memref<32x512xf32, #tpu.memory_space<vmem>>, vector<16xf32>,
        %broadcast_in_dim3A_574 = arith.constant 2 : i32
        %broadcast_in_dim3A_575 = vector.broadcast %broadcast_in_dim3A_574 : i32 to vector<16xi32>
        %gather3A_576 = tpu.vector_load_idx %arg5[%broadcast_in_dim3A_575, %get3A_558] : memref<32x1000xf32, #tpu.memory_space<vmem>>[vector<16xi32>, vector<16xi32>], vector<16xf32>,
        %mul3A_577 = arith.constant 16 : i32
        %mul3A_578 = arith.muli %add3A_552, %mul3A_577 : i32
        %swap3A_579 = arith.constant 2 : i32
        %swap3A_580 = arith.index_cast %swap3A_579 : i32 to index
        %swap3A_581 = arith.index_cast %mul3A_578 : i32 to index
        %swap3A_582 = tpu.vector_load %arg7[%swap3A_580, %swap3A_581] {strides = array<i32>} : memref<32x512xf32, #tpu.memory_space<vmem>>, vector<16xf32>,
        tpu.vector_store %arg7[%swap3A_580, %swap3A_581], %gather3A_576 {strides = array<i32>} : memref<32x512xf32, #tpu.memory_space<vmem>>, vector<16xf32>,
        %broadcast_in_dim3A_583 = arith.constant 3 : i32
        %broadcast_in_dim3A_584 = vector.broadcast %broadcast_in_dim3A_583 : i32 to vector<16xi32>
        %gather3A_585 = tpu.vector_load_idx %arg5[%broadcast_in_dim3A_584, %get3A_558] : memref<32x1000xf32, #tpu.memory_space<vmem>>[vector<16xi32>, vector<16xi32>], vector<16xf32>,
        %mul3A_586 = arith.constant 16 : i32
        %mul3A_587 = arith.muli %add3A_552, %mul3A_586 : i32
        %swap3A_588 = arith.constant 3 : i32
        %swap3A_589 = arith.index_cast %swap3A_588 : i32 to index
        %swap3A_590 = arith.index_cast %mul3A_587 : i32 to index
        %swap3A_591 = tpu.vector_load %arg7[%swap3A_589, %swap3A_590] {strides = array<i32>} : memref<32x512xf32, #tpu.memory_space<vmem>>, vector<16xf32>,
        tpu.vector_store %arg7[%swap3A_589, %swap3A_590], %gather3A_585 {strides = array<i32>} : memref<32x512xf32, #tpu.memory_space<vmem>>, vector<16xf32>,
        %broadcast_in_dim3A_592 = arith.constant 4 : i32
        %broadcast_in_dim3A_593 = vector.broadcast %broadcast_in_dim3A_592 : i32 to vector<16xi32>
        %gather3A_594 = tpu.vector_load_idx %arg5[%broadcast_in_dim3A_593, %get3A_558] : memref<32x1000xf32, #tpu.memory_space<vmem>>[vector<16xi32>, vector<16xi32>], vector<16xf32>,
        %mul3A_595 = arith.constant 16 : i32
        %mul3A_596 = arith.muli %add3A_552, %mul3A_595 : i32
        %swap3A_597 = arith.constant 4 : i32
        %swap3A_598 = arith.index_cast %swap3A_597 : i32 to index
        %swap3A_599 = arith.index_cast %mul3A_596 : i32 to index
        %swap3A_600 = tpu.vector_load %arg7[%swap3A_598, %swap3A_599] {strides = array<i32>} : memref<32x512xf32, #tpu.memory_space<vmem>>, vector<16xf32>,
        tpu.vector_store %arg7[%swap3A_598, %swap3A_599], %gather3A_594 {strides = array<i32>} : memref<32x512xf32, #tpu.memory_space<vmem>>, vector<16xf32>,
        %broadcast_in_dim3A_601 = arith.constant 5 : i32
        %broadcast_in_dim3A_602 = vector.broadcast %broadcast_in_dim3A_601 : i32 to vector<16xi32>
        %gather3A_603 = tpu.vector_load_idx %arg5[%broadcast_in_dim3A_602, %get3A_558] : memref<32x1000xf32, #tpu.memory_space<vmem>>[vector<16xi32>, vector<16xi32>], vector<16xf32>,
        %mul3A_604 = arith.constant 16 : i32
        %mul3A_605 = arith.muli %add3A_552, %mul3A_604 : i32
        %swap3A_606 = arith.constant 5 : i32
        %swap3A_607 = arith.index_cast %swap3A_606 : i32 to index
        %swap3A_608 = arith.index_cast %mul3A_605 : i32 to index
        %swap3A_609 = tpu.vector_load %arg7[%swap3A_607, %swap3A_608] {strides = array<i32>} : memref<32x512xf32, #tpu.memory_space<vmem>>, vector<16xf32>,
        tpu.vector_store %arg7[%swap3A_607, %swap3A_608], %gather3A_603 {strides = array<i32>} : memref<32x512xf32, #tpu.memory_space<vmem>>, vector<16xf32>,
        %broadcast_in_dim3A_610 = arith.constant 6 : i32
        %broadcast_in_dim3A_611 = vector.broadcast %broadcast_in_dim3A_610 : i32 to vector<16xi32>
        %gather3A_612 = tpu.vector_load_idx %arg5[%broadcast_in_dim3A_611, %get3A_558] : memref<32x1000xf32, #tpu.memory_space<vmem>>[vector<16xi32>, vector<16xi32>], vector<16xf32>,
        %mul3A_613 = arith.constant 16 : i32
        %mul3A_614 = arith.muli %add3A_552, %mul3A_613 : i32
        %swap3A_615 = arith.constant 6 : i32
        %swap3A_616 = arith.index_cast %swap3A_615 : i32 to index
        %swap3A_617 = arith.index_cast %mul3A_614 : i32 to index
        %swap3A_618 = tpu.vector_load %arg7[%swap3A_616, %swap3A_617] {strides = array<i32>} : memref<32x512xf32, #tpu.memory_space<vmem>>, vector<16xf32>,
        tpu.vector_store %arg7[%swap3A_616, %swap3A_617], %gather3A_612 {strides = array<i32>} : memref<32x512xf32, #tpu.memory_space<vmem>>, vector<16xf32>,
        %broadcast_in_dim3A_619 = arith.constant 7 : i32
        %broadcast_in_dim3A_620 = vector.broadcast %broadcast_in_dim3A_619 : i32 to vector<16xi32>
        %gather3A_621 = tpu.vector_load_idx %arg5[%broadcast_in_dim3A_620, %get3A_558] : memref<32x1000xf32, #tpu.memory_space<vmem>>[vector<16xi32>, vector<16xi32>], vector<16xf32>,
        %mul3A_622 = arith.constant 16 : i32
        %mul3A_623 = arith.muli %add3A_552, %mul3A_622 : i32
        %swap3A_624 = arith.constant 7 : i32
        %swap3A_625 = arith.index_cast %swap3A_624 : i32 to index
        %swap3A_626 = arith.index_cast %mul3A_623 : i32 to index
        %swap3A_627 = tpu.vector_load %arg7[%swap3A_625, %swap3A_626] {strides = array<i32>} : memref<32x512xf32, #tpu.memory_space<vmem>>, vector<16xf32>,
        tpu.vector_store %arg7[%swap3A_625, %swap3A_626], %gather3A_621 {strides = array<i32>} : memref<32x512xf32, #tpu.memory_space<vmem>>, vector<16xf32>,
        %broadcast_in_dim3A_628 = arith.constant 8 : i32
        %broadcast_in_dim3A_629 = vector.broadcast %broadcast_in_dim3A_628 : i32 to vector<16xi32>
        %gather3A_630 = tpu.vector_load_idx %arg5[%broadcast_in_dim3A_629, %get3A_558] : memref<32x1000xf32, #tpu.memory_space<vmem>>[vector<16xi32>, vector<16xi32>], vector<16xf32>,
        %mul3A_631 = arith.constant 16 : i32
        %mul3A_632 = arith.muli %add3A_552, %mul3A_631 : i32
        %swap3A_633 = arith.constant 8 : i32
        %swap3A_634 = arith.index_cast %swap3A_633 : i32 to index
        %swap3A_635 = arith.index_cast %mul3A_632 : i32 to index
        %swap3A_636 = tpu.vector_load %arg7[%swap3A_634, %swap3A_635] {strides = array<i32>} : memref<32x512xf32, #tpu.memory_space<vmem>>, vector<16xf32>,
        tpu.vector_store %arg7[%swap3A_634, %swap3A_635], %gather3A_630 {strides = array<i32>} : memref<32x512xf32, #tpu.memory_space<vmem>>, vector<16xf32>,
        %broadcast_in_dim3A_637 = arith.constant 9 : i32
        %broadcast_in_dim3A_638 = vector.broadcast %broadcast_in_dim3A_637 : i32 to vector<16xi32>
        %gather3A_639 = tpu.vector_load_idx %arg5[%broadcast_in_dim3A_638, %get3A_558] : memref<32x1000xf32, #tpu.memory_space<vmem>>[vector<16xi32>, vector<16xi32>], vector<16xf32>,
        %mul3A_640 = arith.constant 16 : i32
        %mul3A_641 = arith.muli %add3A_552, %mul3A_640 : i32
        %swap3A_642 = arith.constant 9 : i32
        %swap3A_643 = arith.index_cast %swap3A_642 : i32 to index
        %swap3A_644 = arith.index_cast %mul3A_641 : i32 to index
        %swap3A_645 = tpu.vector_load %arg7[%swap3A_643, %swap3A_644] {strides = array<i32>} : memref<32x512xf32, #tpu.memory_space<vmem>>, vector<16xf32>,
        tpu.vector_store %arg7[%swap3A_643, %swap3A_644], %gather3A_639 {strides = array<i32>} : memref<32x512xf32, #tpu.memory_space<vmem>>, vector<16xf32>,
        %broadcast_in_dim3A_646 = arith.constant 10 : i32
        %broadcast_in_dim3A_647 = vector.broadcast %broadcast_in_dim3A_646 : i32 to vector<16xi32>
        %gather3A_648 = tpu.vector_load_idx %arg5[%broadcast_in_dim3A_647, %get3A_558] : memref<32x1000xf32, #tpu.memory_space<vmem>>[vector<16xi32>, vector<16xi32>], vector<16xf32>,
        %mul3A_649 = arith.constant 16 : i32
        %mul3A_650 = arith.muli %add3A_552, %mul3A_649 : i32
        %swap3A_651 = arith.constant 10 : i32
        %swap3A_652 = arith.index_cast %swap3A_651 : i32 to index
        %swap3A_653 = arith.index_cast %mul3A_650 : i32 to index
        %swap3A_654 = tpu.vector_load %arg7[%swap3A_652, %swap3A_653] {strides = array<i32>} : memref<32x512xf32, #tpu.memory_space<vmem>>, vector<16xf32>,
        tpu.vector_store %arg7[%swap3A_652, %swap3A_653], %gather3A_648 {strides = array<i32>} : memref<32x512xf32, #tpu.memory_space<vmem>>, vector<16xf32>,
        %broadcast_in_dim3A_655 = arith.constant 11 : i32
        %broadcast_in_dim3A_656 = vector.broadcast %broadcast_in_dim3A_655 : i32 to vector<16xi32>
        %gather3A_657 = tpu.vector_load_idx %arg5[%broadcast_in_dim3A_656, %get3A_558] : memref<32x1000xf32, #tpu.memory_space<vmem>>[vector<16xi32>, vector<16xi32>], vector<16xf32>,
        %mul3A_658 = arith.constant 16 : i32
        %mul3A_659 = arith.muli %add3A_552, %mul3A_658 : i32
        %swap3A_660 = arith.constant 11 : i32
        %swap3A_661 = arith.index_cast %swap3A_660 : i32 to index
        %swap3A_662 = arith.index_cast %mul3A_659 : i32 to index
        %swap3A_663 = tpu.vector_load %arg7[%swap3A_661, %swap3A_662] {strides = array<i32>} : memref<32x512xf32, #tpu.memory_space<vmem>>, vector<16xf32>,
        tpu.vector_store %arg7[%swap3A_661, %swap3A_662], %gather3A_657 {strides = array<i32>} : memref<32x512xf32, #tpu.memory_space<vmem>>, vector<16xf32>,
        %broadcast_in_dim3A_664 = arith.constant 12 : i32
        %broadcast_in_dim3A_665 = vector.broadcast %broadcast_in_dim3A_664 : i32 to vector<16xi32>
        %gather3A_666 = tpu.vector_load_idx %arg5[%broadcast_in_dim3A_665, %get3A_558] : memref<32x1000xf32, #tpu.memory_space<vmem>>[vector<16xi32>, vector<16xi32>], vector<16xf32>,
        %mul3A_667 = arith.constant 16 : i32
        %mul3A_668 = arith.muli %add3A_552, %mul3A_667 : i32
        %swap3A_669 = arith.constant 12 : i32
        %swap3A_670 = arith.index_cast %swap3A_669 : i32 to index
        %swap3A_671 = arith.index_cast %mul3A_668 : i32 to index
        %swap3A_672 = tpu.vector_load %arg7[%swap3A_670, %swap3A_671] {strides = array<i32>} : memref<32x512xf32, #tpu.memory_space<vmem>>, vector<16xf32>,
        tpu.vector_store %arg7[%swap3A_670, %swap3A_671], %gather3A_666 {strides = array<i32>} : memref<32x512xf32, #tpu.memory_space<vmem>>, vector<16xf32>,
        %broadcast_in_dim3A_673 = arith.constant 13 : i32
        %broadcast_in_dim3A_674 = vector.broadcast %broadcast_in_dim3A_673 : i32 to vector<16xi32>
        %gather3A_675 = tpu.vector_load_idx %arg5[%broadcast_in_dim3A_674, %get3A_558] : memref<32x1000xf32, #tpu.memory_space<vmem>>[vector<16xi32>, vector<16xi32>], vector<16xf32>,
        %mul3A_676 = arith.constant 16 : i32
        %mul3A_677 = arith.muli %add3A_552, %mul3A_676 : i32
        %swap3A_678 = arith.constant 13 : i32
        %swap3A_679 = arith.index_cast %swap3A_678 : i32 to index
        %swap3A_680 = arith.index_cast %mul3A_677 : i32 to index
        %swap3A_681 = tpu.vector_load %arg7[%swap3A_679, %swap3A_680] {strides = array<i32>} : memref<32x512xf32, #tpu.memory_space<vmem>>, vector<16xf32>,
        tpu.vector_store %arg7[%swap3A_679, %swap3A_680], %gather3A_675 {strides = array<i32>} : memref<32x512xf32, #tpu.memory_space<vmem>>, vector<16xf32>,
        %broadcast_in_dim3A_682 = arith.constant 14 : i32
        %broadcast_in_dim3A_683 = vector.broadcast %broadcast_in_dim3A_682 : i32 to vector<16xi32>
        %gather3A_684 = tpu.vector_load_idx %arg5[%broadcast_in_dim3A_683, %get3A_558] : memref<32x1000xf32, #tpu.memory_space<vmem>>[vector<16xi32>, vector<16xi32>], vector<16xf32>,
        %mul3A_685 = arith.constant 16 : i32
        %mul3A_686 = arith.muli %add3A_552, %mul3A_685 : i32
        %swap3A_687 = arith.constant 14 : i32
        %swap3A_688 = arith.index_cast %swap3A_687 : i32 to index
        %swap3A_689 = arith.index_cast %mul3A_686 : i32 to index
        %swap3A_690 = tpu.vector_load %arg7[%swap3A_688, %swap3A_689] {strides = array<i32>} : memref<32x512xf32, #tpu.memory_space<vmem>>, vector<16xf32>,
        tpu.vector_store %arg7[%swap3A_688, %swap3A_689], %gather3A_684 {strides = array<i32>} : memref<32x512xf32, #tpu.memory_space<vmem>>, vector<16xf32>,
        %broadcast_in_dim3A_691 = arith.constant 15 : i32
        %broadcast_in_dim3A_692 = vector.broadcast %broadcast_in_dim3A_691 : i32 to vector<16xi32>
        %gather3A_693 = tpu.vector_load_idx %arg5[%broadcast_in_dim3A_692, %get3A_558] : memref<32x1000xf32, #tpu.memory_space<vmem>>[vector<16xi32>, vector<16xi32>], vector<16xf32>,
        %mul3A_694 = arith.constant 16 : i32
        %mul3A_695 = arith.muli %add3A_552, %mul3A_694 : i32
        %swap3A_696 = arith.constant 15 : i32
        %swap3A_697 = arith.index_cast %swap3A_696 : i32 to index
        %swap3A_698 = arith.index_cast %mul3A_695 : i32 to index
        %swap3A_699 = tpu.vector_load %arg7[%swap3A_697, %swap3A_698] {strides = array<i32>} : memref<32x512xf32, #tpu.memory_space<vmem>>, vector<16xf32>,
        tpu.vector_store %arg7[%swap3A_697, %swap3A_698], %gather3A_693 {strides = array<i32>} : memref<32x512xf32, #tpu.memory_space<vmem>>, vector<16xf32>,
        %broadcast_in_dim3A_700 = arith.constant 16 : i32
        %broadcast_in_dim3A_701 = vector.broadcast %broadcast_in_dim3A_700 : i32 to vector<16xi32>
        %gather3A_702 = tpu.vector_load_idx %arg5[%broadcast_in_dim3A_701, %get3A_558] : memref<32x1000xf32, #tpu.memory_space<vmem>>[vector<16xi32>, vector<16xi32>], vector<16xf32>,
        %mul3A_703 = arith.constant 16 : i32
        %mul3A_704 = arith.muli %add3A_552, %mul3A_703 : i32
        %swap3A_705 = arith.constant 16 : i32
        %swap3A_706 = arith.index_cast %swap3A_705 : i32 to index
        %swap3A_707 = arith.index_cast %mul3A_704 : i32 to index
        %swap3A_708 = tpu.vector_load %arg7[%swap3A_706, %swap3A_707] {strides = array<i32>} : memref<32x512xf32, #tpu.memory_space<vmem>>, vector<16xf32>,
        tpu.vector_store %arg7[%swap3A_706, %swap3A_707], %gather3A_702 {strides = array<i32>} : memref<32x512xf32, #tpu.memory_space<vmem>>, vector<16xf32>,
        %broadcast_in_dim3A_709 = arith.constant 17 : i32
        %broadcast_in_dim3A_710 = vector.broadcast %broadcast_in_dim3A_709 : i32 to vector<16xi32>
        %gather3A_711 = tpu.vector_load_idx %arg5[%broadcast_in_dim3A_710, %get3A_558] : memref<32x1000xf32, #tpu.memory_space<vmem>>[vector<16xi32>, vector<16xi32>], vector<16xf32>,
        %mul3A_712 = arith.constant 16 : i32
        %mul3A_713 = arith.muli %add3A_552, %mul3A_712 : i32
        %swap3A_714 = arith.constant 17 : i32
        %swap3A_715 = arith.index_cast %swap3A_714 : i32 to index
        %swap3A_716 = arith.index_cast %mul3A_713 : i32 to index
        %swap3A_717 = tpu.vector_load %arg7[%swap3A_715, %swap3A_716] {strides = array<i32>} : memref<32x512xf32, #tpu.memory_space<vmem>>, vector<16xf32>,
        tpu.vector_store %arg7[%swap3A_715, %swap3A_716], %gather3A_711 {strides = array<i32>} : memref<32x512xf32, #tpu.memory_space<vmem>>, vector<16xf32>,
        %broadcast_in_dim3A_718 = arith.constant 18 : i32
        %broadcast_in_dim3A_719 = vector.broadcast %broadcast_in_dim3A_718 : i32 to vector<16xi32>
        %gather3A_720 = tpu.vector_load_idx %arg5[%broadcast_in_dim3A_719, %get3A_558] : memref<32x1000xf32, #tpu.memory_space<vmem>>[vector<16xi32>, vector<16xi32>], vector<16xf32>,
        %mul3A_721 = arith.constant 16 : i32
        %mul3A_722 = arith.muli %add3A_552, %mul3A_721 : i32
        %swap3A_723 = arith.constant 18 : i32
        %swap3A_724 = arith.index_cast %swap3A_723 : i32 to index
        %swap3A_725 = arith.index_cast %mul3A_722 : i32 to index
        %swap3A_726 = tpu.vector_load %arg7[%swap3A_724, %swap3A_725] {strides = array<i32>} : memref<32x512xf32, #tpu.memory_space<vmem>>, vector<16xf32>,
        tpu.vector_store %arg7[%swap3A_724, %swap3A_725], %gather3A_720 {strides = array<i32>} : memref<32x512xf32, #tpu.memory_space<vmem>>, vector<16xf32>,
        %broadcast_in_dim3A_727 = arith.constant 19 : i32
        %broadcast_in_dim3A_728 = vector.broadcast %broadcast_in_dim3A_727 : i32 to vector<16xi32>
        %gather3A_729 = tpu.vector_load_idx %arg5[%broadcast_in_dim3A_728, %get3A_558] : memref<32x1000xf32, #tpu.memory_space<vmem>>[vector<16xi32>, vector<16xi32>], vector<16xf32>,
        %mul3A_730 = arith.constant 16 : i32
        %mul3A_731 = arith.muli %add3A_552, %mul3A_730 : i32
        %swap3A_732 = arith.constant 19 : i32
        %swap3A_733 = arith.index_cast %swap3A_732 : i32 to index
        %swap3A_734 = arith.index_cast %mul3A_731 : i32 to index
        %swap3A_735 = tpu.vector_load %arg7[%swap3A_733, %swap3A_734] {strides = array<i32>} : memref<32x512xf32, #tpu.memory_space<vmem>>, vector<16xf32>,
        tpu.vector_store %arg7[%swap3A_733, %swap3A_734], %gather3A_729 {strides = array<i32>} : memref<32x512xf32, #tpu.memory_space<vmem>>, vector<16xf32>,
        %broadcast_in_dim3A_736 = arith.constant 20 : i32
        %broadcast_in_dim3A_737 = vector.broadcast %broadcast_in_dim3A_736 : i32 to vector<16xi32>
        %gather3A_738 = tpu.vector_load_idx %arg5[%broadcast_in_dim3A_737, %get3A_558] : memref<32x1000xf32, #tpu.memory_space<vmem>>[vector<16xi32>, vector<16xi32>], vector<16xf32>,
        %mul3A_739 = arith.constant 16 : i32
        %mul3A_740 = arith.muli %add3A_552, %mul3A_739 : i32
        %swap3A_741 = arith.constant 20 : i32
        %swap3A_742 = arith.index_cast %swap3A_741 : i32 to index
        %swap3A_743 = arith.index_cast %mul3A_740 : i32 to index
        %swap3A_744 = tpu.vector_load %arg7[%swap3A_742, %swap3A_743] {strides = array<i32>} : memref<32x512xf32, #tpu.memory_space<vmem>>, vector<16xf32>,
        tpu.vector_store %arg7[%swap3A_742, %swap3A_743], %gather3A_738 {strides = array<i32>} : memref<32x512xf32, #tpu.memory_space<vmem>>, vector<16xf32>,
        %broadcast_in_dim3A_745 = arith.constant 21 : i32
        %broadcast_in_dim3A_746 = vector.broadcast %broadcast_in_dim3A_745 : i32 to vector<16xi32>
        %gather3A_747 = tpu.vector_load_idx %arg5[%broadcast_in_dim3A_746, %get3A_558] : memref<32x1000xf32, #tpu.memory_space<vmem>>[vector<16xi32>, vector<16xi32>], vector<16xf32>,
        %mul3A_748 = arith.constant 16 : i32
        %mul3A_749 = arith.muli %add3A_552, %mul3A_748 : i32
        %swap3A_750 = arith.constant 21 : i32
        %swap3A_751 = arith.index_cast %swap3A_750 : i32 to index
        %swap3A_752 = arith.index_cast %mul3A_749 : i32 to index
        %swap3A_753 = tpu.vector_load %arg7[%swap3A_751, %swap3A_752] {strides = array<i32>} : memref<32x512xf32, #tpu.memory_space<vmem>>, vector<16xf32>,
        tpu.vector_store %arg7[%swap3A_751, %swap3A_752], %gather3A_747 {strides = array<i32>} : memref<32x512xf32, #tpu.memory_space<vmem>>, vector<16xf32>,
        %broadcast_in_dim3A_754 = arith.constant 22 : i32
        %broadcast_in_dim3A_755 = vector.broadcast %broadcast_in_dim3A_754 : i32 to vector<16xi32>
        %gather3A_756 = tpu.vector_load_idx %arg5[%broadcast_in_dim3A_755, %get3A_558] : memref<32x1000xf32, #tpu.memory_space<vmem>>[vector<16xi32>, vector<16xi32>], vector<16xf32>,
        %mul3A_757 = arith.constant 16 : i32
        %mul3A_758 = arith.muli %add3A_552, %mul3A_757 : i32
        %swap3A_759 = arith.constant 22 : i32
        %swap3A_760 = arith.index_cast %swap3A_759 : i32 to index
        %swap3A_761 = arith.index_cast %mul3A_758 : i32 to index
        %swap3A_762 = tpu.vector_load %arg7[%swap3A_760, %swap3A_761] {strides = array<i32>} : memref<32x512xf32, #tpu.memory_space<vmem>>, vector<16xf32>,
        tpu.vector_store %arg7[%swap3A_760, %swap3A_761], %gather3A_756 {strides = array<i32>} : memref<32x512xf32, #tpu.memory_space<vmem>>, vector<16xf32>,
        %broadcast_in_dim3A_763 = arith.constant 23 : i32
        %broadcast_in_dim3A_764 = vector.broadcast %broadcast_in_dim3A_763 : i32 to vector<16xi32>
        %gather3A_765 = tpu.vector_load_idx %arg5[%broadcast_in_dim3A_764, %get3A_558] : memref<32x1000xf32, #tpu.memory_space<vmem>>[vector<16xi32>, vector<16xi32>], vector<16xf32>,
        %mul3A_766 = arith.constant 16 : i32
        %mul3A_767 = arith.muli %add3A_552, %mul3A_766 : i32
        %swap3A_768 = arith.constant 23 : i32
        %swap3A_769 = arith.index_cast %swap3A_768 : i32 to index
        %swap3A_770 = arith.index_cast %mul3A_767 : i32 to index
        %swap3A_771 = tpu.vector_load %arg7[%swap3A_769, %swap3A_770] {strides = array<i32>} : memref<32x512xf32, #tpu.memory_space<vmem>>, vector<16xf32>,
        tpu.vector_store %arg7[%swap3A_769, %swap3A_770], %gather3A_765 {strides = array<i32>} : memref<32x512xf32, #tpu.memory_space<vmem>>, vector<16xf32>,
        %broadcast_in_dim3A_772 = arith.constant 24 : i32
        %broadcast_in_dim3A_773 = vector.broadcast %broadcast_in_dim3A_772 : i32 to vector<16xi32>
        %gather3A_774 = tpu.vector_load_idx %arg5[%broadcast_in_dim3A_773, %get3A_558] : memref<32x1000xf32, #tpu.memory_space<vmem>>[vector<16xi32>, vector<16xi32>], vector<16xf32>,
        %mul3A_775 = arith.constant 16 : i32
        %mul3A_776 = arith.muli %add3A_552, %mul3A_775 : i32
        %swap3A_777 = arith.constant 24 : i32
        %swap3A_778 = arith.index_cast %swap3A_777 : i32 to index
        %swap3A_779 = arith.index_cast %mul3A_776 : i32 to index
        %swap3A_780 = tpu.vector_load %arg7[%swap3A_778, %swap3A_779] {strides = array<i32>} : memref<32x512xf32, #tpu.memory_space<vmem>>, vector<16xf32>,
        tpu.vector_store %arg7[%swap3A_778, %swap3A_779], %gather3A_774 {strides = array<i32>} : memref<32x512xf32, #tpu.memory_space<vmem>>, vector<16xf32>,
        %broadcast_in_dim3A_781 = arith.constant 25 : i32
        %broadcast_in_dim3A_782 = vector.broadcast %broadcast_in_dim3A_781 : i32 to vector<16xi32>
        %gather3A_783 = tpu.vector_load_idx %arg5[%broadcast_in_dim3A_782, %get3A_558] : memref<32x1000xf32, #tpu.memory_space<vmem>>[vector<16xi32>, vector<16xi32>], vector<16xf32>,
        %mul3A_784 = arith.constant 16 : i32
        %mul3A_785 = arith.muli %add3A_552, %mul3A_784 : i32
        %swap3A_786 = arith.constant 25 : i32
        %swap3A_787 = arith.index_cast %swap3A_786 : i32 to index
        %swap3A_788 = arith.index_cast %mul3A_785 : i32 to index
        %swap3A_789 = tpu.vector_load %arg7[%swap3A_787, %swap3A_788] {strides = array<i32>} : memref<32x512xf32, #tpu.memory_space<vmem>>, vector<16xf32>,
        tpu.vector_store %arg7[%swap3A_787, %swap3A_788], %gather3A_783 {strides = array<i32>} : memref<32x512xf32, #tpu.memory_space<vmem>>, vector<16xf32>,
        %broadcast_in_dim3A_790 = arith.constant 26 : i32
        %broadcast_in_dim3A_791 = vector.broadcast %broadcast_in_dim3A_790 : i32 to vector<16xi32>
        %gather3A_792 = tpu.vector_load_idx %arg5[%broadcast_in_dim3A_791, %get3A_558] : memref<32x1000xf32, #tpu.memory_space<vmem>>[vector<16xi32>, vector<16xi32>], vector<16xf32>,
        %mul3A_793 = arith.constant 16 : i32
        %mul3A_794 = arith.muli %add3A_552, %mul3A_793 : i32
        %swap3A_795 = arith.constant 26 : i32
        %swap3A_796 = arith.index_cast %swap3A_795 : i32 to index
        %swap3A_797 = arith.index_cast %mul3A_794 : i32 to index
        %swap3A_798 = tpu.vector_load %arg7[%swap3A_796, %swap3A_797] {strides = array<i32>} : memref<32x512xf32, #tpu.memory_space<vmem>>, vector<16xf32>,
        tpu.vector_store %arg7[%swap3A_796, %swap3A_797], %gather3A_792 {strides = array<i32>} : memref<32x512xf32, #tpu.memory_space<vmem>>, vector<16xf32>,
        %broadcast_in_dim3A_799 = arith.constant 27 : i32
        %broadcast_in_dim3A_800 = vector.broadcast %broadcast_in_dim3A_799 : i32 to vector<16xi32>
        %gather3A_801 = tpu.vector_load_idx %arg5[%broadcast_in_dim3A_800, %get3A_558] : memref<32x1000xf32, #tpu.memory_space<vmem>>[vector<16xi32>, vector<16xi32>], vector<16xf32>,
        %mul3A_802 = arith.constant 16 : i32
        %mul3A_803 = arith.muli %add3A_552, %mul3A_802 : i32
        %swap3A_804 = arith.constant 27 : i32
        %swap3A_805 = arith.index_cast %swap3A_804 : i32 to index
        %swap3A_806 = arith.index_cast %mul3A_803 : i32 to index
        %swap3A_807 = tpu.vector_load %arg7[%swap3A_805, %swap3A_806] {strides = array<i32>} : memref<32x512xf32, #tpu.memory_space<vmem>>, vector<16xf32>,
        tpu.vector_store %arg7[%swap3A_805, %swap3A_806], %gather3A_801 {strides = array<i32>} : memref<32x512xf32, #tpu.memory_space<vmem>>, vector<16xf32>,
        %broadcast_in_dim3A_808 = arith.constant 28 : i32
        %broadcast_in_dim3A_809 = vector.broadcast %broadcast_in_dim3A_808 : i32 to vector<16xi32>
        %gather3A_810 = tpu.vector_load_idx %arg5[%broadcast_in_dim3A_809, %get3A_558] : memref<32x1000xf32, #tpu.memory_space<vmem>>[vector<16xi32>, vector<16xi32>], vector<16xf32>,
        %mul3A_811 = arith.constant 16 : i32
        %mul3A_812 = arith.muli %add3A_552, %mul3A_811 : i32
        %swap3A_813 = arith.constant 28 : i32
        %swap3A_814 = arith.index_cast %swap3A_813 : i32 to index
        %swap3A_815 = arith.index_cast %mul3A_812 : i32 to index
        %swap3A_816 = tpu.vector_load %arg7[%swap3A_814, %swap3A_815] {strides = array<i32>} : memref<32x512xf32, #tpu.memory_space<vmem>>, vector<16xf32>,
        tpu.vector_store %arg7[%swap3A_814, %swap3A_815], %gather3A_810 {strides = array<i32>} : memref<32x512xf32, #tpu.memory_space<vmem>>, vector<16xf32>,
        %broadcast_in_dim3A_817 = arith.constant 29 : i32
        %broadcast_in_dim3A_818 = vector.broadcast %broadcast_in_dim3A_817 : i32 to vector<16xi32>
        %gather3A_819 = tpu.vector_load_idx %arg5[%broadcast_in_dim3A_818, %get3A_558] : memref<32x1000xf32, #tpu.memory_space<vmem>>[vector<16xi32>, vector<16xi32>], vector<16xf32>,
        %mul3A_820 = arith.constant 16 : i32
        %mul3A_821 = arith.muli %add3A_552, %mul3A_820 : i32
        %swap3A_822 = arith.constant 29 : i32
        %swap3A_823 = arith.index_cast %swap3A_822 : i32 to index
        %swap3A_824 = arith.index_cast %mul3A_821 : i32 to index
        %swap3A_825 = tpu.vector_load %arg7[%swap3A_823, %swap3A_824] {strides = array<i32>} : memref<32x512xf32, #tpu.memory_space<vmem>>, vector<16xf32>,
        tpu.vector_store %arg7[%swap3A_823, %swap3A_824], %gather3A_819 {strides = array<i32>} : memref<32x512xf32, #tpu.memory_space<vmem>>, vector<16xf32>,
        %broadcast_in_dim3A_826 = arith.constant 30 : i32
        %broadcast_in_dim3A_827 = vector.broadcast %broadcast_in_dim3A_826 : i32 to vector<16xi32>
        %gather3A_828 = tpu.vector_load_idx %arg5[%broadcast_in_dim3A_827, %get3A_558] : memref<32x1000xf32, #tpu.memory_space<vmem>>[vector<16xi32>, vector<16xi32>], vector<16xf32>,
        %mul3A_829 = arith.constant 16 : i32
        %mul3A_830 = arith.muli %add3A_552, %mul3A_829 : i32
        %swap3A_831 = arith.constant 30 : i32
        %swap3A_832 = arith.index_cast %swap3A_831 : i32 to index
        %swap3A_833 = arith.index_cast %mul3A_830 : i32 to index
        %swap3A_834 = tpu.vector_load %arg7[%swap3A_832, %swap3A_833] {strides = array<i32>} : memref<32x512xf32, #tpu.memory_space<vmem>>, vector<16xf32>,
        tpu.vector_store %arg7[%swap3A_832, %swap3A_833], %gather3A_828 {strides = array<i32>} : memref<32x512xf32, #tpu.memory_space<vmem>>, vector<16xf32>,
        %broadcast_in_dim3A_835 = arith.constant 31 : i32
        %broadcast_in_dim3A_836 = vector.broadcast %broadcast_in_dim3A_835 : i32 to vector<16xi32>
        %gather3A_837 = tpu.vector_load_idx %arg5[%broadcast_in_dim3A_836, %get3A_558] : memref<32x1000xf32, #tpu.memory_space<vmem>>[vector<16xi32>, vector<16xi32>], vector<16xf32>,
        %mul3A_838 = arith.constant 16 : i32
        %mul3A_839 = arith.muli %add3A_552, %mul3A_838 : i32
        %swap3A_840 = arith.constant 31 : i32
        %swap3A_841 = arith.index_cast %swap3A_840 : i32 to index
        %swap3A_842 = arith.index_cast %mul3A_839 : i32 to index
        %swap3A_843 = tpu.vector_load %arg7[%swap3A_841, %swap3A_842] {strides = array<i32>} : memref<32x512xf32, #tpu.memory_space<vmem>>, vector<16xf32>,
        tpu.vector_store %arg7[%swap3A_841, %swap3A_842], %gather3A_837 {strides = array<i32>} : memref<32x512xf32, #tpu.memory_space<vmem>>, vector<16xf32>,
        %mul3A_844 = arith.constant 4 : i32
        %mul3A_845 = arith.muli %mul3A_844, %scan3A_548 : i32
        %add3A_846 = arith.constant 1 : i32
        %add3A_847 = arith.addi %mul3A_845, %add3A_846 : i32
        %mul3A_848 = arith.constant 512 : i32
        %mul3A_849 = arith.muli %add3A_479, %mul3A_848 : i32
        %mul3A_850 = arith.constant 16 : i32
        %mul3A_851 = arith.muli %add3A_847, %mul3A_850 : i32
        %add3A_852 = arith.addi %mul3A_849, %mul3A_851 : i32
        %get3A_853 = arith.index_cast %add3A_852 : i32 to index
        %get3A_854 = tpu.vector_load %arg9[%get3A_853] {strides = array<i32>} : memref<13312xi32, #tpu.memory_space<vmem>>, vector<16xi32>,
        %broadcast_in_dim3A_855 = arith.constant 0 : i32
        %broadcast_in_dim3A_856 = vector.broadcast %broadcast_in_dim3A_855 : i32 to vector<16xi32>
        %gather3A_857 = tpu.vector_load_idx %arg5[%broadcast_in_dim3A_856, %get3A_854] : memref<32x1000xf32, #tpu.memory_space<vmem>>[vector<16xi32>, vector<16xi32>], vector<16xf32>,
        %mul3A_858 = arith.constant 16 : i32
        %mul3A_859 = arith.muli %add3A_847, %mul3A_858 : i32
        %swap3A_860 = arith.constant 0 : i32
        %swap3A_861 = arith.index_cast %swap3A_860 : i32 to index
        %swap3A_862 = arith.index_cast %mul3A_859 : i32 to index
        %swap3A_863 = tpu.vector_load %arg7[%swap3A_861, %swap3A_862] {strides = array<i32>} : memref<32x512xf32, #tpu.memory_space<vmem>>, vector<16xf32>,
        tpu.vector_store %arg7[%swap3A_861, %swap3A_862], %gather3A_857 {strides = array<i32>} : memref<32x512xf32, #tpu.memory_space<vmem>>, vector<16xf32>,
        %broadcast_in_dim3A_864 = arith.constant 1 : i32
        %broadcast_in_dim3A_865 = vector.broadcast %broadcast_in_dim3A_864 : i32 to vector<16xi32>
        %gather3A_866 = tpu.vector_load_idx %arg5[%broadcast_in_dim3A_865, %get3A_854] : memref<32x1000xf32, #tpu.memory_space<vmem>>[vector<16xi32>, vector<16xi32>], vector<16xf32>,
        %mul3A_867 = arith.constant 16 : i32
        %mul3A_868 = arith.muli %add3A_847, %mul3A_867 : i32
        %swap3A_869 = arith.constant 1 : i32
        %swap3A_870 = arith.index_cast %swap3A_869 : i32 to index
        %swap3A_871 = arith.index_cast %mul3A_868 : i32 to index
        %swap3A_872 = tpu.vector_load %arg7[%swap3A_870, %swap3A_871] {strides = array<i32>} : memref<32x512xf32, #tpu.memory_space<vmem>>, vector<16xf32>,
        tpu.vector_store %arg7[%swap3A_870, %swap3A_871], %gather3A_866 {strides = array<i32>} : memref<32x512xf32, #tpu.memory_space<vmem>>, vector<16xf32>,
        %broadcast_in_dim3A_873 = arith.constant 2 : i32
        %broadcast_in_dim3A_874 = vector.broadcast %broadcast_in_dim3A_873 : i32 to vector<16xi32>
        %gather3A_875 = tpu.vector_load_idx %arg5[%broadcast_in_dim3A_874, %get3A_854] : memref<32x1000xf32, #tpu.memory_space<vmem>>[vector<16xi32>, vector<16xi32>], vector<16xf32>,
        %mul3A_876 = arith.constant 16 : i32
        %mul3A_877 = arith.muli %add3A_847, %mul3A_876 : i32
        %swap3A_878 = arith.constant 2 : i32
        %swap3A_879 = arith.index_cast %swap3A_878 : i32 to index
        %swap3A_880 = arith.index_cast %mul3A_877 : i32 to index
        %swap3A_881 = tpu.vector_load %arg7[%swap3A_879, %swap3A_880] {strides = array<i32>} : memref<32x512xf32, #tpu.memory_space<vmem>>, vector<16xf32>,
        tpu.vector_store %arg7[%swap3A_879, %swap3A_880], %gather3A_875 {strides = array<i32>} : memref<32x512xf32, #tpu.memory_space<vmem>>, vector<16xf32>,
        %broadcast_in_dim3A_882 = arith.constant 3 : i32
        %broadcast_in_dim3A_883 = vector.broadcast %broadcast_in_dim3A_882 : i32 to vector<16xi32>
        %gather3A_884 = tpu.vector_load_idx %arg5[%broadcast_in_dim3A_883, %get3A_854] : memref<32x1000xf32, #tpu.memory_space<vmem>>[vector<16xi32>, vector<16xi32>], vector<16xf32>,
        %mul3A_885 = arith.constant 16 : i32
        %mul3A_886 = arith.muli %add3A_847, %mul3A_885 : i32
        %swap3A_887 = arith.constant 3 : i32
        %swap3A_888 = arith.index_cast %swap3A_887 : i32 to index
        %swap3A_889 = arith.index_cast %mul3A_886 : i32 to index
        %swap3A_890 = tpu.vector_load %arg7[%swap3A_888, %swap3A_889] {strides = array<i32>} : memref<32x512xf32, #tpu.memory_space<vmem>>, vector<16xf32>,
        tpu.vector_store %arg7[%swap3A_888, %swap3A_889], %gather3A_884 {strides = array<i32>} : memref<32x512xf32, #tpu.memory_space<vmem>>, vector<16xf32>,
        %broadcast_in_dim3A_891 = arith.constant 4 : i32
        %broadcast_in_dim3A_892 = vector.broadcast %broadcast_in_dim3A_891 : i32 to vector<16xi32>
        %gather3A_893 = tpu.vector_load_idx %arg5[%broadcast_in_dim3A_892, %get3A_854] : memref<32x1000xf32, #tpu.memory_space<vmem>>[vector<16xi32>, vector<16xi32>], vector<16xf32>,
        %mul3A_894 = arith.constant 16 : i32
        %mul3A_895 = arith.muli %add3A_847, %mul3A_894 : i32
        %swap3A_896 = arith.constant 4 : i32
        %swap3A_897 = arith.index_cast %swap3A_896 : i32 to index
        %swap3A_898 = arith.index_cast %mul3A_895 : i32 to index
        %swap3A_899 = tpu.vector_load %arg7[%swap3A_897, %swap3A_898] {strides = array<i32>} : memref<32x512xf32, #tpu.memory_space<vmem>>, vector<16xf32>,
        tpu.vector_store %arg7[%swap3A_897, %swap3A_898], %gather3A_893 {strides = array<i32>} : memref<32x512xf32, #tpu.memory_space<vmem>>, vector<16xf32>,
        %broadcast_in_dim3A_900 = arith.constant 5 : i32
        %broadcast_in_dim3A_901 = vector.broadcast %broadcast_in_dim3A_900 : i32 to vector<16xi32>
        %gather3A_902 = tpu.vector_load_idx %arg5[%broadcast_in_dim3A_901, %get3A_854] : memref<32x1000xf32, #tpu.memory_space<vmem>>[vector<16xi32>, vector<16xi32>], vector<16xf32>,
        %mul3A_903 = arith.constant 16 : i32
        %mul3A_904 = arith.muli %add3A_847, %mul3A_903 : i32
        %swap3A_905 = arith.constant 5 : i32
        %swap3A_906 = arith.index_cast %swap3A_905 : i32 to index
        %swap3A_907 = arith.index_cast %mul3A_904 : i32 to index
        %swap3A_908 = tpu.vector_load %arg7[%swap3A_906, %swap3A_907] {strides = array<i32>} : memref<32x512xf32, #tpu.memory_space<vmem>>, vector<16xf32>,
        tpu.vector_store %arg7[%swap3A_906, %swap3A_907], %gather3A_902 {strides = array<i32>} : memref<32x512xf32, #tpu.memory_space<vmem>>, vector<16xf32>,
        %broadcast_in_dim3A_909 = arith.constant 6 : i32
        %broadcast_in_dim3A_910 = vector.broadcast %broadcast_in_dim3A_909 : i32 to vector<16xi32>
        %gather3A_911 = tpu.vector_load_idx %arg5[%broadcast_in_dim3A_910, %get3A_854] : memref<32x1000xf32, #tpu.memory_space<vmem>>[vector<16xi32>, vector<16xi32>], vector<16xf32>,
        %mul3A_912 = arith.constant 16 : i32
        %mul3A_913 = arith.muli %add3A_847, %mul3A_912 : i32
        %swap3A_914 = arith.constant 6 : i32
        %swap3A_915 = arith.index_cast %swap3A_914 : i32 to index
        %swap3A_916 = arith.index_cast %mul3A_913 : i32 to index
        %swap3A_917 = tpu.vector_load %arg7[%swap3A_915, %swap3A_916] {strides = array<i32>} : memref<32x512xf32, #tpu.memory_space<vmem>>, vector<16xf32>,
        tpu.vector_store %arg7[%swap3A_915, %swap3A_916], %gather3A_911 {strides = array<i32>} : memref<32x512xf32, #tpu.memory_space<vmem>>, vector<16xf32>,
        %broadcast_in_dim3A_918 = arith.constant 7 : i32
        %broadcast_in_dim3A_919 = vector.broadcast %broadcast_in_dim3A_918 : i32 to vector<16xi32>
        %gather3A_920 = tpu.vector_load_idx %arg5[%broadcast_in_dim3A_919, %get3A_854] : memref<32x1000xf32, #tpu.memory_space<vmem>>[vector<16xi32>, vector<16xi32>], vector<16xf32>,
        %mul3A_921 = arith.constant 16 : i32
        %mul3A_922 = arith.muli %add3A_847, %mul3A_921 : i32
        %swap3A_923 = arith.constant 7 : i32
        %swap3A_924 = arith.index_cast %swap3A_923 : i32 to index
        %swap3A_925 = arith.index_cast %mul3A_922 : i32 to index
        %swap3A_926 = tpu.vector_load %arg7[%swap3A_924, %swap3A_925] {strides = array<i32>} : memref<32x512xf32, #tpu.memory_space<vmem>>, vector<16xf32>,
        tpu.vector_store %arg7[%swap3A_924, %swap3A_925], %gather3A_920 {strides = array<i32>} : memref<32x512xf32, #tpu.memory_space<vmem>>, vector<16xf32>,
        %broadcast_in_dim3A_927 = arith.constant 8 : i32
        %broadcast_in_dim3A_928 = vector.broadcast %broadcast_in_dim3A_927 : i32 to vector<16xi32>
        %gather3A_929 = tpu.vector_load_idx %arg5[%broadcast_in_dim3A_928, %get3A_854] : memref<32x1000xf32, #tpu.memory_space<vmem>>[vector<16xi32>, vector<16xi32>], vector<16xf32>,
        %mul3A_930 = arith.constant 16 : i32
        %mul3A_931 = arith.muli %add3A_847, %mul3A_930 : i32
        %swap3A_932 = arith.constant 8 : i32
        %swap3A_933 = arith.index_cast %swap3A_932 : i32 to index
        %swap3A_934 = arith.index_cast %mul3A_931 : i32 to index
        %swap3A_935 = tpu.vector_load %arg7[%swap3A_933, %swap3A_934] {strides = array<i32>} : memref<32x512xf32, #tpu.memory_space<vmem>>, vector<16xf32>,
        tpu.vector_store %arg7[%swap3A_933, %swap3A_934], %gather3A_929 {strides = array<i32>} : memref<32x512xf32, #tpu.memory_space<vmem>>, vector<16xf32>,
        %broadcast_in_dim3A_936 = arith.constant 9 : i32
        %broadcast_in_dim3A_937 = vector.broadcast %broadcast_in_dim3A_936 : i32 to vector<16xi32>
        %gather3A_938 = tpu.vector_load_idx %arg5[%broadcast_in_dim3A_937, %get3A_854] : memref<32x1000xf32, #tpu.memory_space<vmem>>[vector<16xi32>, vector<16xi32>], vector<16xf32>,
        %mul3A_939 = arith.constant 16 : i32
        %mul3A_940 = arith.muli %add3A_847, %mul3A_939 : i32
        %swap3A_941 = arith.constant 9 : i32
        %swap3A_942 = arith.index_cast %swap3A_941 : i32 to index
        %swap3A_943 = arith.index_cast %mul3A_940 : i32 to index
        %swap3A_944 = tpu.vector_load %arg7[%swap3A_942, %swap3A_943] {strides = array<i32>} : memref<32x512xf32, #tpu.memory_space<vmem>>, vector<16xf32>,
        tpu.vector_store %arg7[%swap3A_942, %swap3A_943], %gather3A_938 {strides = array<i32>} : memref<32x512xf32, #tpu.memory_space<vmem>>, vector<16xf32>,
        %broadcast_in_dim3A_945 = arith.constant 10 : i32
        %broadcast_in_dim3A_946 = vector.broadcast %broadcast_in_dim3A_945 : i32 to vector<16xi32>
        %gather3A_947 = tpu.vector_load_idx %arg5[%broadcast_in_dim3A_946, %get3A_854] : memref<32x1000xf32, #tpu.memory_space<vmem>>[vector<16xi32>, vector<16xi32>], vector<16xf32>,
        %mul3A_948 = arith.constant 16 : i32
        %mul3A_949 = arith.muli %add3A_847, %mul3A_948 : i32
        %swap3A_950 = arith.constant 10 : i32
        %swap3A_951 = arith.index_cast %swap3A_950 : i32 to index
        %swap3A_952 = arith.index_cast %mul3A_949 : i32 to index
        %swap3A_953 = tpu.vector_load %arg7[%swap3A_951, %swap3A_952] {strides = array<i32>} : memref<32x512xf32, #tpu.memory_space<vmem>>, vector<16xf32>,
        tpu.vector_store %arg7[%swap3A_951, %swap3A_952], %gather3A_947 {strides = array<i32>} : memref<32x512xf32, #tpu.memory_space<vmem>>, vector<16xf32>,
        %broadcast_in_dim3A_954 = arith.constant 11 : i32
        %broadcast_in_dim3A_955 = vector.broadcast %broadcast_in_dim3A_954 : i32 to vector<16xi32>
        %gather3A_956 = tpu.vector_load_idx %arg5[%broadcast_in_dim3A_955, %get3A_854] : memref<32x1000xf32, #tpu.memory_space<vmem>>[vector<16xi32>, vector<16xi32>], vector<16xf32>,
        %mul3A_957 = arith.constant 16 : i32
        %mul3A_958 = arith.muli %add3A_847, %mul3A_957 : i32
        %swap3A_959 = arith.constant 11 : i32
        %swap3A_960 = arith.index_cast %swap3A_959 : i32 to index
        %swap3A_961 = arith.index_cast %mul3A_958 : i32 to index
        %swap3A_962 = tpu.vector_load %arg7[%swap3A_960, %swap3A_961] {strides = array<i32>} : memref<32x512xf32, #tpu.memory_space<vmem>>, vector<16xf32>,
        tpu.vector_store %arg7[%swap3A_960, %swap3A_961], %gather3A_956 {strides = array<i32>} : memref<32x512xf32, #tpu.memory_space<vmem>>, vector<16xf32>,
        %broadcast_in_dim3A_963 = arith.constant 12 : i32
        %broadcast_in_dim3A_964 = vector.broadcast %broadcast_in_dim3A_963 : i32 to vector<16xi32>
        %gather3A_965 = tpu.vector_load_idx %arg5[%broadcast_in_dim3A_964, %get3A_854] : memref<32x1000xf32, #tpu.memory_space<vmem>>[vector<16xi32>, vector<16xi32>], vector<16xf32>,
        %mul3A_966 = arith.constant 16 : i32
        %mul3A_967 = arith.muli %add3A_847, %mul3A_966 : i32
        %swap3A_968 = arith.constant 12 : i32
        %swap3A_969 = arith.index_cast %swap3A_968 : i32 to index
        %swap3A_970 = arith.index_cast %mul3A_967 : i32 to index
        %swap3A_971 = tpu.vector_load %arg7[%swap3A_969, %swap3A_970] {strides = array<i32>} : memref<32x512xf32, #tpu.memory_space<vmem>>, vector<16xf32>,
        tpu.vector_store %arg7[%swap3A_969, %swap3A_970], %gather3A_965 {strides = array<i32>} : memref<32x512xf32, #tpu.memory_space<vmem>>, vector<16xf32>,
        %broadcast_in_dim3A_972 = arith.constant 13 : i32
        %broadcast_in_dim3A_973 = vector.broadcast %broadcast_in_dim3A_972 : i32 to vector<16xi32>
        %gather3A_974 = tpu.vector_load_idx %arg5[%broadcast_in_dim3A_973, %get3A_854] : memref<32x1000xf32, #tpu.memory_space<vmem>>[vector<16xi32>, vector<16xi32>], vector<16xf32>,
        %mul3A_975 = arith.constant 16 : i32
        %mul3A_976 = arith.muli %add3A_847, %mul3A_975 : i32
        %swap3A_977 = arith.constant 13 : i32
        %swap3A_978 = arith.index_cast %swap3A_977 : i32 to index
        %swap3A_979 = arith.index_cast %mul3A_976 : i32 to index
        %swap3A_980 = tpu.vector_load %arg7[%swap3A_978, %swap3A_979] {strides = array<i32>} : memref<32x512xf32, #tpu.memory_space<vmem>>, vector<16xf32>,
        tpu.vector_store %arg7[%swap3A_978, %swap3A_979], %gather3A_974 {strides = array<i32>} : memref<32x512xf32, #tpu.memory_space<vmem>>, vector<16xf32>,
        %broadcast_in_dim3A_981 = arith.constant 14 : i32
        %broadcast_in_dim3A_982 = vector.broadcast %broadcast_in_dim3A_981 : i32 to vector<16xi32>
        %gather3A_983 = tpu.vector_load_idx %arg5[%broadcast_in_dim3A_982, %get3A_854] : memref<32x1000xf32, #tpu.memory_space<vmem>>[vector<16xi32>, vector<16xi32>], vector<16xf32>,
        %mul3A_984 = arith.constant 16 : i32
        %mul3A_985 = arith.muli %add3A_847, %mul3A_984 : i32
        %swap3A_986 = arith.constant 14 : i32
        %swap3A_987 = arith.index_cast %swap3A_986 : i32 to index
        %swap3A_988 = arith.index_cast %mul3A_985 : i32 to index
        %swap3A_989 = tpu.vector_load %arg7[%swap3A_987, %swap3A_988] {strides = array<i32>} : memref<32x512xf32, #tpu.memory_space<vmem>>, vector<16xf32>,
        tpu.vector_store %arg7[%swap3A_987, %swap3A_988], %gather3A_983 {strides = array<i32>} : memref<32x512xf32, #tpu.memory_space<vmem>>, vector<16xf32>,
        %broadcast_in_dim3A_990 = arith.constant 15 : i32
        %broadcast_in_dim3A_991 = vector.broadcast %broadcast_in_dim3A_990 : i32 to vector<16xi32>
        %gather3A_992 = tpu.vector_load_idx %arg5[%broadcast_in_dim3A_991, %get3A_854] : memref<32x1000xf32, #tpu.memory_space<vmem>>[vector<16xi32>, vector<16xi32>], vector<16xf32>,
        %mul3A_993 = arith.constant 16 : i32
        %mul3A_994 = arith.muli %add3A_847, %mul3A_993 : i32
        %swap3A_995 = arith.constant 15 : i32
        %swap3A_996 = arith.index_cast %swap3A_995 : i32 to index
        %swap3A_997 = arith.index_cast %mul3A_994 : i32 to index
        %swap3A_998 = tpu.vector_load %arg7[%swap3A_996, %swap3A_997] {strides = array<i32>} : memref<32x512xf32, #tpu.memory_space<vmem>>, vector<16xf32>,
        tpu.vector_store %arg7[%swap3A_996, %swap3A_997], %gather3A_992 {strides = array<i32>} : memref<32x512xf32, #tpu.memory_space<vmem>>, vector<16xf32>,
        %broadcast_in_dim3A_999 = arith.constant 16 : i32
        %broadcast_in_dim3A_1000 = vector.broadcast %broadcast_in_dim3A_999 : i32 to vector<16xi32>
        %gather3A_1001 = tpu.vector_load_idx %arg5[%broadcast_in_dim3A_1000, %get3A_854] : memref<32x1000xf32, #tpu.memory_space<vmem>>[vector<16xi32>, vector<16xi32>], vector<16xf32>,
        %mul3A_1002 = arith.constant 16 : i32
        %mul3A_1003 = arith.muli %add3A_847, %mul3A_1002 : i32
        %swap3A_1004 = arith.constant 16 : i32
        %swap3A_1005 = arith.index_cast %swap3A_1004 : i32 to index
        %swap3A_1006 = arith.index_cast %mul3A_1003 : i32 to index
        %swap3A_1007 = tpu.vector_load %arg7[%swap3A_1005, %swap3A_1006] {strides = array<i32>} : memref<32x512xf32, #tpu.memory_space<vmem>>, vector<16xf32>,
        tpu.vector_store %arg7[%swap3A_1005, %swap3A_1006], %gather3A_1001 {strides = array<i32>} : memref<32x512xf32, #tpu.memory_space<vmem>>, vector<16xf32>,
        %broadcast_in_dim3A_1008 = arith.constant 17 : i32
        %broadcast_in_dim3A_1009 = vector.broadcast %broadcast_in_dim3A_1008 : i32 to vector<16xi32>
        %gather3A_1010 = tpu.vector_load_idx %arg5[%broadcast_in_dim3A_1009, %get3A_854] : memref<32x1000xf32, #tpu.memory_space<vmem>>[vector<16xi32>, vector<16xi32>], vector<16xf32>,
        %mul3A_1011 = arith.constant 16 : i32
        %mul3A_1012 = arith.muli %add3A_847, %mul3A_1011 : i32
        %swap3A_1013 = arith.constant 17 : i32
        %swap3A_1014 = arith.index_cast %swap3A_1013 : i32 to index
        %swap3A_1015 = arith.index_cast %mul3A_1012 : i32 to index
        %swap3A_1016 = tpu.vector_load %arg7[%swap3A_1014, %swap3A_1015] {strides = array<i32>} : memref<32x512xf32, #tpu.memory_space<vmem>>, vector<16xf32>,
        tpu.vector_store %arg7[%swap3A_1014, %swap3A_1015], %gather3A_1010 {strides = array<i32>} : memref<32x512xf32, #tpu.memory_space<vmem>>, vector<16xf32>,
        %broadcast_in_dim3A_1017 = arith.constant 18 : i32
        %broadcast_in_dim3A_1018 = vector.broadcast %broadcast_in_dim3A_1017 : i32 to vector<16xi32>
        %gather3A_1019 = tpu.vector_load_idx %arg5[%broadcast_in_dim3A_1018, %get3A_854] : memref<32x1000xf32, #tpu.memory_space<vmem>>[vector<16xi32>, vector<16xi32>], vector<16xf32>,
        %mul3A_1020 = arith.constant 16 : i32
        %mul3A_1021 = arith.muli %add3A_847, %mul3A_1020 : i32
        %swap3A_1022 = arith.constant 18 : i32
        %swap3A_1023 = arith.index_cast %swap3A_1022 : i32 to index
        %swap3A_1024 = arith.index_cast %mul3A_1021 : i32 to index
        %swap3A_1025 = tpu.vector_load %arg7[%swap3A_1023, %swap3A_1024] {strides = array<i32>} : memref<32x512xf32, #tpu.memory_space<vmem>>, vector<16xf32>,
        tpu.vector_store %arg7[%swap3A_1023, %swap3A_1024], %gather3A_1019 {strides = array<i32>} : memref<32x512xf32, #tpu.memory_space<vmem>>, vector<16xf32>,
        %broadcast_in_dim3A_1026 = arith.constant 19 : i32
        %broadcast_in_dim3A_1027 = vector.broadcast %broadcast_in_dim3A_1026 : i32 to vector<16xi32>
        %gather3A_1028 = tpu.vector_load_idx %arg5[%broadcast_in_dim3A_1027, %get3A_854] : memref<32x1000xf32, #tpu.memory_space<vmem>>[vector<16xi32>, vector<16xi32>], vector<16xf32>,
        %mul3A_1029 = arith.constant 16 : i32
        %mul3A_1030 = arith.muli %add3A_847, %mul3A_1029 : i32
        %swap3A_1031 = arith.constant 19 : i32
        %swap3A_1032 = arith.index_cast %swap3A_1031 : i32 to index
        %swap3A_1033 = arith.index_cast %mul3A_1030 : i32 to index
        %swap3A_1034 = tpu.vector_load %arg7[%swap3A_1032, %swap3A_1033] {strides = array<i32>} : memref<32x512xf32, #tpu.memory_space<vmem>>, vector<16xf32>,
        tpu.vector_store %arg7[%swap3A_1032, %swap3A_1033], %gather3A_1028 {strides = array<i32>} : memref<32x512xf32, #tpu.memory_space<vmem>>, vector<16xf32>,
        %broadcast_in_dim3A_1035 = arith.constant 20 : i32
        %broadcast_in_dim3A_1036 = vector.broadcast %broadcast_in_dim3A_1035 : i32 to vector<16xi32>
        %gather3A_1037 = tpu.vector_load_idx %arg5[%broadcast_in_dim3A_1036, %get3A_854] : memref<32x1000xf32, #tpu.memory_space<vmem>>[vector<16xi32>, vector<16xi32>], vector<16xf32>,
        %mul3A_1038 = arith.constant 16 : i32
        %mul3A_1039 = arith.muli %add3A_847, %mul3A_1038 : i32
        %swap3A_1040 = arith.constant 20 : i32
        %swap3A_1041 = arith.index_cast %swap3A_1040 : i32 to index
        %swap3A_1042 = arith.index_cast %mul3A_1039 : i32 to index
        %swap3A_1043 = tpu.vector_load %arg7[%swap3A_1041, %swap3A_1042] {strides = array<i32>} : memref<32x512xf32, #tpu.memory_space<vmem>>, vector<16xf32>,
        tpu.vector_store %arg7[%swap3A_1041, %swap3A_1042], %gather3A_1037 {strides = array<i32>} : memref<32x512xf32, #tpu.memory_space<vmem>>, vector<16xf32>,
        %broadcast_in_dim3A_1044 = arith.constant 21 : i32
        %broadcast_in_dim3A_1045 = vector.broadcast %broadcast_in_dim3A_1044 : i32 to vector<16xi32>
        %gather3A_1046 = tpu.vector_load_idx %arg5[%broadcast_in_dim3A_1045, %get3A_854] : memref<32x1000xf32, #tpu.memory_space<vmem>>[vector<16xi32>, vector<16xi32>], vector<16xf32>,
        %mul3A_1047 = arith.constant 16 : i32
        %mul3A_1048 = arith.muli %add3A_847, %mul3A_1047 : i32
        %swap3A_1049 = arith.constant 21 : i32
        %swap3A_1050 = arith.index_cast %swap3A_1049 : i32 to index
        %swap3A_1051 = arith.index_cast %mul3A_1048 : i32 to index
        %swap3A_1052 = tpu.vector_load %arg7[%swap3A_1050, %swap3A_1051] {strides = array<i32>} : memref<32x512xf32, #tpu.memory_space<vmem>>, vector<16xf32>,
        tpu.vector_store %arg7[%swap3A_1050, %swap3A_1051], %gather3A_1046 {strides = array<i32>} : memref<32x512xf32, #tpu.memory_space<vmem>>, vector<16xf32>,
        %broadcast_in_dim3A_1053 = arith.constant 22 : i32
        %broadcast_in_dim3A_1054 = vector.broadcast %broadcast_in_dim3A_1053 : i32 to vector<16xi32>
        %gather3A_1055 = tpu.vector_load_idx %arg5[%broadcast_in_dim3A_1054, %get3A_854] : memref<32x1000xf32, #tpu.memory_space<vmem>>[vector<16xi32>, vector<16xi32>], vector<16xf32>,
        %mul3A_1056 = arith.constant 16 : i32
        %mul3A_1057 = arith.muli %add3A_847, %mul3A_1056 : i32
        %swap3A_1058 = arith.constant 22 : i32
        %swap3A_1059 = arith.index_cast %swap3A_1058 : i32 to index
        %swap3A_1060 = arith.index_cast %mul3A_1057 : i32 to index
        %swap3A_1061 = tpu.vector_load %arg7[%swap3A_1059, %swap3A_1060] {strides = array<i32>} : memref<32x512xf32, #tpu.memory_space<vmem>>, vector<16xf32>,
        tpu.vector_store %arg7[%swap3A_1059, %swap3A_1060], %gather3A_1055 {strides = array<i32>} : memref<32x512xf32, #tpu.memory_space<vmem>>, vector<16xf32>,
        %broadcast_in_dim3A_1062 = arith.constant 23 : i32
        %broadcast_in_dim3A_1063 = vector.broadcast %broadcast_in_dim3A_1062 : i32 to vector<16xi32>
        %gather3A_1064 = tpu.vector_load_idx %arg5[%broadcast_in_dim3A_1063, %get3A_854] : memref<32x1000xf32, #tpu.memory_space<vmem>>[vector<16xi32>, vector<16xi32>], vector<16xf32>,
        %mul3A_1065 = arith.constant 16 : i32
        %mul3A_1066 = arith.muli %add3A_847, %mul3A_1065 : i32
        %swap3A_1067 = arith.constant 23 : i32
        %swap3A_1068 = arith.index_cast %swap3A_1067 : i32 to index
        %swap3A_1069 = arith.index_cast %mul3A_1066 : i32 to index
        %swap3A_1070 = tpu.vector_load %arg7[%swap3A_1068, %swap3A_1069] {strides = array<i32>} : memref<32x512xf32, #tpu.memory_space<vmem>>, vector<16xf32>,
        tpu.vector_store %arg7[%swap3A_1068, %swap3A_1069], %gather3A_1064 {strides = array<i32>} : memref<32x512xf32, #tpu.memory_space<vmem>>, vector<16xf32>,
        %broadcast_in_dim3A_1071 = arith.constant 24 : i32
        %broadcast_in_dim3A_1072 = vector.broadcast %broadcast_in_dim3A_1071 : i32 to vector<16xi32>
        %gather3A_1073 = tpu.vector_load_idx %arg5[%broadcast_in_dim3A_1072, %get3A_854] : memref<32x1000xf32, #tpu.memory_space<vmem>>[vector<16xi32>, vector<16xi32>], vector<16xf32>,
        %mul3A_1074 = arith.constant 16 : i32
        %mul3A_1075 = arith.muli %add3A_847, %mul3A_1074 : i32
        %swap3A_1076 = arith.constant 24 : i32
        %swap3A_1077 = arith.index_cast %swap3A_1076 : i32 to index
        %swap3A_1078 = arith.index_cast %mul3A_1075 : i32 to index
        %swap3A_1079 = tpu.vector_load %arg7[%swap3A_1077, %swap3A_1078] {strides = array<i32>} : memref<32x512xf32, #tpu.memory_space<vmem>>, vector<16xf32>,
        tpu.vector_store %arg7[%swap3A_1077, %swap3A_1078], %gather3A_1073 {strides = array<i32>} : memref<32x512xf32, #tpu.memory_space<vmem>>, vector<16xf32>,
        %broadcast_in_dim3A_1080 = arith.constant 25 : i32
        %broadcast_in_dim3A_1081 = vector.broadcast %broadcast_in_dim3A_1080 : i32 to vector<16xi32>
        %gather3A_1082 = tpu.vector_load_idx %arg5[%broadcast_in_dim3A_1081, %get3A_854] : memref<32x1000xf32, #tpu.memory_space<vmem>>[vector<16xi32>, vector<16xi32>], vector<16xf32>,
        %mul3A_1083 = arith.constant 16 : i32
        %mul3A_1084 = arith.muli %add3A_847, %mul3A_1083 : i32
        %swap3A_1085 = arith.constant 25 : i32
        %swap3A_1086 = arith.index_cast %swap3A_1085 : i32 to index
        %swap3A_1087 = arith.index_cast %mul3A_1084 : i32 to index
        %swap3A_1088 = tpu.vector_load %arg7[%swap3A_1086, %swap3A_1087] {strides = array<i32>} : memref<32x512xf32, #tpu.memory_space<vmem>>, vector<16xf32>,
        tpu.vector_store %arg7[%swap3A_1086, %swap3A_1087], %gather3A_1082 {strides = array<i32>} : memref<32x512xf32, #tpu.memory_space<vmem>>, vector<16xf32>,
        %broadcast_in_dim3A_1089 = arith.constant 26 : i32
        %broadcast_in_dim3A_1090 = vector.broadcast %broadcast_in_dim3A_1089 : i32 to vector<16xi32>
        %gather3A_1091 = tpu.vector_load_idx %arg5[%broadcast_in_dim3A_1090, %get3A_854] : memref<32x1000xf32, #tpu.memory_space<vmem>>[vector<16xi32>, vector<16xi32>], vector<16xf32>,
        %mul3A_1092 = arith.constant 16 : i32
        %mul3A_1093 = arith.muli %add3A_847, %mul3A_1092 : i32
        %swap3A_1094 = arith.constant 26 : i32
        %swap3A_1095 = arith.index_cast %swap3A_1094 : i32 to index
        %swap3A_1096 = arith.index_cast %mul3A_1093 : i32 to index
        %swap3A_1097 = tpu.vector_load %arg7[%swap3A_1095, %swap3A_1096] {strides = array<i32>} : memref<32x512xf32, #tpu.memory_space<vmem>>, vector<16xf32>,
        tpu.vector_store %arg7[%swap3A_1095, %swap3A_1096], %gather3A_1091 {strides = array<i32>} : memref<32x512xf32, #tpu.memory_space<vmem>>, vector<16xf32>,
        %broadcast_in_dim3A_1098 = arith.constant 27 : i32
        %broadcast_in_dim3A_1099 = vector.broadcast %broadcast_in_dim3A_1098 : i32 to vector<16xi32>
        %gather3A_1100 = tpu.vector_load_idx %arg5[%broadcast_in_dim3A_1099, %get3A_854] : memref<32x1000xf32, #tpu.memory_space<vmem>>[vector<16xi32>, vector<16xi32>], vector<16xf32>,
        %mul3A_1101 = arith.constant 16 : i32
        %mul3A_1102 = arith.muli %add3A_847, %mul3A_1101 : i32
        %swap3A_1103 = arith.constant 27 : i32
        %swap3A_1104 = arith.index_cast %swap3A_1103 : i32 to index
        %swap3A_1105 = arith.index_cast %mul3A_1102 : i32 to index
        %swap3A_1106 = tpu.vector_load %arg7[%swap3A_1104, %swap3A_1105] {strides = array<i32>} : memref<32x512xf32, #tpu.memory_space<vmem>>, vector<16xf32>,
        tpu.vector_store %arg7[%swap3A_1104, %swap3A_1105], %gather3A_1100 {strides = array<i32>} : memref<32x512xf32, #tpu.memory_space<vmem>>, vector<16xf32>,
        %broadcast_in_dim3A_1107 = arith.constant 28 : i32
        %broadcast_in_dim3A_1108 = vector.broadcast %broadcast_in_dim3A_1107 : i32 to vector<16xi32>
        %gather3A_1109 = tpu.vector_load_idx %arg5[%broadcast_in_dim3A_1108, %get3A_854] : memref<32x1000xf32, #tpu.memory_space<vmem>>[vector<16xi32>, vector<16xi32>], vector<16xf32>,
        %mul3A_1110 = arith.constant 16 : i32
        %mul3A_1111 = arith.muli %add3A_847, %mul3A_1110 : i32
        %swap3A_1112 = arith.constant 28 : i32
        %swap3A_1113 = arith.index_cast %swap3A_1112 : i32 to index
        %swap3A_1114 = arith.index_cast %mul3A_1111 : i32 to index
        %swap3A_1115 = tpu.vector_load %arg7[%swap3A_1113, %swap3A_1114] {strides = array<i32>} : memref<32x512xf32, #tpu.memory_space<vmem>>, vector<16xf32>,
        tpu.vector_store %arg7[%swap3A_1113, %swap3A_1114], %gather3A_1109 {strides = array<i32>} : memref<32x512xf32, #tpu.memory_space<vmem>>, vector<16xf32>,
        %broadcast_in_dim3A_1116 = arith.constant 29 : i32
        %broadcast_in_dim3A_1117 = vector.broadcast %broadcast_in_dim3A_1116 : i32 to vector<16xi32>
        %gather3A_1118 = tpu.vector_load_idx %arg5[%broadcast_in_dim3A_1117, %get3A_854] : memref<32x1000xf32, #tpu.memory_space<vmem>>[vector<16xi32>, vector<16xi32>], vector<16xf32>,
        %mul3A_1119 = arith.constant 16 : i32
        %mul3A_1120 = arith.muli %add3A_847, %mul3A_1119 : i32
        %swap3A_1121 = arith.constant 29 : i32
        %swap3A_1122 = arith.index_cast %swap3A_1121 : i32 to index
        %swap3A_1123 = arith.index_cast %mul3A_1120 : i32 to index
        %swap3A_1124 = tpu.vector_load %arg7[%swap3A_1122, %swap3A_1123] {strides = array<i32>} : memref<32x512xf32, #tpu.memory_space<vmem>>, vector<16xf32>,
        tpu.vector_store %arg7[%swap3A_1122, %swap3A_1123], %gather3A_1118 {strides = array<i32>} : memref<32x512xf32, #tpu.memory_space<vmem>>, vector<16xf32>,
        %broadcast_in_dim3A_1125 = arith.constant 30 : i32
        %broadcast_in_dim3A_1126 = vector.broadcast %broadcast_in_dim3A_1125 : i32 to vector<16xi32>
        %gather3A_1127 = tpu.vector_load_idx %arg5[%broadcast_in_dim3A_1126, %get3A_854] : memref<32x1000xf32, #tpu.memory_space<vmem>>[vector<16xi32>, vector<16xi32>], vector<16xf32>,
        %mul3A_1128 = arith.constant 16 : i32
        %mul3A_1129 = arith.muli %add3A_847, %mul3A_1128 : i32
        %swap3A_1130 = arith.constant 30 : i32
        %swap3A_1131 = arith.index_cast %swap3A_1130 : i32 to index
        %swap3A_1132 = arith.index_cast %mul3A_1129 : i32 to index
        %swap3A_1133 = tpu.vector_load %arg7[%swap3A_1131, %swap3A_1132] {strides = array<i32>} : memref<32x512xf32, #tpu.memory_space<vmem>>, vector<16xf32>,
        tpu.vector_store %arg7[%swap3A_1131, %swap3A_1132], %gather3A_1127 {strides = array<i32>} : memref<32x512xf32, #tpu.memory_space<vmem>>, vector<16xf32>,
        %broadcast_in_dim3A_1134 = arith.constant 31 : i32
        %broadcast_in_dim3A_1135 = vector.broadcast %broadcast_in_dim3A_1134 : i32 to vector<16xi32>
        %gather3A_1136 = tpu.vector_load_idx %arg5[%broadcast_in_dim3A_1135, %get3A_854] : memref<32x1000xf32, #tpu.memory_space<vmem>>[vector<16xi32>, vector<16xi32>], vector<16xf32>,
        %mul3A_1137 = arith.constant 16 : i32
        %mul3A_1138 = arith.muli %add3A_847, %mul3A_1137 : i32
        %swap3A_1139 = arith.constant 31 : i32
        %swap3A_1140 = arith.index_cast %swap3A_1139 : i32 to index
        %swap3A_1141 = arith.index_cast %mul3A_1138 : i32 to index
        %swap3A_1142 = tpu.vector_load %arg7[%swap3A_1140, %swap3A_1141] {strides = array<i32>} : memref<32x512xf32, #tpu.memory_space<vmem>>, vector<16xf32>,
        tpu.vector_store %arg7[%swap3A_1140, %swap3A_1141], %gather3A_1136 {strides = array<i32>} : memref<32x512xf32, #tpu.memory_space<vmem>>, vector<16xf32>,
        %mul3A_1143 = arith.constant 4 : i32
        %mul3A_1144 = arith.muli %mul3A_1143, %scan3A_548 : i32
        %add3A_1145 = arith.constant 2 : i32
        %add3A_1146 = arith.addi %mul3A_1144, %add3A_1145 : i32
        %mul3A_1147 = arith.constant 512 : i32
        %mul3A_1148 = arith.muli %add3A_479, %mul3A_1147 : i32
        %mul3A_1149 = arith.constant 16 : i32
        %mul3A_1150 = arith.muli %add3A_1146, %mul3A_1149 : i32
        %add3A_1151 = arith.addi %mul3A_1148, %mul3A_1150 : i32
        %get3A_1152 = arith.index_cast %add3A_1151 : i32 to index
        %get3A_1153 = tpu.vector_load %arg9[%get3A_1152] {strides = array<i32>} : memref<13312xi32, #tpu.memory_space<vmem>>, vector<16xi32>,
        %broadcast_in_dim3A_1154 = arith.constant 0 : i32
        %broadcast_in_dim3A_1155 = vector.broadcast %broadcast_in_dim3A_1154 : i32 to vector<16xi32>
        %gather3A_1156 = tpu.vector_load_idx %arg5[%broadcast_in_dim3A_1155, %get3A_1153] : memref<32x1000xf32, #tpu.memory_space<vmem>>[vector<16xi32>, vector<16xi32>], vector<16xf32>,
        %mul3A_1157 = arith.constant 16 : i32
        %mul3A_1158 = arith.muli %add3A_1146, %mul3A_1157 : i32
        %swap3A_1159 = arith.constant 0 : i32
        %swap3A_1160 = arith.index_cast %swap3A_1159 : i32 to index
        %swap3A_1161 = arith.index_cast %mul3A_1158 : i32 to index
        %swap3A_1162 = tpu.vector_load %arg7[%swap3A_1160, %swap3A_1161] {strides = array<i32>} : memref<32x512xf32, #tpu.memory_space<vmem>>, vector<16xf32>,
        tpu.vector_store %arg7[%swap3A_1160, %swap3A_1161], %gather3A_1156 {strides = array<i32>} : memref<32x512xf32, #tpu.memory_space<vmem>>, vector<16xf32>,
        %broadcast_in_dim3A_1163 = arith.constant 1 : i32
        %broadcast_in_dim3A_1164 = vector.broadcast %broadcast_in_dim3A_1163 : i32 to vector<16xi32>
        %gather3A_1165 = tpu.vector_load_idx %arg5[%broadcast_in_dim3A_1164, %get3A_1153] : memref<32x1000xf32, #tpu.memory_space<vmem>>[vector<16xi32>, vector<16xi32>], vector<16xf32>,
        %mul3A_1166 = arith.constant 16 : i32
        %mul3A_1167 = arith.muli %add3A_1146, %mul3A_1166 : i32
        %swap3A_1168 = arith.constant 1 : i32
        %swap3A_1169 = arith.index_cast %swap3A_1168 : i32 to index
        %swap3A_1170 = arith.index_cast %mul3A_1167 : i32 to index
        %swap3A_1171 = tpu.vector_load %arg7[%swap3A_1169, %swap3A_1170] {strides = array<i32>} : memref<32x512xf32, #tpu.memory_space<vmem>>, vector<16xf32>,
        tpu.vector_store %arg7[%swap3A_1169, %swap3A_1170], %gather3A_1165 {strides = array<i32>} : memref<32x512xf32, #tpu.memory_space<vmem>>, vector<16xf32>,
        %broadcast_in_dim3A_1172 = arith.constant 2 : i32
        %broadcast_in_dim3A_1173 = vector.broadcast %broadcast_in_dim3A_1172 : i32 to vector<16xi32>
        %gather3A_1174 = tpu.vector_load_idx %arg5[%broadcast_in_dim3A_1173, %get3A_1153] : memref<32x1000xf32, #tpu.memory_space<vmem>>[vector<16xi32>, vector<16xi32>], vector<16xf32>,
        %mul3A_1175 = arith.constant 16 : i32
        %mul3A_1176 = arith.muli %add3A_1146, %mul3A_1175 : i32
        %swap3A_1177 = arith.constant 2 : i32
        %swap3A_1178 = arith.index_cast %swap3A_1177 : i32 to index
        %swap3A_1179 = arith.index_cast %mul3A_1176 : i32 to index
        %swap3A_1180 = tpu.vector_load %arg7[%swap3A_1178, %swap3A_1179] {strides = array<i32>} : memref<32x512xf32, #tpu.memory_space<vmem>>, vector<16xf32>,
        tpu.vector_store %arg7[%swap3A_1178, %swap3A_1179], %gather3A_1174 {strides = array<i32>} : memref<32x512xf32, #tpu.memory_space<vmem>>, vector<16xf32>,
        %broadcast_in_dim3A_1181 = arith.constant 3 : i32
        %broadcast_in_dim3A_1182 = vector.broadcast %broadcast_in_dim3A_1181 : i32 to vector<16xi32>
        %gather3A_1183 = tpu.vector_load_idx %arg5[%broadcast_in_dim3A_1182, %get3A_1153] : memref<32x1000xf32, #tpu.memory_space<vmem>>[vector<16xi32>, vector<16xi32>], vector<16xf32>,
        %mul3A_1184 = arith.constant 16 : i32
        %mul3A_1185 = arith.muli %add3A_1146, %mul3A_1184 : i32
        %swap3A_1186 = arith.constant 3 : i32
        %swap3A_1187 = arith.index_cast %swap3A_1186 : i32 to index
        %swap3A_1188 = arith.index_cast %mul3A_1185 : i32 to index
        %swap3A_1189 = tpu.vector_load %arg7[%swap3A_1187, %swap3A_1188] {strides = array<i32>} : memref<32x512xf32, #tpu.memory_space<vmem>>, vector<16xf32>,
        tpu.vector_store %arg7[%swap3A_1187, %swap3A_1188], %gather3A_1183 {strides = array<i32>} : memref<32x512xf32, #tpu.memory_space<vmem>>, vector<16xf32>,
        %broadcast_in_dim3A_1190 = arith.constant 4 : i32
        %broadcast_in_dim3A_1191 = vector.broadcast %broadcast_in_dim3A_1190 : i32 to vector<16xi32>
        %gather3A_1192 = tpu.vector_load_idx %arg5[%broadcast_in_dim3A_1191, %get3A_1153] : memref<32x1000xf32, #tpu.memory_space<vmem>>[vector<16xi32>, vector<16xi32>], vector<16xf32>,
        %mul3A_1193 = arith.constant 16 : i32
        %mul3A_1194 = arith.muli %add3A_1146, %mul3A_1193 : i32
        %swap3A_1195 = arith.constant 4 : i32
        %swap3A_1196 = arith.index_cast %swap3A_1195 : i32 to index
        %swap3A_1197 = arith.index_cast %mul3A_1194 : i32 to index
        %swap3A_1198 = tpu.vector_load %arg7[%swap3A_1196, %swap3A_1197] {strides = array<i32>} : memref<32x512xf32, #tpu.memory_space<vmem>>, vector<16xf32>,
        tpu.vector_store %arg7[%swap3A_1196, %swap3A_1197], %gather3A_1192 {strides = array<i32>} : memref<32x512xf32, #tpu.memory_space<vmem>>, vector<16xf32>,
        %broadcast_in_dim3A_1199 = arith.constant 5 : i32
        %broadcast_in_dim3A_1200 = vector.broadcast %broadcast_in_dim3A_1199 : i32 to vector<16xi32>
        %gather3A_1201 = tpu.vector_load_idx %arg5[%broadcast_in_dim3A_1200, %get3A_1153] : memref<32x1000xf32, #tpu.memory_space<vmem>>[vector<16xi32>, vector<16xi32>], vector<16xf32>,
        %mul3A_1202 = arith.constant 16 : i32
        %mul3A_1203 = arith.muli %add3A_1146, %mul3A_1202 : i32
        %swap3A_1204 = arith.constant 5 : i32
        %swap3A_1205 = arith.index_cast %swap3A_1204 : i32 to index
        %swap3A_1206 = arith.index_cast %mul3A_1203 : i32 to index
        %swap3A_1207 = tpu.vector_load %arg7[%swap3A_1205, %swap3A_1206] {strides = array<i32>} : memref<32x512xf32, #tpu.memory_space<vmem>>, vector<16xf32>,
        tpu.vector_store %arg7[%swap3A_1205, %swap3A_1206], %gather3A_1201 {strides = array<i32>} : memref<32x512xf32, #tpu.memory_space<vmem>>, vector<16xf32>,
        %broadcast_in_dim3A_1208 = arith.constant 6 : i32
        %broadcast_in_dim3A_1209 = vector.broadcast %broadcast_in_dim3A_1208 : i32 to vector<16xi32>
        %gather3A_1210 = tpu.vector_load_idx %arg5[%broadcast_in_dim3A_1209, %get3A_1153] : memref<32x1000xf32, #tpu.memory_space<vmem>>[vector<16xi32>, vector<16xi32>], vector<16xf32>,
        %mul3A_1211 = arith.constant 16 : i32
        %mul3A_1212 = arith.muli %add3A_1146, %mul3A_1211 : i32
        %swap3A_1213 = arith.constant 6 : i32
        %swap3A_1214 = arith.index_cast %swap3A_1213 : i32 to index
        %swap3A_1215 = arith.index_cast %mul3A_1212 : i32 to index
        %swap3A_1216 = tpu.vector_load %arg7[%swap3A_1214, %swap3A_1215] {strides = array<i32>} : memref<32x512xf32, #tpu.memory_space<vmem>>, vector<16xf32>,
        tpu.vector_store %arg7[%swap3A_1214, %swap3A_1215], %gather3A_1210 {strides = array<i32>} : memref<32x512xf32, #tpu.memory_space<vmem>>, vector<16xf32>,
        %broadcast_in_dim3A_1217 = arith.constant 7 : i32
        %broadcast_in_dim3A_1218 = vector.broadcast %broadcast_in_dim3A_1217 : i32 to vector<16xi32>
        %gather3A_1219 = tpu.vector_load_idx %arg5[%broadcast_in_dim3A_1218, %get3A_1153] : memref<32x1000xf32, #tpu.memory_space<vmem>>[vector<16xi32>, vector<16xi32>], vector<16xf32>,
        %mul3A_1220 = arith.constant 16 : i32
        %mul3A_1221 = arith.muli %add3A_1146, %mul3A_1220 : i32
        %swap3A_1222 = arith.constant 7 : i32
        %swap3A_1223 = arith.index_cast %swap3A_1222 : i32 to index
        %swap3A_1224 = arith.index_cast %mul3A_1221 : i32 to index
        %swap3A_1225 = tpu.vector_load %arg7[%swap3A_1223, %swap3A_1224] {strides = array<i32>} : memref<32x512xf32, #tpu.memory_space<vmem>>, vector<16xf32>,
        tpu.vector_store %arg7[%swap3A_1223, %swap3A_1224], %gather3A_1219 {strides = array<i32>} : memref<32x512xf32, #tpu.memory_space<vmem>>, vector<16xf32>,
        %broadcast_in_dim3A_1226 = arith.constant 8 : i32
        %broadcast_in_dim3A_1227 = vector.broadcast %broadcast_in_dim3A_1226 : i32 to vector<16xi32>
        %gather3A_1228 = tpu.vector_load_idx %arg5[%broadcast_in_dim3A_1227, %get3A_1153] : memref<32x1000xf32, #tpu.memory_space<vmem>>[vector<16xi32>, vector<16xi32>], vector<16xf32>,
        %mul3A_1229 = arith.constant 16 : i32
        %mul3A_1230 = arith.muli %add3A_1146, %mul3A_1229 : i32
        %swap3A_1231 = arith.constant 8 : i32
        %swap3A_1232 = arith.index_cast %swap3A_1231 : i32 to index
        %swap3A_1233 = arith.index_cast %mul3A_1230 : i32 to index
        %swap3A_1234 = tpu.vector_load %arg7[%swap3A_1232, %swap3A_1233] {strides = array<i32>} : memref<32x512xf32, #tpu.memory_space<vmem>>, vector<16xf32>,
        tpu.vector_store %arg7[%swap3A_1232, %swap3A_1233], %gather3A_1228 {strides = array<i32>} : memref<32x512xf32, #tpu.memory_space<vmem>>, vector<16xf32>,
        %broadcast_in_dim3A_1235 = arith.constant 9 : i32
        %broadcast_in_dim3A_1236 = vector.broadcast %broadcast_in_dim3A_1235 : i32 to vector<16xi32>
        %gather3A_1237 = tpu.vector_load_idx %arg5[%broadcast_in_dim3A_1236, %get3A_1153] : memref<32x1000xf32, #tpu.memory_space<vmem>>[vector<16xi32>, vector<16xi32>], vector<16xf32>,
        %mul3A_1238 = arith.constant 16 : i32
        %mul3A_1239 = arith.muli %add3A_1146, %mul3A_1238 : i32
        %swap3A_1240 = arith.constant 9 : i32
        %swap3A_1241 = arith.index_cast %swap3A_1240 : i32 to index
        %swap3A_1242 = arith.index_cast %mul3A_1239 : i32 to index
        %swap3A_1243 = tpu.vector_load %arg7[%swap3A_1241, %swap3A_1242] {strides = array<i32>} : memref<32x512xf32, #tpu.memory_space<vmem>>, vector<16xf32>,
        tpu.vector_store %arg7[%swap3A_1241, %swap3A_1242], %gather3A_1237 {strides = array<i32>} : memref<32x512xf32, #tpu.memory_space<vmem>>, vector<16xf32>,
        %broadcast_in_dim3A_1244 = arith.constant 10 : i32
        %broadcast_in_dim3A_1245 = vector.broadcast %broadcast_in_dim3A_1244 : i32 to vector<16xi32>
        %gather3A_1246 = tpu.vector_load_idx %arg5[%broadcast_in_dim3A_1245, %get3A_1153] : memref<32x1000xf32, #tpu.memory_space<vmem>>[vector<16xi32>, vector<16xi32>], vector<16xf32>,
        %mul3A_1247 = arith.constant 16 : i32
        %mul3A_1248 = arith.muli %add3A_1146, %mul3A_1247 : i32
        %swap3A_1249 = arith.constant 10 : i32
        %swap3A_1250 = arith.index_cast %swap3A_1249 : i32 to index
        %swap3A_1251 = arith.index_cast %mul3A_1248 : i32 to index
        %swap3A_1252 = tpu.vector_load %arg7[%swap3A_1250, %swap3A_1251] {strides = array<i32>} : memref<32x512xf32, #tpu.memory_space<vmem>>, vector<16xf32>,
        tpu.vector_store %arg7[%swap3A_1250, %swap3A_1251], %gather3A_1246 {strides = array<i32>} : memref<32x512xf32, #tpu.memory_space<vmem>>, vector<16xf32>,
        %broadcast_in_dim3A_1253 = arith.constant 11 : i32
        %broadcast_in_dim3A_1254 = vector.broadcast %broadcast_in_dim3A_1253 : i32 to vector<16xi32>
        %gather3A_1255 = tpu.vector_load_idx %arg5[%broadcast_in_dim3A_1254, %get3A_1153] : memref<32x1000xf32, #tpu.memory_space<vmem>>[vector<16xi32>, vector<16xi32>], vector<16xf32>,
        %mul3A_1256 = arith.constant 16 : i32
        %mul3A_1257 = arith.muli %add3A_1146, %mul3A_1256 : i32
        %swap3A_1258 = arith.constant 11 : i32
        %swap3A_1259 = arith.index_cast %swap3A_1258 : i32 to index
        %swap3A_1260 = arith.index_cast %mul3A_1257 : i32 to index
        %swap3A_1261 = tpu.vector_load %arg7[%swap3A_1259, %swap3A_1260] {strides = array<i32>} : memref<32x512xf32, #tpu.memory_space<vmem>>, vector<16xf32>,
        tpu.vector_store %arg7[%swap3A_1259, %swap3A_1260], %gather3A_1255 {strides = array<i32>} : memref<32x512xf32, #tpu.memory_space<vmem>>, vector<16xf32>,
        %broadcast_in_dim3A_1262 = arith.constant 12 : i32
        %broadcast_in_dim3A_1263 = vector.broadcast %broadcast_in_dim3A_1262 : i32 to vector<16xi32>
        %gather3A_1264 = tpu.vector_load_idx %arg5[%broadcast_in_dim3A_1263, %get3A_1153] : memref<32x1000xf32, #tpu.memory_space<vmem>>[vector<16xi32>, vector<16xi32>], vector<16xf32>,
        %mul3A_1265 = arith.constant 16 : i32
        %mul3A_1266 = arith.muli %add3A_1146, %mul3A_1265 : i32
        %swap3A_1267 = arith.constant 12 : i32
        %swap3A_1268 = arith.index_cast %swap3A_1267 : i32 to index
        %swap3A_1269 = arith.index_cast %mul3A_1266 : i32 to index
        %swap3A_1270 = tpu.vector_load %arg7[%swap3A_1268, %swap3A_1269] {strides = array<i32>} : memref<32x512xf32, #tpu.memory_space<vmem>>, vector<16xf32>,
        tpu.vector_store %arg7[%swap3A_1268, %swap3A_1269], %gather3A_1264 {strides = array<i32>} : memref<32x512xf32, #tpu.memory_space<vmem>>, vector<16xf32>,
        %broadcast_in_dim3A_1271 = arith.constant 13 : i32
        %broadcast_in_dim3A_1272 = vector.broadcast %broadcast_in_dim3A_1271 : i32 to vector<16xi32>
        %gather3A_1273 = tpu.vector_load_idx %arg5[%broadcast_in_dim3A_1272, %get3A_1153] : memref<32x1000xf32, #tpu.memory_space<vmem>>[vector<16xi32>, vector<16xi32>], vector<16xf32>,
        %mul3A_1274 = arith.constant 16 : i32
        %mul3A_1275 = arith.muli %add3A_1146, %mul3A_1274 : i32
        %swap3A_1276 = arith.constant 13 : i32
        %swap3A_1277 = arith.index_cast %swap3A_1276 : i32 to index
        %swap3A_1278 = arith.index_cast %mul3A_1275 : i32 to index
        %swap3A_1279 = tpu.vector_load %arg7[%swap3A_1277, %swap3A_1278] {strides = array<i32>} : memref<32x512xf32, #tpu.memory_space<vmem>>, vector<16xf32>,
        tpu.vector_store %arg7[%swap3A_1277, %swap3A_1278], %gather3A_1273 {strides = array<i32>} : memref<32x512xf32, #tpu.memory_space<vmem>>, vector<16xf32>,
        %broadcast_in_dim3A_1280 = arith.constant 14 : i32
        %broadcast_in_dim3A_1281 = vector.broadcast %broadcast_in_dim3A_1280 : i32 to vector<16xi32>
        %gather3A_1282 = tpu.vector_load_idx %arg5[%broadcast_in_dim3A_1281, %get3A_1153] : memref<32x1000xf32, #tpu.memory_space<vmem>>[vector<16xi32>, vector<16xi32>], vector<16xf32>,
        %mul3A_1283 = arith.constant 16 : i32
        %mul3A_1284 = arith.muli %add3A_1146, %mul3A_1283 : i32
        %swap3A_1285 = arith.constant 14 : i32
        %swap3A_1286 = arith.index_cast %swap3A_1285 : i32 to index
        %swap3A_1287 = arith.index_cast %mul3A_1284 : i32 to index
        %swap3A_1288 = tpu.vector_load %arg7[%swap3A_1286, %swap3A_1287] {strides = array<i32>} : memref<32x512xf32, #tpu.memory_space<vmem>>, vector<16xf32>,
        tpu.vector_store %arg7[%swap3A_1286, %swap3A_1287], %gather3A_1282 {strides = array<i32>} : memref<32x512xf32, #tpu.memory_space<vmem>>, vector<16xf32>,
        %broadcast_in_dim3A_1289 = arith.constant 15 : i32
        %broadcast_in_dim3A_1290 = vector.broadcast %broadcast_in_dim3A_1289 : i32 to vector<16xi32>
        %gather3A_1291 = tpu.vector_load_idx %arg5[%broadcast_in_dim3A_1290, %get3A_1153] : memref<32x1000xf32, #tpu.memory_space<vmem>>[vector<16xi32>, vector<16xi32>], vector<16xf32>,
        %mul3A_1292 = arith.constant 16 : i32
        %mul3A_1293 = arith.muli %add3A_1146, %mul3A_1292 : i32
        %swap3A_1294 = arith.constant 15 : i32
        %swap3A_1295 = arith.index_cast %swap3A_1294 : i32 to index
        %swap3A_1296 = arith.index_cast %mul3A_1293 : i32 to index
        %swap3A_1297 = tpu.vector_load %arg7[%swap3A_1295, %swap3A_1296] {strides = array<i32>} : memref<32x512xf32, #tpu.memory_space<vmem>>, vector<16xf32>,
        tpu.vector_store %arg7[%swap3A_1295, %swap3A_1296], %gather3A_1291 {strides = array<i32>} : memref<32x512xf32, #tpu.memory_space<vmem>>, vector<16xf32>,
        %broadcast_in_dim3A_1298 = arith.constant 16 : i32
        %broadcast_in_dim3A_1299 = vector.broadcast %broadcast_in_dim3A_1298 : i32 to vector<16xi32>
        %gather3A_1300 = tpu.vector_load_idx %arg5[%broadcast_in_dim3A_1299, %get3A_1153] : memref<32x1000xf32, #tpu.memory_space<vmem>>[vector<16xi32>, vector<16xi32>], vector<16xf32>,
        %mul3A_1301 = arith.constant 16 : i32
        %mul3A_1302 = arith.muli %add3A_1146, %mul3A_1301 : i32
        %swap3A_1303 = arith.constant 16 : i32
        %swap3A_1304 = arith.index_cast %swap3A_1303 : i32 to index
        %swap3A_1305 = arith.index_cast %mul3A_1302 : i32 to index
        %swap3A_1306 = tpu.vector_load %arg7[%swap3A_1304, %swap3A_1305] {strides = array<i32>} : memref<32x512xf32, #tpu.memory_space<vmem>>, vector<16xf32>,
        tpu.vector_store %arg7[%swap3A_1304, %swap3A_1305], %gather3A_1300 {strides = array<i32>} : memref<32x512xf32, #tpu.memory_space<vmem>>, vector<16xf32>,
        %broadcast_in_dim3A_1307 = arith.constant 17 : i32
        %broadcast_in_dim3A_1308 = vector.broadcast %broadcast_in_dim3A_1307 : i32 to vector<16xi32>
        %gather3A_1309 = tpu.vector_load_idx %arg5[%broadcast_in_dim3A_1308, %get3A_1153] : memref<32x1000xf32, #tpu.memory_space<vmem>>[vector<16xi32>, vector<16xi32>], vector<16xf32>,
        %mul3A_1310 = arith.constant 16 : i32
        %mul3A_1311 = arith.muli %add3A_1146, %mul3A_1310 : i32
        %swap3A_1312 = arith.constant 17 : i32
        %swap3A_1313 = arith.index_cast %swap3A_1312 : i32 to index
        %swap3A_1314 = arith.index_cast %mul3A_1311 : i32 to index
        %swap3A_1315 = tpu.vector_load %arg7[%swap3A_1313, %swap3A_1314] {strides = array<i32>} : memref<32x512xf32, #tpu.memory_space<vmem>>, vector<16xf32>,
        tpu.vector_store %arg7[%swap3A_1313, %swap3A_1314], %gather3A_1309 {strides = array<i32>} : memref<32x512xf32, #tpu.memory_space<vmem>>, vector<16xf32>,
        %broadcast_in_dim3A_1316 = arith.constant 18 : i32
        %broadcast_in_dim3A_1317 = vector.broadcast %broadcast_in_dim3A_1316 : i32 to vector<16xi32>
        %gather3A_1318 = tpu.vector_load_idx %arg5[%broadcast_in_dim3A_1317, %get3A_1153] : memref<32x1000xf32, #tpu.memory_space<vmem>>[vector<16xi32>, vector<16xi32>], vector<16xf32>,
        %mul3A_1319 = arith.constant 16 : i32
        %mul3A_1320 = arith.muli %add3A_1146, %mul3A_1319 : i32
        %swap3A_1321 = arith.constant 18 : i32
        %swap3A_1322 = arith.index_cast %swap3A_1321 : i32 to index
        %swap3A_1323 = arith.index_cast %mul3A_1320 : i32 to index
        %swap3A_1324 = tpu.vector_load %arg7[%swap3A_1322, %swap3A_1323] {strides = array<i32>} : memref<32x512xf32, #tpu.memory_space<vmem>>, vector<16xf32>,
        tpu.vector_store %arg7[%swap3A_1322, %swap3A_1323], %gather3A_1318 {strides = array<i32>} : memref<32x512xf32, #tpu.memory_space<vmem>>, vector<16xf32>,
        %broadcast_in_dim3A_1325 = arith.constant 19 : i32
        %broadcast_in_dim3A_1326 = vector.broadcast %broadcast_in_dim3A_1325 : i32 to vector<16xi32>
        %gather3A_1327 = tpu.vector_load_idx %arg5[%broadcast_in_dim3A_1326, %get3A_1153] : memref<32x1000xf32, #tpu.memory_space<vmem>>[vector<16xi32>, vector<16xi32>], vector<16xf32>,
        %mul3A_1328 = arith.constant 16 : i32
        %mul3A_1329 = arith.muli %add3A_1146, %mul3A_1328 : i32
        %swap3A_1330 = arith.constant 19 : i32
        %swap3A_1331 = arith.index_cast %swap3A_1330 : i32 to index
        %swap3A_1332 = arith.index_cast %mul3A_1329 : i32 to index
        %swap3A_1333 = tpu.vector_load %arg7[%swap3A_1331, %swap3A_1332] {strides = array<i32>} : memref<32x512xf32, #tpu.memory_space<vmem>>, vector<16xf32>,
        tpu.vector_store %arg7[%swap3A_1331, %swap3A_1332], %gather3A_1327 {strides = array<i32>} : memref<32x512xf32, #tpu.memory_space<vmem>>, vector<16xf32>,
        %broadcast_in_dim3A_1334 = arith.constant 20 : i32
        %broadcast_in_dim3A_1335 = vector.broadcast %broadcast_in_dim3A_1334 : i32 to vector<16xi32>
        %gather3A_1336 = tpu.vector_load_idx %arg5[%broadcast_in_dim3A_1335, %get3A_1153] : memref<32x1000xf32, #tpu.memory_space<vmem>>[vector<16xi32>, vector<16xi32>], vector<16xf32>,
        %mul3A_1337 = arith.constant 16 : i32
        %mul3A_1338 = arith.muli %add3A_1146, %mul3A_1337 : i32
        %swap3A_1339 = arith.constant 20 : i32
        %swap3A_1340 = arith.index_cast %swap3A_1339 : i32 to index
        %swap3A_1341 = arith.index_cast %mul3A_1338 : i32 to index
        %swap3A_1342 = tpu.vector_load %arg7[%swap3A_1340, %swap3A_1341] {strides = array<i32>} : memref<32x512xf32, #tpu.memory_space<vmem>>, vector<16xf32>,
        tpu.vector_store %arg7[%swap3A_1340, %swap3A_1341], %gather3A_1336 {strides = array<i32>} : memref<32x512xf32, #tpu.memory_space<vmem>>, vector<16xf32>,
        %broadcast_in_dim3A_1343 = arith.constant 21 : i32
        %broadcast_in_dim3A_1344 = vector.broadcast %broadcast_in_dim3A_1343 : i32 to vector<16xi32>
        %gather3A_1345 = tpu.vector_load_idx %arg5[%broadcast_in_dim3A_1344, %get3A_1153] : memref<32x1000xf32, #tpu.memory_space<vmem>>[vector<16xi32>, vector<16xi32>], vector<16xf32>,
        %mul3A_1346 = arith.constant 16 : i32
        %mul3A_1347 = arith.muli %add3A_1146, %mul3A_1346 : i32
        %swap3A_1348 = arith.constant 21 : i32
        %swap3A_1349 = arith.index_cast %swap3A_1348 : i32 to index
        %swap3A_1350 = arith.index_cast %mul3A_1347 : i32 to index
        %swap3A_1351 = tpu.vector_load %arg7[%swap3A_1349, %swap3A_1350] {strides = array<i32>} : memref<32x512xf32, #tpu.memory_space<vmem>>, vector<16xf32>,
        tpu.vector_store %arg7[%swap3A_1349, %swap3A_1350], %gather3A_1345 {strides = array<i32>} : memref<32x512xf32, #tpu.memory_space<vmem>>, vector<16xf32>,
        %broadcast_in_dim3A_1352 = arith.constant 22 : i32
        %broadcast_in_dim3A_1353 = vector.broadcast %broadcast_in_dim3A_1352 : i32 to vector<16xi32>
        %gather3A_1354 = tpu.vector_load_idx %arg5[%broadcast_in_dim3A_1353, %get3A_1153] : memref<32x1000xf32, #tpu.memory_space<vmem>>[vector<16xi32>, vector<16xi32>], vector<16xf32>,
        %mul3A_1355 = arith.constant 16 : i32
        %mul3A_1356 = arith.muli %add3A_1146, %mul3A_1355 : i32
        %swap3A_1357 = arith.constant 22 : i32
        %swap3A_1358 = arith.index_cast %swap3A_1357 : i32 to index
        %swap3A_1359 = arith.index_cast %mul3A_1356 : i32 to index
        %swap3A_1360 = tpu.vector_load %arg7[%swap3A_1358, %swap3A_1359] {strides = array<i32>} : memref<32x512xf32, #tpu.memory_space<vmem>>, vector<16xf32>,
        tpu.vector_store %arg7[%swap3A_1358, %swap3A_1359], %gather3A_1354 {strides = array<i32>} : memref<32x512xf32, #tpu.memory_space<vmem>>, vector<16xf32>,
        %broadcast_in_dim3A_1361 = arith.constant 23 : i32
        %broadcast_in_dim3A_1362 = vector.broadcast %broadcast_in_dim3A_1361 : i32 to vector<16xi32>
        %gather3A_1363 = tpu.vector_load_idx %arg5[%broadcast_in_dim3A_1362, %get3A_1153] : memref<32x1000xf32, #tpu.memory_space<vmem>>[vector<16xi32>, vector<16xi32>], vector<16xf32>,
        %mul3A_1364 = arith.constant 16 : i32
        %mul3A_1365 = arith.muli %add3A_1146, %mul3A_1364 : i32
        %swap3A_1366 = arith.constant 23 : i32
        %swap3A_1367 = arith.index_cast %swap3A_1366 : i32 to index
        %swap3A_1368 = arith.index_cast %mul3A_1365 : i32 to index
        %swap3A_1369 = tpu.vector_load %arg7[%swap3A_1367, %swap3A_1368] {strides = array<i32>} : memref<32x512xf32, #tpu.memory_space<vmem>>, vector<16xf32>,
        tpu.vector_store %arg7[%swap3A_1367, %swap3A_1368], %gather3A_1363 {strides = array<i32>} : memref<32x512xf32, #tpu.memory_space<vmem>>, vector<16xf32>,
        %broadcast_in_dim3A_1370 = arith.constant 24 : i32
        %broadcast_in_dim3A_1371 = vector.broadcast %broadcast_in_dim3A_1370 : i32 to vector<16xi32>
        %gather3A_1372 = tpu.vector_load_idx %arg5[%broadcast_in_dim3A_1371, %get3A_1153] : memref<32x1000xf32, #tpu.memory_space<vmem>>[vector<16xi32>, vector<16xi32>], vector<16xf32>,
        %mul3A_1373 = arith.constant 16 : i32
        %mul3A_1374 = arith.muli %add3A_1146, %mul3A_1373 : i32
        %swap3A_1375 = arith.constant 24 : i32
        %swap3A_1376 = arith.index_cast %swap3A_1375 : i32 to index
        %swap3A_1377 = arith.index_cast %mul3A_1374 : i32 to index
        %swap3A_1378 = tpu.vector_load %arg7[%swap3A_1376, %swap3A_1377] {strides = array<i32>} : memref<32x512xf32, #tpu.memory_space<vmem>>, vector<16xf32>,
        tpu.vector_store %arg7[%swap3A_1376, %swap3A_1377], %gather3A_1372 {strides = array<i32>} : memref<32x512xf32, #tpu.memory_space<vmem>>, vector<16xf32>,
        %broadcast_in_dim3A_1379 = arith.constant 25 : i32
        %broadcast_in_dim3A_1380 = vector.broadcast %broadcast_in_dim3A_1379 : i32 to vector<16xi32>
        %gather3A_1381 = tpu.vector_load_idx %arg5[%broadcast_in_dim3A_1380, %get3A_1153] : memref<32x1000xf32, #tpu.memory_space<vmem>>[vector<16xi32>, vector<16xi32>], vector<16xf32>,
        %mul3A_1382 = arith.constant 16 : i32
        %mul3A_1383 = arith.muli %add3A_1146, %mul3A_1382 : i32
        %swap3A_1384 = arith.constant 25 : i32
        %swap3A_1385 = arith.index_cast %swap3A_1384 : i32 to index
        %swap3A_1386 = arith.index_cast %mul3A_1383 : i32 to index
        %swap3A_1387 = tpu.vector_load %arg7[%swap3A_1385, %swap3A_1386] {strides = array<i32>} : memref<32x512xf32, #tpu.memory_space<vmem>>, vector<16xf32>,
        tpu.vector_store %arg7[%swap3A_1385, %swap3A_1386], %gather3A_1381 {strides = array<i32>} : memref<32x512xf32, #tpu.memory_space<vmem>>, vector<16xf32>,
        %broadcast_in_dim3A_1388 = arith.constant 26 : i32
        %broadcast_in_dim3A_1389 = vector.broadcast %broadcast_in_dim3A_1388 : i32 to vector<16xi32>
        %gather3A_1390 = tpu.vector_load_idx %arg5[%broadcast_in_dim3A_1389, %get3A_1153] : memref<32x1000xf32, #tpu.memory_space<vmem>>[vector<16xi32>, vector<16xi32>], vector<16xf32>,
        %mul3A_1391 = arith.constant 16 : i32
        %mul3A_1392 = arith.muli %add3A_1146, %mul3A_1391 : i32
        %swap3A_1393 = arith.constant 26 : i32
        %swap3A_1394 = arith.index_cast %swap3A_1393 : i32 to index
        %swap3A_1395 = arith.index_cast %mul3A_1392 : i32 to index
        %swap3A_1396 = tpu.vector_load %arg7[%swap3A_1394, %swap3A_1395] {strides = array<i32>} : memref<32x512xf32, #tpu.memory_space<vmem>>, vector<16xf32>,
        tpu.vector_store %arg7[%swap3A_1394, %swap3A_1395], %gather3A_1390 {strides = array<i32>} : memref<32x512xf32, #tpu.memory_space<vmem>>, vector<16xf32>,
        %broadcast_in_dim3A_1397 = arith.constant 27 : i32
        %broadcast_in_dim3A_1398 = vector.broadcast %broadcast_in_dim3A_1397 : i32 to vector<16xi32>
        %gather3A_1399 = tpu.vector_load_idx %arg5[%broadcast_in_dim3A_1398, %get3A_1153] : memref<32x1000xf32, #tpu.memory_space<vmem>>[vector<16xi32>, vector<16xi32>], vector<16xf32>,
        %mul3A_1400 = arith.constant 16 : i32
        %mul3A_1401 = arith.muli %add3A_1146, %mul3A_1400 : i32
        %swap3A_1402 = arith.constant 27 : i32
        %swap3A_1403 = arith.index_cast %swap3A_1402 : i32 to index
        %swap3A_1404 = arith.index_cast %mul3A_1401 : i32 to index
        %swap3A_1405 = tpu.vector_load %arg7[%swap3A_1403, %swap3A_1404] {strides = array<i32>} : memref<32x512xf32, #tpu.memory_space<vmem>>, vector<16xf32>,
        tpu.vector_store %arg7[%swap3A_1403, %swap3A_1404], %gather3A_1399 {strides = array<i32>} : memref<32x512xf32, #tpu.memory_space<vmem>>, vector<16xf32>,
        %broadcast_in_dim3A_1406 = arith.constant 28 : i32
        %broadcast_in_dim3A_1407 = vector.broadcast %broadcast_in_dim3A_1406 : i32 to vector<16xi32>
        %gather3A_1408 = tpu.vector_load_idx %arg5[%broadcast_in_dim3A_1407, %get3A_1153] : memref<32x1000xf32, #tpu.memory_space<vmem>>[vector<16xi32>, vector<16xi32>], vector<16xf32>,
        %mul3A_1409 = arith.constant 16 : i32
        %mul3A_1410 = arith.muli %add3A_1146, %mul3A_1409 : i32
        %swap3A_1411 = arith.constant 28 : i32
        %swap3A_1412 = arith.index_cast %swap3A_1411 : i32 to index
        %swap3A_1413 = arith.index_cast %mul3A_1410 : i32 to index
        %swap3A_1414 = tpu.vector_load %arg7[%swap3A_1412, %swap3A_1413] {strides = array<i32>} : memref<32x512xf32, #tpu.memory_space<vmem>>, vector<16xf32>,
        tpu.vector_store %arg7[%swap3A_1412, %swap3A_1413], %gather3A_1408 {strides = array<i32>} : memref<32x512xf32, #tpu.memory_space<vmem>>, vector<16xf32>,
        %broadcast_in_dim3A_1415 = arith.constant 29 : i32
        %broadcast_in_dim3A_1416 = vector.broadcast %broadcast_in_dim3A_1415 : i32 to vector<16xi32>
        %gather3A_1417 = tpu.vector_load_idx %arg5[%broadcast_in_dim3A_1416, %get3A_1153] : memref<32x1000xf32, #tpu.memory_space<vmem>>[vector<16xi32>, vector<16xi32>], vector<16xf32>,
        %mul3A_1418 = arith.constant 16 : i32
        %mul3A_1419 = arith.muli %add3A_1146, %mul3A_1418 : i32
        %swap3A_1420 = arith.constant 29 : i32
        %swap3A_1421 = arith.index_cast %swap3A_1420 : i32 to index
        %swap3A_1422 = arith.index_cast %mul3A_1419 : i32 to index
        %swap3A_1423 = tpu.vector_load %arg7[%swap3A_1421, %swap3A_1422] {strides = array<i32>} : memref<32x512xf32, #tpu.memory_space<vmem>>, vector<16xf32>,
        tpu.vector_store %arg7[%swap3A_1421, %swap3A_1422], %gather3A_1417 {strides = array<i32>} : memref<32x512xf32, #tpu.memory_space<vmem>>, vector<16xf32>,
        %broadcast_in_dim3A_1424 = arith.constant 30 : i32
        %broadcast_in_dim3A_1425 = vector.broadcast %broadcast_in_dim3A_1424 : i32 to vector<16xi32>
        %gather3A_1426 = tpu.vector_load_idx %arg5[%broadcast_in_dim3A_1425, %get3A_1153] : memref<32x1000xf32, #tpu.memory_space<vmem>>[vector<16xi32>, vector<16xi32>], vector<16xf32>,
        %mul3A_1427 = arith.constant 16 : i32
        %mul3A_1428 = arith.muli %add3A_1146, %mul3A_1427 : i32
        %swap3A_1429 = arith.constant 30 : i32
        %swap3A_1430 = arith.index_cast %swap3A_1429 : i32 to index
        %swap3A_1431 = arith.index_cast %mul3A_1428 : i32 to index
        %swap3A_1432 = tpu.vector_load %arg7[%swap3A_1430, %swap3A_1431] {strides = array<i32>} : memref<32x512xf32, #tpu.memory_space<vmem>>, vector<16xf32>,
        tpu.vector_store %arg7[%swap3A_1430, %swap3A_1431], %gather3A_1426 {strides = array<i32>} : memref<32x512xf32, #tpu.memory_space<vmem>>, vector<16xf32>,
        %broadcast_in_dim3A_1433 = arith.constant 31 : i32
        %broadcast_in_dim3A_1434 = vector.broadcast %broadcast_in_dim3A_1433 : i32 to vector<16xi32>
        %gather3A_1435 = tpu.vector_load_idx %arg5[%broadcast_in_dim3A_1434, %get3A_1153] : memref<32x1000xf32, #tpu.memory_space<vmem>>[vector<16xi32>, vector<16xi32>], vector<16xf32>,
        %mul3A_1436 = arith.constant 16 : i32
        %mul3A_1437 = arith.muli %add3A_1146, %mul3A_1436 : i32
        %swap3A_1438 = arith.constant 31 : i32
        %swap3A_1439 = arith.index_cast %swap3A_1438 : i32 to index
        %swap3A_1440 = arith.index_cast %mul3A_1437 : i32 to index
        %swap3A_1441 = tpu.vector_load %arg7[%swap3A_1439, %swap3A_1440] {strides = array<i32>} : memref<32x512xf32, #tpu.memory_space<vmem>>, vector<16xf32>,
        tpu.vector_store %arg7[%swap3A_1439, %swap3A_1440], %gather3A_1435 {strides = array<i32>} : memref<32x512xf32, #tpu.memory_space<vmem>>, vector<16xf32>,
        %mul3A_1442 = arith.constant 4 : i32
        %mul3A_1443 = arith.muli %mul3A_1442, %scan3A_548 : i32
        %add3A_1444 = arith.constant 3 : i32
        %add3A_1445 = arith.addi %mul3A_1443, %add3A_1444 : i32
        %mul3A_1446 = arith.constant 512 : i32
        %mul3A_1447 = arith.muli %add3A_479, %mul3A_1446 : i32
        %mul3A_1448 = arith.constant 16 : i32
        %mul3A_1449 = arith.muli %add3A_1445, %mul3A_1448 : i32
        %add3A_1450 = arith.addi %mul3A_1447, %mul3A_1449 : i32
        %get3A_1451 = arith.index_cast %add3A_1450 : i32 to index
        %get3A_1452 = tpu.vector_load %arg9[%get3A_1451] {strides = array<i32>} : memref<13312xi32, #tpu.memory_space<vmem>>, vector<16xi32>,
        %broadcast_in_dim3A_1453 = arith.constant 0 : i32
        %broadcast_in_dim3A_1454 = vector.broadcast %broadcast_in_dim3A_1453 : i32 to vector<16xi32>
        %gather3A_1455 = tpu.vector_load_idx %arg5[%broadcast_in_dim3A_1454, %get3A_1452] : memref<32x1000xf32, #tpu.memory_space<vmem>>[vector<16xi32>, vector<16xi32>], vector<16xf32>,
        %mul3A_1456 = arith.constant 16 : i32
        %mul3A_1457 = arith.muli %add3A_1445, %mul3A_1456 : i32
        %swap3A_1458 = arith.constant 0 : i32
        %swap3A_1459 = arith.index_cast %swap3A_1458 : i32 to index
        %swap3A_1460 = arith.index_cast %mul3A_1457 : i32 to index
        %swap3A_1461 = tpu.vector_load %arg7[%swap3A_1459, %swap3A_1460] {strides = array<i32>} : memref<32x512xf32, #tpu.memory_space<vmem>>, vector<16xf32>,
        tpu.vector_store %arg7[%swap3A_1459, %swap3A_1460], %gather3A_1455 {strides = array<i32>} : memref<32x512xf32, #tpu.memory_space<vmem>>, vector<16xf32>,
        %broadcast_in_dim3A_1462 = arith.constant 1 : i32
        %broadcast_in_dim3A_1463 = vector.broadcast %broadcast_in_dim3A_1462 : i32 to vector<16xi32>
        %gather3A_1464 = tpu.vector_load_idx %arg5[%broadcast_in_dim3A_1463, %get3A_1452] : memref<32x1000xf32, #tpu.memory_space<vmem>>[vector<16xi32>, vector<16xi32>], vector<16xf32>,
        %mul3A_1465 = arith.constant 16 : i32
        %mul3A_1466 = arith.muli %add3A_1445, %mul3A_1465 : i32
        %swap3A_1467 = arith.constant 1 : i32
        %swap3A_1468 = arith.index_cast %swap3A_1467 : i32 to index
        %swap3A_1469 = arith.index_cast %mul3A_1466 : i32 to index
        %swap3A_1470 = tpu.vector_load %arg7[%swap3A_1468, %swap3A_1469] {strides = array<i32>} : memref<32x512xf32, #tpu.memory_space<vmem>>, vector<16xf32>,
        tpu.vector_store %arg7[%swap3A_1468, %swap3A_1469], %gather3A_1464 {strides = array<i32>} : memref<32x512xf32, #tpu.memory_space<vmem>>, vector<16xf32>,
        %broadcast_in_dim3A_1471 = arith.constant 2 : i32
        %broadcast_in_dim3A_1472 = vector.broadcast %broadcast_in_dim3A_1471 : i32 to vector<16xi32>
        %gather3A_1473 = tpu.vector_load_idx %arg5[%broadcast_in_dim3A_1472, %get3A_1452] : memref<32x1000xf32, #tpu.memory_space<vmem>>[vector<16xi32>, vector<16xi32>], vector<16xf32>,
        %mul3A_1474 = arith.constant 16 : i32
        %mul3A_1475 = arith.muli %add3A_1445, %mul3A_1474 : i32
        %swap3A_1476 = arith.constant 2 : i32
        %swap3A_1477 = arith.index_cast %swap3A_1476 : i32 to index
        %swap3A_1478 = arith.index_cast %mul3A_1475 : i32 to index
        %swap3A_1479 = tpu.vector_load %arg7[%swap3A_1477, %swap3A_1478] {strides = array<i32>} : memref<32x512xf32, #tpu.memory_space<vmem>>, vector<16xf32>,
        tpu.vector_store %arg7[%swap3A_1477, %swap3A_1478], %gather3A_1473 {strides = array<i32>} : memref<32x512xf32, #tpu.memory_space<vmem>>, vector<16xf32>,
        %broadcast_in_dim3A_1480 = arith.constant 3 : i32
        %broadcast_in_dim3A_1481 = vector.broadcast %broadcast_in_dim3A_1480 : i32 to vector<16xi32>
        %gather3A_1482 = tpu.vector_load_idx %arg5[%broadcast_in_dim3A_1481, %get3A_1452] : memref<32x1000xf32, #tpu.memory_space<vmem>>[vector<16xi32>, vector<16xi32>], vector<16xf32>,
        %mul3A_1483 = arith.constant 16 : i32
        %mul3A_1484 = arith.muli %add3A_1445, %mul3A_1483 : i32
        %swap3A_1485 = arith.constant 3 : i32
        %swap3A_1486 = arith.index_cast %swap3A_1485 : i32 to index
        %swap3A_1487 = arith.index_cast %mul3A_1484 : i32 to index
        %swap3A_1488 = tpu.vector_load %arg7[%swap3A_1486, %swap3A_1487] {strides = array<i32>} : memref<32x512xf32, #tpu.memory_space<vmem>>, vector<16xf32>,
        tpu.vector_store %arg7[%swap3A_1486, %swap3A_1487], %gather3A_1482 {strides = array<i32>} : memref<32x512xf32, #tpu.memory_space<vmem>>, vector<16xf32>,
        %broadcast_in_dim3A_1489 = arith.constant 4 : i32
        %broadcast_in_dim3A_1490 = vector.broadcast %broadcast_in_dim3A_1489 : i32 to vector<16xi32>
        %gather3A_1491 = tpu.vector_load_idx %arg5[%broadcast_in_dim3A_1490, %get3A_1452] : memref<32x1000xf32, #tpu.memory_space<vmem>>[vector<16xi32>, vector<16xi32>], vector<16xf32>,
        %mul3A_1492 = arith.constant 16 : i32
        %mul3A_1493 = arith.muli %add3A_1445, %mul3A_1492 : i32
        %swap3A_1494 = arith.constant 4 : i32
        %swap3A_1495 = arith.index_cast %swap3A_1494 : i32 to index
        %swap3A_1496 = arith.index_cast %mul3A_1493 : i32 to index
        %swap3A_1497 = tpu.vector_load %arg7[%swap3A_1495, %swap3A_1496] {strides = array<i32>} : memref<32x512xf32, #tpu.memory_space<vmem>>, vector<16xf32>,
        tpu.vector_store %arg7[%swap3A_1495, %swap3A_1496], %gather3A_1491 {strides = array<i32>} : memref<32x512xf32, #tpu.memory_space<vmem>>, vector<16xf32>,
        %broadcast_in_dim3A_1498 = arith.constant 5 : i32
        %broadcast_in_dim3A_1499 = vector.broadcast %broadcast_in_dim3A_1498 : i32 to vector<16xi32>
        %gather3A_1500 = tpu.vector_load_idx %arg5[%broadcast_in_dim3A_1499, %get3A_1452] : memref<32x1000xf32, #tpu.memory_space<vmem>>[vector<16xi32>, vector<16xi32>], vector<16xf32>,
        %mul3A_1501 = arith.constant 16 : i32
        %mul3A_1502 = arith.muli %add3A_1445, %mul3A_1501 : i32
        %swap3A_1503 = arith.constant 5 : i32
        %swap3A_1504 = arith.index_cast %swap3A_1503 : i32 to index
        %swap3A_1505 = arith.index_cast %mul3A_1502 : i32 to index
        %swap3A_1506 = tpu.vector_load %arg7[%swap3A_1504, %swap3A_1505] {strides = array<i32>} : memref<32x512xf32, #tpu.memory_space<vmem>>, vector<16xf32>,
        tpu.vector_store %arg7[%swap3A_1504, %swap3A_1505], %gather3A_1500 {strides = array<i32>} : memref<32x512xf32, #tpu.memory_space<vmem>>, vector<16xf32>,
        %broadcast_in_dim3A_1507 = arith.constant 6 : i32
        %broadcast_in_dim3A_1508 = vector.broadcast %broadcast_in_dim3A_1507 : i32 to vector<16xi32>
        %gather3A_1509 = tpu.vector_load_idx %arg5[%broadcast_in_dim3A_1508, %get3A_1452] : memref<32x1000xf32, #tpu.memory_space<vmem>>[vector<16xi32>, vector<16xi32>], vector<16xf32>,
        %mul3A_1510 = arith.constant 16 : i32
        %mul3A_1511 = arith.muli %add3A_1445, %mul3A_1510 : i32
        %swap3A_1512 = arith.constant 6 : i32
        %swap3A_1513 = arith.index_cast %swap3A_1512 : i32 to index
        %swap3A_1514 = arith.index_cast %mul3A_1511 : i32 to index
        %swap3A_1515 = tpu.vector_load %arg7[%swap3A_1513, %swap3A_1514] {strides = array<i32>} : memref<32x512xf32, #tpu.memory_space<vmem>>, vector<16xf32>,
        tpu.vector_store %arg7[%swap3A_1513, %swap3A_1514], %gather3A_1509 {strides = array<i32>} : memref<32x512xf32, #tpu.memory_space<vmem>>, vector<16xf32>,
        %broadcast_in_dim3A_1516 = arith.constant 7 : i32
        %broadcast_in_dim3A_1517 = vector.broadcast %broadcast_in_dim3A_1516 : i32 to vector<16xi32>
        %gather3A_1518 = tpu.vector_load_idx %arg5[%broadcast_in_dim3A_1517, %get3A_1452] : memref<32x1000xf32, #tpu.memory_space<vmem>>[vector<16xi32>, vector<16xi32>], vector<16xf32>,
        %mul3A_1519 = arith.constant 16 : i32
        %mul3A_1520 = arith.muli %add3A_1445, %mul3A_1519 : i32
        %swap3A_1521 = arith.constant 7 : i32
        %swap3A_1522 = arith.index_cast %swap3A_1521 : i32 to index
        %swap3A_1523 = arith.index_cast %mul3A_1520 : i32 to index
        %swap3A_1524 = tpu.vector_load %arg7[%swap3A_1522, %swap3A_1523] {strides = array<i32>} : memref<32x512xf32, #tpu.memory_space<vmem>>, vector<16xf32>,
        tpu.vector_store %arg7[%swap3A_1522, %swap3A_1523], %gather3A_1518 {strides = array<i32>} : memref<32x512xf32, #tpu.memory_space<vmem>>, vector<16xf32>,
        %broadcast_in_dim3A_1525 = arith.constant 8 : i32
        %broadcast_in_dim3A_1526 = vector.broadcast %broadcast_in_dim3A_1525 : i32 to vector<16xi32>
        %gather3A_1527 = tpu.vector_load_idx %arg5[%broadcast_in_dim3A_1526, %get3A_1452] : memref<32x1000xf32, #tpu.memory_space<vmem>>[vector<16xi32>, vector<16xi32>], vector<16xf32>,
        %mul3A_1528 = arith.constant 16 : i32
        %mul3A_1529 = arith.muli %add3A_1445, %mul3A_1528 : i32
        %swap3A_1530 = arith.constant 8 : i32
        %swap3A_1531 = arith.index_cast %swap3A_1530 : i32 to index
        %swap3A_1532 = arith.index_cast %mul3A_1529 : i32 to index
        %swap3A_1533 = tpu.vector_load %arg7[%swap3A_1531, %swap3A_1532] {strides = array<i32>} : memref<32x512xf32, #tpu.memory_space<vmem>>, vector<16xf32>,
        tpu.vector_store %arg7[%swap3A_1531, %swap3A_1532], %gather3A_1527 {strides = array<i32>} : memref<32x512xf32, #tpu.memory_space<vmem>>, vector<16xf32>,
        %broadcast_in_dim3A_1534 = arith.constant 9 : i32
        %broadcast_in_dim3A_1535 = vector.broadcast %broadcast_in_dim3A_1534 : i32 to vector<16xi32>
        %gather3A_1536 = tpu.vector_load_idx %arg5[%broadcast_in_dim3A_1535, %get3A_1452] : memref<32x1000xf32, #tpu.memory_space<vmem>>[vector<16xi32>, vector<16xi32>], vector<16xf32>,
        %mul3A_1537 = arith.constant 16 : i32
        %mul3A_1538 = arith.muli %add3A_1445, %mul3A_1537 : i32
        %swap3A_1539 = arith.constant 9 : i32
        %swap3A_1540 = arith.index_cast %swap3A_1539 : i32 to index
        %swap3A_1541 = arith.index_cast %mul3A_1538 : i32 to index
        %swap3A_1542 = tpu.vector_load %arg7[%swap3A_1540, %swap3A_1541] {strides = array<i32>} : memref<32x512xf32, #tpu.memory_space<vmem>>, vector<16xf32>,
        tpu.vector_store %arg7[%swap3A_1540, %swap3A_1541], %gather3A_1536 {strides = array<i32>} : memref<32x512xf32, #tpu.memory_space<vmem>>, vector<16xf32>,
        %broadcast_in_dim3A_1543 = arith.constant 10 : i32
        %broadcast_in_dim3A_1544 = vector.broadcast %broadcast_in_dim3A_1543 : i32 to vector<16xi32>
        %gather3A_1545 = tpu.vector_load_idx %arg5[%broadcast_in_dim3A_1544, %get3A_1452] : memref<32x1000xf32, #tpu.memory_space<vmem>>[vector<16xi32>, vector<16xi32>], vector<16xf32>,
        %mul3A_1546 = arith.constant 16 : i32
        %mul3A_1547 = arith.muli %add3A_1445, %mul3A_1546 : i32
        %swap3A_1548 = arith.constant 10 : i32
        %swap3A_1549 = arith.index_cast %swap3A_1548 : i32 to index
        %swap3A_1550 = arith.index_cast %mul3A_1547 : i32 to index
        %swap3A_1551 = tpu.vector_load %arg7[%swap3A_1549, %swap3A_1550] {strides = array<i32>} : memref<32x512xf32, #tpu.memory_space<vmem>>, vector<16xf32>,
        tpu.vector_store %arg7[%swap3A_1549, %swap3A_1550], %gather3A_1545 {strides = array<i32>} : memref<32x512xf32, #tpu.memory_space<vmem>>, vector<16xf32>,
        %broadcast_in_dim3A_1552 = arith.constant 11 : i32
        %broadcast_in_dim3A_1553 = vector.broadcast %broadcast_in_dim3A_1552 : i32 to vector<16xi32>
        %gather3A_1554 = tpu.vector_load_idx %arg5[%broadcast_in_dim3A_1553, %get3A_1452] : memref<32x1000xf32, #tpu.memory_space<vmem>>[vector<16xi32>, vector<16xi32>], vector<16xf32>,
        %mul3A_1555 = arith.constant 16 : i32
        %mul3A_1556 = arith.muli %add3A_1445, %mul3A_1555 : i32
        %swap3A_1557 = arith.constant 11 : i32
        %swap3A_1558 = arith.index_cast %swap3A_1557 : i32 to index
        %swap3A_1559 = arith.index_cast %mul3A_1556 : i32 to index
        %swap3A_1560 = tpu.vector_load %arg7[%swap3A_1558, %swap3A_1559] {strides = array<i32>} : memref<32x512xf32, #tpu.memory_space<vmem>>, vector<16xf32>,
        tpu.vector_store %arg7[%swap3A_1558, %swap3A_1559], %gather3A_1554 {strides = array<i32>} : memref<32x512xf32, #tpu.memory_space<vmem>>, vector<16xf32>,
        %broadcast_in_dim3A_1561 = arith.constant 12 : i32
        %broadcast_in_dim3A_1562 = vector.broadcast %broadcast_in_dim3A_1561 : i32 to vector<16xi32>
        %gather3A_1563 = tpu.vector_load_idx %arg5[%broadcast_in_dim3A_1562, %get3A_1452] : memref<32x1000xf32, #tpu.memory_space<vmem>>[vector<16xi32>, vector<16xi32>], vector<16xf32>,
        %mul3A_1564 = arith.constant 16 : i32
        %mul3A_1565 = arith.muli %add3A_1445, %mul3A_1564 : i32
        %swap3A_1566 = arith.constant 12 : i32
        %swap3A_1567 = arith.index_cast %swap3A_1566 : i32 to index
        %swap3A_1568 = arith.index_cast %mul3A_1565 : i32 to index
        %swap3A_1569 = tpu.vector_load %arg7[%swap3A_1567, %swap3A_1568] {strides = array<i32>} : memref<32x512xf32, #tpu.memory_space<vmem>>, vector<16xf32>,
        tpu.vector_store %arg7[%swap3A_1567, %swap3A_1568], %gather3A_1563 {strides = array<i32>} : memref<32x512xf32, #tpu.memory_space<vmem>>, vector<16xf32>,
        %broadcast_in_dim3A_1570 = arith.constant 13 : i32
        %broadcast_in_dim3A_1571 = vector.broadcast %broadcast_in_dim3A_1570 : i32 to vector<16xi32>
        %gather3A_1572 = tpu.vector_load_idx %arg5[%broadcast_in_dim3A_1571, %get3A_1452] : memref<32x1000xf32, #tpu.memory_space<vmem>>[vector<16xi32>, vector<16xi32>], vector<16xf32>,
        %mul3A_1573 = arith.constant 16 : i32
        %mul3A_1574 = arith.muli %add3A_1445, %mul3A_1573 : i32
        %swap3A_1575 = arith.constant 13 : i32
        %swap3A_1576 = arith.index_cast %swap3A_1575 : i32 to index
        %swap3A_1577 = arith.index_cast %mul3A_1574 : i32 to index
        %swap3A_1578 = tpu.vector_load %arg7[%swap3A_1576, %swap3A_1577] {strides = array<i32>} : memref<32x512xf32, #tpu.memory_space<vmem>>, vector<16xf32>,
        tpu.vector_store %arg7[%swap3A_1576, %swap3A_1577], %gather3A_1572 {strides = array<i32>} : memref<32x512xf32, #tpu.memory_space<vmem>>, vector<16xf32>,
        %broadcast_in_dim3A_1579 = arith.constant 14 : i32
        %broadcast_in_dim3A_1580 = vector.broadcast %broadcast_in_dim3A_1579 : i32 to vector<16xi32>
        %gather3A_1581 = tpu.vector_load_idx %arg5[%broadcast_in_dim3A_1580, %get3A_1452] : memref<32x1000xf32, #tpu.memory_space<vmem>>[vector<16xi32>, vector<16xi32>], vector<16xf32>,
        %mul3A_1582 = arith.constant 16 : i32
        %mul3A_1583 = arith.muli %add3A_1445, %mul3A_1582 : i32
        %swap3A_1584 = arith.constant 14 : i32
        %swap3A_1585 = arith.index_cast %swap3A_1584 : i32 to index
        %swap3A_1586 = arith.index_cast %mul3A_1583 : i32 to index
        %swap3A_1587 = tpu.vector_load %arg7[%swap3A_1585, %swap3A_1586] {strides = array<i32>} : memref<32x512xf32, #tpu.memory_space<vmem>>, vector<16xf32>,
        tpu.vector_store %arg7[%swap3A_1585, %swap3A_1586], %gather3A_1581 {strides = array<i32>} : memref<32x512xf32, #tpu.memory_space<vmem>>, vector<16xf32>,
        %broadcast_in_dim3A_1588 = arith.constant 15 : i32
        %broadcast_in_dim3A_1589 = vector.broadcast %broadcast_in_dim3A_1588 : i32 to vector<16xi32>
        %gather3A_1590 = tpu.vector_load_idx %arg5[%broadcast_in_dim3A_1589, %get3A_1452] : memref<32x1000xf32, #tpu.memory_space<vmem>>[vector<16xi32>, vector<16xi32>], vector<16xf32>,
        %mul3A_1591 = arith.constant 16 : i32
        %mul3A_1592 = arith.muli %add3A_1445, %mul3A_1591 : i32
        %swap3A_1593 = arith.constant 15 : i32
        %swap3A_1594 = arith.index_cast %swap3A_1593 : i32 to index
        %swap3A_1595 = arith.index_cast %mul3A_1592 : i32 to index
        %swap3A_1596 = tpu.vector_load %arg7[%swap3A_1594, %swap3A_1595] {strides = array<i32>} : memref<32x512xf32, #tpu.memory_space<vmem>>, vector<16xf32>,
        tpu.vector_store %arg7[%swap3A_1594, %swap3A_1595], %gather3A_1590 {strides = array<i32>} : memref<32x512xf32, #tpu.memory_space<vmem>>, vector<16xf32>,
        %broadcast_in_dim3A_1597 = arith.constant 16 : i32
        %broadcast_in_dim3A_1598 = vector.broadcast %broadcast_in_dim3A_1597 : i32 to vector<16xi32>
        %gather3A_1599 = tpu.vector_load_idx %arg5[%broadcast_in_dim3A_1598, %get3A_1452] : memref<32x1000xf32, #tpu.memory_space<vmem>>[vector<16xi32>, vector<16xi32>], vector<16xf32>,
        %mul3A_1600 = arith.constant 16 : i32
        %mul3A_1601 = arith.muli %add3A_1445, %mul3A_1600 : i32
        %swap3A_1602 = arith.constant 16 : i32
        %swap3A_1603 = arith.index_cast %swap3A_1602 : i32 to index
        %swap3A_1604 = arith.index_cast %mul3A_1601 : i32 to index
        %swap3A_1605 = tpu.vector_load %arg7[%swap3A_1603, %swap3A_1604] {strides = array<i32>} : memref<32x512xf32, #tpu.memory_space<vmem>>, vector<16xf32>,
        tpu.vector_store %arg7[%swap3A_1603, %swap3A_1604], %gather3A_1599 {strides = array<i32>} : memref<32x512xf32, #tpu.memory_space<vmem>>, vector<16xf32>,
        %broadcast_in_dim3A_1606 = arith.constant 17 : i32
        %broadcast_in_dim3A_1607 = vector.broadcast %broadcast_in_dim3A_1606 : i32 to vector<16xi32>
        %gather3A_1608 = tpu.vector_load_idx %arg5[%broadcast_in_dim3A_1607, %get3A_1452] : memref<32x1000xf32, #tpu.memory_space<vmem>>[vector<16xi32>, vector<16xi32>], vector<16xf32>,
        %mul3A_1609 = arith.constant 16 : i32
        %mul3A_1610 = arith.muli %add3A_1445, %mul3A_1609 : i32
        %swap3A_1611 = arith.constant 17 : i32
        %swap3A_1612 = arith.index_cast %swap3A_1611 : i32 to index
        %swap3A_1613 = arith.index_cast %mul3A_1610 : i32 to index
        %swap3A_1614 = tpu.vector_load %arg7[%swap3A_1612, %swap3A_1613] {strides = array<i32>} : memref<32x512xf32, #tpu.memory_space<vmem>>, vector<16xf32>,
        tpu.vector_store %arg7[%swap3A_1612, %swap3A_1613], %gather3A_1608 {strides = array<i32>} : memref<32x512xf32, #tpu.memory_space<vmem>>, vector<16xf32>,
        %broadcast_in_dim3A_1615 = arith.constant 18 : i32
        %broadcast_in_dim3A_1616 = vector.broadcast %broadcast_in_dim3A_1615 : i32 to vector<16xi32>
        %gather3A_1617 = tpu.vector_load_idx %arg5[%broadcast_in_dim3A_1616, %get3A_1452] : memref<32x1000xf32, #tpu.memory_space<vmem>>[vector<16xi32>, vector<16xi32>], vector<16xf32>,
        %mul3A_1618 = arith.constant 16 : i32
        %mul3A_1619 = arith.muli %add3A_1445, %mul3A_1618 : i32
        %swap3A_1620 = arith.constant 18 : i32
        %swap3A_1621 = arith.index_cast %swap3A_1620 : i32 to index
        %swap3A_1622 = arith.index_cast %mul3A_1619 : i32 to index
        %swap3A_1623 = tpu.vector_load %arg7[%swap3A_1621, %swap3A_1622] {strides = array<i32>} : memref<32x512xf32, #tpu.memory_space<vmem>>, vector<16xf32>,
        tpu.vector_store %arg7[%swap3A_1621, %swap3A_1622], %gather3A_1617 {strides = array<i32>} : memref<32x512xf32, #tpu.memory_space<vmem>>, vector<16xf32>,
        %broadcast_in_dim3A_1624 = arith.constant 19 : i32
        %broadcast_in_dim3A_1625 = vector.broadcast %broadcast_in_dim3A_1624 : i32 to vector<16xi32>
        %gather3A_1626 = tpu.vector_load_idx %arg5[%broadcast_in_dim3A_1625, %get3A_1452] : memref<32x1000xf32, #tpu.memory_space<vmem>>[vector<16xi32>, vector<16xi32>], vector<16xf32>,
        %mul3A_1627 = arith.constant 16 : i32
        %mul3A_1628 = arith.muli %add3A_1445, %mul3A_1627 : i32
        %swap3A_1629 = arith.constant 19 : i32
        %swap3A_1630 = arith.index_cast %swap3A_1629 : i32 to index
        %swap3A_1631 = arith.index_cast %mul3A_1628 : i32 to index
        %swap3A_1632 = tpu.vector_load %arg7[%swap3A_1630, %swap3A_1631] {strides = array<i32>} : memref<32x512xf32, #tpu.memory_space<vmem>>, vector<16xf32>,
        tpu.vector_store %arg7[%swap3A_1630, %swap3A_1631], %gather3A_1626 {strides = array<i32>} : memref<32x512xf32, #tpu.memory_space<vmem>>, vector<16xf32>,
        %broadcast_in_dim3A_1633 = arith.constant 20 : i32
        %broadcast_in_dim3A_1634 = vector.broadcast %broadcast_in_dim3A_1633 : i32 to vector<16xi32>
        %gather3A_1635 = tpu.vector_load_idx %arg5[%broadcast_in_dim3A_1634, %get3A_1452] : memref<32x1000xf32, #tpu.memory_space<vmem>>[vector<16xi32>, vector<16xi32>], vector<16xf32>,
        %mul3A_1636 = arith.constant 16 : i32
        %mul3A_1637 = arith.muli %add3A_1445, %mul3A_1636 : i32
        %swap3A_1638 = arith.constant 20 : i32
        %swap3A_1639 = arith.index_cast %swap3A_1638 : i32 to index
        %swap3A_1640 = arith.index_cast %mul3A_1637 : i32 to index
        %swap3A_1641 = tpu.vector_load %arg7[%swap3A_1639, %swap3A_1640] {strides = array<i32>} : memref<32x512xf32, #tpu.memory_space<vmem>>, vector<16xf32>,
        tpu.vector_store %arg7[%swap3A_1639, %swap3A_1640], %gather3A_1635 {strides = array<i32>} : memref<32x512xf32, #tpu.memory_space<vmem>>, vector<16xf32>,
        %broadcast_in_dim3A_1642 = arith.constant 21 : i32
        %broadcast_in_dim3A_1643 = vector.broadcast %broadcast_in_dim3A_1642 : i32 to vector<16xi32>
        %gather3A_1644 = tpu.vector_load_idx %arg5[%broadcast_in_dim3A_1643, %get3A_1452] : memref<32x1000xf32, #tpu.memory_space<vmem>>[vector<16xi32>, vector<16xi32>], vector<16xf32>,
        %mul3A_1645 = arith.constant 16 : i32
        %mul3A_1646 = arith.muli %add3A_1445, %mul3A_1645 : i32
        %swap3A_1647 = arith.constant 21 : i32
        %swap3A_1648 = arith.index_cast %swap3A_1647 : i32 to index
        %swap3A_1649 = arith.index_cast %mul3A_1646 : i32 to index
        %swap3A_1650 = tpu.vector_load %arg7[%swap3A_1648, %swap3A_1649] {strides = array<i32>} : memref<32x512xf32, #tpu.memory_space<vmem>>, vector<16xf32>,
        tpu.vector_store %arg7[%swap3A_1648, %swap3A_1649], %gather3A_1644 {strides = array<i32>} : memref<32x512xf32, #tpu.memory_space<vmem>>, vector<16xf32>,
        %broadcast_in_dim3A_1651 = arith.constant 22 : i32
        %broadcast_in_dim3A_1652 = vector.broadcast %broadcast_in_dim3A_1651 : i32 to vector<16xi32>
        %gather3A_1653 = tpu.vector_load_idx %arg5[%broadcast_in_dim3A_1652, %get3A_1452] : memref<32x1000xf32, #tpu.memory_space<vmem>>[vector<16xi32>, vector<16xi32>], vector<16xf32>,
        %mul3A_1654 = arith.constant 16 : i32
        %mul3A_1655 = arith.muli %add3A_1445, %mul3A_1654 : i32
        %swap3A_1656 = arith.constant 22 : i32
        %swap3A_1657 = arith.index_cast %swap3A_1656 : i32 to index
        %swap3A_1658 = arith.index_cast %mul3A_1655 : i32 to index
        %swap3A_1659 = tpu.vector_load %arg7[%swap3A_1657, %swap3A_1658] {strides = array<i32>} : memref<32x512xf32, #tpu.memory_space<vmem>>, vector<16xf32>,
        tpu.vector_store %arg7[%swap3A_1657, %swap3A_1658], %gather3A_1653 {strides = array<i32>} : memref<32x512xf32, #tpu.memory_space<vmem>>, vector<16xf32>,
        %broadcast_in_dim3A_1660 = arith.constant 23 : i32
        %broadcast_in_dim3A_1661 = vector.broadcast %broadcast_in_dim3A_1660 : i32 to vector<16xi32>
        %gather3A_1662 = tpu.vector_load_idx %arg5[%broadcast_in_dim3A_1661, %get3A_1452] : memref<32x1000xf32, #tpu.memory_space<vmem>>[vector<16xi32>, vector<16xi32>], vector<16xf32>,
        %mul3A_1663 = arith.constant 16 : i32
        %mul3A_1664 = arith.muli %add3A_1445, %mul3A_1663 : i32
        %swap3A_1665 = arith.constant 23 : i32
        %swap3A_1666 = arith.index_cast %swap3A_1665 : i32 to index
        %swap3A_1667 = arith.index_cast %mul3A_1664 : i32 to index
        %swap3A_1668 = tpu.vector_load %arg7[%swap3A_1666, %swap3A_1667] {strides = array<i32>} : memref<32x512xf32, #tpu.memory_space<vmem>>, vector<16xf32>,
        tpu.vector_store %arg7[%swap3A_1666, %swap3A_1667], %gather3A_1662 {strides = array<i32>} : memref<32x512xf32, #tpu.memory_space<vmem>>, vector<16xf32>,
        %broadcast_in_dim3A_1669 = arith.constant 24 : i32
        %broadcast_in_dim3A_1670 = vector.broadcast %broadcast_in_dim3A_1669 : i32 to vector<16xi32>
        %gather3A_1671 = tpu.vector_load_idx %arg5[%broadcast_in_dim3A_1670, %get3A_1452] : memref<32x1000xf32, #tpu.memory_space<vmem>>[vector<16xi32>, vector<16xi32>], vector<16xf32>,
        %mul3A_1672 = arith.constant 16 : i32
        %mul3A_1673 = arith.muli %add3A_1445, %mul3A_1672 : i32
        %swap3A_1674 = arith.constant 24 : i32
        %swap3A_1675 = arith.index_cast %swap3A_1674 : i32 to index
        %swap3A_1676 = arith.index_cast %mul3A_1673 : i32 to index
        %swap3A_1677 = tpu.vector_load %arg7[%swap3A_1675, %swap3A_1676] {strides = array<i32>} : memref<32x512xf32, #tpu.memory_space<vmem>>, vector<16xf32>,
        tpu.vector_store %arg7[%swap3A_1675, %swap3A_1676], %gather3A_1671 {strides = array<i32>} : memref<32x512xf32, #tpu.memory_space<vmem>>, vector<16xf32>,
        %broadcast_in_dim3A_1678 = arith.constant 25 : i32
        %broadcast_in_dim3A_1679 = vector.broadcast %broadcast_in_dim3A_1678 : i32 to vector<16xi32>
        %gather3A_1680 = tpu.vector_load_idx %arg5[%broadcast_in_dim3A_1679, %get3A_1452] : memref<32x1000xf32, #tpu.memory_space<vmem>>[vector<16xi32>, vector<16xi32>], vector<16xf32>,
        %mul3A_1681 = arith.constant 16 : i32
        %mul3A_1682 = arith.muli %add3A_1445, %mul3A_1681 : i32
        %swap3A_1683 = arith.constant 25 : i32
        %swap3A_1684 = arith.index_cast %swap3A_1683 : i32 to index
        %swap3A_1685 = arith.index_cast %mul3A_1682 : i32 to index
        %swap3A_1686 = tpu.vector_load %arg7[%swap3A_1684, %swap3A_1685] {strides = array<i32>} : memref<32x512xf32, #tpu.memory_space<vmem>>, vector<16xf32>,
        tpu.vector_store %arg7[%swap3A_1684, %swap3A_1685], %gather3A_1680 {strides = array<i32>} : memref<32x512xf32, #tpu.memory_space<vmem>>, vector<16xf32>,
        %broadcast_in_dim3A_1687 = arith.constant 26 : i32
        %broadcast_in_dim3A_1688 = vector.broadcast %broadcast_in_dim3A_1687 : i32 to vector<16xi32>
        %gather3A_1689 = tpu.vector_load_idx %arg5[%broadcast_in_dim3A_1688, %get3A_1452] : memref<32x1000xf32, #tpu.memory_space<vmem>>[vector<16xi32>, vector<16xi32>], vector<16xf32>,
        %mul3A_1690 = arith.constant 16 : i32
        %mul3A_1691 = arith.muli %add3A_1445, %mul3A_1690 : i32
        %swap3A_1692 = arith.constant 26 : i32
        %swap3A_1693 = arith.index_cast %swap3A_1692 : i32 to index
        %swap3A_1694 = arith.index_cast %mul3A_1691 : i32 to index
        %swap3A_1695 = tpu.vector_load %arg7[%swap3A_1693, %swap3A_1694] {strides = array<i32>} : memref<32x512xf32, #tpu.memory_space<vmem>>, vector<16xf32>,
        tpu.vector_store %arg7[%swap3A_1693, %swap3A_1694], %gather3A_1689 {strides = array<i32>} : memref<32x512xf32, #tpu.memory_space<vmem>>, vector<16xf32>,
        %broadcast_in_dim3A_1696 = arith.constant 27 : i32
        %broadcast_in_dim3A_1697 = vector.broadcast %broadcast_in_dim3A_1696 : i32 to vector<16xi32>
        %gather3A_1698 = tpu.vector_load_idx %arg5[%broadcast_in_dim3A_1697, %get3A_1452] : memref<32x1000xf32, #tpu.memory_space<vmem>>[vector<16xi32>, vector<16xi32>], vector<16xf32>,
        %mul3A_1699 = arith.constant 16 : i32
        %mul3A_1700 = arith.muli %add3A_1445, %mul3A_1699 : i32
        %swap3A_1701 = arith.constant 27 : i32
        %swap3A_1702 = arith.index_cast %swap3A_1701 : i32 to index
        %swap3A_1703 = arith.index_cast %mul3A_1700 : i32 to index
        %swap3A_1704 = tpu.vector_load %arg7[%swap3A_1702, %swap3A_1703] {strides = array<i32>} : memref<32x512xf32, #tpu.memory_space<vmem>>, vector<16xf32>,
        tpu.vector_store %arg7[%swap3A_1702, %swap3A_1703], %gather3A_1698 {strides = array<i32>} : memref<32x512xf32, #tpu.memory_space<vmem>>, vector<16xf32>,
        %broadcast_in_dim3A_1705 = arith.constant 28 : i32
        %broadcast_in_dim3A_1706 = vector.broadcast %broadcast_in_dim3A_1705 : i32 to vector<16xi32>
        %gather3A_1707 = tpu.vector_load_idx %arg5[%broadcast_in_dim3A_1706, %get3A_1452] : memref<32x1000xf32, #tpu.memory_space<vmem>>[vector<16xi32>, vector<16xi32>], vector<16xf32>,
        %mul3A_1708 = arith.constant 16 : i32
        %mul3A_1709 = arith.muli %add3A_1445, %mul3A_1708 : i32
        %swap3A_1710 = arith.constant 28 : i32
        %swap3A_1711 = arith.index_cast %swap3A_1710 : i32 to index
        %swap3A_1712 = arith.index_cast %mul3A_1709 : i32 to index
        %swap3A_1713 = tpu.vector_load %arg7[%swap3A_1711, %swap3A_1712] {strides = array<i32>} : memref<32x512xf32, #tpu.memory_space<vmem>>, vector<16xf32>,
        tpu.vector_store %arg7[%swap3A_1711, %swap3A_1712], %gather3A_1707 {strides = array<i32>} : memref<32x512xf32, #tpu.memory_space<vmem>>, vector<16xf32>,
        %broadcast_in_dim3A_1714 = arith.constant 29 : i32
        %broadcast_in_dim3A_1715 = vector.broadcast %broadcast_in_dim3A_1714 : i32 to vector<16xi32>
        %gather3A_1716 = tpu.vector_load_idx %arg5[%broadcast_in_dim3A_1715, %get3A_1452] : memref<32x1000xf32, #tpu.memory_space<vmem>>[vector<16xi32>, vector<16xi32>], vector<16xf32>,
        %mul3A_1717 = arith.constant 16 : i32
        %mul3A_1718 = arith.muli %add3A_1445, %mul3A_1717 : i32
        %swap3A_1719 = arith.constant 29 : i32
        %swap3A_1720 = arith.index_cast %swap3A_1719 : i32 to index
        %swap3A_1721 = arith.index_cast %mul3A_1718 : i32 to index
        %swap3A_1722 = tpu.vector_load %arg7[%swap3A_1720, %swap3A_1721] {strides = array<i32>} : memref<32x512xf32, #tpu.memory_space<vmem>>, vector<16xf32>,
        tpu.vector_store %arg7[%swap3A_1720, %swap3A_1721], %gather3A_1716 {strides = array<i32>} : memref<32x512xf32, #tpu.memory_space<vmem>>, vector<16xf32>,
        %broadcast_in_dim3A_1723 = arith.constant 30 : i32
        %broadcast_in_dim3A_1724 = vector.broadcast %broadcast_in_dim3A_1723 : i32 to vector<16xi32>
        %gather3A_1725 = tpu.vector_load_idx %arg5[%broadcast_in_dim3A_1724, %get3A_1452] : memref<32x1000xf32, #tpu.memory_space<vmem>>[vector<16xi32>, vector<16xi32>], vector<16xf32>,
        %mul3A_1726 = arith.constant 16 : i32
        %mul3A_1727 = arith.muli %add3A_1445, %mul3A_1726 : i32
        %swap3A_1728 = arith.constant 30 : i32
        %swap3A_1729 = arith.index_cast %swap3A_1728 : i32 to index
        %swap3A_1730 = arith.index_cast %mul3A_1727 : i32 to index
        %swap3A_1731 = tpu.vector_load %arg7[%swap3A_1729, %swap3A_1730] {strides = array<i32>} : memref<32x512xf32, #tpu.memory_space<vmem>>, vector<16xf32>,
        tpu.vector_store %arg7[%swap3A_1729, %swap3A_1730], %gather3A_1725 {strides = array<i32>} : memref<32x512xf32, #tpu.memory_space<vmem>>, vector<16xf32>,
        %broadcast_in_dim3A_1732 = arith.constant 31 : i32
        %broadcast_in_dim3A_1733 = vector.broadcast %broadcast_in_dim3A_1732 : i32 to vector<16xi32>
        %gather3A_1734 = tpu.vector_load_idx %arg5[%broadcast_in_dim3A_1733, %get3A_1452] : memref<32x1000xf32, #tpu.memory_space<vmem>>[vector<16xi32>, vector<16xi32>], vector<16xf32>,
        %mul3A_1735 = arith.constant 16 : i32
        %mul3A_1736 = arith.muli %add3A_1445, %mul3A_1735 : i32
        %swap3A_1737 = arith.constant 31 : i32
        %swap3A_1738 = arith.index_cast %swap3A_1737 : i32 to index
        %swap3A_1739 = arith.index_cast %mul3A_1736 : i32 to index
        %swap3A_1740 = tpu.vector_load %arg7[%swap3A_1738, %swap3A_1739] {strides = array<i32>} : memref<32x512xf32, #tpu.memory_space<vmem>>, vector<16xf32>,
        tpu.vector_store %arg7[%swap3A_1738, %swap3A_1739], %gather3A_1734 {strides = array<i32>} : memref<32x512xf32, #tpu.memory_space<vmem>>, vector<16xf32>,
      }
      %scan3A_502 = arith.constant 8 : i32
      %mul3A_503 = arith.constant 832 : i32
      %mul3A_504 = arith.muli %select_n3A, %mul3A_503 : i32
      %mul3A_505 = arith.constant 32 : i32
      %mul3A_506 = arith.muli %add3A_479, %mul3A_505 : i32
      %add3A_507 = arith.addi %mul3A_504, %mul3A_506 : i32
      %dma_start3A_508 = tpu.memref_slice %arg4[%add3A_507, %mul3A_32] : memref<13312x1024xf32, #tpu.memory_space<hbm>> -> memref<32x512xf32, #tpu.memory_space<hbm>>
      %dma_start3A_509 = tpu.memref_slice %arg4[%add3A_507, %mul3A_32] : memref<13312x1024xf32, #tpu.memory_space<hbm>> -> memref<32x512xf32, #tpu.memory_space<hbm>>
      tpu.enqueue_dma source(%arg7 : memref<32x512xf32, #tpu.memory_space<vmem>>) target(%dma_start3A_509 : memref<32x512xf32, #tpu.memory_space<hbm>>) target_semaphore(%arg12 : memref<!tpu.dma_semaphore, #tpu.memory_space<semaphore_mem>>)
      %mul3A_510 = arith.constant 2 : i32
      %mul3A_511 = arith.muli %mul3A_510, %scan3A_474 : i32
      %add3A_512 = arith.constant 1 : i32
      %add3A_513 = arith.addi %mul3A_511, %add3A_512 : i32
      %dma_wait3A_514 = arith.constant 0 : i32
      %dma_wait3A_515 = arith.constant 0 : i32
      %dma_wait3A_516 = tpu.memref_slice %arg2[%select_n3A, %add3A_513, %dma_wait3A_514, %dma_wait3A_515] : memref<16x26x32x1000xf32, #tpu.memory_space<hbm>> -> memref<1x1x32x1000xf32, #tpu.memory_space<hbm>>
      %dma_wait3A_517 = tpu.memref_squeeze %dma_wait3A_516 : memref<1x1x32x1000xf32, #tpu.memory_space<hbm>> -> memref<32x1000xf32, #tpu.memory_space<hbm>>
      %dma_wait3A_518 = arith.constant 0 : i32
      %dma_wait3A_519 = arith.constant 0 : i32
      %dma_wait3A_520 = tpu.memref_slice %arg2[%select_n3A, %add3A_513, %dma_wait3A_518, %dma_wait3A_519] : memref<16x26x32x1000xf32, #tpu.memory_space<hbm>> -> memref<1x1x32x1000xf32, #tpu.memory_space<hbm>>
      %dma_wait3A_521 = tpu.memref_squeeze %dma_wait3A_520 : memref<1x1x32x1000xf32, #tpu.memory_space<hbm>> -> memref<32x1000xf32, #tpu.memory_space<hbm>>
      tpu.wait_dma2 semaphore(%arg11 : memref<!tpu.dma_semaphore, #tpu.memory_space<semaphore_mem>>) src(%dma_wait3A_521 : memref<32x1000xf32, #tpu.memory_space<hbm>>) dst(%arg6 : memref<32x1000xf32, #tpu.memory_space<vmem>>)
      %add3A_522 = arith.constant 1 : i32
      %add3A_523 = arith.addi %add3A_513, %add3A_522 : i32
      %lt3A_524 = arith.constant 26 : i32
      %lt3A_525 = arith.cmpi slt, %add3A_523, %lt3A_524 : i32
      %convert_element_type3A_526 = arith.extui %lt3A_525 : i1 to i32
      %cond3A_527 = arith.constant 0 : i32
      %cond3A_528 = arith.cmpi ne, %convert_element_type3A_526, %cond3A_527 : i32
      scf.if %cond3A_528 {
        %add3A_548 = arith.constant 1 : i32
        %add3A_549 = arith.addi %add3A_513, %add3A_548 : i32
        %dma_start3A_550 = arith.constant 0 : i32
        %dma_start3A_551 = arith.constant 0 : i32
        %dma_start3A_552 = tpu.memref_slice %arg2[%select_n3A, %add3A_549, %dma_start3A_550, %dma_start3A_551] : memref<16x26x32x1000xf32, #tpu.memory_space<hbm>> -> memref<1x1x32x1000xf32, #tpu.memory_space<hbm>>
        %dma_start3A_553 = tpu.memref_squeeze %dma_start3A_552 : memref<1x1x32x1000xf32, #tpu.memory_space<hbm>> -> memref<32x1000xf32, #tpu.memory_space<hbm>>
        %dma_start3A_554 = arith.constant 0 : i32
        %dma_start3A_555 = arith.constant 0 : i32
        %dma_start3A_556 = tpu.memref_slice %arg2[%select_n3A, %add3A_549, %dma_start3A_554, %dma_start3A_555] : memref<16x26x32x1000xf32, #tpu.memory_space<hbm>> -> memref<1x1x32x1000xf32, #tpu.memory_space<hbm>>
        %dma_start3A_557 = tpu.memref_squeeze %dma_start3A_556 : memref<1x1x32x1000xf32, #tpu.memory_space<hbm>> -> memref<32x1000xf32, #tpu.memory_space<hbm>>
        tpu.enqueue_dma source(%dma_start3A_557 : memref<32x1000xf32, #tpu.memory_space<hbm>>) target(%arg5 : memref<32x1000xf32, #tpu.memory_space<vmem>>) target_semaphore(%arg10 : memref<!tpu.dma_semaphore, #tpu.memory_space<semaphore_mem>>)
      } else {
      }
      %ge3A_529 = arith.constant 2 : i32
      %ge3A_530 = arith.cmpi sge, %add3A_513, %ge3A_529 : i32
      %convert_element_type3A_531 = arith.extui %ge3A_530 : i1 to i32
      %cond3A_532 = arith.constant 0 : i32
      %cond3A_533 = arith.cmpi ne, %convert_element_type3A_531, %cond3A_532 : i32
      scf.if %cond3A_533 {
        %sub3A_548 = arith.constant 2 : i32
        %sub3A_549 = arith.subi %add3A_513, %sub3A_548 : i32
        %mul3A_550 = arith.constant 832 : i32
        %mul3A_551 = arith.muli %select_n3A, %mul3A_550 : i32
        %mul3A_552 = arith.constant 32 : i32
        %mul3A_553 = arith.muli %sub3A_549, %mul3A_552 : i32
        %add3A_554 = arith.addi %mul3A_551, %mul3A_553 : i32
        %dma_wait3A_555 = tpu.memref_slice %arg4[%add3A_554, %mul3A_32] : memref<13312x1024xf32, #tpu.memory_space<hbm>> -> memref<32x512xf32, #tpu.memory_space<hbm>>
        %dma_wait3A_556 = tpu.memref_slice %arg4[%add3A_554, %mul3A_32] : memref<13312x1024xf32, #tpu.memory_space<hbm>> -> memref<32x512xf32, #tpu.memory_space<hbm>>
        tpu.wait_dma2 semaphore(%arg13 : memref<!tpu.dma_semaphore, #tpu.memory_space<semaphore_mem>>) src(%arg8 : memref<32x512xf32, #tpu.memory_space<vmem>>) dst(%dma_wait3A_556 : memref<32x512xf32, #tpu.memory_space<hbm>>)
      } else {
      }
      %scan3A_534 = arith.constant 0 : i32
      %scan3A_535 = arith.constant 0 : i32
      %scan3A_536 = arith.constant 8 : i32
      %scan3A_537 = arith.addi %scan3A_535, %scan3A_536 : i32
      %scan3A_538 = arith.constant 1 : i32
      scf.for %scan3A_548 = %scan3A_535 to %scan3A_537 step %scan3A_538  : i32 {
        %mul3A_549 = arith.constant 4 : i32
        %mul3A_550 = arith.muli %mul3A_549, %scan3A_548 : i32
        %add3A_551 = arith.constant 0 : i32
        %add3A_552 = arith.addi %mul3A_550, %add3A_551 : i32
        %mul3A_553 = arith.constant 512 : i32
        %mul3A_554 = arith.muli %add3A_513, %mul3A_553 : i32
        %mul3A_555 = arith.constant 16 : i32
        %mul3A_556 = arith.muli %add3A_552, %mul3A_555 : i32
        %add3A_557 = arith.addi %mul3A_554, %mul3A_556 : i32
        %get3A = arith.index_cast %add3A_557 : i32 to index
        %get3A_558 = tpu.vector_load %arg9[%get3A] {strides = array<i32>} : memref<13312xi32, #tpu.memory_space<vmem>>, vector<16xi32>,
        %broadcast_in_dim3A = arith.constant 0 : i32
        %broadcast_in_dim3A_559 = vector.broadcast %broadcast_in_dim3A : i32 to vector<16xi32>
        %gather3A = tpu.vector_load_idx %arg6[%broadcast_in_dim3A_559, %get3A_558] : memref<32x1000xf32, #tpu.memory_space<vmem>>[vector<16xi32>, vector<16xi32>], vector<16xf32>,
        %mul3A_560 = arith.constant 16 : i32
        %mul3A_561 = arith.muli %add3A_552, %mul3A_560 : i32
        %swap3A = arith.constant 0 : i32
        %swap3A_562 = arith.index_cast %swap3A : i32 to index
        %swap3A_563 = arith.index_cast %mul3A_561 : i32 to index
        %swap3A_564 = tpu.vector_load %arg8[%swap3A_562, %swap3A_563] {strides = array<i32>} : memref<32x512xf32, #tpu.memory_space<vmem>>, vector<16xf32>,
        tpu.vector_store %arg8[%swap3A_562, %swap3A_563], %gather3A {strides = array<i32>} : memref<32x512xf32, #tpu.memory_space<vmem>>, vector<16xf32>,
        %broadcast_in_dim3A_565 = arith.constant 1 : i32
        %broadcast_in_dim3A_566 = vector.broadcast %broadcast_in_dim3A_565 : i32 to vector<16xi32>
        %gather3A_567 = tpu.vector_load_idx %arg6[%broadcast_in_dim3A_566, %get3A_558] : memref<32x1000xf32, #tpu.memory_space<vmem>>[vector<16xi32>, vector<16xi32>], vector<16xf32>,
        %mul3A_568 = arith.constant 16 : i32
        %mul3A_569 = arith.muli %add3A_552, %mul3A_568 : i32
        %swap3A_570 = arith.constant 1 : i32
        %swap3A_571 = arith.index_cast %swap3A_570 : i32 to index
        %swap3A_572 = arith.index_cast %mul3A_569 : i32 to index
        %swap3A_573 = tpu.vector_load %arg8[%swap3A_571, %swap3A_572] {strides = array<i32>} : memref<32x512xf32, #tpu.memory_space<vmem>>, vector<16xf32>,
        tpu.vector_store %arg8[%swap3A_571, %swap3A_572], %gather3A_567 {strides = array<i32>} : memref<32x512xf32, #tpu.memory_space<vmem>>, vector<16xf32>,
        %broadcast_in_dim3A_574 = arith.constant 2 : i32
        %broadcast_in_dim3A_575 = vector.broadcast %broadcast_in_dim3A_574 : i32 to vector<16xi32>
        %gather3A_576 = tpu.vector_load_idx %arg6[%broadcast_in_dim3A_575, %get3A_558] : memref<32x1000xf32, #tpu.memory_space<vmem>>[vector<16xi32>, vector<16xi32>], vector<16xf32>,
        %mul3A_577 = arith.constant 16 : i32
        %mul3A_578 = arith.muli %add3A_552, %mul3A_577 : i32
        %swap3A_579 = arith.constant 2 : i32
        %swap3A_580 = arith.index_cast %swap3A_579 : i32 to index
        %swap3A_581 = arith.index_cast %mul3A_578 : i32 to index
        %swap3A_582 = tpu.vector_load %arg8[%swap3A_580, %swap3A_581] {strides = array<i32>} : memref<32x512xf32, #tpu.memory_space<vmem>>, vector<16xf32>,
        tpu.vector_store %arg8[%swap3A_580, %swap3A_581], %gather3A_576 {strides = array<i32>} : memref<32x512xf32, #tpu.memory_space<vmem>>, vector<16xf32>,
        %broadcast_in_dim3A_583 = arith.constant 3 : i32
        %broadcast_in_dim3A_584 = vector.broadcast %broadcast_in_dim3A_583 : i32 to vector<16xi32>
        %gather3A_585 = tpu.vector_load_idx %arg6[%broadcast_in_dim3A_584, %get3A_558] : memref<32x1000xf32, #tpu.memory_space<vmem>>[vector<16xi32>, vector<16xi32>], vector<16xf32>,
        %mul3A_586 = arith.constant 16 : i32
        %mul3A_587 = arith.muli %add3A_552, %mul3A_586 : i32
        %swap3A_588 = arith.constant 3 : i32
        %swap3A_589 = arith.index_cast %swap3A_588 : i32 to index
        %swap3A_590 = arith.index_cast %mul3A_587 : i32 to index
        %swap3A_591 = tpu.vector_load %arg8[%swap3A_589, %swap3A_590] {strides = array<i32>} : memref<32x512xf32, #tpu.memory_space<vmem>>, vector<16xf32>,
        tpu.vector_store %arg8[%swap3A_589, %swap3A_590], %gather3A_585 {strides = array<i32>} : memref<32x512xf32, #tpu.memory_space<vmem>>, vector<16xf32>,
        %broadcast_in_dim3A_592 = arith.constant 4 : i32
        %broadcast_in_dim3A_593 = vector.broadcast %broadcast_in_dim3A_592 : i32 to vector<16xi32>
        %gather3A_594 = tpu.vector_load_idx %arg6[%broadcast_in_dim3A_593, %get3A_558] : memref<32x1000xf32, #tpu.memory_space<vmem>>[vector<16xi32>, vector<16xi32>], vector<16xf32>,
        %mul3A_595 = arith.constant 16 : i32
        %mul3A_596 = arith.muli %add3A_552, %mul3A_595 : i32
        %swap3A_597 = arith.constant 4 : i32
        %swap3A_598 = arith.index_cast %swap3A_597 : i32 to index
        %swap3A_599 = arith.index_cast %mul3A_596 : i32 to index
        %swap3A_600 = tpu.vector_load %arg8[%swap3A_598, %swap3A_599] {strides = array<i32>} : memref<32x512xf32, #tpu.memory_space<vmem>>, vector<16xf32>,
        tpu.vector_store %arg8[%swap3A_598, %swap3A_599], %gather3A_594 {strides = array<i32>} : memref<32x512xf32, #tpu.memory_space<vmem>>, vector<16xf32>,
        %broadcast_in_dim3A_601 = arith.constant 5 : i32
        %broadcast_in_dim3A_602 = vector.broadcast %broadcast_in_dim3A_601 : i32 to vector<16xi32>
        %gather3A_603 = tpu.vector_load_idx %arg6[%broadcast_in_dim3A_602, %get3A_558] : memref<32x1000xf32, #tpu.memory_space<vmem>>[vector<16xi32>, vector<16xi32>], vector<16xf32>,
        %mul3A_604 = arith.constant 16 : i32
        %mul3A_605 = arith.muli %add3A_552, %mul3A_604 : i32
        %swap3A_606 = arith.constant 5 : i32
        %swap3A_607 = arith.index_cast %swap3A_606 : i32 to index
        %swap3A_608 = arith.index_cast %mul3A_605 : i32 to index
        %swap3A_609 = tpu.vector_load %arg8[%swap3A_607, %swap3A_608] {strides = array<i32>} : memref<32x512xf32, #tpu.memory_space<vmem>>, vector<16xf32>,
        tpu.vector_store %arg8[%swap3A_607, %swap3A_608], %gather3A_603 {strides = array<i32>} : memref<32x512xf32, #tpu.memory_space<vmem>>, vector<16xf32>,
        %broadcast_in_dim3A_610 = arith.constant 6 : i32
        %broadcast_in_dim3A_611 = vector.broadcast %broadcast_in_dim3A_610 : i32 to vector<16xi32>
        %gather3A_612 = tpu.vector_load_idx %arg6[%broadcast_in_dim3A_611, %get3A_558] : memref<32x1000xf32, #tpu.memory_space<vmem>>[vector<16xi32>, vector<16xi32>], vector<16xf32>,
        %mul3A_613 = arith.constant 16 : i32
        %mul3A_614 = arith.muli %add3A_552, %mul3A_613 : i32
        %swap3A_615 = arith.constant 6 : i32
        %swap3A_616 = arith.index_cast %swap3A_615 : i32 to index
        %swap3A_617 = arith.index_cast %mul3A_614 : i32 to index
        %swap3A_618 = tpu.vector_load %arg8[%swap3A_616, %swap3A_617] {strides = array<i32>} : memref<32x512xf32, #tpu.memory_space<vmem>>, vector<16xf32>,
        tpu.vector_store %arg8[%swap3A_616, %swap3A_617], %gather3A_612 {strides = array<i32>} : memref<32x512xf32, #tpu.memory_space<vmem>>, vector<16xf32>,
        %broadcast_in_dim3A_619 = arith.constant 7 : i32
        %broadcast_in_dim3A_620 = vector.broadcast %broadcast_in_dim3A_619 : i32 to vector<16xi32>
        %gather3A_621 = tpu.vector_load_idx %arg6[%broadcast_in_dim3A_620, %get3A_558] : memref<32x1000xf32, #tpu.memory_space<vmem>>[vector<16xi32>, vector<16xi32>], vector<16xf32>,
        %mul3A_622 = arith.constant 16 : i32
        %mul3A_623 = arith.muli %add3A_552, %mul3A_622 : i32
        %swap3A_624 = arith.constant 7 : i32
        %swap3A_625 = arith.index_cast %swap3A_624 : i32 to index
        %swap3A_626 = arith.index_cast %mul3A_623 : i32 to index
        %swap3A_627 = tpu.vector_load %arg8[%swap3A_625, %swap3A_626] {strides = array<i32>} : memref<32x512xf32, #tpu.memory_space<vmem>>, vector<16xf32>,
        tpu.vector_store %arg8[%swap3A_625, %swap3A_626], %gather3A_621 {strides = array<i32>} : memref<32x512xf32, #tpu.memory_space<vmem>>, vector<16xf32>,
        %broadcast_in_dim3A_628 = arith.constant 8 : i32
        %broadcast_in_dim3A_629 = vector.broadcast %broadcast_in_dim3A_628 : i32 to vector<16xi32>
        %gather3A_630 = tpu.vector_load_idx %arg6[%broadcast_in_dim3A_629, %get3A_558] : memref<32x1000xf32, #tpu.memory_space<vmem>>[vector<16xi32>, vector<16xi32>], vector<16xf32>,
        %mul3A_631 = arith.constant 16 : i32
        %mul3A_632 = arith.muli %add3A_552, %mul3A_631 : i32
        %swap3A_633 = arith.constant 8 : i32
        %swap3A_634 = arith.index_cast %swap3A_633 : i32 to index
        %swap3A_635 = arith.index_cast %mul3A_632 : i32 to index
        %swap3A_636 = tpu.vector_load %arg8[%swap3A_634, %swap3A_635] {strides = array<i32>} : memref<32x512xf32, #tpu.memory_space<vmem>>, vector<16xf32>,
        tpu.vector_store %arg8[%swap3A_634, %swap3A_635], %gather3A_630 {strides = array<i32>} : memref<32x512xf32, #tpu.memory_space<vmem>>, vector<16xf32>,
        %broadcast_in_dim3A_637 = arith.constant 9 : i32
        %broadcast_in_dim3A_638 = vector.broadcast %broadcast_in_dim3A_637 : i32 to vector<16xi32>
        %gather3A_639 = tpu.vector_load_idx %arg6[%broadcast_in_dim3A_638, %get3A_558] : memref<32x1000xf32, #tpu.memory_space<vmem>>[vector<16xi32>, vector<16xi32>], vector<16xf32>,
        %mul3A_640 = arith.constant 16 : i32
        %mul3A_641 = arith.muli %add3A_552, %mul3A_640 : i32
        %swap3A_642 = arith.constant 9 : i32
        %swap3A_643 = arith.index_cast %swap3A_642 : i32 to index
        %swap3A_644 = arith.index_cast %mul3A_641 : i32 to index
        %swap3A_645 = tpu.vector_load %arg8[%swap3A_643, %swap3A_644] {strides = array<i32>} : memref<32x512xf32, #tpu.memory_space<vmem>>, vector<16xf32>,
        tpu.vector_store %arg8[%swap3A_643, %swap3A_644], %gather3A_639 {strides = array<i32>} : memref<32x512xf32, #tpu.memory_space<vmem>>, vector<16xf32>,
        %broadcast_in_dim3A_646 = arith.constant 10 : i32
        %broadcast_in_dim3A_647 = vector.broadcast %broadcast_in_dim3A_646 : i32 to vector<16xi32>
        %gather3A_648 = tpu.vector_load_idx %arg6[%broadcast_in_dim3A_647, %get3A_558] : memref<32x1000xf32, #tpu.memory_space<vmem>>[vector<16xi32>, vector<16xi32>], vector<16xf32>,
        %mul3A_649 = arith.constant 16 : i32
        %mul3A_650 = arith.muli %add3A_552, %mul3A_649 : i32
        %swap3A_651 = arith.constant 10 : i32
        %swap3A_652 = arith.index_cast %swap3A_651 : i32 to index
        %swap3A_653 = arith.index_cast %mul3A_650 : i32 to index
        %swap3A_654 = tpu.vector_load %arg8[%swap3A_652, %swap3A_653] {strides = array<i32>} : memref<32x512xf32, #tpu.memory_space<vmem>>, vector<16xf32>,
        tpu.vector_store %arg8[%swap3A_652, %swap3A_653], %gather3A_648 {strides = array<i32>} : memref<32x512xf32, #tpu.memory_space<vmem>>, vector<16xf32>,
        %broadcast_in_dim3A_655 = arith.constant 11 : i32
        %broadcast_in_dim3A_656 = vector.broadcast %broadcast_in_dim3A_655 : i32 to vector<16xi32>
        %gather3A_657 = tpu.vector_load_idx %arg6[%broadcast_in_dim3A_656, %get3A_558] : memref<32x1000xf32, #tpu.memory_space<vmem>>[vector<16xi32>, vector<16xi32>], vector<16xf32>,
        %mul3A_658 = arith.constant 16 : i32
        %mul3A_659 = arith.muli %add3A_552, %mul3A_658 : i32
        %swap3A_660 = arith.constant 11 : i32
        %swap3A_661 = arith.index_cast %swap3A_660 : i32 to index
        %swap3A_662 = arith.index_cast %mul3A_659 : i32 to index
        %swap3A_663 = tpu.vector_load %arg8[%swap3A_661, %swap3A_662] {strides = array<i32>} : memref<32x512xf32, #tpu.memory_space<vmem>>, vector<16xf32>,
        tpu.vector_store %arg8[%swap3A_661, %swap3A_662], %gather3A_657 {strides = array<i32>} : memref<32x512xf32, #tpu.memory_space<vmem>>, vector<16xf32>,
        %broadcast_in_dim3A_664 = arith.constant 12 : i32
        %broadcast_in_dim3A_665 = vector.broadcast %broadcast_in_dim3A_664 : i32 to vector<16xi32>
        %gather3A_666 = tpu.vector_load_idx %arg6[%broadcast_in_dim3A_665, %get3A_558] : memref<32x1000xf32, #tpu.memory_space<vmem>>[vector<16xi32>, vector<16xi32>], vector<16xf32>,
        %mul3A_667 = arith.constant 16 : i32
        %mul3A_668 = arith.muli %add3A_552, %mul3A_667 : i32
        %swap3A_669 = arith.constant 12 : i32
        %swap3A_670 = arith.index_cast %swap3A_669 : i32 to index
        %swap3A_671 = arith.index_cast %mul3A_668 : i32 to index
        %swap3A_672 = tpu.vector_load %arg8[%swap3A_670, %swap3A_671] {strides = array<i32>} : memref<32x512xf32, #tpu.memory_space<vmem>>, vector<16xf32>,
        tpu.vector_store %arg8[%swap3A_670, %swap3A_671], %gather3A_666 {strides = array<i32>} : memref<32x512xf32, #tpu.memory_space<vmem>>, vector<16xf32>,
        %broadcast_in_dim3A_673 = arith.constant 13 : i32
        %broadcast_in_dim3A_674 = vector.broadcast %broadcast_in_dim3A_673 : i32 to vector<16xi32>
        %gather3A_675 = tpu.vector_load_idx %arg6[%broadcast_in_dim3A_674, %get3A_558] : memref<32x1000xf32, #tpu.memory_space<vmem>>[vector<16xi32>, vector<16xi32>], vector<16xf32>,
        %mul3A_676 = arith.constant 16 : i32
        %mul3A_677 = arith.muli %add3A_552, %mul3A_676 : i32
        %swap3A_678 = arith.constant 13 : i32
        %swap3A_679 = arith.index_cast %swap3A_678 : i32 to index
        %swap3A_680 = arith.index_cast %mul3A_677 : i32 to index
        %swap3A_681 = tpu.vector_load %arg8[%swap3A_679, %swap3A_680] {strides = array<i32>} : memref<32x512xf32, #tpu.memory_space<vmem>>, vector<16xf32>,
        tpu.vector_store %arg8[%swap3A_679, %swap3A_680], %gather3A_675 {strides = array<i32>} : memref<32x512xf32, #tpu.memory_space<vmem>>, vector<16xf32>,
        %broadcast_in_dim3A_682 = arith.constant 14 : i32
        %broadcast_in_dim3A_683 = vector.broadcast %broadcast_in_dim3A_682 : i32 to vector<16xi32>
        %gather3A_684 = tpu.vector_load_idx %arg6[%broadcast_in_dim3A_683, %get3A_558] : memref<32x1000xf32, #tpu.memory_space<vmem>>[vector<16xi32>, vector<16xi32>], vector<16xf32>,
        %mul3A_685 = arith.constant 16 : i32
        %mul3A_686 = arith.muli %add3A_552, %mul3A_685 : i32
        %swap3A_687 = arith.constant 14 : i32
        %swap3A_688 = arith.index_cast %swap3A_687 : i32 to index
        %swap3A_689 = arith.index_cast %mul3A_686 : i32 to index
        %swap3A_690 = tpu.vector_load %arg8[%swap3A_688, %swap3A_689] {strides = array<i32>} : memref<32x512xf32, #tpu.memory_space<vmem>>, vector<16xf32>,
        tpu.vector_store %arg8[%swap3A_688, %swap3A_689], %gather3A_684 {strides = array<i32>} : memref<32x512xf32, #tpu.memory_space<vmem>>, vector<16xf32>,
        %broadcast_in_dim3A_691 = arith.constant 15 : i32
        %broadcast_in_dim3A_692 = vector.broadcast %broadcast_in_dim3A_691 : i32 to vector<16xi32>
        %gather3A_693 = tpu.vector_load_idx %arg6[%broadcast_in_dim3A_692, %get3A_558] : memref<32x1000xf32, #tpu.memory_space<vmem>>[vector<16xi32>, vector<16xi32>], vector<16xf32>,
        %mul3A_694 = arith.constant 16 : i32
        %mul3A_695 = arith.muli %add3A_552, %mul3A_694 : i32
        %swap3A_696 = arith.constant 15 : i32
        %swap3A_697 = arith.index_cast %swap3A_696 : i32 to index
        %swap3A_698 = arith.index_cast %mul3A_695 : i32 to index
        %swap3A_699 = tpu.vector_load %arg8[%swap3A_697, %swap3A_698] {strides = array<i32>} : memref<32x512xf32, #tpu.memory_space<vmem>>, vector<16xf32>,
        tpu.vector_store %arg8[%swap3A_697, %swap3A_698], %gather3A_693 {strides = array<i32>} : memref<32x512xf32, #tpu.memory_space<vmem>>, vector<16xf32>,
        %broadcast_in_dim3A_700 = arith.constant 16 : i32
        %broadcast_in_dim3A_701 = vector.broadcast %broadcast_in_dim3A_700 : i32 to vector<16xi32>
        %gather3A_702 = tpu.vector_load_idx %arg6[%broadcast_in_dim3A_701, %get3A_558] : memref<32x1000xf32, #tpu.memory_space<vmem>>[vector<16xi32>, vector<16xi32>], vector<16xf32>,
        %mul3A_703 = arith.constant 16 : i32
        %mul3A_704 = arith.muli %add3A_552, %mul3A_703 : i32
        %swap3A_705 = arith.constant 16 : i32
        %swap3A_706 = arith.index_cast %swap3A_705 : i32 to index
        %swap3A_707 = arith.index_cast %mul3A_704 : i32 to index
        %swap3A_708 = tpu.vector_load %arg8[%swap3A_706, %swap3A_707] {strides = array<i32>} : memref<32x512xf32, #tpu.memory_space<vmem>>, vector<16xf32>,
        tpu.vector_store %arg8[%swap3A_706, %swap3A_707], %gather3A_702 {strides = array<i32>} : memref<32x512xf32, #tpu.memory_space<vmem>>, vector<16xf32>,
        %broadcast_in_dim3A_709 = arith.constant 17 : i32
        %broadcast_in_dim3A_710 = vector.broadcast %broadcast_in_dim3A_709 : i32 to vector<16xi32>
        %gather3A_711 = tpu.vector_load_idx %arg6[%broadcast_in_dim3A_710, %get3A_558] : memref<32x1000xf32, #tpu.memory_space<vmem>>[vector<16xi32>, vector<16xi32>], vector<16xf32>,
        %mul3A_712 = arith.constant 16 : i32
        %mul3A_713 = arith.muli %add3A_552, %mul3A_712 : i32
        %swap3A_714 = arith.constant 17 : i32
        %swap3A_715 = arith.index_cast %swap3A_714 : i32 to index
        %swap3A_716 = arith.index_cast %mul3A_713 : i32 to index
        %swap3A_717 = tpu.vector_load %arg8[%swap3A_715, %swap3A_716] {strides = array<i32>} : memref<32x512xf32, #tpu.memory_space<vmem>>, vector<16xf32>,
        tpu.vector_store %arg8[%swap3A_715, %swap3A_716], %gather3A_711 {strides = array<i32>} : memref<32x512xf32, #tpu.memory_space<vmem>>, vector<16xf32>,
        %broadcast_in_dim3A_718 = arith.constant 18 : i32
        %broadcast_in_dim3A_719 = vector.broadcast %broadcast_in_dim3A_718 : i32 to vector<16xi32>
        %gather3A_720 = tpu.vector_load_idx %arg6[%broadcast_in_dim3A_719, %get3A_558] : memref<32x1000xf32, #tpu.memory_space<vmem>>[vector<16xi32>, vector<16xi32>], vector<16xf32>,
        %mul3A_721 = arith.constant 16 : i32
        %mul3A_722 = arith.muli %add3A_552, %mul3A_721 : i32
        %swap3A_723 = arith.constant 18 : i32
        %swap3A_724 = arith.index_cast %swap3A_723 : i32 to index
        %swap3A_725 = arith.index_cast %mul3A_722 : i32 to index
        %swap3A_726 = tpu.vector_load %arg8[%swap3A_724, %swap3A_725] {strides = array<i32>} : memref<32x512xf32, #tpu.memory_space<vmem>>, vector<16xf32>,
        tpu.vector_store %arg8[%swap3A_724, %swap3A_725], %gather3A_720 {strides = array<i32>} : memref<32x512xf32, #tpu.memory_space<vmem>>, vector<16xf32>,
        %broadcast_in_dim3A_727 = arith.constant 19 : i32
        %broadcast_in_dim3A_728 = vector.broadcast %broadcast_in_dim3A_727 : i32 to vector<16xi32>
        %gather3A_729 = tpu.vector_load_idx %arg6[%broadcast_in_dim3A_728, %get3A_558] : memref<32x1000xf32, #tpu.memory_space<vmem>>[vector<16xi32>, vector<16xi32>], vector<16xf32>,
        %mul3A_730 = arith.constant 16 : i32
        %mul3A_731 = arith.muli %add3A_552, %mul3A_730 : i32
        %swap3A_732 = arith.constant 19 : i32
        %swap3A_733 = arith.index_cast %swap3A_732 : i32 to index
        %swap3A_734 = arith.index_cast %mul3A_731 : i32 to index
        %swap3A_735 = tpu.vector_load %arg8[%swap3A_733, %swap3A_734] {strides = array<i32>} : memref<32x512xf32, #tpu.memory_space<vmem>>, vector<16xf32>,
        tpu.vector_store %arg8[%swap3A_733, %swap3A_734], %gather3A_729 {strides = array<i32>} : memref<32x512xf32, #tpu.memory_space<vmem>>, vector<16xf32>,
        %broadcast_in_dim3A_736 = arith.constant 20 : i32
        %broadcast_in_dim3A_737 = vector.broadcast %broadcast_in_dim3A_736 : i32 to vector<16xi32>
        %gather3A_738 = tpu.vector_load_idx %arg6[%broadcast_in_dim3A_737, %get3A_558] : memref<32x1000xf32, #tpu.memory_space<vmem>>[vector<16xi32>, vector<16xi32>], vector<16xf32>,
        %mul3A_739 = arith.constant 16 : i32
        %mul3A_740 = arith.muli %add3A_552, %mul3A_739 : i32
        %swap3A_741 = arith.constant 20 : i32
        %swap3A_742 = arith.index_cast %swap3A_741 : i32 to index
        %swap3A_743 = arith.index_cast %mul3A_740 : i32 to index
        %swap3A_744 = tpu.vector_load %arg8[%swap3A_742, %swap3A_743] {strides = array<i32>} : memref<32x512xf32, #tpu.memory_space<vmem>>, vector<16xf32>,
        tpu.vector_store %arg8[%swap3A_742, %swap3A_743], %gather3A_738 {strides = array<i32>} : memref<32x512xf32, #tpu.memory_space<vmem>>, vector<16xf32>,
        %broadcast_in_dim3A_745 = arith.constant 21 : i32
        %broadcast_in_dim3A_746 = vector.broadcast %broadcast_in_dim3A_745 : i32 to vector<16xi32>
        %gather3A_747 = tpu.vector_load_idx %arg6[%broadcast_in_dim3A_746, %get3A_558] : memref<32x1000xf32, #tpu.memory_space<vmem>>[vector<16xi32>, vector<16xi32>], vector<16xf32>,
        %mul3A_748 = arith.constant 16 : i32
        %mul3A_749 = arith.muli %add3A_552, %mul3A_748 : i32
        %swap3A_750 = arith.constant 21 : i32
        %swap3A_751 = arith.index_cast %swap3A_750 : i32 to index
        %swap3A_752 = arith.index_cast %mul3A_749 : i32 to index
        %swap3A_753 = tpu.vector_load %arg8[%swap3A_751, %swap3A_752] {strides = array<i32>} : memref<32x512xf32, #tpu.memory_space<vmem>>, vector<16xf32>,
        tpu.vector_store %arg8[%swap3A_751, %swap3A_752], %gather3A_747 {strides = array<i32>} : memref<32x512xf32, #tpu.memory_space<vmem>>, vector<16xf32>,
        %broadcast_in_dim3A_754 = arith.constant 22 : i32
        %broadcast_in_dim3A_755 = vector.broadcast %broadcast_in_dim3A_754 : i32 to vector<16xi32>
        %gather3A_756 = tpu.vector_load_idx %arg6[%broadcast_in_dim3A_755, %get3A_558] : memref<32x1000xf32, #tpu.memory_space<vmem>>[vector<16xi32>, vector<16xi32>], vector<16xf32>,
        %mul3A_757 = arith.constant 16 : i32
        %mul3A_758 = arith.muli %add3A_552, %mul3A_757 : i32
        %swap3A_759 = arith.constant 22 : i32
        %swap3A_760 = arith.index_cast %swap3A_759 : i32 to index
        %swap3A_761 = arith.index_cast %mul3A_758 : i32 to index
        %swap3A_762 = tpu.vector_load %arg8[%swap3A_760, %swap3A_761] {strides = array<i32>} : memref<32x512xf32, #tpu.memory_space<vmem>>, vector<16xf32>,
        tpu.vector_store %arg8[%swap3A_760, %swap3A_761], %gather3A_756 {strides = array<i32>} : memref<32x512xf32, #tpu.memory_space<vmem>>, vector<16xf32>,
        %broadcast_in_dim3A_763 = arith.constant 23 : i32
        %broadcast_in_dim3A_764 = vector.broadcast %broadcast_in_dim3A_763 : i32 to vector<16xi32>
        %gather3A_765 = tpu.vector_load_idx %arg6[%broadcast_in_dim3A_764, %get3A_558] : memref<32x1000xf32, #tpu.memory_space<vmem>>[vector<16xi32>, vector<16xi32>], vector<16xf32>,
        %mul3A_766 = arith.constant 16 : i32
        %mul3A_767 = arith.muli %add3A_552, %mul3A_766 : i32
        %swap3A_768 = arith.constant 23 : i32
        %swap3A_769 = arith.index_cast %swap3A_768 : i32 to index
        %swap3A_770 = arith.index_cast %mul3A_767 : i32 to index
        %swap3A_771 = tpu.vector_load %arg8[%swap3A_769, %swap3A_770] {strides = array<i32>} : memref<32x512xf32, #tpu.memory_space<vmem>>, vector<16xf32>,
        tpu.vector_store %arg8[%swap3A_769, %swap3A_770], %gather3A_765 {strides = array<i32>} : memref<32x512xf32, #tpu.memory_space<vmem>>, vector<16xf32>,
        %broadcast_in_dim3A_772 = arith.constant 24 : i32
        %broadcast_in_dim3A_773 = vector.broadcast %broadcast_in_dim3A_772 : i32 to vector<16xi32>
        %gather3A_774 = tpu.vector_load_idx %arg6[%broadcast_in_dim3A_773, %get3A_558] : memref<32x1000xf32, #tpu.memory_space<vmem>>[vector<16xi32>, vector<16xi32>], vector<16xf32>,
        %mul3A_775 = arith.constant 16 : i32
        %mul3A_776 = arith.muli %add3A_552, %mul3A_775 : i32
        %swap3A_777 = arith.constant 24 : i32
        %swap3A_778 = arith.index_cast %swap3A_777 : i32 to index
        %swap3A_779 = arith.index_cast %mul3A_776 : i32 to index
        %swap3A_780 = tpu.vector_load %arg8[%swap3A_778, %swap3A_779] {strides = array<i32>} : memref<32x512xf32, #tpu.memory_space<vmem>>, vector<16xf32>,
        tpu.vector_store %arg8[%swap3A_778, %swap3A_779], %gather3A_774 {strides = array<i32>} : memref<32x512xf32, #tpu.memory_space<vmem>>, vector<16xf32>,
        %broadcast_in_dim3A_781 = arith.constant 25 : i32
        %broadcast_in_dim3A_782 = vector.broadcast %broadcast_in_dim3A_781 : i32 to vector<16xi32>
        %gather3A_783 = tpu.vector_load_idx %arg6[%broadcast_in_dim3A_782, %get3A_558] : memref<32x1000xf32, #tpu.memory_space<vmem>>[vector<16xi32>, vector<16xi32>], vector<16xf32>,
        %mul3A_784 = arith.constant 16 : i32
        %mul3A_785 = arith.muli %add3A_552, %mul3A_784 : i32
        %swap3A_786 = arith.constant 25 : i32
        %swap3A_787 = arith.index_cast %swap3A_786 : i32 to index
        %swap3A_788 = arith.index_cast %mul3A_785 : i32 to index
        %swap3A_789 = tpu.vector_load %arg8[%swap3A_787, %swap3A_788] {strides = array<i32>} : memref<32x512xf32, #tpu.memory_space<vmem>>, vector<16xf32>,
        tpu.vector_store %arg8[%swap3A_787, %swap3A_788], %gather3A_783 {strides = array<i32>} : memref<32x512xf32, #tpu.memory_space<vmem>>, vector<16xf32>,
        %broadcast_in_dim3A_790 = arith.constant 26 : i32
        %broadcast_in_dim3A_791 = vector.broadcast %broadcast_in_dim3A_790 : i32 to vector<16xi32>
        %gather3A_792 = tpu.vector_load_idx %arg6[%broadcast_in_dim3A_791, %get3A_558] : memref<32x1000xf32, #tpu.memory_space<vmem>>[vector<16xi32>, vector<16xi32>], vector<16xf32>,
        %mul3A_793 = arith.constant 16 : i32
        %mul3A_794 = arith.muli %add3A_552, %mul3A_793 : i32
        %swap3A_795 = arith.constant 26 : i32
        %swap3A_796 = arith.index_cast %swap3A_795 : i32 to index
        %swap3A_797 = arith.index_cast %mul3A_794 : i32 to index
        %swap3A_798 = tpu.vector_load %arg8[%swap3A_796, %swap3A_797] {strides = array<i32>} : memref<32x512xf32, #tpu.memory_space<vmem>>, vector<16xf32>,
        tpu.vector_store %arg8[%swap3A_796, %swap3A_797], %gather3A_792 {strides = array<i32>} : memref<32x512xf32, #tpu.memory_space<vmem>>, vector<16xf32>,
        %broadcast_in_dim3A_799 = arith.constant 27 : i32
        %broadcast_in_dim3A_800 = vector.broadcast %broadcast_in_dim3A_799 : i32 to vector<16xi32>
        %gather3A_801 = tpu.vector_load_idx %arg6[%broadcast_in_dim3A_800, %get3A_558] : memref<32x1000xf32, #tpu.memory_space<vmem>>[vector<16xi32>, vector<16xi32>], vector<16xf32>,
        %mul3A_802 = arith.constant 16 : i32
        %mul3A_803 = arith.muli %add3A_552, %mul3A_802 : i32
        %swap3A_804 = arith.constant 27 : i32
        %swap3A_805 = arith.index_cast %swap3A_804 : i32 to index
        %swap3A_806 = arith.index_cast %mul3A_803 : i32 to index
        %swap3A_807 = tpu.vector_load %arg8[%swap3A_805, %swap3A_806] {strides = array<i32>} : memref<32x512xf32, #tpu.memory_space<vmem>>, vector<16xf32>,
        tpu.vector_store %arg8[%swap3A_805, %swap3A_806], %gather3A_801 {strides = array<i32>} : memref<32x512xf32, #tpu.memory_space<vmem>>, vector<16xf32>,
        %broadcast_in_dim3A_808 = arith.constant 28 : i32
        %broadcast_in_dim3A_809 = vector.broadcast %broadcast_in_dim3A_808 : i32 to vector<16xi32>
        %gather3A_810 = tpu.vector_load_idx %arg6[%broadcast_in_dim3A_809, %get3A_558] : memref<32x1000xf32, #tpu.memory_space<vmem>>[vector<16xi32>, vector<16xi32>], vector<16xf32>,
        %mul3A_811 = arith.constant 16 : i32
        %mul3A_812 = arith.muli %add3A_552, %mul3A_811 : i32
        %swap3A_813 = arith.constant 28 : i32
        %swap3A_814 = arith.index_cast %swap3A_813 : i32 to index
        %swap3A_815 = arith.index_cast %mul3A_812 : i32 to index
        %swap3A_816 = tpu.vector_load %arg8[%swap3A_814, %swap3A_815] {strides = array<i32>} : memref<32x512xf32, #tpu.memory_space<vmem>>, vector<16xf32>,
        tpu.vector_store %arg8[%swap3A_814, %swap3A_815], %gather3A_810 {strides = array<i32>} : memref<32x512xf32, #tpu.memory_space<vmem>>, vector<16xf32>,
        %broadcast_in_dim3A_817 = arith.constant 29 : i32
        %broadcast_in_dim3A_818 = vector.broadcast %broadcast_in_dim3A_817 : i32 to vector<16xi32>
        %gather3A_819 = tpu.vector_load_idx %arg6[%broadcast_in_dim3A_818, %get3A_558] : memref<32x1000xf32, #tpu.memory_space<vmem>>[vector<16xi32>, vector<16xi32>], vector<16xf32>,
        %mul3A_820 = arith.constant 16 : i32
        %mul3A_821 = arith.muli %add3A_552, %mul3A_820 : i32
        %swap3A_822 = arith.constant 29 : i32
        %swap3A_823 = arith.index_cast %swap3A_822 : i32 to index
        %swap3A_824 = arith.index_cast %mul3A_821 : i32 to index
        %swap3A_825 = tpu.vector_load %arg8[%swap3A_823, %swap3A_824] {strides = array<i32>} : memref<32x512xf32, #tpu.memory_space<vmem>>, vector<16xf32>,
        tpu.vector_store %arg8[%swap3A_823, %swap3A_824], %gather3A_819 {strides = array<i32>} : memref<32x512xf32, #tpu.memory_space<vmem>>, vector<16xf32>,
        %broadcast_in_dim3A_826 = arith.constant 30 : i32
        %broadcast_in_dim3A_827 = vector.broadcast %broadcast_in_dim3A_826 : i32 to vector<16xi32>
        %gather3A_828 = tpu.vector_load_idx %arg6[%broadcast_in_dim3A_827, %get3A_558] : memref<32x1000xf32, #tpu.memory_space<vmem>>[vector<16xi32>, vector<16xi32>], vector<16xf32>,
        %mul3A_829 = arith.constant 16 : i32
        %mul3A_830 = arith.muli %add3A_552, %mul3A_829 : i32
        %swap3A_831 = arith.constant 30 : i32
        %swap3A_832 = arith.index_cast %swap3A_831 : i32 to index
        %swap3A_833 = arith.index_cast %mul3A_830 : i32 to index
        %swap3A_834 = tpu.vector_load %arg8[%swap3A_832, %swap3A_833] {strides = array<i32>} : memref<32x512xf32, #tpu.memory_space<vmem>>, vector<16xf32>,
        tpu.vector_store %arg8[%swap3A_832, %swap3A_833], %gather3A_828 {strides = array<i32>} : memref<32x512xf32, #tpu.memory_space<vmem>>, vector<16xf32>,
        %broadcast_in_dim3A_835 = arith.constant 31 : i32
        %broadcast_in_dim3A_836 = vector.broadcast %broadcast_in_dim3A_835 : i32 to vector<16xi32>
        %gather3A_837 = tpu.vector_load_idx %arg6[%broadcast_in_dim3A_836, %get3A_558] : memref<32x1000xf32, #tpu.memory_space<vmem>>[vector<16xi32>, vector<16xi32>], vector<16xf32>,
        %mul3A_838 = arith.constant 16 : i32
        %mul3A_839 = arith.muli %add3A_552, %mul3A_838 : i32
        %swap3A_840 = arith.constant 31 : i32
        %swap3A_841 = arith.index_cast %swap3A_840 : i32 to index
        %swap3A_842 = arith.index_cast %mul3A_839 : i32 to index
        %swap3A_843 = tpu.vector_load %arg8[%swap3A_841, %swap3A_842] {strides = array<i32>} : memref<32x512xf32, #tpu.memory_space<vmem>>, vector<16xf32>,
        tpu.vector_store %arg8[%swap3A_841, %swap3A_842], %gather3A_837 {strides = array<i32>} : memref<32x512xf32, #tpu.memory_space<vmem>>, vector<16xf32>,
        %mul3A_844 = arith.constant 4 : i32
        %mul3A_845 = arith.muli %mul3A_844, %scan3A_548 : i32
        %add3A_846 = arith.constant 1 : i32
        %add3A_847 = arith.addi %mul3A_845, %add3A_846 : i32
        %mul3A_848 = arith.constant 512 : i32
        %mul3A_849 = arith.muli %add3A_513, %mul3A_848 : i32
        %mul3A_850 = arith.constant 16 : i32
        %mul3A_851 = arith.muli %add3A_847, %mul3A_850 : i32
        %add3A_852 = arith.addi %mul3A_849, %mul3A_851 : i32
        %get3A_853 = arith.index_cast %add3A_852 : i32 to index
        %get3A_854 = tpu.vector_load %arg9[%get3A_853] {strides = array<i32>} : memref<13312xi32, #tpu.memory_space<vmem>>, vector<16xi32>,
        %broadcast_in_dim3A_855 = arith.constant 0 : i32
        %broadcast_in_dim3A_856 = vector.broadcast %broadcast_in_dim3A_855 : i32 to vector<16xi32>
        %gather3A_857 = tpu.vector_load_idx %arg6[%broadcast_in_dim3A_856, %get3A_854] : memref<32x1000xf32, #tpu.memory_space<vmem>>[vector<16xi32>, vector<16xi32>], vector<16xf32>,
        %mul3A_858 = arith.constant 16 : i32
        %mul3A_859 = arith.muli %add3A_847, %mul3A_858 : i32
        %swap3A_860 = arith.constant 0 : i32
        %swap3A_861 = arith.index_cast %swap3A_860 : i32 to index
        %swap3A_862 = arith.index_cast %mul3A_859 : i32 to index
        %swap3A_863 = tpu.vector_load %arg8[%swap3A_861, %swap3A_862] {strides = array<i32>} : memref<32x512xf32, #tpu.memory_space<vmem>>, vector<16xf32>,
        tpu.vector_store %arg8[%swap3A_861, %swap3A_862], %gather3A_857 {strides = array<i32>} : memref<32x512xf32, #tpu.memory_space<vmem>>, vector<16xf32>,
        %broadcast_in_dim3A_864 = arith.constant 1 : i32
        %broadcast_in_dim3A_865 = vector.broadcast %broadcast_in_dim3A_864 : i32 to vector<16xi32>
        %gather3A_866 = tpu.vector_load_idx %arg6[%broadcast_in_dim3A_865, %get3A_854] : memref<32x1000xf32, #tpu.memory_space<vmem>>[vector<16xi32>, vector<16xi32>], vector<16xf32>,
        %mul3A_867 = arith.constant 16 : i32
        %mul3A_868 = arith.muli %add3A_847, %mul3A_867 : i32
        %swap3A_869 = arith.constant 1 : i32
        %swap3A_870 = arith.index_cast %swap3A_869 : i32 to index
        %swap3A_871 = arith.index_cast %mul3A_868 : i32 to index
        %swap3A_872 = tpu.vector_load %arg8[%swap3A_870, %swap3A_871] {strides = array<i32>} : memref<32x512xf32, #tpu.memory_space<vmem>>, vector<16xf32>,
        tpu.vector_store %arg8[%swap3A_870, %swap3A_871], %gather3A_866 {strides = array<i32>} : memref<32x512xf32, #tpu.memory_space<vmem>>, vector<16xf32>,
        %broadcast_in_dim3A_873 = arith.constant 2 : i32
        %broadcast_in_dim3A_874 = vector.broadcast %broadcast_in_dim3A_873 : i32 to vector<16xi32>
        %gather3A_875 = tpu.vector_load_idx %arg6[%broadcast_in_dim3A_874, %get3A_854] : memref<32x1000xf32, #tpu.memory_space<vmem>>[vector<16xi32>, vector<16xi32>], vector<16xf32>,
        %mul3A_876 = arith.constant 16 : i32
        %mul3A_877 = arith.muli %add3A_847, %mul3A_876 : i32
        %swap3A_878 = arith.constant 2 : i32
        %swap3A_879 = arith.index_cast %swap3A_878 : i32 to index
        %swap3A_880 = arith.index_cast %mul3A_877 : i32 to index
        %swap3A_881 = tpu.vector_load %arg8[%swap3A_879, %swap3A_880] {strides = array<i32>} : memref<32x512xf32, #tpu.memory_space<vmem>>, vector<16xf32>,
        tpu.vector_store %arg8[%swap3A_879, %swap3A_880], %gather3A_875 {strides = array<i32>} : memref<32x512xf32, #tpu.memory_space<vmem>>, vector<16xf32>,
        %broadcast_in_dim3A_882 = arith.constant 3 : i32
        %broadcast_in_dim3A_883 = vector.broadcast %broadcast_in_dim3A_882 : i32 to vector<16xi32>
        %gather3A_884 = tpu.vector_load_idx %arg6[%broadcast_in_dim3A_883, %get3A_854] : memref<32x1000xf32, #tpu.memory_space<vmem>>[vector<16xi32>, vector<16xi32>], vector<16xf32>,
        %mul3A_885 = arith.constant 16 : i32
        %mul3A_886 = arith.muli %add3A_847, %mul3A_885 : i32
        %swap3A_887 = arith.constant 3 : i32
        %swap3A_888 = arith.index_cast %swap3A_887 : i32 to index
        %swap3A_889 = arith.index_cast %mul3A_886 : i32 to index
        %swap3A_890 = tpu.vector_load %arg8[%swap3A_888, %swap3A_889] {strides = array<i32>} : memref<32x512xf32, #tpu.memory_space<vmem>>, vector<16xf32>,
        tpu.vector_store %arg8[%swap3A_888, %swap3A_889], %gather3A_884 {strides = array<i32>} : memref<32x512xf32, #tpu.memory_space<vmem>>, vector<16xf32>,
        %broadcast_in_dim3A_891 = arith.constant 4 : i32
        %broadcast_in_dim3A_892 = vector.broadcast %broadcast_in_dim3A_891 : i32 to vector<16xi32>
        %gather3A_893 = tpu.vector_load_idx %arg6[%broadcast_in_dim3A_892, %get3A_854] : memref<32x1000xf32, #tpu.memory_space<vmem>>[vector<16xi32>, vector<16xi32>], vector<16xf32>,
        %mul3A_894 = arith.constant 16 : i32
        %mul3A_895 = arith.muli %add3A_847, %mul3A_894 : i32
        %swap3A_896 = arith.constant 4 : i32
        %swap3A_897 = arith.index_cast %swap3A_896 : i32 to index
        %swap3A_898 = arith.index_cast %mul3A_895 : i32 to index
        %swap3A_899 = tpu.vector_load %arg8[%swap3A_897, %swap3A_898] {strides = array<i32>} : memref<32x512xf32, #tpu.memory_space<vmem>>, vector<16xf32>,
        tpu.vector_store %arg8[%swap3A_897, %swap3A_898], %gather3A_893 {strides = array<i32>} : memref<32x512xf32, #tpu.memory_space<vmem>>, vector<16xf32>,
        %broadcast_in_dim3A_900 = arith.constant 5 : i32
        %broadcast_in_dim3A_901 = vector.broadcast %broadcast_in_dim3A_900 : i32 to vector<16xi32>
        %gather3A_902 = tpu.vector_load_idx %arg6[%broadcast_in_dim3A_901, %get3A_854] : memref<32x1000xf32, #tpu.memory_space<vmem>>[vector<16xi32>, vector<16xi32>], vector<16xf32>,
        %mul3A_903 = arith.constant 16 : i32
        %mul3A_904 = arith.muli %add3A_847, %mul3A_903 : i32
        %swap3A_905 = arith.constant 5 : i32
        %swap3A_906 = arith.index_cast %swap3A_905 : i32 to index
        %swap3A_907 = arith.index_cast %mul3A_904 : i32 to index
        %swap3A_908 = tpu.vector_load %arg8[%swap3A_906, %swap3A_907] {strides = array<i32>} : memref<32x512xf32, #tpu.memory_space<vmem>>, vector<16xf32>,
        tpu.vector_store %arg8[%swap3A_906, %swap3A_907], %gather3A_902 {strides = array<i32>} : memref<32x512xf32, #tpu.memory_space<vmem>>, vector<16xf32>,
        %broadcast_in_dim3A_909 = arith.constant 6 : i32
        %broadcast_in_dim3A_910 = vector.broadcast %broadcast_in_dim3A_909 : i32 to vector<16xi32>
        %gather3A_911 = tpu.vector_load_idx %arg6[%broadcast_in_dim3A_910, %get3A_854] : memref<32x1000xf32, #tpu.memory_space<vmem>>[vector<16xi32>, vector<16xi32>], vector<16xf32>,
        %mul3A_912 = arith.constant 16 : i32
        %mul3A_913 = arith.muli %add3A_847, %mul3A_912 : i32
        %swap3A_914 = arith.constant 6 : i32
        %swap3A_915 = arith.index_cast %swap3A_914 : i32 to index
        %swap3A_916 = arith.index_cast %mul3A_913 : i32 to index
        %swap3A_917 = tpu.vector_load %arg8[%swap3A_915, %swap3A_916] {strides = array<i32>} : memref<32x512xf32, #tpu.memory_space<vmem>>, vector<16xf32>,
        tpu.vector_store %arg8[%swap3A_915, %swap3A_916], %gather3A_911 {strides = array<i32>} : memref<32x512xf32, #tpu.memory_space<vmem>>, vector<16xf32>,
        %broadcast_in_dim3A_918 = arith.constant 7 : i32
        %broadcast_in_dim3A_919 = vector.broadcast %broadcast_in_dim3A_918 : i32 to vector<16xi32>
        %gather3A_920 = tpu.vector_load_idx %arg6[%broadcast_in_dim3A_919, %get3A_854] : memref<32x1000xf32, #tpu.memory_space<vmem>>[vector<16xi32>, vector<16xi32>], vector<16xf32>,
        %mul3A_921 = arith.constant 16 : i32
        %mul3A_922 = arith.muli %add3A_847, %mul3A_921 : i32
        %swap3A_923 = arith.constant 7 : i32
        %swap3A_924 = arith.index_cast %swap3A_923 : i32 to index
        %swap3A_925 = arith.index_cast %mul3A_922 : i32 to index
        %swap3A_926 = tpu.vector_load %arg8[%swap3A_924, %swap3A_925] {strides = array<i32>} : memref<32x512xf32, #tpu.memory_space<vmem>>, vector<16xf32>,
        tpu.vector_store %arg8[%swap3A_924, %swap3A_925], %gather3A_920 {strides = array<i32>} : memref<32x512xf32, #tpu.memory_space<vmem>>, vector<16xf32>,
        %broadcast_in_dim3A_927 = arith.constant 8 : i32
        %broadcast_in_dim3A_928 = vector.broadcast %broadcast_in_dim3A_927 : i32 to vector<16xi32>
        %gather3A_929 = tpu.vector_load_idx %arg6[%broadcast_in_dim3A_928, %get3A_854] : memref<32x1000xf32, #tpu.memory_space<vmem>>[vector<16xi32>, vector<16xi32>], vector<16xf32>,
        %mul3A_930 = arith.constant 16 : i32
        %mul3A_931 = arith.muli %add3A_847, %mul3A_930 : i32
        %swap3A_932 = arith.constant 8 : i32
        %swap3A_933 = arith.index_cast %swap3A_932 : i32 to index
        %swap3A_934 = arith.index_cast %mul3A_931 : i32 to index
        %swap3A_935 = tpu.vector_load %arg8[%swap3A_933, %swap3A_934] {strides = array<i32>} : memref<32x512xf32, #tpu.memory_space<vmem>>, vector<16xf32>,
        tpu.vector_store %arg8[%swap3A_933, %swap3A_934], %gather3A_929 {strides = array<i32>} : memref<32x512xf32, #tpu.memory_space<vmem>>, vector<16xf32>,
        %broadcast_in_dim3A_936 = arith.constant 9 : i32
        %broadcast_in_dim3A_937 = vector.broadcast %broadcast_in_dim3A_936 : i32 to vector<16xi32>
        %gather3A_938 = tpu.vector_load_idx %arg6[%broadcast_in_dim3A_937, %get3A_854] : memref<32x1000xf32, #tpu.memory_space<vmem>>[vector<16xi32>, vector<16xi32>], vector<16xf32>,
        %mul3A_939 = arith.constant 16 : i32
        %mul3A_940 = arith.muli %add3A_847, %mul3A_939 : i32
        %swap3A_941 = arith.constant 9 : i32
        %swap3A_942 = arith.index_cast %swap3A_941 : i32 to index
        %swap3A_943 = arith.index_cast %mul3A_940 : i32 to index
        %swap3A_944 = tpu.vector_load %arg8[%swap3A_942, %swap3A_943] {strides = array<i32>} : memref<32x512xf32, #tpu.memory_space<vmem>>, vector<16xf32>,
        tpu.vector_store %arg8[%swap3A_942, %swap3A_943], %gather3A_938 {strides = array<i32>} : memref<32x512xf32, #tpu.memory_space<vmem>>, vector<16xf32>,
        %broadcast_in_dim3A_945 = arith.constant 10 : i32
        %broadcast_in_dim3A_946 = vector.broadcast %broadcast_in_dim3A_945 : i32 to vector<16xi32>
        %gather3A_947 = tpu.vector_load_idx %arg6[%broadcast_in_dim3A_946, %get3A_854] : memref<32x1000xf32, #tpu.memory_space<vmem>>[vector<16xi32>, vector<16xi32>], vector<16xf32>,
        %mul3A_948 = arith.constant 16 : i32
        %mul3A_949 = arith.muli %add3A_847, %mul3A_948 : i32
        %swap3A_950 = arith.constant 10 : i32
        %swap3A_951 = arith.index_cast %swap3A_950 : i32 to index
        %swap3A_952 = arith.index_cast %mul3A_949 : i32 to index
        %swap3A_953 = tpu.vector_load %arg8[%swap3A_951, %swap3A_952] {strides = array<i32>} : memref<32x512xf32, #tpu.memory_space<vmem>>, vector<16xf32>,
        tpu.vector_store %arg8[%swap3A_951, %swap3A_952], %gather3A_947 {strides = array<i32>} : memref<32x512xf32, #tpu.memory_space<vmem>>, vector<16xf32>,
        %broadcast_in_dim3A_954 = arith.constant 11 : i32
        %broadcast_in_dim3A_955 = vector.broadcast %broadcast_in_dim3A_954 : i32 to vector<16xi32>
        %gather3A_956 = tpu.vector_load_idx %arg6[%broadcast_in_dim3A_955, %get3A_854] : memref<32x1000xf32, #tpu.memory_space<vmem>>[vector<16xi32>, vector<16xi32>], vector<16xf32>,
        %mul3A_957 = arith.constant 16 : i32
        %mul3A_958 = arith.muli %add3A_847, %mul3A_957 : i32
        %swap3A_959 = arith.constant 11 : i32
        %swap3A_960 = arith.index_cast %swap3A_959 : i32 to index
        %swap3A_961 = arith.index_cast %mul3A_958 : i32 to index
        %swap3A_962 = tpu.vector_load %arg8[%swap3A_960, %swap3A_961] {strides = array<i32>} : memref<32x512xf32, #tpu.memory_space<vmem>>, vector<16xf32>,
        tpu.vector_store %arg8[%swap3A_960, %swap3A_961], %gather3A_956 {strides = array<i32>} : memref<32x512xf32, #tpu.memory_space<vmem>>, vector<16xf32>,
        %broadcast_in_dim3A_963 = arith.constant 12 : i32
        %broadcast_in_dim3A_964 = vector.broadcast %broadcast_in_dim3A_963 : i32 to vector<16xi32>
        %gather3A_965 = tpu.vector_load_idx %arg6[%broadcast_in_dim3A_964, %get3A_854] : memref<32x1000xf32, #tpu.memory_space<vmem>>[vector<16xi32>, vector<16xi32>], vector<16xf32>,
        %mul3A_966 = arith.constant 16 : i32
        %mul3A_967 = arith.muli %add3A_847, %mul3A_966 : i32
        %swap3A_968 = arith.constant 12 : i32
        %swap3A_969 = arith.index_cast %swap3A_968 : i32 to index
        %swap3A_970 = arith.index_cast %mul3A_967 : i32 to index
        %swap3A_971 = tpu.vector_load %arg8[%swap3A_969, %swap3A_970] {strides = array<i32>} : memref<32x512xf32, #tpu.memory_space<vmem>>, vector<16xf32>,
        tpu.vector_store %arg8[%swap3A_969, %swap3A_970], %gather3A_965 {strides = array<i32>} : memref<32x512xf32, #tpu.memory_space<vmem>>, vector<16xf32>,
        %broadcast_in_dim3A_972 = arith.constant 13 : i32
        %broadcast_in_dim3A_973 = vector.broadcast %broadcast_in_dim3A_972 : i32 to vector<16xi32>
        %gather3A_974 = tpu.vector_load_idx %arg6[%broadcast_in_dim3A_973, %get3A_854] : memref<32x1000xf32, #tpu.memory_space<vmem>>[vector<16xi32>, vector<16xi32>], vector<16xf32>,
        %mul3A_975 = arith.constant 16 : i32
        %mul3A_976 = arith.muli %add3A_847, %mul3A_975 : i32
        %swap3A_977 = arith.constant 13 : i32
        %swap3A_978 = arith.index_cast %swap3A_977 : i32 to index
        %swap3A_979 = arith.index_cast %mul3A_976 : i32 to index
        %swap3A_980 = tpu.vector_load %arg8[%swap3A_978, %swap3A_979] {strides = array<i32>} : memref<32x512xf32, #tpu.memory_space<vmem>>, vector<16xf32>,
        tpu.vector_store %arg8[%swap3A_978, %swap3A_979], %gather3A_974 {strides = array<i32>} : memref<32x512xf32, #tpu.memory_space<vmem>>, vector<16xf32>,
        %broadcast_in_dim3A_981 = arith.constant 14 : i32
        %broadcast_in_dim3A_982 = vector.broadcast %broadcast_in_dim3A_981 : i32 to vector<16xi32>
        %gather3A_983 = tpu.vector_load_idx %arg6[%broadcast_in_dim3A_982, %get3A_854] : memref<32x1000xf32, #tpu.memory_space<vmem>>[vector<16xi32>, vector<16xi32>], vector<16xf32>,
        %mul3A_984 = arith.constant 16 : i32
        %mul3A_985 = arith.muli %add3A_847, %mul3A_984 : i32
        %swap3A_986 = arith.constant 14 : i32
        %swap3A_987 = arith.index_cast %swap3A_986 : i32 to index
        %swap3A_988 = arith.index_cast %mul3A_985 : i32 to index
        %swap3A_989 = tpu.vector_load %arg8[%swap3A_987, %swap3A_988] {strides = array<i32>} : memref<32x512xf32, #tpu.memory_space<vmem>>, vector<16xf32>,
        tpu.vector_store %arg8[%swap3A_987, %swap3A_988], %gather3A_983 {strides = array<i32>} : memref<32x512xf32, #tpu.memory_space<vmem>>, vector<16xf32>,
        %broadcast_in_dim3A_990 = arith.constant 15 : i32
        %broadcast_in_dim3A_991 = vector.broadcast %broadcast_in_dim3A_990 : i32 to vector<16xi32>
        %gather3A_992 = tpu.vector_load_idx %arg6[%broadcast_in_dim3A_991, %get3A_854] : memref<32x1000xf32, #tpu.memory_space<vmem>>[vector<16xi32>, vector<16xi32>], vector<16xf32>,
        %mul3A_993 = arith.constant 16 : i32
        %mul3A_994 = arith.muli %add3A_847, %mul3A_993 : i32
        %swap3A_995 = arith.constant 15 : i32
        %swap3A_996 = arith.index_cast %swap3A_995 : i32 to index
        %swap3A_997 = arith.index_cast %mul3A_994 : i32 to index
        %swap3A_998 = tpu.vector_load %arg8[%swap3A_996, %swap3A_997] {strides = array<i32>} : memref<32x512xf32, #tpu.memory_space<vmem>>, vector<16xf32>,
        tpu.vector_store %arg8[%swap3A_996, %swap3A_997], %gather3A_992 {strides = array<i32>} : memref<32x512xf32, #tpu.memory_space<vmem>>, vector<16xf32>,
        %broadcast_in_dim3A_999 = arith.constant 16 : i32
        %broadcast_in_dim3A_1000 = vector.broadcast %broadcast_in_dim3A_999 : i32 to vector<16xi32>
        %gather3A_1001 = tpu.vector_load_idx %arg6[%broadcast_in_dim3A_1000, %get3A_854] : memref<32x1000xf32, #tpu.memory_space<vmem>>[vector<16xi32>, vector<16xi32>], vector<16xf32>,
        %mul3A_1002 = arith.constant 16 : i32
        %mul3A_1003 = arith.muli %add3A_847, %mul3A_1002 : i32
        %swap3A_1004 = arith.constant 16 : i32
        %swap3A_1005 = arith.index_cast %swap3A_1004 : i32 to index
        %swap3A_1006 = arith.index_cast %mul3A_1003 : i32 to index
        %swap3A_1007 = tpu.vector_load %arg8[%swap3A_1005, %swap3A_1006] {strides = array<i32>} : memref<32x512xf32, #tpu.memory_space<vmem>>, vector<16xf32>,
        tpu.vector_store %arg8[%swap3A_1005, %swap3A_1006], %gather3A_1001 {strides = array<i32>} : memref<32x512xf32, #tpu.memory_space<vmem>>, vector<16xf32>,
        %broadcast_in_dim3A_1008 = arith.constant 17 : i32
        %broadcast_in_dim3A_1009 = vector.broadcast %broadcast_in_dim3A_1008 : i32 to vector<16xi32>
        %gather3A_1010 = tpu.vector_load_idx %arg6[%broadcast_in_dim3A_1009, %get3A_854] : memref<32x1000xf32, #tpu.memory_space<vmem>>[vector<16xi32>, vector<16xi32>], vector<16xf32>,
        %mul3A_1011 = arith.constant 16 : i32
        %mul3A_1012 = arith.muli %add3A_847, %mul3A_1011 : i32
        %swap3A_1013 = arith.constant 17 : i32
        %swap3A_1014 = arith.index_cast %swap3A_1013 : i32 to index
        %swap3A_1015 = arith.index_cast %mul3A_1012 : i32 to index
        %swap3A_1016 = tpu.vector_load %arg8[%swap3A_1014, %swap3A_1015] {strides = array<i32>} : memref<32x512xf32, #tpu.memory_space<vmem>>, vector<16xf32>,
        tpu.vector_store %arg8[%swap3A_1014, %swap3A_1015], %gather3A_1010 {strides = array<i32>} : memref<32x512xf32, #tpu.memory_space<vmem>>, vector<16xf32>,
        %broadcast_in_dim3A_1017 = arith.constant 18 : i32
        %broadcast_in_dim3A_1018 = vector.broadcast %broadcast_in_dim3A_1017 : i32 to vector<16xi32>
        %gather3A_1019 = tpu.vector_load_idx %arg6[%broadcast_in_dim3A_1018, %get3A_854] : memref<32x1000xf32, #tpu.memory_space<vmem>>[vector<16xi32>, vector<16xi32>], vector<16xf32>,
        %mul3A_1020 = arith.constant 16 : i32
        %mul3A_1021 = arith.muli %add3A_847, %mul3A_1020 : i32
        %swap3A_1022 = arith.constant 18 : i32
        %swap3A_1023 = arith.index_cast %swap3A_1022 : i32 to index
        %swap3A_1024 = arith.index_cast %mul3A_1021 : i32 to index
        %swap3A_1025 = tpu.vector_load %arg8[%swap3A_1023, %swap3A_1024] {strides = array<i32>} : memref<32x512xf32, #tpu.memory_space<vmem>>, vector<16xf32>,
        tpu.vector_store %arg8[%swap3A_1023, %swap3A_1024], %gather3A_1019 {strides = array<i32>} : memref<32x512xf32, #tpu.memory_space<vmem>>, vector<16xf32>,
        %broadcast_in_dim3A_1026 = arith.constant 19 : i32
        %broadcast_in_dim3A_1027 = vector.broadcast %broadcast_in_dim3A_1026 : i32 to vector<16xi32>
        %gather3A_1028 = tpu.vector_load_idx %arg6[%broadcast_in_dim3A_1027, %get3A_854] : memref<32x1000xf32, #tpu.memory_space<vmem>>[vector<16xi32>, vector<16xi32>], vector<16xf32>,
        %mul3A_1029 = arith.constant 16 : i32
        %mul3A_1030 = arith.muli %add3A_847, %mul3A_1029 : i32
        %swap3A_1031 = arith.constant 19 : i32
        %swap3A_1032 = arith.index_cast %swap3A_1031 : i32 to index
        %swap3A_1033 = arith.index_cast %mul3A_1030 : i32 to index
        %swap3A_1034 = tpu.vector_load %arg8[%swap3A_1032, %swap3A_1033] {strides = array<i32>} : memref<32x512xf32, #tpu.memory_space<vmem>>, vector<16xf32>,
        tpu.vector_store %arg8[%swap3A_1032, %swap3A_1033], %gather3A_1028 {strides = array<i32>} : memref<32x512xf32, #tpu.memory_space<vmem>>, vector<16xf32>,
        %broadcast_in_dim3A_1035 = arith.constant 20 : i32
        %broadcast_in_dim3A_1036 = vector.broadcast %broadcast_in_dim3A_1035 : i32 to vector<16xi32>
        %gather3A_1037 = tpu.vector_load_idx %arg6[%broadcast_in_dim3A_1036, %get3A_854] : memref<32x1000xf32, #tpu.memory_space<vmem>>[vector<16xi32>, vector<16xi32>], vector<16xf32>,
        %mul3A_1038 = arith.constant 16 : i32
        %mul3A_1039 = arith.muli %add3A_847, %mul3A_1038 : i32
        %swap3A_1040 = arith.constant 20 : i32
        %swap3A_1041 = arith.index_cast %swap3A_1040 : i32 to index
        %swap3A_1042 = arith.index_cast %mul3A_1039 : i32 to index
        %swap3A_1043 = tpu.vector_load %arg8[%swap3A_1041, %swap3A_1042] {strides = array<i32>} : memref<32x512xf32, #tpu.memory_space<vmem>>, vector<16xf32>,
        tpu.vector_store %arg8[%swap3A_1041, %swap3A_1042], %gather3A_1037 {strides = array<i32>} : memref<32x512xf32, #tpu.memory_space<vmem>>, vector<16xf32>,
        %broadcast_in_dim3A_1044 = arith.constant 21 : i32
        %broadcast_in_dim3A_1045 = vector.broadcast %broadcast_in_dim3A_1044 : i32 to vector<16xi32>
        %gather3A_1046 = tpu.vector_load_idx %arg6[%broadcast_in_dim3A_1045, %get3A_854] : memref<32x1000xf32, #tpu.memory_space<vmem>>[vector<16xi32>, vector<16xi32>], vector<16xf32>,
        %mul3A_1047 = arith.constant 16 : i32
        %mul3A_1048 = arith.muli %add3A_847, %mul3A_1047 : i32
        %swap3A_1049 = arith.constant 21 : i32
        %swap3A_1050 = arith.index_cast %swap3A_1049 : i32 to index
        %swap3A_1051 = arith.index_cast %mul3A_1048 : i32 to index
        %swap3A_1052 = tpu.vector_load %arg8[%swap3A_1050, %swap3A_1051] {strides = array<i32>} : memref<32x512xf32, #tpu.memory_space<vmem>>, vector<16xf32>,
        tpu.vector_store %arg8[%swap3A_1050, %swap3A_1051], %gather3A_1046 {strides = array<i32>} : memref<32x512xf32, #tpu.memory_space<vmem>>, vector<16xf32>,
        %broadcast_in_dim3A_1053 = arith.constant 22 : i32
        %broadcast_in_dim3A_1054 = vector.broadcast %broadcast_in_dim3A_1053 : i32 to vector<16xi32>
        %gather3A_1055 = tpu.vector_load_idx %arg6[%broadcast_in_dim3A_1054, %get3A_854] : memref<32x1000xf32, #tpu.memory_space<vmem>>[vector<16xi32>, vector<16xi32>], vector<16xf32>,
        %mul3A_1056 = arith.constant 16 : i32
        %mul3A_1057 = arith.muli %add3A_847, %mul3A_1056 : i32
        %swap3A_1058 = arith.constant 22 : i32
        %swap3A_1059 = arith.index_cast %swap3A_1058 : i32 to index
        %swap3A_1060 = arith.index_cast %mul3A_1057 : i32 to index
        %swap3A_1061 = tpu.vector_load %arg8[%swap3A_1059, %swap3A_1060] {strides = array<i32>} : memref<32x512xf32, #tpu.memory_space<vmem>>, vector<16xf32>,
        tpu.vector_store %arg8[%swap3A_1059, %swap3A_1060], %gather3A_1055 {strides = array<i32>} : memref<32x512xf32, #tpu.memory_space<vmem>>, vector<16xf32>,
        %broadcast_in_dim3A_1062 = arith.constant 23 : i32
        %broadcast_in_dim3A_1063 = vector.broadcast %broadcast_in_dim3A_1062 : i32 to vector<16xi32>
        %gather3A_1064 = tpu.vector_load_idx %arg6[%broadcast_in_dim3A_1063, %get3A_854] : memref<32x1000xf32, #tpu.memory_space<vmem>>[vector<16xi32>, vector<16xi32>], vector<16xf32>,
        %mul3A_1065 = arith.constant 16 : i32
        %mul3A_1066 = arith.muli %add3A_847, %mul3A_1065 : i32
        %swap3A_1067 = arith.constant 23 : i32
        %swap3A_1068 = arith.index_cast %swap3A_1067 : i32 to index
        %swap3A_1069 = arith.index_cast %mul3A_1066 : i32 to index
        %swap3A_1070 = tpu.vector_load %arg8[%swap3A_1068, %swap3A_1069] {strides = array<i32>} : memref<32x512xf32, #tpu.memory_space<vmem>>, vector<16xf32>,
        tpu.vector_store %arg8[%swap3A_1068, %swap3A_1069], %gather3A_1064 {strides = array<i32>} : memref<32x512xf32, #tpu.memory_space<vmem>>, vector<16xf32>,
        %broadcast_in_dim3A_1071 = arith.constant 24 : i32
        %broadcast_in_dim3A_1072 = vector.broadcast %broadcast_in_dim3A_1071 : i32 to vector<16xi32>
        %gather3A_1073 = tpu.vector_load_idx %arg6[%broadcast_in_dim3A_1072, %get3A_854] : memref<32x1000xf32, #tpu.memory_space<vmem>>[vector<16xi32>, vector<16xi32>], vector<16xf32>,
        %mul3A_1074 = arith.constant 16 : i32
        %mul3A_1075 = arith.muli %add3A_847, %mul3A_1074 : i32
        %swap3A_1076 = arith.constant 24 : i32
        %swap3A_1077 = arith.index_cast %swap3A_1076 : i32 to index
        %swap3A_1078 = arith.index_cast %mul3A_1075 : i32 to index
        %swap3A_1079 = tpu.vector_load %arg8[%swap3A_1077, %swap3A_1078] {strides = array<i32>} : memref<32x512xf32, #tpu.memory_space<vmem>>, vector<16xf32>,
        tpu.vector_store %arg8[%swap3A_1077, %swap3A_1078], %gather3A_1073 {strides = array<i32>} : memref<32x512xf32, #tpu.memory_space<vmem>>, vector<16xf32>,
        %broadcast_in_dim3A_1080 = arith.constant 25 : i32
        %broadcast_in_dim3A_1081 = vector.broadcast %broadcast_in_dim3A_1080 : i32 to vector<16xi32>
        %gather3A_1082 = tpu.vector_load_idx %arg6[%broadcast_in_dim3A_1081, %get3A_854] : memref<32x1000xf32, #tpu.memory_space<vmem>>[vector<16xi32>, vector<16xi32>], vector<16xf32>,
        %mul3A_1083 = arith.constant 16 : i32
        %mul3A_1084 = arith.muli %add3A_847, %mul3A_1083 : i32
        %swap3A_1085 = arith.constant 25 : i32
        %swap3A_1086 = arith.index_cast %swap3A_1085 : i32 to index
        %swap3A_1087 = arith.index_cast %mul3A_1084 : i32 to index
        %swap3A_1088 = tpu.vector_load %arg8[%swap3A_1086, %swap3A_1087] {strides = array<i32>} : memref<32x512xf32, #tpu.memory_space<vmem>>, vector<16xf32>,
        tpu.vector_store %arg8[%swap3A_1086, %swap3A_1087], %gather3A_1082 {strides = array<i32>} : memref<32x512xf32, #tpu.memory_space<vmem>>, vector<16xf32>,
        %broadcast_in_dim3A_1089 = arith.constant 26 : i32
        %broadcast_in_dim3A_1090 = vector.broadcast %broadcast_in_dim3A_1089 : i32 to vector<16xi32>
        %gather3A_1091 = tpu.vector_load_idx %arg6[%broadcast_in_dim3A_1090, %get3A_854] : memref<32x1000xf32, #tpu.memory_space<vmem>>[vector<16xi32>, vector<16xi32>], vector<16xf32>,
        %mul3A_1092 = arith.constant 16 : i32
        %mul3A_1093 = arith.muli %add3A_847, %mul3A_1092 : i32
        %swap3A_1094 = arith.constant 26 : i32
        %swap3A_1095 = arith.index_cast %swap3A_1094 : i32 to index
        %swap3A_1096 = arith.index_cast %mul3A_1093 : i32 to index
        %swap3A_1097 = tpu.vector_load %arg8[%swap3A_1095, %swap3A_1096] {strides = array<i32>} : memref<32x512xf32, #tpu.memory_space<vmem>>, vector<16xf32>,
        tpu.vector_store %arg8[%swap3A_1095, %swap3A_1096], %gather3A_1091 {strides = array<i32>} : memref<32x512xf32, #tpu.memory_space<vmem>>, vector<16xf32>,
        %broadcast_in_dim3A_1098 = arith.constant 27 : i32
        %broadcast_in_dim3A_1099 = vector.broadcast %broadcast_in_dim3A_1098 : i32 to vector<16xi32>
        %gather3A_1100 = tpu.vector_load_idx %arg6[%broadcast_in_dim3A_1099, %get3A_854] : memref<32x1000xf32, #tpu.memory_space<vmem>>[vector<16xi32>, vector<16xi32>], vector<16xf32>,
        %mul3A_1101 = arith.constant 16 : i32
        %mul3A_1102 = arith.muli %add3A_847, %mul3A_1101 : i32
        %swap3A_1103 = arith.constant 27 : i32
        %swap3A_1104 = arith.index_cast %swap3A_1103 : i32 to index
        %swap3A_1105 = arith.index_cast %mul3A_1102 : i32 to index
        %swap3A_1106 = tpu.vector_load %arg8[%swap3A_1104, %swap3A_1105] {strides = array<i32>} : memref<32x512xf32, #tpu.memory_space<vmem>>, vector<16xf32>,
        tpu.vector_store %arg8[%swap3A_1104, %swap3A_1105], %gather3A_1100 {strides = array<i32>} : memref<32x512xf32, #tpu.memory_space<vmem>>, vector<16xf32>,
        %broadcast_in_dim3A_1107 = arith.constant 28 : i32
        %broadcast_in_dim3A_1108 = vector.broadcast %broadcast_in_dim3A_1107 : i32 to vector<16xi32>
        %gather3A_1109 = tpu.vector_load_idx %arg6[%broadcast_in_dim3A_1108, %get3A_854] : memref<32x1000xf32, #tpu.memory_space<vmem>>[vector<16xi32>, vector<16xi32>], vector<16xf32>,
        %mul3A_1110 = arith.constant 16 : i32
        %mul3A_1111 = arith.muli %add3A_847, %mul3A_1110 : i32
        %swap3A_1112 = arith.constant 28 : i32
        %swap3A_1113 = arith.index_cast %swap3A_1112 : i32 to index
        %swap3A_1114 = arith.index_cast %mul3A_1111 : i32 to index
        %swap3A_1115 = tpu.vector_load %arg8[%swap3A_1113, %swap3A_1114] {strides = array<i32>} : memref<32x512xf32, #tpu.memory_space<vmem>>, vector<16xf32>,
        tpu.vector_store %arg8[%swap3A_1113, %swap3A_1114], %gather3A_1109 {strides = array<i32>} : memref<32x512xf32, #tpu.memory_space<vmem>>, vector<16xf32>,
        %broadcast_in_dim3A_1116 = arith.constant 29 : i32
        %broadcast_in_dim3A_1117 = vector.broadcast %broadcast_in_dim3A_1116 : i32 to vector<16xi32>
        %gather3A_1118 = tpu.vector_load_idx %arg6[%broadcast_in_dim3A_1117, %get3A_854] : memref<32x1000xf32, #tpu.memory_space<vmem>>[vector<16xi32>, vector<16xi32>], vector<16xf32>,
        %mul3A_1119 = arith.constant 16 : i32
        %mul3A_1120 = arith.muli %add3A_847, %mul3A_1119 : i32
        %swap3A_1121 = arith.constant 29 : i32
        %swap3A_1122 = arith.index_cast %swap3A_1121 : i32 to index
        %swap3A_1123 = arith.index_cast %mul3A_1120 : i32 to index
        %swap3A_1124 = tpu.vector_load %arg8[%swap3A_1122, %swap3A_1123] {strides = array<i32>} : memref<32x512xf32, #tpu.memory_space<vmem>>, vector<16xf32>,
        tpu.vector_store %arg8[%swap3A_1122, %swap3A_1123], %gather3A_1118 {strides = array<i32>} : memref<32x512xf32, #tpu.memory_space<vmem>>, vector<16xf32>,
        %broadcast_in_dim3A_1125 = arith.constant 30 : i32
        %broadcast_in_dim3A_1126 = vector.broadcast %broadcast_in_dim3A_1125 : i32 to vector<16xi32>
        %gather3A_1127 = tpu.vector_load_idx %arg6[%broadcast_in_dim3A_1126, %get3A_854] : memref<32x1000xf32, #tpu.memory_space<vmem>>[vector<16xi32>, vector<16xi32>], vector<16xf32>,
        %mul3A_1128 = arith.constant 16 : i32
        %mul3A_1129 = arith.muli %add3A_847, %mul3A_1128 : i32
        %swap3A_1130 = arith.constant 30 : i32
        %swap3A_1131 = arith.index_cast %swap3A_1130 : i32 to index
        %swap3A_1132 = arith.index_cast %mul3A_1129 : i32 to index
        %swap3A_1133 = tpu.vector_load %arg8[%swap3A_1131, %swap3A_1132] {strides = array<i32>} : memref<32x512xf32, #tpu.memory_space<vmem>>, vector<16xf32>,
        tpu.vector_store %arg8[%swap3A_1131, %swap3A_1132], %gather3A_1127 {strides = array<i32>} : memref<32x512xf32, #tpu.memory_space<vmem>>, vector<16xf32>,
        %broadcast_in_dim3A_1134 = arith.constant 31 : i32
        %broadcast_in_dim3A_1135 = vector.broadcast %broadcast_in_dim3A_1134 : i32 to vector<16xi32>
        %gather3A_1136 = tpu.vector_load_idx %arg6[%broadcast_in_dim3A_1135, %get3A_854] : memref<32x1000xf32, #tpu.memory_space<vmem>>[vector<16xi32>, vector<16xi32>], vector<16xf32>,
        %mul3A_1137 = arith.constant 16 : i32
        %mul3A_1138 = arith.muli %add3A_847, %mul3A_1137 : i32
        %swap3A_1139 = arith.constant 31 : i32
        %swap3A_1140 = arith.index_cast %swap3A_1139 : i32 to index
        %swap3A_1141 = arith.index_cast %mul3A_1138 : i32 to index
        %swap3A_1142 = tpu.vector_load %arg8[%swap3A_1140, %swap3A_1141] {strides = array<i32>} : memref<32x512xf32, #tpu.memory_space<vmem>>, vector<16xf32>,
        tpu.vector_store %arg8[%swap3A_1140, %swap3A_1141], %gather3A_1136 {strides = array<i32>} : memref<32x512xf32, #tpu.memory_space<vmem>>, vector<16xf32>,
        %mul3A_1143 = arith.constant 4 : i32
        %mul3A_1144 = arith.muli %mul3A_1143, %scan3A_548 : i32
        %add3A_1145 = arith.constant 2 : i32
        %add3A_1146 = arith.addi %mul3A_1144, %add3A_1145 : i32
        %mul3A_1147 = arith.constant 512 : i32
        %mul3A_1148 = arith.muli %add3A_513, %mul3A_1147 : i32
        %mul3A_1149 = arith.constant 16 : i32
        %mul3A_1150 = arith.muli %add3A_1146, %mul3A_1149 : i32
        %add3A_1151 = arith.addi %mul3A_1148, %mul3A_1150 : i32
        %get3A_1152 = arith.index_cast %add3A_1151 : i32 to index
        %get3A_1153 = tpu.vector_load %arg9[%get3A_1152] {strides = array<i32>} : memref<13312xi32, #tpu.memory_space<vmem>>, vector<16xi32>,
        %broadcast_in_dim3A_1154 = arith.constant 0 : i32
        %broadcast_in_dim3A_1155 = vector.broadcast %broadcast_in_dim3A_1154 : i32 to vector<16xi32>
        %gather3A_1156 = tpu.vector_load_idx %arg6[%broadcast_in_dim3A_1155, %get3A_1153] : memref<32x1000xf32, #tpu.memory_space<vmem>>[vector<16xi32>, vector<16xi32>], vector<16xf32>,
        %mul3A_1157 = arith.constant 16 : i32
        %mul3A_1158 = arith.muli %add3A_1146, %mul3A_1157 : i32
        %swap3A_1159 = arith.constant 0 : i32
        %swap3A_1160 = arith.index_cast %swap3A_1159 : i32 to index
        %swap3A_1161 = arith.index_cast %mul3A_1158 : i32 to index
        %swap3A_1162 = tpu.vector_load %arg8[%swap3A_1160, %swap3A_1161] {strides = array<i32>} : memref<32x512xf32, #tpu.memory_space<vmem>>, vector<16xf32>,
        tpu.vector_store %arg8[%swap3A_1160, %swap3A_1161], %gather3A_1156 {strides = array<i32>} : memref<32x512xf32, #tpu.memory_space<vmem>>, vector<16xf32>,
        %broadcast_in_dim3A_1163 = arith.constant 1 : i32
        %broadcast_in_dim3A_1164 = vector.broadcast %broadcast_in_dim3A_1163 : i32 to vector<16xi32>
        %gather3A_1165 = tpu.vector_load_idx %arg6[%broadcast_in_dim3A_1164, %get3A_1153] : memref<32x1000xf32, #tpu.memory_space<vmem>>[vector<16xi32>, vector<16xi32>], vector<16xf32>,
        %mul3A_1166 = arith.constant 16 : i32
        %mul3A_1167 = arith.muli %add3A_1146, %mul3A_1166 : i32
        %swap3A_1168 = arith.constant 1 : i32
        %swap3A_1169 = arith.index_cast %swap3A_1168 : i32 to index
        %swap3A_1170 = arith.index_cast %mul3A_1167 : i32 to index
        %swap3A_1171 = tpu.vector_load %arg8[%swap3A_1169, %swap3A_1170] {strides = array<i32>} : memref<32x512xf32, #tpu.memory_space<vmem>>, vector<16xf32>,
        tpu.vector_store %arg8[%swap3A_1169, %swap3A_1170], %gather3A_1165 {strides = array<i32>} : memref<32x512xf32, #tpu.memory_space<vmem>>, vector<16xf32>,
        %broadcast_in_dim3A_1172 = arith.constant 2 : i32
        %broadcast_in_dim3A_1173 = vector.broadcast %broadcast_in_dim3A_1172 : i32 to vector<16xi32>
        %gather3A_1174 = tpu.vector_load_idx %arg6[%broadcast_in_dim3A_1173, %get3A_1153] : memref<32x1000xf32, #tpu.memory_space<vmem>>[vector<16xi32>, vector<16xi32>], vector<16xf32>,
        %mul3A_1175 = arith.constant 16 : i32
        %mul3A_1176 = arith.muli %add3A_1146, %mul3A_1175 : i32
        %swap3A_1177 = arith.constant 2 : i32
        %swap3A_1178 = arith.index_cast %swap3A_1177 : i32 to index
        %swap3A_1179 = arith.index_cast %mul3A_1176 : i32 to index
        %swap3A_1180 = tpu.vector_load %arg8[%swap3A_1178, %swap3A_1179] {strides = array<i32>} : memref<32x512xf32, #tpu.memory_space<vmem>>, vector<16xf32>,
        tpu.vector_store %arg8[%swap3A_1178, %swap3A_1179], %gather3A_1174 {strides = array<i32>} : memref<32x512xf32, #tpu.memory_space<vmem>>, vector<16xf32>,
        %broadcast_in_dim3A_1181 = arith.constant 3 : i32
        %broadcast_in_dim3A_1182 = vector.broadcast %broadcast_in_dim3A_1181 : i32 to vector<16xi32>
        %gather3A_1183 = tpu.vector_load_idx %arg6[%broadcast_in_dim3A_1182, %get3A_1153] : memref<32x1000xf32, #tpu.memory_space<vmem>>[vector<16xi32>, vector<16xi32>], vector<16xf32>,
        %mul3A_1184 = arith.constant 16 : i32
        %mul3A_1185 = arith.muli %add3A_1146, %mul3A_1184 : i32
        %swap3A_1186 = arith.constant 3 : i32
        %swap3A_1187 = arith.index_cast %swap3A_1186 : i32 to index
        %swap3A_1188 = arith.index_cast %mul3A_1185 : i32 to index
        %swap3A_1189 = tpu.vector_load %arg8[%swap3A_1187, %swap3A_1188] {strides = array<i32>} : memref<32x512xf32, #tpu.memory_space<vmem>>, vector<16xf32>,
        tpu.vector_store %arg8[%swap3A_1187, %swap3A_1188], %gather3A_1183 {strides = array<i32>} : memref<32x512xf32, #tpu.memory_space<vmem>>, vector<16xf32>,
        %broadcast_in_dim3A_1190 = arith.constant 4 : i32
        %broadcast_in_dim3A_1191 = vector.broadcast %broadcast_in_dim3A_1190 : i32 to vector<16xi32>
        %gather3A_1192 = tpu.vector_load_idx %arg6[%broadcast_in_dim3A_1191, %get3A_1153] : memref<32x1000xf32, #tpu.memory_space<vmem>>[vector<16xi32>, vector<16xi32>], vector<16xf32>,
        %mul3A_1193 = arith.constant 16 : i32
        %mul3A_1194 = arith.muli %add3A_1146, %mul3A_1193 : i32
        %swap3A_1195 = arith.constant 4 : i32
        %swap3A_1196 = arith.index_cast %swap3A_1195 : i32 to index
        %swap3A_1197 = arith.index_cast %mul3A_1194 : i32 to index
        %swap3A_1198 = tpu.vector_load %arg8[%swap3A_1196, %swap3A_1197] {strides = array<i32>} : memref<32x512xf32, #tpu.memory_space<vmem>>, vector<16xf32>,
        tpu.vector_store %arg8[%swap3A_1196, %swap3A_1197], %gather3A_1192 {strides = array<i32>} : memref<32x512xf32, #tpu.memory_space<vmem>>, vector<16xf32>,
        %broadcast_in_dim3A_1199 = arith.constant 5 : i32
        %broadcast_in_dim3A_1200 = vector.broadcast %broadcast_in_dim3A_1199 : i32 to vector<16xi32>
        %gather3A_1201 = tpu.vector_load_idx %arg6[%broadcast_in_dim3A_1200, %get3A_1153] : memref<32x1000xf32, #tpu.memory_space<vmem>>[vector<16xi32>, vector<16xi32>], vector<16xf32>,
        %mul3A_1202 = arith.constant 16 : i32
        %mul3A_1203 = arith.muli %add3A_1146, %mul3A_1202 : i32
        %swap3A_1204 = arith.constant 5 : i32
        %swap3A_1205 = arith.index_cast %swap3A_1204 : i32 to index
        %swap3A_1206 = arith.index_cast %mul3A_1203 : i32 to index
        %swap3A_1207 = tpu.vector_load %arg8[%swap3A_1205, %swap3A_1206] {strides = array<i32>} : memref<32x512xf32, #tpu.memory_space<vmem>>, vector<16xf32>,
        tpu.vector_store %arg8[%swap3A_1205, %swap3A_1206], %gather3A_1201 {strides = array<i32>} : memref<32x512xf32, #tpu.memory_space<vmem>>, vector<16xf32>,
        %broadcast_in_dim3A_1208 = arith.constant 6 : i32
        %broadcast_in_dim3A_1209 = vector.broadcast %broadcast_in_dim3A_1208 : i32 to vector<16xi32>
        %gather3A_1210 = tpu.vector_load_idx %arg6[%broadcast_in_dim3A_1209, %get3A_1153] : memref<32x1000xf32, #tpu.memory_space<vmem>>[vector<16xi32>, vector<16xi32>], vector<16xf32>,
        %mul3A_1211 = arith.constant 16 : i32
        %mul3A_1212 = arith.muli %add3A_1146, %mul3A_1211 : i32
        %swap3A_1213 = arith.constant 6 : i32
        %swap3A_1214 = arith.index_cast %swap3A_1213 : i32 to index
        %swap3A_1215 = arith.index_cast %mul3A_1212 : i32 to index
        %swap3A_1216 = tpu.vector_load %arg8[%swap3A_1214, %swap3A_1215] {strides = array<i32>} : memref<32x512xf32, #tpu.memory_space<vmem>>, vector<16xf32>,
        tpu.vector_store %arg8[%swap3A_1214, %swap3A_1215], %gather3A_1210 {strides = array<i32>} : memref<32x512xf32, #tpu.memory_space<vmem>>, vector<16xf32>,
        %broadcast_in_dim3A_1217 = arith.constant 7 : i32
        %broadcast_in_dim3A_1218 = vector.broadcast %broadcast_in_dim3A_1217 : i32 to vector<16xi32>
        %gather3A_1219 = tpu.vector_load_idx %arg6[%broadcast_in_dim3A_1218, %get3A_1153] : memref<32x1000xf32, #tpu.memory_space<vmem>>[vector<16xi32>, vector<16xi32>], vector<16xf32>,
        %mul3A_1220 = arith.constant 16 : i32
        %mul3A_1221 = arith.muli %add3A_1146, %mul3A_1220 : i32
        %swap3A_1222 = arith.constant 7 : i32
        %swap3A_1223 = arith.index_cast %swap3A_1222 : i32 to index
        %swap3A_1224 = arith.index_cast %mul3A_1221 : i32 to index
        %swap3A_1225 = tpu.vector_load %arg8[%swap3A_1223, %swap3A_1224] {strides = array<i32>} : memref<32x512xf32, #tpu.memory_space<vmem>>, vector<16xf32>,
        tpu.vector_store %arg8[%swap3A_1223, %swap3A_1224], %gather3A_1219 {strides = array<i32>} : memref<32x512xf32, #tpu.memory_space<vmem>>, vector<16xf32>,
        %broadcast_in_dim3A_1226 = arith.constant 8 : i32
        %broadcast_in_dim3A_1227 = vector.broadcast %broadcast_in_dim3A_1226 : i32 to vector<16xi32>
        %gather3A_1228 = tpu.vector_load_idx %arg6[%broadcast_in_dim3A_1227, %get3A_1153] : memref<32x1000xf32, #tpu.memory_space<vmem>>[vector<16xi32>, vector<16xi32>], vector<16xf32>,
        %mul3A_1229 = arith.constant 16 : i32
        %mul3A_1230 = arith.muli %add3A_1146, %mul3A_1229 : i32
        %swap3A_1231 = arith.constant 8 : i32
        %swap3A_1232 = arith.index_cast %swap3A_1231 : i32 to index
        %swap3A_1233 = arith.index_cast %mul3A_1230 : i32 to index
        %swap3A_1234 = tpu.vector_load %arg8[%swap3A_1232, %swap3A_1233] {strides = array<i32>} : memref<32x512xf32, #tpu.memory_space<vmem>>, vector<16xf32>,
        tpu.vector_store %arg8[%swap3A_1232, %swap3A_1233], %gather3A_1228 {strides = array<i32>} : memref<32x512xf32, #tpu.memory_space<vmem>>, vector<16xf32>,
        %broadcast_in_dim3A_1235 = arith.constant 9 : i32
        %broadcast_in_dim3A_1236 = vector.broadcast %broadcast_in_dim3A_1235 : i32 to vector<16xi32>
        %gather3A_1237 = tpu.vector_load_idx %arg6[%broadcast_in_dim3A_1236, %get3A_1153] : memref<32x1000xf32, #tpu.memory_space<vmem>>[vector<16xi32>, vector<16xi32>], vector<16xf32>,
        %mul3A_1238 = arith.constant 16 : i32
        %mul3A_1239 = arith.muli %add3A_1146, %mul3A_1238 : i32
        %swap3A_1240 = arith.constant 9 : i32
        %swap3A_1241 = arith.index_cast %swap3A_1240 : i32 to index
        %swap3A_1242 = arith.index_cast %mul3A_1239 : i32 to index
        %swap3A_1243 = tpu.vector_load %arg8[%swap3A_1241, %swap3A_1242] {strides = array<i32>} : memref<32x512xf32, #tpu.memory_space<vmem>>, vector<16xf32>,
        tpu.vector_store %arg8[%swap3A_1241, %swap3A_1242], %gather3A_1237 {strides = array<i32>} : memref<32x512xf32, #tpu.memory_space<vmem>>, vector<16xf32>,
        %broadcast_in_dim3A_1244 = arith.constant 10 : i32
        %broadcast_in_dim3A_1245 = vector.broadcast %broadcast_in_dim3A_1244 : i32 to vector<16xi32>
        %gather3A_1246 = tpu.vector_load_idx %arg6[%broadcast_in_dim3A_1245, %get3A_1153] : memref<32x1000xf32, #tpu.memory_space<vmem>>[vector<16xi32>, vector<16xi32>], vector<16xf32>,
        %mul3A_1247 = arith.constant 16 : i32
        %mul3A_1248 = arith.muli %add3A_1146, %mul3A_1247 : i32
        %swap3A_1249 = arith.constant 10 : i32
        %swap3A_1250 = arith.index_cast %swap3A_1249 : i32 to index
        %swap3A_1251 = arith.index_cast %mul3A_1248 : i32 to index
        %swap3A_1252 = tpu.vector_load %arg8[%swap3A_1250, %swap3A_1251] {strides = array<i32>} : memref<32x512xf32, #tpu.memory_space<vmem>>, vector<16xf32>,
        tpu.vector_store %arg8[%swap3A_1250, %swap3A_1251], %gather3A_1246 {strides = array<i32>} : memref<32x512xf32, #tpu.memory_space<vmem>>, vector<16xf32>,
        %broadcast_in_dim3A_1253 = arith.constant 11 : i32
        %broadcast_in_dim3A_1254 = vector.broadcast %broadcast_in_dim3A_1253 : i32 to vector<16xi32>
        %gather3A_1255 = tpu.vector_load_idx %arg6[%broadcast_in_dim3A_1254, %get3A_1153] : memref<32x1000xf32, #tpu.memory_space<vmem>>[vector<16xi32>, vector<16xi32>], vector<16xf32>,
        %mul3A_1256 = arith.constant 16 : i32
        %mul3A_1257 = arith.muli %add3A_1146, %mul3A_1256 : i32
        %swap3A_1258 = arith.constant 11 : i32
        %swap3A_1259 = arith.index_cast %swap3A_1258 : i32 to index
        %swap3A_1260 = arith.index_cast %mul3A_1257 : i32 to index
        %swap3A_1261 = tpu.vector_load %arg8[%swap3A_1259, %swap3A_1260] {strides = array<i32>} : memref<32x512xf32, #tpu.memory_space<vmem>>, vector<16xf32>,
        tpu.vector_store %arg8[%swap3A_1259, %swap3A_1260], %gather3A_1255 {strides = array<i32>} : memref<32x512xf32, #tpu.memory_space<vmem>>, vector<16xf32>,
        %broadcast_in_dim3A_1262 = arith.constant 12 : i32
        %broadcast_in_dim3A_1263 = vector.broadcast %broadcast_in_dim3A_1262 : i32 to vector<16xi32>
        %gather3A_1264 = tpu.vector_load_idx %arg6[%broadcast_in_dim3A_1263, %get3A_1153] : memref<32x1000xf32, #tpu.memory_space<vmem>>[vector<16xi32>, vector<16xi32>], vector<16xf32>,
        %mul3A_1265 = arith.constant 16 : i32
        %mul3A_1266 = arith.muli %add3A_1146, %mul3A_1265 : i32
        %swap3A_1267 = arith.constant 12 : i32
        %swap3A_1268 = arith.index_cast %swap3A_1267 : i32 to index
        %swap3A_1269 = arith.index_cast %mul3A_1266 : i32 to index
        %swap3A_1270 = tpu.vector_load %arg8[%swap3A_1268, %swap3A_1269] {strides = array<i32>} : memref<32x512xf32, #tpu.memory_space<vmem>>, vector<16xf32>,
        tpu.vector_store %arg8[%swap3A_1268, %swap3A_1269], %gather3A_1264 {strides = array<i32>} : memref<32x512xf32, #tpu.memory_space<vmem>>, vector<16xf32>,
        %broadcast_in_dim3A_1271 = arith.constant 13 : i32
        %broadcast_in_dim3A_1272 = vector.broadcast %broadcast_in_dim3A_1271 : i32 to vector<16xi32>
        %gather3A_1273 = tpu.vector_load_idx %arg6[%broadcast_in_dim3A_1272, %get3A_1153] : memref<32x1000xf32, #tpu.memory_space<vmem>>[vector<16xi32>, vector<16xi32>], vector<16xf32>,
        %mul3A_1274 = arith.constant 16 : i32
        %mul3A_1275 = arith.muli %add3A_1146, %mul3A_1274 : i32
        %swap3A_1276 = arith.constant 13 : i32
        %swap3A_1277 = arith.index_cast %swap3A_1276 : i32 to index
        %swap3A_1278 = arith.index_cast %mul3A_1275 : i32 to index
        %swap3A_1279 = tpu.vector_load %arg8[%swap3A_1277, %swap3A_1278] {strides = array<i32>} : memref<32x512xf32, #tpu.memory_space<vmem>>, vector<16xf32>,
        tpu.vector_store %arg8[%swap3A_1277, %swap3A_1278], %gather3A_1273 {strides = array<i32>} : memref<32x512xf32, #tpu.memory_space<vmem>>, vector<16xf32>,
        %broadcast_in_dim3A_1280 = arith.constant 14 : i32
        %broadcast_in_dim3A_1281 = vector.broadcast %broadcast_in_dim3A_1280 : i32 to vector<16xi32>
        %gather3A_1282 = tpu.vector_load_idx %arg6[%broadcast_in_dim3A_1281, %get3A_1153] : memref<32x1000xf32, #tpu.memory_space<vmem>>[vector<16xi32>, vector<16xi32>], vector<16xf32>,
        %mul3A_1283 = arith.constant 16 : i32
        %mul3A_1284 = arith.muli %add3A_1146, %mul3A_1283 : i32
        %swap3A_1285 = arith.constant 14 : i32
        %swap3A_1286 = arith.index_cast %swap3A_1285 : i32 to index
        %swap3A_1287 = arith.index_cast %mul3A_1284 : i32 to index
        %swap3A_1288 = tpu.vector_load %arg8[%swap3A_1286, %swap3A_1287] {strides = array<i32>} : memref<32x512xf32, #tpu.memory_space<vmem>>, vector<16xf32>,
        tpu.vector_store %arg8[%swap3A_1286, %swap3A_1287], %gather3A_1282 {strides = array<i32>} : memref<32x512xf32, #tpu.memory_space<vmem>>, vector<16xf32>,
        %broadcast_in_dim3A_1289 = arith.constant 15 : i32
        %broadcast_in_dim3A_1290 = vector.broadcast %broadcast_in_dim3A_1289 : i32 to vector<16xi32>
        %gather3A_1291 = tpu.vector_load_idx %arg6[%broadcast_in_dim3A_1290, %get3A_1153] : memref<32x1000xf32, #tpu.memory_space<vmem>>[vector<16xi32>, vector<16xi32>], vector<16xf32>,
        %mul3A_1292 = arith.constant 16 : i32
        %mul3A_1293 = arith.muli %add3A_1146, %mul3A_1292 : i32
        %swap3A_1294 = arith.constant 15 : i32
        %swap3A_1295 = arith.index_cast %swap3A_1294 : i32 to index
        %swap3A_1296 = arith.index_cast %mul3A_1293 : i32 to index
        %swap3A_1297 = tpu.vector_load %arg8[%swap3A_1295, %swap3A_1296] {strides = array<i32>} : memref<32x512xf32, #tpu.memory_space<vmem>>, vector<16xf32>,
        tpu.vector_store %arg8[%swap3A_1295, %swap3A_1296], %gather3A_1291 {strides = array<i32>} : memref<32x512xf32, #tpu.memory_space<vmem>>, vector<16xf32>,
        %broadcast_in_dim3A_1298 = arith.constant 16 : i32
        %broadcast_in_dim3A_1299 = vector.broadcast %broadcast_in_dim3A_1298 : i32 to vector<16xi32>
        %gather3A_1300 = tpu.vector_load_idx %arg6[%broadcast_in_dim3A_1299, %get3A_1153] : memref<32x1000xf32, #tpu.memory_space<vmem>>[vector<16xi32>, vector<16xi32>], vector<16xf32>,
        %mul3A_1301 = arith.constant 16 : i32
        %mul3A_1302 = arith.muli %add3A_1146, %mul3A_1301 : i32
        %swap3A_1303 = arith.constant 16 : i32
        %swap3A_1304 = arith.index_cast %swap3A_1303 : i32 to index
        %swap3A_1305 = arith.index_cast %mul3A_1302 : i32 to index
        %swap3A_1306 = tpu.vector_load %arg8[%swap3A_1304, %swap3A_1305] {strides = array<i32>} : memref<32x512xf32, #tpu.memory_space<vmem>>, vector<16xf32>,
        tpu.vector_store %arg8[%swap3A_1304, %swap3A_1305], %gather3A_1300 {strides = array<i32>} : memref<32x512xf32, #tpu.memory_space<vmem>>, vector<16xf32>,
        %broadcast_in_dim3A_1307 = arith.constant 17 : i32
        %broadcast_in_dim3A_1308 = vector.broadcast %broadcast_in_dim3A_1307 : i32 to vector<16xi32>
        %gather3A_1309 = tpu.vector_load_idx %arg6[%broadcast_in_dim3A_1308, %get3A_1153] : memref<32x1000xf32, #tpu.memory_space<vmem>>[vector<16xi32>, vector<16xi32>], vector<16xf32>,
        %mul3A_1310 = arith.constant 16 : i32
        %mul3A_1311 = arith.muli %add3A_1146, %mul3A_1310 : i32
        %swap3A_1312 = arith.constant 17 : i32
        %swap3A_1313 = arith.index_cast %swap3A_1312 : i32 to index
        %swap3A_1314 = arith.index_cast %mul3A_1311 : i32 to index
        %swap3A_1315 = tpu.vector_load %arg8[%swap3A_1313, %swap3A_1314] {strides = array<i32>} : memref<32x512xf32, #tpu.memory_space<vmem>>, vector<16xf32>,
        tpu.vector_store %arg8[%swap3A_1313, %swap3A_1314], %gather3A_1309 {strides = array<i32>} : memref<32x512xf32, #tpu.memory_space<vmem>>, vector<16xf32>,
        %broadcast_in_dim3A_1316 = arith.constant 18 : i32
        %broadcast_in_dim3A_1317 = vector.broadcast %broadcast_in_dim3A_1316 : i32 to vector<16xi32>
        %gather3A_1318 = tpu.vector_load_idx %arg6[%broadcast_in_dim3A_1317, %get3A_1153] : memref<32x1000xf32, #tpu.memory_space<vmem>>[vector<16xi32>, vector<16xi32>], vector<16xf32>,
        %mul3A_1319 = arith.constant 16 : i32
        %mul3A_1320 = arith.muli %add3A_1146, %mul3A_1319 : i32
        %swap3A_1321 = arith.constant 18 : i32
        %swap3A_1322 = arith.index_cast %swap3A_1321 : i32 to index
        %swap3A_1323 = arith.index_cast %mul3A_1320 : i32 to index
        %swap3A_1324 = tpu.vector_load %arg8[%swap3A_1322, %swap3A_1323] {strides = array<i32>} : memref<32x512xf32, #tpu.memory_space<vmem>>, vector<16xf32>,
        tpu.vector_store %arg8[%swap3A_1322, %swap3A_1323], %gather3A_1318 {strides = array<i32>} : memref<32x512xf32, #tpu.memory_space<vmem>>, vector<16xf32>,
        %broadcast_in_dim3A_1325 = arith.constant 19 : i32
        %broadcast_in_dim3A_1326 = vector.broadcast %broadcast_in_dim3A_1325 : i32 to vector<16xi32>
        %gather3A_1327 = tpu.vector_load_idx %arg6[%broadcast_in_dim3A_1326, %get3A_1153] : memref<32x1000xf32, #tpu.memory_space<vmem>>[vector<16xi32>, vector<16xi32>], vector<16xf32>,
        %mul3A_1328 = arith.constant 16 : i32
        %mul3A_1329 = arith.muli %add3A_1146, %mul3A_1328 : i32
        %swap3A_1330 = arith.constant 19 : i32
        %swap3A_1331 = arith.index_cast %swap3A_1330 : i32 to index
        %swap3A_1332 = arith.index_cast %mul3A_1329 : i32 to index
        %swap3A_1333 = tpu.vector_load %arg8[%swap3A_1331, %swap3A_1332] {strides = array<i32>} : memref<32x512xf32, #tpu.memory_space<vmem>>, vector<16xf32>,
        tpu.vector_store %arg8[%swap3A_1331, %swap3A_1332], %gather3A_1327 {strides = array<i32>} : memref<32x512xf32, #tpu.memory_space<vmem>>, vector<16xf32>,
        %broadcast_in_dim3A_1334 = arith.constant 20 : i32
        %broadcast_in_dim3A_1335 = vector.broadcast %broadcast_in_dim3A_1334 : i32 to vector<16xi32>
        %gather3A_1336 = tpu.vector_load_idx %arg6[%broadcast_in_dim3A_1335, %get3A_1153] : memref<32x1000xf32, #tpu.memory_space<vmem>>[vector<16xi32>, vector<16xi32>], vector<16xf32>,
        %mul3A_1337 = arith.constant 16 : i32
        %mul3A_1338 = arith.muli %add3A_1146, %mul3A_1337 : i32
        %swap3A_1339 = arith.constant 20 : i32
        %swap3A_1340 = arith.index_cast %swap3A_1339 : i32 to index
        %swap3A_1341 = arith.index_cast %mul3A_1338 : i32 to index
        %swap3A_1342 = tpu.vector_load %arg8[%swap3A_1340, %swap3A_1341] {strides = array<i32>} : memref<32x512xf32, #tpu.memory_space<vmem>>, vector<16xf32>,
        tpu.vector_store %arg8[%swap3A_1340, %swap3A_1341], %gather3A_1336 {strides = array<i32>} : memref<32x512xf32, #tpu.memory_space<vmem>>, vector<16xf32>,
        %broadcast_in_dim3A_1343 = arith.constant 21 : i32
        %broadcast_in_dim3A_1344 = vector.broadcast %broadcast_in_dim3A_1343 : i32 to vector<16xi32>
        %gather3A_1345 = tpu.vector_load_idx %arg6[%broadcast_in_dim3A_1344, %get3A_1153] : memref<32x1000xf32, #tpu.memory_space<vmem>>[vector<16xi32>, vector<16xi32>], vector<16xf32>,
        %mul3A_1346 = arith.constant 16 : i32
        %mul3A_1347 = arith.muli %add3A_1146, %mul3A_1346 : i32
        %swap3A_1348 = arith.constant 21 : i32
        %swap3A_1349 = arith.index_cast %swap3A_1348 : i32 to index
        %swap3A_1350 = arith.index_cast %mul3A_1347 : i32 to index
        %swap3A_1351 = tpu.vector_load %arg8[%swap3A_1349, %swap3A_1350] {strides = array<i32>} : memref<32x512xf32, #tpu.memory_space<vmem>>, vector<16xf32>,
        tpu.vector_store %arg8[%swap3A_1349, %swap3A_1350], %gather3A_1345 {strides = array<i32>} : memref<32x512xf32, #tpu.memory_space<vmem>>, vector<16xf32>,
        %broadcast_in_dim3A_1352 = arith.constant 22 : i32
        %broadcast_in_dim3A_1353 = vector.broadcast %broadcast_in_dim3A_1352 : i32 to vector<16xi32>
        %gather3A_1354 = tpu.vector_load_idx %arg6[%broadcast_in_dim3A_1353, %get3A_1153] : memref<32x1000xf32, #tpu.memory_space<vmem>>[vector<16xi32>, vector<16xi32>], vector<16xf32>,
        %mul3A_1355 = arith.constant 16 : i32
        %mul3A_1356 = arith.muli %add3A_1146, %mul3A_1355 : i32
        %swap3A_1357 = arith.constant 22 : i32
        %swap3A_1358 = arith.index_cast %swap3A_1357 : i32 to index
        %swap3A_1359 = arith.index_cast %mul3A_1356 : i32 to index
        %swap3A_1360 = tpu.vector_load %arg8[%swap3A_1358, %swap3A_1359] {strides = array<i32>} : memref<32x512xf32, #tpu.memory_space<vmem>>, vector<16xf32>,
        tpu.vector_store %arg8[%swap3A_1358, %swap3A_1359], %gather3A_1354 {strides = array<i32>} : memref<32x512xf32, #tpu.memory_space<vmem>>, vector<16xf32>,
        %broadcast_in_dim3A_1361 = arith.constant 23 : i32
        %broadcast_in_dim3A_1362 = vector.broadcast %broadcast_in_dim3A_1361 : i32 to vector<16xi32>
        %gather3A_1363 = tpu.vector_load_idx %arg6[%broadcast_in_dim3A_1362, %get3A_1153] : memref<32x1000xf32, #tpu.memory_space<vmem>>[vector<16xi32>, vector<16xi32>], vector<16xf32>,
        %mul3A_1364 = arith.constant 16 : i32
        %mul3A_1365 = arith.muli %add3A_1146, %mul3A_1364 : i32
        %swap3A_1366 = arith.constant 23 : i32
        %swap3A_1367 = arith.index_cast %swap3A_1366 : i32 to index
        %swap3A_1368 = arith.index_cast %mul3A_1365 : i32 to index
        %swap3A_1369 = tpu.vector_load %arg8[%swap3A_1367, %swap3A_1368] {strides = array<i32>} : memref<32x512xf32, #tpu.memory_space<vmem>>, vector<16xf32>,
        tpu.vector_store %arg8[%swap3A_1367, %swap3A_1368], %gather3A_1363 {strides = array<i32>} : memref<32x512xf32, #tpu.memory_space<vmem>>, vector<16xf32>,
        %broadcast_in_dim3A_1370 = arith.constant 24 : i32
        %broadcast_in_dim3A_1371 = vector.broadcast %broadcast_in_dim3A_1370 : i32 to vector<16xi32>
        %gather3A_1372 = tpu.vector_load_idx %arg6[%broadcast_in_dim3A_1371, %get3A_1153] : memref<32x1000xf32, #tpu.memory_space<vmem>>[vector<16xi32>, vector<16xi32>], vector<16xf32>,
        %mul3A_1373 = arith.constant 16 : i32
        %mul3A_1374 = arith.muli %add3A_1146, %mul3A_1373 : i32
        %swap3A_1375 = arith.constant 24 : i32
        %swap3A_1376 = arith.index_cast %swap3A_1375 : i32 to index
        %swap3A_1377 = arith.index_cast %mul3A_1374 : i32 to index
        %swap3A_1378 = tpu.vector_load %arg8[%swap3A_1376, %swap3A_1377] {strides = array<i32>} : memref<32x512xf32, #tpu.memory_space<vmem>>, vector<16xf32>,
        tpu.vector_store %arg8[%swap3A_1376, %swap3A_1377], %gather3A_1372 {strides = array<i32>} : memref<32x512xf32, #tpu.memory_space<vmem>>, vector<16xf32>,
        %broadcast_in_dim3A_1379 = arith.constant 25 : i32
        %broadcast_in_dim3A_1380 = vector.broadcast %broadcast_in_dim3A_1379 : i32 to vector<16xi32>
        %gather3A_1381 = tpu.vector_load_idx %arg6[%broadcast_in_dim3A_1380, %get3A_1153] : memref<32x1000xf32, #tpu.memory_space<vmem>>[vector<16xi32>, vector<16xi32>], vector<16xf32>,
        %mul3A_1382 = arith.constant 16 : i32
        %mul3A_1383 = arith.muli %add3A_1146, %mul3A_1382 : i32
        %swap3A_1384 = arith.constant 25 : i32
        %swap3A_1385 = arith.index_cast %swap3A_1384 : i32 to index
        %swap3A_1386 = arith.index_cast %mul3A_1383 : i32 to index
        %swap3A_1387 = tpu.vector_load %arg8[%swap3A_1385, %swap3A_1386] {strides = array<i32>} : memref<32x512xf32, #tpu.memory_space<vmem>>, vector<16xf32>,
        tpu.vector_store %arg8[%swap3A_1385, %swap3A_1386], %gather3A_1381 {strides = array<i32>} : memref<32x512xf32, #tpu.memory_space<vmem>>, vector<16xf32>,
        %broadcast_in_dim3A_1388 = arith.constant 26 : i32
        %broadcast_in_dim3A_1389 = vector.broadcast %broadcast_in_dim3A_1388 : i32 to vector<16xi32>
        %gather3A_1390 = tpu.vector_load_idx %arg6[%broadcast_in_dim3A_1389, %get3A_1153] : memref<32x1000xf32, #tpu.memory_space<vmem>>[vector<16xi32>, vector<16xi32>], vector<16xf32>,
        %mul3A_1391 = arith.constant 16 : i32
        %mul3A_1392 = arith.muli %add3A_1146, %mul3A_1391 : i32
        %swap3A_1393 = arith.constant 26 : i32
        %swap3A_1394 = arith.index_cast %swap3A_1393 : i32 to index
        %swap3A_1395 = arith.index_cast %mul3A_1392 : i32 to index
        %swap3A_1396 = tpu.vector_load %arg8[%swap3A_1394, %swap3A_1395] {strides = array<i32>} : memref<32x512xf32, #tpu.memory_space<vmem>>, vector<16xf32>,
        tpu.vector_store %arg8[%swap3A_1394, %swap3A_1395], %gather3A_1390 {strides = array<i32>} : memref<32x512xf32, #tpu.memory_space<vmem>>, vector<16xf32>,
        %broadcast_in_dim3A_1397 = arith.constant 27 : i32
        %broadcast_in_dim3A_1398 = vector.broadcast %broadcast_in_dim3A_1397 : i32 to vector<16xi32>
        %gather3A_1399 = tpu.vector_load_idx %arg6[%broadcast_in_dim3A_1398, %get3A_1153] : memref<32x1000xf32, #tpu.memory_space<vmem>>[vector<16xi32>, vector<16xi32>], vector<16xf32>,
        %mul3A_1400 = arith.constant 16 : i32
        %mul3A_1401 = arith.muli %add3A_1146, %mul3A_1400 : i32
        %swap3A_1402 = arith.constant 27 : i32
        %swap3A_1403 = arith.index_cast %swap3A_1402 : i32 to index
        %swap3A_1404 = arith.index_cast %mul3A_1401 : i32 to index
        %swap3A_1405 = tpu.vector_load %arg8[%swap3A_1403, %swap3A_1404] {strides = array<i32>} : memref<32x512xf32, #tpu.memory_space<vmem>>, vector<16xf32>,
        tpu.vector_store %arg8[%swap3A_1403, %swap3A_1404], %gather3A_1399 {strides = array<i32>} : memref<32x512xf32, #tpu.memory_space<vmem>>, vector<16xf32>,
        %broadcast_in_dim3A_1406 = arith.constant 28 : i32
        %broadcast_in_dim3A_1407 = vector.broadcast %broadcast_in_dim3A_1406 : i32 to vector<16xi32>
        %gather3A_1408 = tpu.vector_load_idx %arg6[%broadcast_in_dim3A_1407, %get3A_1153] : memref<32x1000xf32, #tpu.memory_space<vmem>>[vector<16xi32>, vector<16xi32>], vector<16xf32>,
        %mul3A_1409 = arith.constant 16 : i32
        %mul3A_1410 = arith.muli %add3A_1146, %mul3A_1409 : i32
        %swap3A_1411 = arith.constant 28 : i32
        %swap3A_1412 = arith.index_cast %swap3A_1411 : i32 to index
        %swap3A_1413 = arith.index_cast %mul3A_1410 : i32 to index
        %swap3A_1414 = tpu.vector_load %arg8[%swap3A_1412, %swap3A_1413] {strides = array<i32>} : memref<32x512xf32, #tpu.memory_space<vmem>>, vector<16xf32>,
        tpu.vector_store %arg8[%swap3A_1412, %swap3A_1413], %gather3A_1408 {strides = array<i32>} : memref<32x512xf32, #tpu.memory_space<vmem>>, vector<16xf32>,
        %broadcast_in_dim3A_1415 = arith.constant 29 : i32
        %broadcast_in_dim3A_1416 = vector.broadcast %broadcast_in_dim3A_1415 : i32 to vector<16xi32>
        %gather3A_1417 = tpu.vector_load_idx %arg6[%broadcast_in_dim3A_1416, %get3A_1153] : memref<32x1000xf32, #tpu.memory_space<vmem>>[vector<16xi32>, vector<16xi32>], vector<16xf32>,
        %mul3A_1418 = arith.constant 16 : i32
        %mul3A_1419 = arith.muli %add3A_1146, %mul3A_1418 : i32
        %swap3A_1420 = arith.constant 29 : i32
        %swap3A_1421 = arith.index_cast %swap3A_1420 : i32 to index
        %swap3A_1422 = arith.index_cast %mul3A_1419 : i32 to index
        %swap3A_1423 = tpu.vector_load %arg8[%swap3A_1421, %swap3A_1422] {strides = array<i32>} : memref<32x512xf32, #tpu.memory_space<vmem>>, vector<16xf32>,
        tpu.vector_store %arg8[%swap3A_1421, %swap3A_1422], %gather3A_1417 {strides = array<i32>} : memref<32x512xf32, #tpu.memory_space<vmem>>, vector<16xf32>,
        %broadcast_in_dim3A_1424 = arith.constant 30 : i32
        %broadcast_in_dim3A_1425 = vector.broadcast %broadcast_in_dim3A_1424 : i32 to vector<16xi32>
        %gather3A_1426 = tpu.vector_load_idx %arg6[%broadcast_in_dim3A_1425, %get3A_1153] : memref<32x1000xf32, #tpu.memory_space<vmem>>[vector<16xi32>, vector<16xi32>], vector<16xf32>,
        %mul3A_1427 = arith.constant 16 : i32
        %mul3A_1428 = arith.muli %add3A_1146, %mul3A_1427 : i32
        %swap3A_1429 = arith.constant 30 : i32
        %swap3A_1430 = arith.index_cast %swap3A_1429 : i32 to index
        %swap3A_1431 = arith.index_cast %mul3A_1428 : i32 to index
        %swap3A_1432 = tpu.vector_load %arg8[%swap3A_1430, %swap3A_1431] {strides = array<i32>} : memref<32x512xf32, #tpu.memory_space<vmem>>, vector<16xf32>,
        tpu.vector_store %arg8[%swap3A_1430, %swap3A_1431], %gather3A_1426 {strides = array<i32>} : memref<32x512xf32, #tpu.memory_space<vmem>>, vector<16xf32>,
        %broadcast_in_dim3A_1433 = arith.constant 31 : i32
        %broadcast_in_dim3A_1434 = vector.broadcast %broadcast_in_dim3A_1433 : i32 to vector<16xi32>
        %gather3A_1435 = tpu.vector_load_idx %arg6[%broadcast_in_dim3A_1434, %get3A_1153] : memref<32x1000xf32, #tpu.memory_space<vmem>>[vector<16xi32>, vector<16xi32>], vector<16xf32>,
        %mul3A_1436 = arith.constant 16 : i32
        %mul3A_1437 = arith.muli %add3A_1146, %mul3A_1436 : i32
        %swap3A_1438 = arith.constant 31 : i32
        %swap3A_1439 = arith.index_cast %swap3A_1438 : i32 to index
        %swap3A_1440 = arith.index_cast %mul3A_1437 : i32 to index
        %swap3A_1441 = tpu.vector_load %arg8[%swap3A_1439, %swap3A_1440] {strides = array<i32>} : memref<32x512xf32, #tpu.memory_space<vmem>>, vector<16xf32>,
        tpu.vector_store %arg8[%swap3A_1439, %swap3A_1440], %gather3A_1435 {strides = array<i32>} : memref<32x512xf32, #tpu.memory_space<vmem>>, vector<16xf32>,
        %mul3A_1442 = arith.constant 4 : i32
        %mul3A_1443 = arith.muli %mul3A_1442, %scan3A_548 : i32
        %add3A_1444 = arith.constant 3 : i32
        %add3A_1445 = arith.addi %mul3A_1443, %add3A_1444 : i32
        %mul3A_1446 = arith.constant 512 : i32
        %mul3A_1447 = arith.muli %add3A_513, %mul3A_1446 : i32
        %mul3A_1448 = arith.constant 16 : i32
        %mul3A_1449 = arith.muli %add3A_1445, %mul3A_1448 : i32
        %add3A_1450 = arith.addi %mul3A_1447, %mul3A_1449 : i32
        %get3A_1451 = arith.index_cast %add3A_1450 : i32 to index
        %get3A_1452 = tpu.vector_load %arg9[%get3A_1451] {strides = array<i32>} : memref<13312xi32, #tpu.memory_space<vmem>>, vector<16xi32>,
        %broadcast_in_dim3A_1453 = arith.constant 0 : i32
        %broadcast_in_dim3A_1454 = vector.broadcast %broadcast_in_dim3A_1453 : i32 to vector<16xi32>
        %gather3A_1455 = tpu.vector_load_idx %arg6[%broadcast_in_dim3A_1454, %get3A_1452] : memref<32x1000xf32, #tpu.memory_space<vmem>>[vector<16xi32>, vector<16xi32>], vector<16xf32>,
        %mul3A_1456 = arith.constant 16 : i32
        %mul3A_1457 = arith.muli %add3A_1445, %mul3A_1456 : i32
        %swap3A_1458 = arith.constant 0 : i32
        %swap3A_1459 = arith.index_cast %swap3A_1458 : i32 to index
        %swap3A_1460 = arith.index_cast %mul3A_1457 : i32 to index
        %swap3A_1461 = tpu.vector_load %arg8[%swap3A_1459, %swap3A_1460] {strides = array<i32>} : memref<32x512xf32, #tpu.memory_space<vmem>>, vector<16xf32>,
        tpu.vector_store %arg8[%swap3A_1459, %swap3A_1460], %gather3A_1455 {strides = array<i32>} : memref<32x512xf32, #tpu.memory_space<vmem>>, vector<16xf32>,
        %broadcast_in_dim3A_1462 = arith.constant 1 : i32
        %broadcast_in_dim3A_1463 = vector.broadcast %broadcast_in_dim3A_1462 : i32 to vector<16xi32>
        %gather3A_1464 = tpu.vector_load_idx %arg6[%broadcast_in_dim3A_1463, %get3A_1452] : memref<32x1000xf32, #tpu.memory_space<vmem>>[vector<16xi32>, vector<16xi32>], vector<16xf32>,
        %mul3A_1465 = arith.constant 16 : i32
        %mul3A_1466 = arith.muli %add3A_1445, %mul3A_1465 : i32
        %swap3A_1467 = arith.constant 1 : i32
        %swap3A_1468 = arith.index_cast %swap3A_1467 : i32 to index
        %swap3A_1469 = arith.index_cast %mul3A_1466 : i32 to index
        %swap3A_1470 = tpu.vector_load %arg8[%swap3A_1468, %swap3A_1469] {strides = array<i32>} : memref<32x512xf32, #tpu.memory_space<vmem>>, vector<16xf32>,
        tpu.vector_store %arg8[%swap3A_1468, %swap3A_1469], %gather3A_1464 {strides = array<i32>} : memref<32x512xf32, #tpu.memory_space<vmem>>, vector<16xf32>,
        %broadcast_in_dim3A_1471 = arith.constant 2 : i32
        %broadcast_in_dim3A_1472 = vector.broadcast %broadcast_in_dim3A_1471 : i32 to vector<16xi32>
        %gather3A_1473 = tpu.vector_load_idx %arg6[%broadcast_in_dim3A_1472, %get3A_1452] : memref<32x1000xf32, #tpu.memory_space<vmem>>[vector<16xi32>, vector<16xi32>], vector<16xf32>,
        %mul3A_1474 = arith.constant 16 : i32
        %mul3A_1475 = arith.muli %add3A_1445, %mul3A_1474 : i32
        %swap3A_1476 = arith.constant 2 : i32
        %swap3A_1477 = arith.index_cast %swap3A_1476 : i32 to index
        %swap3A_1478 = arith.index_cast %mul3A_1475 : i32 to index
        %swap3A_1479 = tpu.vector_load %arg8[%swap3A_1477, %swap3A_1478] {strides = array<i32>} : memref<32x512xf32, #tpu.memory_space<vmem>>, vector<16xf32>,
        tpu.vector_store %arg8[%swap3A_1477, %swap3A_1478], %gather3A_1473 {strides = array<i32>} : memref<32x512xf32, #tpu.memory_space<vmem>>, vector<16xf32>,
        %broadcast_in_dim3A_1480 = arith.constant 3 : i32
        %broadcast_in_dim3A_1481 = vector.broadcast %broadcast_in_dim3A_1480 : i32 to vector<16xi32>
        %gather3A_1482 = tpu.vector_load_idx %arg6[%broadcast_in_dim3A_1481, %get3A_1452] : memref<32x1000xf32, #tpu.memory_space<vmem>>[vector<16xi32>, vector<16xi32>], vector<16xf32>,
        %mul3A_1483 = arith.constant 16 : i32
        %mul3A_1484 = arith.muli %add3A_1445, %mul3A_1483 : i32
        %swap3A_1485 = arith.constant 3 : i32
        %swap3A_1486 = arith.index_cast %swap3A_1485 : i32 to index
        %swap3A_1487 = arith.index_cast %mul3A_1484 : i32 to index
        %swap3A_1488 = tpu.vector_load %arg8[%swap3A_1486, %swap3A_1487] {strides = array<i32>} : memref<32x512xf32, #tpu.memory_space<vmem>>, vector<16xf32>,
        tpu.vector_store %arg8[%swap3A_1486, %swap3A_1487], %gather3A_1482 {strides = array<i32>} : memref<32x512xf32, #tpu.memory_space<vmem>>, vector<16xf32>,
        %broadcast_in_dim3A_1489 = arith.constant 4 : i32
        %broadcast_in_dim3A_1490 = vector.broadcast %broadcast_in_dim3A_1489 : i32 to vector<16xi32>
        %gather3A_1491 = tpu.vector_load_idx %arg6[%broadcast_in_dim3A_1490, %get3A_1452] : memref<32x1000xf32, #tpu.memory_space<vmem>>[vector<16xi32>, vector<16xi32>], vector<16xf32>,
        %mul3A_1492 = arith.constant 16 : i32
        %mul3A_1493 = arith.muli %add3A_1445, %mul3A_1492 : i32
        %swap3A_1494 = arith.constant 4 : i32
        %swap3A_1495 = arith.index_cast %swap3A_1494 : i32 to index
        %swap3A_1496 = arith.index_cast %mul3A_1493 : i32 to index
        %swap3A_1497 = tpu.vector_load %arg8[%swap3A_1495, %swap3A_1496] {strides = array<i32>} : memref<32x512xf32, #tpu.memory_space<vmem>>, vector<16xf32>,
        tpu.vector_store %arg8[%swap3A_1495, %swap3A_1496], %gather3A_1491 {strides = array<i32>} : memref<32x512xf32, #tpu.memory_space<vmem>>, vector<16xf32>,
        %broadcast_in_dim3A_1498 = arith.constant 5 : i32
        %broadcast_in_dim3A_1499 = vector.broadcast %broadcast_in_dim3A_1498 : i32 to vector<16xi32>
        %gather3A_1500 = tpu.vector_load_idx %arg6[%broadcast_in_dim3A_1499, %get3A_1452] : memref<32x1000xf32, #tpu.memory_space<vmem>>[vector<16xi32>, vector<16xi32>], vector<16xf32>,
        %mul3A_1501 = arith.constant 16 : i32
        %mul3A_1502 = arith.muli %add3A_1445, %mul3A_1501 : i32
        %swap3A_1503 = arith.constant 5 : i32
        %swap3A_1504 = arith.index_cast %swap3A_1503 : i32 to index
        %swap3A_1505 = arith.index_cast %mul3A_1502 : i32 to index
        %swap3A_1506 = tpu.vector_load %arg8[%swap3A_1504, %swap3A_1505] {strides = array<i32>} : memref<32x512xf32, #tpu.memory_space<vmem>>, vector<16xf32>,
        tpu.vector_store %arg8[%swap3A_1504, %swap3A_1505], %gather3A_1500 {strides = array<i32>} : memref<32x512xf32, #tpu.memory_space<vmem>>, vector<16xf32>,
        %broadcast_in_dim3A_1507 = arith.constant 6 : i32
        %broadcast_in_dim3A_1508 = vector.broadcast %broadcast_in_dim3A_1507 : i32 to vector<16xi32>
        %gather3A_1509 = tpu.vector_load_idx %arg6[%broadcast_in_dim3A_1508, %get3A_1452] : memref<32x1000xf32, #tpu.memory_space<vmem>>[vector<16xi32>, vector<16xi32>], vector<16xf32>,
        %mul3A_1510 = arith.constant 16 : i32
        %mul3A_1511 = arith.muli %add3A_1445, %mul3A_1510 : i32
        %swap3A_1512 = arith.constant 6 : i32
        %swap3A_1513 = arith.index_cast %swap3A_1512 : i32 to index
        %swap3A_1514 = arith.index_cast %mul3A_1511 : i32 to index
        %swap3A_1515 = tpu.vector_load %arg8[%swap3A_1513, %swap3A_1514] {strides = array<i32>} : memref<32x512xf32, #tpu.memory_space<vmem>>, vector<16xf32>,
        tpu.vector_store %arg8[%swap3A_1513, %swap3A_1514], %gather3A_1509 {strides = array<i32>} : memref<32x512xf32, #tpu.memory_space<vmem>>, vector<16xf32>,
        %broadcast_in_dim3A_1516 = arith.constant 7 : i32
        %broadcast_in_dim3A_1517 = vector.broadcast %broadcast_in_dim3A_1516 : i32 to vector<16xi32>
        %gather3A_1518 = tpu.vector_load_idx %arg6[%broadcast_in_dim3A_1517, %get3A_1452] : memref<32x1000xf32, #tpu.memory_space<vmem>>[vector<16xi32>, vector<16xi32>], vector<16xf32>,
        %mul3A_1519 = arith.constant 16 : i32
        %mul3A_1520 = arith.muli %add3A_1445, %mul3A_1519 : i32
        %swap3A_1521 = arith.constant 7 : i32
        %swap3A_1522 = arith.index_cast %swap3A_1521 : i32 to index
        %swap3A_1523 = arith.index_cast %mul3A_1520 : i32 to index
        %swap3A_1524 = tpu.vector_load %arg8[%swap3A_1522, %swap3A_1523] {strides = array<i32>} : memref<32x512xf32, #tpu.memory_space<vmem>>, vector<16xf32>,
        tpu.vector_store %arg8[%swap3A_1522, %swap3A_1523], %gather3A_1518 {strides = array<i32>} : memref<32x512xf32, #tpu.memory_space<vmem>>, vector<16xf32>,
        %broadcast_in_dim3A_1525 = arith.constant 8 : i32
        %broadcast_in_dim3A_1526 = vector.broadcast %broadcast_in_dim3A_1525 : i32 to vector<16xi32>
        %gather3A_1527 = tpu.vector_load_idx %arg6[%broadcast_in_dim3A_1526, %get3A_1452] : memref<32x1000xf32, #tpu.memory_space<vmem>>[vector<16xi32>, vector<16xi32>], vector<16xf32>,
        %mul3A_1528 = arith.constant 16 : i32
        %mul3A_1529 = arith.muli %add3A_1445, %mul3A_1528 : i32
        %swap3A_1530 = arith.constant 8 : i32
        %swap3A_1531 = arith.index_cast %swap3A_1530 : i32 to index
        %swap3A_1532 = arith.index_cast %mul3A_1529 : i32 to index
        %swap3A_1533 = tpu.vector_load %arg8[%swap3A_1531, %swap3A_1532] {strides = array<i32>} : memref<32x512xf32, #tpu.memory_space<vmem>>, vector<16xf32>,
        tpu.vector_store %arg8[%swap3A_1531, %swap3A_1532], %gather3A_1527 {strides = array<i32>} : memref<32x512xf32, #tpu.memory_space<vmem>>, vector<16xf32>,
        %broadcast_in_dim3A_1534 = arith.constant 9 : i32
        %broadcast_in_dim3A_1535 = vector.broadcast %broadcast_in_dim3A_1534 : i32 to vector<16xi32>
        %gather3A_1536 = tpu.vector_load_idx %arg6[%broadcast_in_dim3A_1535, %get3A_1452] : memref<32x1000xf32, #tpu.memory_space<vmem>>[vector<16xi32>, vector<16xi32>], vector<16xf32>,
        %mul3A_1537 = arith.constant 16 : i32
        %mul3A_1538 = arith.muli %add3A_1445, %mul3A_1537 : i32
        %swap3A_1539 = arith.constant 9 : i32
        %swap3A_1540 = arith.index_cast %swap3A_1539 : i32 to index
        %swap3A_1541 = arith.index_cast %mul3A_1538 : i32 to index
        %swap3A_1542 = tpu.vector_load %arg8[%swap3A_1540, %swap3A_1541] {strides = array<i32>} : memref<32x512xf32, #tpu.memory_space<vmem>>, vector<16xf32>,
        tpu.vector_store %arg8[%swap3A_1540, %swap3A_1541], %gather3A_1536 {strides = array<i32>} : memref<32x512xf32, #tpu.memory_space<vmem>>, vector<16xf32>,
        %broadcast_in_dim3A_1543 = arith.constant 10 : i32
        %broadcast_in_dim3A_1544 = vector.broadcast %broadcast_in_dim3A_1543 : i32 to vector<16xi32>
        %gather3A_1545 = tpu.vector_load_idx %arg6[%broadcast_in_dim3A_1544, %get3A_1452] : memref<32x1000xf32, #tpu.memory_space<vmem>>[vector<16xi32>, vector<16xi32>], vector<16xf32>,
        %mul3A_1546 = arith.constant 16 : i32
        %mul3A_1547 = arith.muli %add3A_1445, %mul3A_1546 : i32
        %swap3A_1548 = arith.constant 10 : i32
        %swap3A_1549 = arith.index_cast %swap3A_1548 : i32 to index
        %swap3A_1550 = arith.index_cast %mul3A_1547 : i32 to index
        %swap3A_1551 = tpu.vector_load %arg8[%swap3A_1549, %swap3A_1550] {strides = array<i32>} : memref<32x512xf32, #tpu.memory_space<vmem>>, vector<16xf32>,
        tpu.vector_store %arg8[%swap3A_1549, %swap3A_1550], %gather3A_1545 {strides = array<i32>} : memref<32x512xf32, #tpu.memory_space<vmem>>, vector<16xf32>,
        %broadcast_in_dim3A_1552 = arith.constant 11 : i32
        %broadcast_in_dim3A_1553 = vector.broadcast %broadcast_in_dim3A_1552 : i32 to vector<16xi32>
        %gather3A_1554 = tpu.vector_load_idx %arg6[%broadcast_in_dim3A_1553, %get3A_1452] : memref<32x1000xf32, #tpu.memory_space<vmem>>[vector<16xi32>, vector<16xi32>], vector<16xf32>,
        %mul3A_1555 = arith.constant 16 : i32
        %mul3A_1556 = arith.muli %add3A_1445, %mul3A_1555 : i32
        %swap3A_1557 = arith.constant 11 : i32
        %swap3A_1558 = arith.index_cast %swap3A_1557 : i32 to index
        %swap3A_1559 = arith.index_cast %mul3A_1556 : i32 to index
        %swap3A_1560 = tpu.vector_load %arg8[%swap3A_1558, %swap3A_1559] {strides = array<i32>} : memref<32x512xf32, #tpu.memory_space<vmem>>, vector<16xf32>,
        tpu.vector_store %arg8[%swap3A_1558, %swap3A_1559], %gather3A_1554 {strides = array<i32>} : memref<32x512xf32, #tpu.memory_space<vmem>>, vector<16xf32>,
        %broadcast_in_dim3A_1561 = arith.constant 12 : i32
        %broadcast_in_dim3A_1562 = vector.broadcast %broadcast_in_dim3A_1561 : i32 to vector<16xi32>
        %gather3A_1563 = tpu.vector_load_idx %arg6[%broadcast_in_dim3A_1562, %get3A_1452] : memref<32x1000xf32, #tpu.memory_space<vmem>>[vector<16xi32>, vector<16xi32>], vector<16xf32>,
        %mul3A_1564 = arith.constant 16 : i32
        %mul3A_1565 = arith.muli %add3A_1445, %mul3A_1564 : i32
        %swap3A_1566 = arith.constant 12 : i32
        %swap3A_1567 = arith.index_cast %swap3A_1566 : i32 to index
        %swap3A_1568 = arith.index_cast %mul3A_1565 : i32 to index
        %swap3A_1569 = tpu.vector_load %arg8[%swap3A_1567, %swap3A_1568] {strides = array<i32>} : memref<32x512xf32, #tpu.memory_space<vmem>>, vector<16xf32>,
        tpu.vector_store %arg8[%swap3A_1567, %swap3A_1568], %gather3A_1563 {strides = array<i32>} : memref<32x512xf32, #tpu.memory_space<vmem>>, vector<16xf32>,
        %broadcast_in_dim3A_1570 = arith.constant 13 : i32
        %broadcast_in_dim3A_1571 = vector.broadcast %broadcast_in_dim3A_1570 : i32 to vector<16xi32>
        %gather3A_1572 = tpu.vector_load_idx %arg6[%broadcast_in_dim3A_1571, %get3A_1452] : memref<32x1000xf32, #tpu.memory_space<vmem>>[vector<16xi32>, vector<16xi32>], vector<16xf32>,
        %mul3A_1573 = arith.constant 16 : i32
        %mul3A_1574 = arith.muli %add3A_1445, %mul3A_1573 : i32
        %swap3A_1575 = arith.constant 13 : i32
        %swap3A_1576 = arith.index_cast %swap3A_1575 : i32 to index
        %swap3A_1577 = arith.index_cast %mul3A_1574 : i32 to index
        %swap3A_1578 = tpu.vector_load %arg8[%swap3A_1576, %swap3A_1577] {strides = array<i32>} : memref<32x512xf32, #tpu.memory_space<vmem>>, vector<16xf32>,
        tpu.vector_store %arg8[%swap3A_1576, %swap3A_1577], %gather3A_1572 {strides = array<i32>} : memref<32x512xf32, #tpu.memory_space<vmem>>, vector<16xf32>,
        %broadcast_in_dim3A_1579 = arith.constant 14 : i32
        %broadcast_in_dim3A_1580 = vector.broadcast %broadcast_in_dim3A_1579 : i32 to vector<16xi32>
        %gather3A_1581 = tpu.vector_load_idx %arg6[%broadcast_in_dim3A_1580, %get3A_1452] : memref<32x1000xf32, #tpu.memory_space<vmem>>[vector<16xi32>, vector<16xi32>], vector<16xf32>,
        %mul3A_1582 = arith.constant 16 : i32
        %mul3A_1583 = arith.muli %add3A_1445, %mul3A_1582 : i32
        %swap3A_1584 = arith.constant 14 : i32
        %swap3A_1585 = arith.index_cast %swap3A_1584 : i32 to index
        %swap3A_1586 = arith.index_cast %mul3A_1583 : i32 to index
        %swap3A_1587 = tpu.vector_load %arg8[%swap3A_1585, %swap3A_1586] {strides = array<i32>} : memref<32x512xf32, #tpu.memory_space<vmem>>, vector<16xf32>,
        tpu.vector_store %arg8[%swap3A_1585, %swap3A_1586], %gather3A_1581 {strides = array<i32>} : memref<32x512xf32, #tpu.memory_space<vmem>>, vector<16xf32>,
        %broadcast_in_dim3A_1588 = arith.constant 15 : i32
        %broadcast_in_dim3A_1589 = vector.broadcast %broadcast_in_dim3A_1588 : i32 to vector<16xi32>
        %gather3A_1590 = tpu.vector_load_idx %arg6[%broadcast_in_dim3A_1589, %get3A_1452] : memref<32x1000xf32, #tpu.memory_space<vmem>>[vector<16xi32>, vector<16xi32>], vector<16xf32>,
        %mul3A_1591 = arith.constant 16 : i32
        %mul3A_1592 = arith.muli %add3A_1445, %mul3A_1591 : i32
        %swap3A_1593 = arith.constant 15 : i32
        %swap3A_1594 = arith.index_cast %swap3A_1593 : i32 to index
        %swap3A_1595 = arith.index_cast %mul3A_1592 : i32 to index
        %swap3A_1596 = tpu.vector_load %arg8[%swap3A_1594, %swap3A_1595] {strides = array<i32>} : memref<32x512xf32, #tpu.memory_space<vmem>>, vector<16xf32>,
        tpu.vector_store %arg8[%swap3A_1594, %swap3A_1595], %gather3A_1590 {strides = array<i32>} : memref<32x512xf32, #tpu.memory_space<vmem>>, vector<16xf32>,
        %broadcast_in_dim3A_1597 = arith.constant 16 : i32
        %broadcast_in_dim3A_1598 = vector.broadcast %broadcast_in_dim3A_1597 : i32 to vector<16xi32>
        %gather3A_1599 = tpu.vector_load_idx %arg6[%broadcast_in_dim3A_1598, %get3A_1452] : memref<32x1000xf32, #tpu.memory_space<vmem>>[vector<16xi32>, vector<16xi32>], vector<16xf32>,
        %mul3A_1600 = arith.constant 16 : i32
        %mul3A_1601 = arith.muli %add3A_1445, %mul3A_1600 : i32
        %swap3A_1602 = arith.constant 16 : i32
        %swap3A_1603 = arith.index_cast %swap3A_1602 : i32 to index
        %swap3A_1604 = arith.index_cast %mul3A_1601 : i32 to index
        %swap3A_1605 = tpu.vector_load %arg8[%swap3A_1603, %swap3A_1604] {strides = array<i32>} : memref<32x512xf32, #tpu.memory_space<vmem>>, vector<16xf32>,
        tpu.vector_store %arg8[%swap3A_1603, %swap3A_1604], %gather3A_1599 {strides = array<i32>} : memref<32x512xf32, #tpu.memory_space<vmem>>, vector<16xf32>,
        %broadcast_in_dim3A_1606 = arith.constant 17 : i32
        %broadcast_in_dim3A_1607 = vector.broadcast %broadcast_in_dim3A_1606 : i32 to vector<16xi32>
        %gather3A_1608 = tpu.vector_load_idx %arg6[%broadcast_in_dim3A_1607, %get3A_1452] : memref<32x1000xf32, #tpu.memory_space<vmem>>[vector<16xi32>, vector<16xi32>], vector<16xf32>,
        %mul3A_1609 = arith.constant 16 : i32
        %mul3A_1610 = arith.muli %add3A_1445, %mul3A_1609 : i32
        %swap3A_1611 = arith.constant 17 : i32
        %swap3A_1612 = arith.index_cast %swap3A_1611 : i32 to index
        %swap3A_1613 = arith.index_cast %mul3A_1610 : i32 to index
        %swap3A_1614 = tpu.vector_load %arg8[%swap3A_1612, %swap3A_1613] {strides = array<i32>} : memref<32x512xf32, #tpu.memory_space<vmem>>, vector<16xf32>,
        tpu.vector_store %arg8[%swap3A_1612, %swap3A_1613], %gather3A_1608 {strides = array<i32>} : memref<32x512xf32, #tpu.memory_space<vmem>>, vector<16xf32>,
        %broadcast_in_dim3A_1615 = arith.constant 18 : i32
        %broadcast_in_dim3A_1616 = vector.broadcast %broadcast_in_dim3A_1615 : i32 to vector<16xi32>
        %gather3A_1617 = tpu.vector_load_idx %arg6[%broadcast_in_dim3A_1616, %get3A_1452] : memref<32x1000xf32, #tpu.memory_space<vmem>>[vector<16xi32>, vector<16xi32>], vector<16xf32>,
        %mul3A_1618 = arith.constant 16 : i32
        %mul3A_1619 = arith.muli %add3A_1445, %mul3A_1618 : i32
        %swap3A_1620 = arith.constant 18 : i32
        %swap3A_1621 = arith.index_cast %swap3A_1620 : i32 to index
        %swap3A_1622 = arith.index_cast %mul3A_1619 : i32 to index
        %swap3A_1623 = tpu.vector_load %arg8[%swap3A_1621, %swap3A_1622] {strides = array<i32>} : memref<32x512xf32, #tpu.memory_space<vmem>>, vector<16xf32>,
        tpu.vector_store %arg8[%swap3A_1621, %swap3A_1622], %gather3A_1617 {strides = array<i32>} : memref<32x512xf32, #tpu.memory_space<vmem>>, vector<16xf32>,
        %broadcast_in_dim3A_1624 = arith.constant 19 : i32
        %broadcast_in_dim3A_1625 = vector.broadcast %broadcast_in_dim3A_1624 : i32 to vector<16xi32>
        %gather3A_1626 = tpu.vector_load_idx %arg6[%broadcast_in_dim3A_1625, %get3A_1452] : memref<32x1000xf32, #tpu.memory_space<vmem>>[vector<16xi32>, vector<16xi32>], vector<16xf32>,
        %mul3A_1627 = arith.constant 16 : i32
        %mul3A_1628 = arith.muli %add3A_1445, %mul3A_1627 : i32
        %swap3A_1629 = arith.constant 19 : i32
        %swap3A_1630 = arith.index_cast %swap3A_1629 : i32 to index
        %swap3A_1631 = arith.index_cast %mul3A_1628 : i32 to index
        %swap3A_1632 = tpu.vector_load %arg8[%swap3A_1630, %swap3A_1631] {strides = array<i32>} : memref<32x512xf32, #tpu.memory_space<vmem>>, vector<16xf32>,
        tpu.vector_store %arg8[%swap3A_1630, %swap3A_1631], %gather3A_1626 {strides = array<i32>} : memref<32x512xf32, #tpu.memory_space<vmem>>, vector<16xf32>,
        %broadcast_in_dim3A_1633 = arith.constant 20 : i32
        %broadcast_in_dim3A_1634 = vector.broadcast %broadcast_in_dim3A_1633 : i32 to vector<16xi32>
        %gather3A_1635 = tpu.vector_load_idx %arg6[%broadcast_in_dim3A_1634, %get3A_1452] : memref<32x1000xf32, #tpu.memory_space<vmem>>[vector<16xi32>, vector<16xi32>], vector<16xf32>,
        %mul3A_1636 = arith.constant 16 : i32
        %mul3A_1637 = arith.muli %add3A_1445, %mul3A_1636 : i32
        %swap3A_1638 = arith.constant 20 : i32
        %swap3A_1639 = arith.index_cast %swap3A_1638 : i32 to index
        %swap3A_1640 = arith.index_cast %mul3A_1637 : i32 to index
        %swap3A_1641 = tpu.vector_load %arg8[%swap3A_1639, %swap3A_1640] {strides = array<i32>} : memref<32x512xf32, #tpu.memory_space<vmem>>, vector<16xf32>,
        tpu.vector_store %arg8[%swap3A_1639, %swap3A_1640], %gather3A_1635 {strides = array<i32>} : memref<32x512xf32, #tpu.memory_space<vmem>>, vector<16xf32>,
        %broadcast_in_dim3A_1642 = arith.constant 21 : i32
        %broadcast_in_dim3A_1643 = vector.broadcast %broadcast_in_dim3A_1642 : i32 to vector<16xi32>
        %gather3A_1644 = tpu.vector_load_idx %arg6[%broadcast_in_dim3A_1643, %get3A_1452] : memref<32x1000xf32, #tpu.memory_space<vmem>>[vector<16xi32>, vector<16xi32>], vector<16xf32>,
        %mul3A_1645 = arith.constant 16 : i32
        %mul3A_1646 = arith.muli %add3A_1445, %mul3A_1645 : i32
        %swap3A_1647 = arith.constant 21 : i32
        %swap3A_1648 = arith.index_cast %swap3A_1647 : i32 to index
        %swap3A_1649 = arith.index_cast %mul3A_1646 : i32 to index
        %swap3A_1650 = tpu.vector_load %arg8[%swap3A_1648, %swap3A_1649] {strides = array<i32>} : memref<32x512xf32, #tpu.memory_space<vmem>>, vector<16xf32>,
        tpu.vector_store %arg8[%swap3A_1648, %swap3A_1649], %gather3A_1644 {strides = array<i32>} : memref<32x512xf32, #tpu.memory_space<vmem>>, vector<16xf32>,
        %broadcast_in_dim3A_1651 = arith.constant 22 : i32
        %broadcast_in_dim3A_1652 = vector.broadcast %broadcast_in_dim3A_1651 : i32 to vector<16xi32>
        %gather3A_1653 = tpu.vector_load_idx %arg6[%broadcast_in_dim3A_1652, %get3A_1452] : memref<32x1000xf32, #tpu.memory_space<vmem>>[vector<16xi32>, vector<16xi32>], vector<16xf32>,
        %mul3A_1654 = arith.constant 16 : i32
        %mul3A_1655 = arith.muli %add3A_1445, %mul3A_1654 : i32
        %swap3A_1656 = arith.constant 22 : i32
        %swap3A_1657 = arith.index_cast %swap3A_1656 : i32 to index
        %swap3A_1658 = arith.index_cast %mul3A_1655 : i32 to index
        %swap3A_1659 = tpu.vector_load %arg8[%swap3A_1657, %swap3A_1658] {strides = array<i32>} : memref<32x512xf32, #tpu.memory_space<vmem>>, vector<16xf32>,
        tpu.vector_store %arg8[%swap3A_1657, %swap3A_1658], %gather3A_1653 {strides = array<i32>} : memref<32x512xf32, #tpu.memory_space<vmem>>, vector<16xf32>,
        %broadcast_in_dim3A_1660 = arith.constant 23 : i32
        %broadcast_in_dim3A_1661 = vector.broadcast %broadcast_in_dim3A_1660 : i32 to vector<16xi32>
        %gather3A_1662 = tpu.vector_load_idx %arg6[%broadcast_in_dim3A_1661, %get3A_1452] : memref<32x1000xf32, #tpu.memory_space<vmem>>[vector<16xi32>, vector<16xi32>], vector<16xf32>,
        %mul3A_1663 = arith.constant 16 : i32
        %mul3A_1664 = arith.muli %add3A_1445, %mul3A_1663 : i32
        %swap3A_1665 = arith.constant 23 : i32
        %swap3A_1666 = arith.index_cast %swap3A_1665 : i32 to index
        %swap3A_1667 = arith.index_cast %mul3A_1664 : i32 to index
        %swap3A_1668 = tpu.vector_load %arg8[%swap3A_1666, %swap3A_1667] {strides = array<i32>} : memref<32x512xf32, #tpu.memory_space<vmem>>, vector<16xf32>,
        tpu.vector_store %arg8[%swap3A_1666, %swap3A_1667], %gather3A_1662 {strides = array<i32>} : memref<32x512xf32, #tpu.memory_space<vmem>>, vector<16xf32>,
        %broadcast_in_dim3A_1669 = arith.constant 24 : i32
        %broadcast_in_dim3A_1670 = vector.broadcast %broadcast_in_dim3A_1669 : i32 to vector<16xi32>
        %gather3A_1671 = tpu.vector_load_idx %arg6[%broadcast_in_dim3A_1670, %get3A_1452] : memref<32x1000xf32, #tpu.memory_space<vmem>>[vector<16xi32>, vector<16xi32>], vector<16xf32>,
        %mul3A_1672 = arith.constant 16 : i32
        %mul3A_1673 = arith.muli %add3A_1445, %mul3A_1672 : i32
        %swap3A_1674 = arith.constant 24 : i32
        %swap3A_1675 = arith.index_cast %swap3A_1674 : i32 to index
        %swap3A_1676 = arith.index_cast %mul3A_1673 : i32 to index
        %swap3A_1677 = tpu.vector_load %arg8[%swap3A_1675, %swap3A_1676] {strides = array<i32>} : memref<32x512xf32, #tpu.memory_space<vmem>>, vector<16xf32>,
        tpu.vector_store %arg8[%swap3A_1675, %swap3A_1676], %gather3A_1671 {strides = array<i32>} : memref<32x512xf32, #tpu.memory_space<vmem>>, vector<16xf32>,
        %broadcast_in_dim3A_1678 = arith.constant 25 : i32
        %broadcast_in_dim3A_1679 = vector.broadcast %broadcast_in_dim3A_1678 : i32 to vector<16xi32>
        %gather3A_1680 = tpu.vector_load_idx %arg6[%broadcast_in_dim3A_1679, %get3A_1452] : memref<32x1000xf32, #tpu.memory_space<vmem>>[vector<16xi32>, vector<16xi32>], vector<16xf32>,
        %mul3A_1681 = arith.constant 16 : i32
        %mul3A_1682 = arith.muli %add3A_1445, %mul3A_1681 : i32
        %swap3A_1683 = arith.constant 25 : i32
        %swap3A_1684 = arith.index_cast %swap3A_1683 : i32 to index
        %swap3A_1685 = arith.index_cast %mul3A_1682 : i32 to index
        %swap3A_1686 = tpu.vector_load %arg8[%swap3A_1684, %swap3A_1685] {strides = array<i32>} : memref<32x512xf32, #tpu.memory_space<vmem>>, vector<16xf32>,
        tpu.vector_store %arg8[%swap3A_1684, %swap3A_1685], %gather3A_1680 {strides = array<i32>} : memref<32x512xf32, #tpu.memory_space<vmem>>, vector<16xf32>,
        %broadcast_in_dim3A_1687 = arith.constant 26 : i32
        %broadcast_in_dim3A_1688 = vector.broadcast %broadcast_in_dim3A_1687 : i32 to vector<16xi32>
        %gather3A_1689 = tpu.vector_load_idx %arg6[%broadcast_in_dim3A_1688, %get3A_1452] : memref<32x1000xf32, #tpu.memory_space<vmem>>[vector<16xi32>, vector<16xi32>], vector<16xf32>,
        %mul3A_1690 = arith.constant 16 : i32
        %mul3A_1691 = arith.muli %add3A_1445, %mul3A_1690 : i32
        %swap3A_1692 = arith.constant 26 : i32
        %swap3A_1693 = arith.index_cast %swap3A_1692 : i32 to index
        %swap3A_1694 = arith.index_cast %mul3A_1691 : i32 to index
        %swap3A_1695 = tpu.vector_load %arg8[%swap3A_1693, %swap3A_1694] {strides = array<i32>} : memref<32x512xf32, #tpu.memory_space<vmem>>, vector<16xf32>,
        tpu.vector_store %arg8[%swap3A_1693, %swap3A_1694], %gather3A_1689 {strides = array<i32>} : memref<32x512xf32, #tpu.memory_space<vmem>>, vector<16xf32>,
        %broadcast_in_dim3A_1696 = arith.constant 27 : i32
        %broadcast_in_dim3A_1697 = vector.broadcast %broadcast_in_dim3A_1696 : i32 to vector<16xi32>
        %gather3A_1698 = tpu.vector_load_idx %arg6[%broadcast_in_dim3A_1697, %get3A_1452] : memref<32x1000xf32, #tpu.memory_space<vmem>>[vector<16xi32>, vector<16xi32>], vector<16xf32>,
        %mul3A_1699 = arith.constant 16 : i32
        %mul3A_1700 = arith.muli %add3A_1445, %mul3A_1699 : i32
        %swap3A_1701 = arith.constant 27 : i32
        %swap3A_1702 = arith.index_cast %swap3A_1701 : i32 to index
        %swap3A_1703 = arith.index_cast %mul3A_1700 : i32 to index
        %swap3A_1704 = tpu.vector_load %arg8[%swap3A_1702, %swap3A_1703] {strides = array<i32>} : memref<32x512xf32, #tpu.memory_space<vmem>>, vector<16xf32>,
        tpu.vector_store %arg8[%swap3A_1702, %swap3A_1703], %gather3A_1698 {strides = array<i32>} : memref<32x512xf32, #tpu.memory_space<vmem>>, vector<16xf32>,
        %broadcast_in_dim3A_1705 = arith.constant 28 : i32
        %broadcast_in_dim3A_1706 = vector.broadcast %broadcast_in_dim3A_1705 : i32 to vector<16xi32>
        %gather3A_1707 = tpu.vector_load_idx %arg6[%broadcast_in_dim3A_1706, %get3A_1452] : memref<32x1000xf32, #tpu.memory_space<vmem>>[vector<16xi32>, vector<16xi32>], vector<16xf32>,
        %mul3A_1708 = arith.constant 16 : i32
        %mul3A_1709 = arith.muli %add3A_1445, %mul3A_1708 : i32
        %swap3A_1710 = arith.constant 28 : i32
        %swap3A_1711 = arith.index_cast %swap3A_1710 : i32 to index
        %swap3A_1712 = arith.index_cast %mul3A_1709 : i32 to index
        %swap3A_1713 = tpu.vector_load %arg8[%swap3A_1711, %swap3A_1712] {strides = array<i32>} : memref<32x512xf32, #tpu.memory_space<vmem>>, vector<16xf32>,
        tpu.vector_store %arg8[%swap3A_1711, %swap3A_1712], %gather3A_1707 {strides = array<i32>} : memref<32x512xf32, #tpu.memory_space<vmem>>, vector<16xf32>,
        %broadcast_in_dim3A_1714 = arith.constant 29 : i32
        %broadcast_in_dim3A_1715 = vector.broadcast %broadcast_in_dim3A_1714 : i32 to vector<16xi32>
        %gather3A_1716 = tpu.vector_load_idx %arg6[%broadcast_in_dim3A_1715, %get3A_1452] : memref<32x1000xf32, #tpu.memory_space<vmem>>[vector<16xi32>, vector<16xi32>], vector<16xf32>,
        %mul3A_1717 = arith.constant 16 : i32
        %mul3A_1718 = arith.muli %add3A_1445, %mul3A_1717 : i32
        %swap3A_1719 = arith.constant 29 : i32
        %swap3A_1720 = arith.index_cast %swap3A_1719 : i32 to index
        %swap3A_1721 = arith.index_cast %mul3A_1718 : i32 to index
        %swap3A_1722 = tpu.vector_load %arg8[%swap3A_1720, %swap3A_1721] {strides = array<i32>} : memref<32x512xf32, #tpu.memory_space<vmem>>, vector<16xf32>,
        tpu.vector_store %arg8[%swap3A_1720, %swap3A_1721], %gather3A_1716 {strides = array<i32>} : memref<32x512xf32, #tpu.memory_space<vmem>>, vector<16xf32>,
        %broadcast_in_dim3A_1723 = arith.constant 30 : i32
        %broadcast_in_dim3A_1724 = vector.broadcast %broadcast_in_dim3A_1723 : i32 to vector<16xi32>
        %gather3A_1725 = tpu.vector_load_idx %arg6[%broadcast_in_dim3A_1724, %get3A_1452] : memref<32x1000xf32, #tpu.memory_space<vmem>>[vector<16xi32>, vector<16xi32>], vector<16xf32>,
        %mul3A_1726 = arith.constant 16 : i32
        %mul3A_1727 = arith.muli %add3A_1445, %mul3A_1726 : i32
        %swap3A_1728 = arith.constant 30 : i32
        %swap3A_1729 = arith.index_cast %swap3A_1728 : i32 to index
        %swap3A_1730 = arith.index_cast %mul3A_1727 : i32 to index
        %swap3A_1731 = tpu.vector_load %arg8[%swap3A_1729, %swap3A_1730] {strides = array<i32>} : memref<32x512xf32, #tpu.memory_space<vmem>>, vector<16xf32>,
        tpu.vector_store %arg8[%swap3A_1729, %swap3A_1730], %gather3A_1725 {strides = array<i32>} : memref<32x512xf32, #tpu.memory_space<vmem>>, vector<16xf32>,
        %broadcast_in_dim3A_1732 = arith.constant 31 : i32
        %broadcast_in_dim3A_1733 = vector.broadcast %broadcast_in_dim3A_1732 : i32 to vector<16xi32>
        %gather3A_1734 = tpu.vector_load_idx %arg6[%broadcast_in_dim3A_1733, %get3A_1452] : memref<32x1000xf32, #tpu.memory_space<vmem>>[vector<16xi32>, vector<16xi32>], vector<16xf32>,
        %mul3A_1735 = arith.constant 16 : i32
        %mul3A_1736 = arith.muli %add3A_1445, %mul3A_1735 : i32
        %swap3A_1737 = arith.constant 31 : i32
        %swap3A_1738 = arith.index_cast %swap3A_1737 : i32 to index
        %swap3A_1739 = arith.index_cast %mul3A_1736 : i32 to index
        %swap3A_1740 = tpu.vector_load %arg8[%swap3A_1738, %swap3A_1739] {strides = array<i32>} : memref<32x512xf32, #tpu.memory_space<vmem>>, vector<16xf32>,
        tpu.vector_store %arg8[%swap3A_1738, %swap3A_1739], %gather3A_1734 {strides = array<i32>} : memref<32x512xf32, #tpu.memory_space<vmem>>, vector<16xf32>,
      }
      %scan3A_539 = arith.constant 8 : i32
      %mul3A_540 = arith.constant 832 : i32
      %mul3A_541 = arith.muli %select_n3A, %mul3A_540 : i32
      %mul3A_542 = arith.constant 32 : i32
      %mul3A_543 = arith.muli %add3A_513, %mul3A_542 : i32
      %add3A_544 = arith.addi %mul3A_541, %mul3A_543 : i32
      %dma_start3A_545 = tpu.memref_slice %arg4[%add3A_544, %mul3A_32] : memref<13312x1024xf32, #tpu.memory_space<hbm>> -> memref<32x512xf32, #tpu.memory_space<hbm>>
      %dma_start3A_546 = tpu.memref_slice %arg4[%add3A_544, %mul3A_32] : memref<13312x1024xf32, #tpu.memory_space<hbm>> -> memref<32x512xf32, #tpu.memory_space<hbm>>
      tpu.enqueue_dma source(%arg8 : memref<32x512xf32, #tpu.memory_space<vmem>>) target(%dma_start3A_546 : memref<32x512xf32, #tpu.memory_space<hbm>>) target_semaphore(%arg13 : memref<!tpu.dma_semaphore, #tpu.memory_space<semaphore_mem>>)
      %scan3A_547 = arith.constant 0 : i32
      scf.yield %scan3A_547 : i32
    }
    %scan3A_461 = arith.constant 13 : i32
    %mul3A_462 = arith.constant 832 : i32
    %mul3A_463 = arith.muli %select_n3A, %mul3A_462 : i32
    %add3A_464 = arith.constant 768 : i32
    %add3A_465 = arith.addi %mul3A_463, %add3A_464 : i32
    %dma_wait3A_466 = tpu.memref_slice %arg4[%add3A_465, %mul3A_32] : memref<13312x1024xf32, #tpu.memory_space<hbm>> -> memref<32x512xf32, #tpu.memory_space<hbm>>
    %dma_wait3A_467 = tpu.memref_slice %arg4[%add3A_465, %mul3A_32] : memref<13312x1024xf32, #tpu.memory_space<hbm>> -> memref<32x512xf32, #tpu.memory_space<hbm>>
    tpu.wait_dma2 semaphore(%arg12 : memref<!tpu.dma_semaphore, #tpu.memory_space<semaphore_mem>>) src(%arg7 : memref<32x512xf32, #tpu.memory_space<vmem>>) dst(%dma_wait3A_467 : memref<32x512xf32, #tpu.memory_space<hbm>>)
    %mul3A_468 = arith.constant 832 : i32
    %mul3A_469 = arith.muli %select_n3A, %mul3A_468 : i32
    %add3A_470 = arith.constant 800 : i32
    %add3A_471 = arith.addi %mul3A_469, %add3A_470 : i32
    %dma_wait3A_472 = tpu.memref_slice %arg4[%add3A_471, %mul3A_32] : memref<13312x1024xf32, #tpu.memory_space<hbm>> -> memref<32x512xf32, #tpu.memory_space<hbm>>
    %dma_wait3A_473 = tpu.memref_slice %arg4[%add3A_471, %mul3A_32] : memref<13312x1024xf32, #tpu.memory_space<hbm>> -> memref<32x512xf32, #tpu.memory_space<hbm>>
    tpu.wait_dma2 semaphore(%arg13 : memref<!tpu.dma_semaphore, #tpu.memory_space<semaphore_mem>>) src(%arg8 : memref<32x512xf32, #tpu.memory_space<vmem>>) dst(%dma_wait3A_473 : memref<32x512xf32, #tpu.memory_space<hbm>>)
    return
  }
}

module attributes {stable_mosaic.version = 14 : i64} {
  func.func @_tc_body(%arg0: i32, %arg1: memref<1x832x1024xf32, #tpu.memory_space<vmem>>, %arg2: memref<26x1024xf32, #tpu.memory_space<vmem>>, %arg3: memref<128x1024xf32, #tpu.memory_space<vmem>>, %arg4: memref<16x128xf32, #tpu.memory_space<vmem>>, %arg5: memref<16x1xf32, #tpu.memory_space<vmem>>, %arg6: memref<16x832x64xf32, #tpu.memory_space<vmem>>, %arg7: memref<1x64x1xf32, #tpu.memory_space<vmem>>, %arg8: memref<16x64x64xf32, #tpu.memory_space<vmem>>, %arg9: memref<1x64x1xf32, #tpu.memory_space<vmem>>, %arg10: memref<1x1024xf32, #tpu.memory_space<vmem>>, %arg11: memref<832x1024xf32, #tpu.memory_space<vmem>>, %arg12: memref<832x1024xf32, #tpu.memory_space<vmem>>, %arg13: memref<16x1024xf32, #tpu.memory_space<vmem>>, %arg14: memref<1x1024xf32, #tpu.memory_space<vmem>>) attributes {dimension_semantics = [#tpu.dimension_semantics<arbitrary>], iteration_bounds = array<i64: 16>, scalar_prefetch = 0 : i64, scratch_operands = 4 : i64, tpu.core_type = #tpu.core_type<tc>, window_params = [{transform_indices = @transform_0, window_bounds = array<i64: 1, 832, 1024>}, {pipeline_mode = #tpu.pipeline_mode<synchronous>, transform_indices = @transform_1, window_bounds = array<i64: 26, 1024>}, {pipeline_mode = #tpu.pipeline_mode<synchronous>, transform_indices = @transform_2, window_bounds = array<i64: 128, 1024>}, {pipeline_mode = #tpu.pipeline_mode<synchronous>, transform_indices = @transform_3, window_bounds = array<i64: 16, 128>}, {pipeline_mode = #tpu.pipeline_mode<synchronous>, transform_indices = @transform_4, window_bounds = array<i64: 16, 1>}, {pipeline_mode = #tpu.pipeline_mode<synchronous>, transform_indices = @transform_5, window_bounds = array<i64: 16, 832, 64>}, {transform_indices = @transform_6, window_bounds = array<i64: 1, 64, 1>}, {pipeline_mode = #tpu.pipeline_mode<synchronous>, transform_indices = @transform_7, window_bounds = array<i64: 16, 64, 64>}, {transform_indices = @transform_8, window_bounds = array<i64: 1, 64, 1>}, {pipeline_mode = #tpu.pipeline_mode<synchronous>, transform_indices = @transform_9, window_bounds = array<i64: 1, 1024>}]} {
    %eq3A = arith.constant 0 : i32
    %eq3A_0 = arith.cmpi eq, %arg0, %eq3A : i32
    %convert_element_type3A = arith.extui %eq3A_0 : i1 to i32
    %cond3A = arith.constant 0 : i32
    %cond3A_1 = arith.cmpi ne, %convert_element_type3A, %cond3A : i32
    scf.if %cond3A_1 {
      %get3A_102 = arith.constant 0 : index
      %get3A_103 = arith.constant 0 : index
      %get3A_104 = vector.load %arg3[%get3A_102, %get3A_103] : memref<128x1024xf32, #tpu.memory_space<vmem>>, vector<128x1024xf32>
      %get3A_105 = arith.constant 0 : index
      %get3A_106 = arith.constant 0 : index
      %get3A_107 = vector.load %arg4[%get3A_105, %get3A_106] : memref<16x128xf32, #tpu.memory_space<vmem>>, vector<16x128xf32>
      %mul3A_108 = arith.mulf %get3A_104, %get3A_104 : vector<128x1024xf32>
      %reduce_sum3A_109 = arith.constant dense<0.000000e+00> : vector<1024xf32>
      %reduce_sum3A_110 = vector.multi_reduction <add>, %mul3A_108, %reduce_sum3A_109 [0] : vector<128x1024xf32> to vector<1024xf32>
      %broadcast_in_dim3A_111 = vector.shape_cast %reduce_sum3A_110 : vector<1024xf32> to vector<1x1024xf32>
      %dot_general3A_112 = arith.constant dense<0.000000e+00> : vector<16x1024xf32>
      %dot_general3A_113 = tpu.matmul %get3A_107, %get3A_104, %dot_general3A_112 {dimension_numbers = #tpu.dot_dimension_numbers<[1], [0], [0], [1], [0, 0, 1, 1], [], []>, precision = #tpu.contract_precision<fp32>, transpose_lhs_hint = false} : vector<16x128xf32>, vector<128x1024xf32>, vector<16x1024xf32> -> vector<16x1024xf32>
      %mul3A_114 = arith.mulf %get3A_107, %get3A_107 : vector<16x128xf32>
      %reduce_sum3A_115 = arith.constant dense<0.000000e+00> : vector<16xf32>
      %reduce_sum3A_116 = vector.multi_reduction <add>, %mul3A_114, %reduce_sum3A_115 [1] : vector<16x128xf32> to vector<16xf32>
      %broadcast_in_dim3A_117 = vector.shape_cast %reduce_sum3A_116 : vector<16xf32> to vector<16x1xf32>
      %mul3A_118 = arith.constant 2.000000e+00 : f32
      %mul3A_119 = vector.broadcast %mul3A_118 : f32 to vector<16x1024xf32>
      %mul3A_120 = arith.mulf %mul3A_119, %dot_general3A_113 : vector<16x1024xf32>
      %sub3A_121 = vector.broadcast %broadcast_in_dim3A_117 : vector<16x1xf32> to vector<16x1024xf32>
      %sub3A_122 = arith.subf %sub3A_121, %mul3A_120 : vector<16x1024xf32>
      %add3A_123 = vector.broadcast %broadcast_in_dim3A_111 : vector<1x1024xf32> to vector<16x1024xf32>
      %add3A_124 = arith.addf %sub3A_122, %add3A_123 : vector<16x1024xf32>
      %mul3A_125 = arith.constant -1.000000e-03 : f32
      %mul3A_126 = vector.broadcast %mul3A_125 : f32 to vector<16x1024xf32>
      %mul3A_127 = arith.mulf %add3A_124, %mul3A_126 : vector<16x1024xf32>
      %exp3A = math.exp %mul3A_127 : vector<16x1024xf32>
      %iota3A_128 = tpu.iota {dimensions = array<i32: 0>} : vector<16x1024xi32>
      %broadcast_in_dim3A_129 = arith.constant 0.000000e+00 : f32
      %broadcast_in_dim3A_130 = vector.broadcast %broadcast_in_dim3A_129 : f32 to vector<16x1024xf32>
      %reduce_max3A = arith.constant dense<0xFF800000> : vector<1024xf32>
      %reduce_max3A_131 = vector.multi_reduction <maximumf>, %exp3A, %reduce_max3A [0] : vector<16x1024xf32> to vector<1024xf32>
      %broadcast_in_dim3A_132 = vector.shape_cast %reduce_max3A_131 : vector<1024xf32> to vector<1x1024xf32>
      %ge3A = vector.broadcast %broadcast_in_dim3A_132 : vector<1x1024xf32> to vector<16x1024xf32>
      %ge3A_133 = arith.cmpf oge, %exp3A, %ge3A : vector<16x1024xf32>
      %jit3A_134 = arith.constant 17 : i32
      %broadcast_in_dim3A_135 = vector.broadcast %jit3A_134 : i32 to vector<16x1024xi32>
      %select_n3A_136 = arith.select %ge3A_133, %iota3A_128, %broadcast_in_dim3A_135 : vector<16x1024xi1>, vector<16x1024xi32>
      %reduce_min3A = arith.constant dense<2147483647> : vector<1024xi32>
      %reduce_min3A_137 = vector.multi_reduction <minsi>, %select_n3A_136, %reduce_min3A [0] : vector<16x1024xi32> to vector<1024xi32>
      %broadcast_in_dim3A_138 = vector.shape_cast %reduce_min3A_137 : vector<1024xi32> to vector<1x1024xi32>
      %eq3A_139 = vector.broadcast %broadcast_in_dim3A_138 : vector<1x1024xi32> to vector<16x1024xi32>
      %eq3A_140 = arith.cmpi eq, %iota3A_128, %eq3A_139 : vector<16x1024xi32>
      %jit3A_141 = arith.constant 1.000000e+00 : f32
      %broadcast_in_dim3A_142 = vector.broadcast %jit3A_141 : f32 to vector<16x1024xf32>
      %select_n3A_143 = arith.select %eq3A_140, %broadcast_in_dim3A_142, %broadcast_in_dim3A_130 : vector<16x1024xi1>, vector<16x1024xf32>
      %jit3A_144 = arith.constant -1.000000e+30 : f32
      %broadcast_in_dim3A_145 = vector.broadcast %jit3A_144 : f32 to vector<16x1024xf32>
      %select_n3A_146 = arith.select %eq3A_140, %broadcast_in_dim3A_145, %exp3A : vector<16x1024xi1>, vector<16x1024xf32>
      %reduce_max3A_147 = arith.constant dense<0xFF800000> : vector<1024xf32>
      %reduce_max3A_148 = vector.multi_reduction <maximumf>, %select_n3A_146, %reduce_max3A_147 [0] : vector<16x1024xf32> to vector<1024xf32>
      %broadcast_in_dim3A_149 = vector.shape_cast %reduce_max3A_148 : vector<1024xf32> to vector<1x1024xf32>
      %ge3A_150 = vector.broadcast %broadcast_in_dim3A_149 : vector<1x1024xf32> to vector<16x1024xf32>
      %ge3A_151 = arith.cmpf oge, %select_n3A_146, %ge3A_150 : vector<16x1024xf32>
      %jit3A_152 = arith.constant 17 : i32
      %broadcast_in_dim3A_153 = vector.broadcast %jit3A_152 : i32 to vector<16x1024xi32>
      %select_n3A_154 = arith.select %ge3A_151, %iota3A_128, %broadcast_in_dim3A_153 : vector<16x1024xi1>, vector<16x1024xi32>
      %reduce_min3A_155 = arith.constant dense<2147483647> : vector<1024xi32>
      %reduce_min3A_156 = vector.multi_reduction <minsi>, %select_n3A_154, %reduce_min3A_155 [0] : vector<16x1024xi32> to vector<1024xi32>
      %broadcast_in_dim3A_157 = vector.shape_cast %reduce_min3A_156 : vector<1024xi32> to vector<1x1024xi32>
      %eq3A_158 = vector.broadcast %broadcast_in_dim3A_157 : vector<1x1024xi32> to vector<16x1024xi32>
      %eq3A_159 = arith.cmpi eq, %iota3A_128, %eq3A_158 : vector<16x1024xi32>
      %jit3A_160 = arith.constant 1.000000e+00 : f32
      %broadcast_in_dim3A_161 = vector.broadcast %jit3A_160 : f32 to vector<16x1024xf32>
      %select_n3A_162 = arith.select %eq3A_159, %broadcast_in_dim3A_161, %select_n3A_143 : vector<16x1024xi1>, vector<16x1024xf32>
      %jit3A_163 = arith.constant -1.000000e+30 : f32
      %broadcast_in_dim3A_164 = vector.broadcast %jit3A_163 : f32 to vector<16x1024xf32>
      %select_n3A_165 = arith.select %eq3A_159, %broadcast_in_dim3A_164, %select_n3A_146 : vector<16x1024xi1>, vector<16x1024xf32>
      %reduce_max3A_166 = arith.constant dense<0xFF800000> : vector<1024xf32>
      %reduce_max3A_167 = vector.multi_reduction <maximumf>, %select_n3A_165, %reduce_max3A_166 [0] : vector<16x1024xf32> to vector<1024xf32>
      %broadcast_in_dim3A_168 = vector.shape_cast %reduce_max3A_167 : vector<1024xf32> to vector<1x1024xf32>
      %ge3A_169 = vector.broadcast %broadcast_in_dim3A_168 : vector<1x1024xf32> to vector<16x1024xf32>
      %ge3A_170 = arith.cmpf oge, %select_n3A_165, %ge3A_169 : vector<16x1024xf32>
      %jit3A_171 = arith.constant 17 : i32
      %broadcast_in_dim3A_172 = vector.broadcast %jit3A_171 : i32 to vector<16x1024xi32>
      %select_n3A_173 = arith.select %ge3A_170, %iota3A_128, %broadcast_in_dim3A_172 : vector<16x1024xi1>, vector<16x1024xi32>
      %reduce_min3A_174 = arith.constant dense<2147483647> : vector<1024xi32>
      %reduce_min3A_175 = vector.multi_reduction <minsi>, %select_n3A_173, %reduce_min3A_174 [0] : vector<16x1024xi32> to vector<1024xi32>
      %broadcast_in_dim3A_176 = vector.shape_cast %reduce_min3A_175 : vector<1024xi32> to vector<1x1024xi32>
      %eq3A_177 = vector.broadcast %broadcast_in_dim3A_176 : vector<1x1024xi32> to vector<16x1024xi32>
      %eq3A_178 = arith.cmpi eq, %iota3A_128, %eq3A_177 : vector<16x1024xi32>
      %jit3A_179 = arith.constant 1.000000e+00 : f32
      %broadcast_in_dim3A_180 = vector.broadcast %jit3A_179 : f32 to vector<16x1024xf32>
      %select_n3A_181 = arith.select %eq3A_178, %broadcast_in_dim3A_180, %select_n3A_162 : vector<16x1024xi1>, vector<16x1024xf32>
      %jit3A_182 = arith.constant -1.000000e+30 : f32
      %broadcast_in_dim3A_183 = vector.broadcast %jit3A_182 : f32 to vector<16x1024xf32>
      %select_n3A_184 = arith.select %eq3A_178, %broadcast_in_dim3A_183, %select_n3A_165 : vector<16x1024xi1>, vector<16x1024xf32>
      %reduce_max3A_185 = arith.constant dense<0xFF800000> : vector<1024xf32>
      %reduce_max3A_186 = vector.multi_reduction <maximumf>, %select_n3A_184, %reduce_max3A_185 [0] : vector<16x1024xf32> to vector<1024xf32>
      %broadcast_in_dim3A_187 = vector.shape_cast %reduce_max3A_186 : vector<1024xf32> to vector<1x1024xf32>
      %ge3A_188 = vector.broadcast %broadcast_in_dim3A_187 : vector<1x1024xf32> to vector<16x1024xf32>
      %ge3A_189 = arith.cmpf oge, %select_n3A_184, %ge3A_188 : vector<16x1024xf32>
      %jit3A_190 = arith.constant 17 : i32
      %broadcast_in_dim3A_191 = vector.broadcast %jit3A_190 : i32 to vector<16x1024xi32>
      %select_n3A_192 = arith.select %ge3A_189, %iota3A_128, %broadcast_in_dim3A_191 : vector<16x1024xi1>, vector<16x1024xi32>
      %reduce_min3A_193 = arith.constant dense<2147483647> : vector<1024xi32>
      %reduce_min3A_194 = vector.multi_reduction <minsi>, %select_n3A_192, %reduce_min3A_193 [0] : vector<16x1024xi32> to vector<1024xi32>
      %broadcast_in_dim3A_195 = vector.shape_cast %reduce_min3A_194 : vector<1024xi32> to vector<1x1024xi32>
      %eq3A_196 = vector.broadcast %broadcast_in_dim3A_195 : vector<1x1024xi32> to vector<16x1024xi32>
      %eq3A_197 = arith.cmpi eq, %iota3A_128, %eq3A_196 : vector<16x1024xi32>
      %jit3A_198 = arith.constant 1.000000e+00 : f32
      %broadcast_in_dim3A_199 = vector.broadcast %jit3A_198 : f32 to vector<16x1024xf32>
      %select_n3A_200 = arith.select %eq3A_197, %broadcast_in_dim3A_199, %select_n3A_181 : vector<16x1024xi1>, vector<16x1024xf32>
      %jit3A_201 = arith.constant -1.000000e+30 : f32
      %broadcast_in_dim3A_202 = vector.broadcast %jit3A_201 : f32 to vector<16x1024xf32>
      %select_n3A_203 = arith.select %eq3A_197, %broadcast_in_dim3A_202, %select_n3A_184 : vector<16x1024xi1>, vector<16x1024xf32>
      %reduce_max3A_204 = arith.constant dense<0xFF800000> : vector<1024xf32>
      %reduce_max3A_205 = vector.multi_reduction <maximumf>, %select_n3A_203, %reduce_max3A_204 [0] : vector<16x1024xf32> to vector<1024xf32>
      %broadcast_in_dim3A_206 = vector.shape_cast %reduce_max3A_205 : vector<1024xf32> to vector<1x1024xf32>
      %ge3A_207 = vector.broadcast %broadcast_in_dim3A_206 : vector<1x1024xf32> to vector<16x1024xf32>
      %ge3A_208 = arith.cmpf oge, %select_n3A_203, %ge3A_207 : vector<16x1024xf32>
      %jit3A_209 = arith.constant 17 : i32
      %broadcast_in_dim3A_210 = vector.broadcast %jit3A_209 : i32 to vector<16x1024xi32>
      %select_n3A_211 = arith.select %ge3A_208, %iota3A_128, %broadcast_in_dim3A_210 : vector<16x1024xi1>, vector<16x1024xi32>
      %reduce_min3A_212 = arith.constant dense<2147483647> : vector<1024xi32>
      %reduce_min3A_213 = vector.multi_reduction <minsi>, %select_n3A_211, %reduce_min3A_212 [0] : vector<16x1024xi32> to vector<1024xi32>
      %broadcast_in_dim3A_214 = vector.shape_cast %reduce_min3A_213 : vector<1024xi32> to vector<1x1024xi32>
      %eq3A_215 = vector.broadcast %broadcast_in_dim3A_214 : vector<1x1024xi32> to vector<16x1024xi32>
      %eq3A_216 = arith.cmpi eq, %iota3A_128, %eq3A_215 : vector<16x1024xi32>
      %jit3A_217 = arith.constant 1.000000e+00 : f32
      %broadcast_in_dim3A_218 = vector.broadcast %jit3A_217 : f32 to vector<16x1024xf32>
      %select_n3A_219 = arith.select %eq3A_216, %broadcast_in_dim3A_218, %select_n3A_200 : vector<16x1024xi1>, vector<16x1024xf32>
      %jit3A_220 = arith.constant -1.000000e+30 : f32
      %broadcast_in_dim3A_221 = vector.broadcast %jit3A_220 : f32 to vector<16x1024xf32>
      %select_n3A_222 = arith.select %eq3A_216, %broadcast_in_dim3A_221, %select_n3A_203 : vector<16x1024xi1>, vector<16x1024xf32>
      %reduce_max3A_223 = arith.constant dense<0xFF800000> : vector<1024xf32>
      %reduce_max3A_224 = vector.multi_reduction <maximumf>, %select_n3A_222, %reduce_max3A_223 [0] : vector<16x1024xf32> to vector<1024xf32>
      %broadcast_in_dim3A_225 = vector.shape_cast %reduce_max3A_224 : vector<1024xf32> to vector<1x1024xf32>
      %ge3A_226 = vector.broadcast %broadcast_in_dim3A_225 : vector<1x1024xf32> to vector<16x1024xf32>
      %ge3A_227 = arith.cmpf oge, %select_n3A_222, %ge3A_226 : vector<16x1024xf32>
      %jit3A_228 = arith.constant 17 : i32
      %broadcast_in_dim3A_229 = vector.broadcast %jit3A_228 : i32 to vector<16x1024xi32>
      %select_n3A_230 = arith.select %ge3A_227, %iota3A_128, %broadcast_in_dim3A_229 : vector<16x1024xi1>, vector<16x1024xi32>
      %reduce_min3A_231 = arith.constant dense<2147483647> : vector<1024xi32>
      %reduce_min3A_232 = vector.multi_reduction <minsi>, %select_n3A_230, %reduce_min3A_231 [0] : vector<16x1024xi32> to vector<1024xi32>
      %broadcast_in_dim3A_233 = vector.shape_cast %reduce_min3A_232 : vector<1024xi32> to vector<1x1024xi32>
      %eq3A_234 = vector.broadcast %broadcast_in_dim3A_233 : vector<1x1024xi32> to vector<16x1024xi32>
      %eq3A_235 = arith.cmpi eq, %iota3A_128, %eq3A_234 : vector<16x1024xi32>
      %jit3A_236 = arith.constant 1.000000e+00 : f32
      %broadcast_in_dim3A_237 = vector.broadcast %jit3A_236 : f32 to vector<16x1024xf32>
      %select_n3A_238 = arith.select %eq3A_235, %broadcast_in_dim3A_237, %select_n3A_219 : vector<16x1024xi1>, vector<16x1024xf32>
      %jit3A_239 = arith.constant -1.000000e+30 : f32
      %broadcast_in_dim3A_240 = vector.broadcast %jit3A_239 : f32 to vector<16x1024xf32>
      %select_n3A_241 = arith.select %eq3A_235, %broadcast_in_dim3A_240, %select_n3A_222 : vector<16x1024xi1>, vector<16x1024xf32>
      %reduce_max3A_242 = arith.constant dense<0xFF800000> : vector<1024xf32>
      %reduce_max3A_243 = vector.multi_reduction <maximumf>, %select_n3A_241, %reduce_max3A_242 [0] : vector<16x1024xf32> to vector<1024xf32>
      %broadcast_in_dim3A_244 = vector.shape_cast %reduce_max3A_243 : vector<1024xf32> to vector<1x1024xf32>
      %ge3A_245 = vector.broadcast %broadcast_in_dim3A_244 : vector<1x1024xf32> to vector<16x1024xf32>
      %ge3A_246 = arith.cmpf oge, %select_n3A_241, %ge3A_245 : vector<16x1024xf32>
      %jit3A_247 = arith.constant 17 : i32
      %broadcast_in_dim3A_248 = vector.broadcast %jit3A_247 : i32 to vector<16x1024xi32>
      %select_n3A_249 = arith.select %ge3A_246, %iota3A_128, %broadcast_in_dim3A_248 : vector<16x1024xi1>, vector<16x1024xi32>
      %reduce_min3A_250 = arith.constant dense<2147483647> : vector<1024xi32>
      %reduce_min3A_251 = vector.multi_reduction <minsi>, %select_n3A_249, %reduce_min3A_250 [0] : vector<16x1024xi32> to vector<1024xi32>
      %broadcast_in_dim3A_252 = vector.shape_cast %reduce_min3A_251 : vector<1024xi32> to vector<1x1024xi32>
      %eq3A_253 = vector.broadcast %broadcast_in_dim3A_252 : vector<1x1024xi32> to vector<16x1024xi32>
      %eq3A_254 = arith.cmpi eq, %iota3A_128, %eq3A_253 : vector<16x1024xi32>
      %jit3A_255 = arith.constant 1.000000e+00 : f32
      %broadcast_in_dim3A_256 = vector.broadcast %jit3A_255 : f32 to vector<16x1024xf32>
      %select_n3A_257 = arith.select %eq3A_254, %broadcast_in_dim3A_256, %select_n3A_238 : vector<16x1024xi1>, vector<16x1024xf32>
      %jit3A_258 = arith.constant -1.000000e+30 : f32
      %broadcast_in_dim3A_259 = vector.broadcast %jit3A_258 : f32 to vector<16x1024xf32>
      %select_n3A_260 = arith.select %eq3A_254, %broadcast_in_dim3A_259, %select_n3A_241 : vector<16x1024xi1>, vector<16x1024xf32>
      %reduce_max3A_261 = arith.constant dense<0xFF800000> : vector<1024xf32>
      %reduce_max3A_262 = vector.multi_reduction <maximumf>, %select_n3A_260, %reduce_max3A_261 [0] : vector<16x1024xf32> to vector<1024xf32>
      %broadcast_in_dim3A_263 = vector.shape_cast %reduce_max3A_262 : vector<1024xf32> to vector<1x1024xf32>
      %ge3A_264 = vector.broadcast %broadcast_in_dim3A_263 : vector<1x1024xf32> to vector<16x1024xf32>
      %ge3A_265 = arith.cmpf oge, %select_n3A_260, %ge3A_264 : vector<16x1024xf32>
      %jit3A_266 = arith.constant 17 : i32
      %broadcast_in_dim3A_267 = vector.broadcast %jit3A_266 : i32 to vector<16x1024xi32>
      %select_n3A_268 = arith.select %ge3A_265, %iota3A_128, %broadcast_in_dim3A_267 : vector<16x1024xi1>, vector<16x1024xi32>
      %reduce_min3A_269 = arith.constant dense<2147483647> : vector<1024xi32>
      %reduce_min3A_270 = vector.multi_reduction <minsi>, %select_n3A_268, %reduce_min3A_269 [0] : vector<16x1024xi32> to vector<1024xi32>
      %broadcast_in_dim3A_271 = vector.shape_cast %reduce_min3A_270 : vector<1024xi32> to vector<1x1024xi32>
      %eq3A_272 = vector.broadcast %broadcast_in_dim3A_271 : vector<1x1024xi32> to vector<16x1024xi32>
      %eq3A_273 = arith.cmpi eq, %iota3A_128, %eq3A_272 : vector<16x1024xi32>
      %jit3A_274 = arith.constant 1.000000e+00 : f32
      %broadcast_in_dim3A_275 = vector.broadcast %jit3A_274 : f32 to vector<16x1024xf32>
      %select_n3A_276 = arith.select %eq3A_273, %broadcast_in_dim3A_275, %select_n3A_257 : vector<16x1024xi1>, vector<16x1024xf32>
      %mul3A_277 = arith.mulf %exp3A, %select_n3A_276 : vector<16x1024xf32>
      %reduce_sum3A_278 = arith.constant dense<0.000000e+00> : vector<1024xf32>
      %reduce_sum3A_279 = vector.multi_reduction <add>, %mul3A_277, %reduce_sum3A_278 [0] : vector<16x1024xf32> to vector<1024xf32>
      %broadcast_in_dim3A_280 = vector.shape_cast %reduce_sum3A_279 : vector<1024xf32> to vector<1x1024xf32>
      %add3A_281 = arith.constant 9.99999996E-13 : f32
      %add3A_282 = vector.broadcast %add3A_281 : f32 to vector<1x1024xf32>
      %add3A_283 = arith.addf %broadcast_in_dim3A_280, %add3A_282 : vector<1x1024xf32>
      %div3A = vector.broadcast %add3A_283 : vector<1x1024xf32> to vector<16x1024xf32>
      %div3A_284 = arith.divf %mul3A_277, %div3A : vector<16x1024xf32>
      %swap3A_285 = arith.constant 0 : index
      %swap3A_286 = arith.constant 0 : index
      %swap3A_287 = vector.load %arg13[%swap3A_285, %swap3A_286] : memref<16x1024xf32, #tpu.memory_space<vmem>>, vector<16x1024xf32>
      tpu.vector_store %arg13[%swap3A_285, %swap3A_286], %div3A_284 {strides = array<i32>} : memref<16x1024xf32, #tpu.memory_space<vmem>>, vector<16x1024xf32>,
      %get3A_288 = arith.constant 0 : index
      %get3A_289 = arith.constant 0 : index
      %get3A_290 = vector.load %arg5[%get3A_288, %get3A_289] : memref<16x1xf32, #tpu.memory_space<vmem>>, vector<16x1xf32>
      %dot_general3A_291 = arith.constant dense<0.000000e+00> : vector<1x1024xf32>
      %dot_general3A_292 = tpu.matmul %get3A_290, %div3A_284, %dot_general3A_291 {dimension_numbers = #tpu.dot_dimension_numbers<[0], [0], [1], [1], [0, 1, 1, 1], [], []>, transpose_lhs_hint = false} : vector<16x1xf32>, vector<16x1024xf32>, vector<1x1024xf32> -> vector<1x1024xf32>
      %swap3A_293 = arith.constant 0 : index
      %swap3A_294 = arith.constant 0 : index
      %swap3A_295 = vector.load %arg14[%swap3A_293, %swap3A_294] : memref<1x1024xf32, #tpu.memory_space<vmem>>, vector<1x1024xf32>
      tpu.vector_store %arg14[%swap3A_293, %swap3A_294], %dot_general3A_292 {strides = array<i32>} : memref<1x1024xf32, #tpu.memory_space<vmem>>, vector<1x1024xf32>,
      %iota3A_296 = tpu.iota {dimensions = array<i32: 0>} : vector<832x26xi32>
      %jit3A_297 = arith.constant 32 : i32
      %div3A_298 = vector.broadcast %jit3A_297 : i32 to vector<832x26xi32>
      %div3A_299 = arith.divsi %iota3A_296, %div3A_298 : vector<832x26xi32>
      %sign3A = arith.constant 0 : i32
      %sign3A_300 = vector.broadcast %sign3A : i32 to vector<832x26xi32>
      %sign3A_301 = arith.cmpi sgt, %iota3A_296, %sign3A_300 : vector<832x26xi32>
      %sign3A_302 = arith.extui %sign3A_301 : vector<832x26xi1> to vector<832x26xi32>
      %sign3A_303 = arith.constant 0 : i32
      %sign3A_304 = vector.broadcast %sign3A_303 : i32 to vector<832x26xi32>
      %sign3A_305 = arith.cmpi slt, %iota3A_296, %sign3A_304 : vector<832x26xi32>
      %sign3A_306 = arith.extui %sign3A_305 : vector<832x26xi1> to vector<832x26xi32>
      %sign3A_307 = arith.subi %sign3A_302, %sign3A_306 : vector<832x26xi32>
      %sign3A_308 = arith.constant 0 : i32
      %sign3A_309 = arith.cmpi sgt, %jit3A_297, %sign3A_308 : i32
      %sign3A_310 = arith.extui %sign3A_309 : i1 to i32
      %sign3A_311 = arith.constant 0 : i32
      %sign3A_312 = arith.cmpi slt, %jit3A_297, %sign3A_311 : i32
      %sign3A_313 = arith.extui %sign3A_312 : i1 to i32
      %sign3A_314 = arith.subi %sign3A_310, %sign3A_313 : i32
      %ne3A_315 = vector.broadcast %sign3A_314 : i32 to vector<832x26xi32>
      %ne3A_316 = arith.cmpi ne, %sign3A_307, %ne3A_315 : vector<832x26xi32>
      %rem3A_317 = vector.broadcast %jit3A_297 : i32 to vector<832x26xi32>
      %rem3A_318 = arith.remsi %iota3A_296, %rem3A_317 : vector<832x26xi32>
      %ne3A_319 = arith.constant 0 : i32
      %ne3A_320 = vector.broadcast %ne3A_319 : i32 to vector<832x26xi32>
      %ne3A_321 = arith.cmpi ne, %rem3A_318, %ne3A_320 : vector<832x26xi32>
      %and3A_322 = arith.andi %ne3A_316, %ne3A_321 : vector<832x26xi1>
      %sub3A_323 = arith.constant 1 : i32
      %sub3A_324 = vector.broadcast %sub3A_323 : i32 to vector<832x26xi32>
      %sub3A_325 = arith.subi %div3A_299, %sub3A_324 : vector<832x26xi32>
      %select_n3A_326 = arith.select %and3A_322, %sub3A_325, %div3A_299 : vector<832x26xi1>, vector<832x26xi32>
      %iota3A_327 = tpu.iota {dimensions = array<i32: 1>} : vector<832x26xi32>
      %eq3A_328 = arith.cmpi eq, %select_n3A_326, %iota3A_327 : vector<832x26xi32>
      %convert_element_type3A_329 = arith.extui %eq3A_328 : vector<832x26xi1> to vector<832x26xi32>
      %convert_element_type3A_330 = arith.sitofp %convert_element_type3A_329 : vector<832x26xi32> to vector<832x26xf32>
      %get3A_331 = arith.constant 0 : index
      %get3A_332 = arith.constant 0 : index
      %get3A_333 = vector.load %arg2[%get3A_331, %get3A_332] : memref<26x1024xf32, #tpu.memory_space<vmem>>, vector<26x1024xf32>
      %dot_general3A_334 = arith.constant dense<0.000000e+00> : vector<832x1024xf32>
      %dot_general3A_335 = tpu.matmul %convert_element_type3A_330, %get3A_333, %dot_general3A_334 {dimension_numbers = #tpu.dot_dimension_numbers<[1], [0], [0], [1], [0, 0, 1, 1], [], []>, transpose_lhs_hint = false} : vector<832x26xf32>, vector<26x1024xf32>, vector<832x1024xf32> -> vector<832x1024xf32>
      %swap3A_336 = arith.constant 0 : index
      %swap3A_337 = arith.constant 0 : index
      %swap3A_338 = vector.load %arg12[%swap3A_336, %swap3A_337] : memref<832x1024xf32, #tpu.memory_space<vmem>>, vector<832x1024xf32>
      tpu.vector_store %arg12[%swap3A_336, %swap3A_337], %dot_general3A_335 {strides = array<i32>} : memref<832x1024xf32, #tpu.memory_space<vmem>>, vector<832x1024xf32>,
    } else {
    }
    %get3A = arith.constant 0 : index
    %get3A_2 = arith.constant 0 : index
    %get3A_3 = arith.constant 0 : index
    %get3A_4 = vector.load %arg1[%get3A, %get3A_2, %get3A_3] : memref<1x832x1024xf32, #tpu.memory_space<vmem>>, vector<1x832x1024xf32>
    %get3A_5 = vector.shape_cast %get3A_4 : vector<1x832x1024xf32> to vector<832x1024xf32>
    %get3A_6 = arith.constant 0 : index
    %get3A_7 = arith.constant 0 : index
    %get3A_8 = vector.load %arg12[%get3A_6, %get3A_7] : memref<832x1024xf32, #tpu.memory_space<vmem>>, vector<832x1024xf32>
    %mul3A = arith.mulf %get3A_5, %get3A_8 : vector<832x1024xf32>
    %swap3A = arith.constant 0 : index
    %swap3A_9 = arith.constant 0 : index
    %swap3A_10 = vector.load %arg11[%swap3A, %swap3A_9] : memref<832x1024xf32, #tpu.memory_space<vmem>>, vector<832x1024xf32>
    tpu.vector_store %arg11[%swap3A, %swap3A_9], %mul3A {strides = array<i32>} : memref<832x1024xf32, #tpu.memory_space<vmem>>, vector<832x1024xf32>,
    %iota3A = tpu.iota {dimensions = array<i32: 0>} : vector<832x32xi32>
    %jit3A = arith.constant 32 : i32
    %eq3A_11 = arith.constant 0 : i32
    %eq3A_12 = arith.cmpi eq, %jit3A, %eq3A_11 : i32
    %jit3A_13 = arith.constant 1 : i32
    %select_n3A = arith.select %eq3A_12, %jit3A_13, %jit3A : i32
    %rem3A = vector.broadcast %select_n3A : i32 to vector<832x32xi32>
    %rem3A_14 = arith.remsi %iota3A, %rem3A : vector<832x32xi32>
    %ne3A = arith.constant 0 : i32
    %ne3A_15 = vector.broadcast %ne3A : i32 to vector<832x32xi32>
    %ne3A_16 = arith.cmpi ne, %rem3A_14, %ne3A_15 : vector<832x32xi32>
    %lt3A = arith.constant 0 : i32
    %lt3A_17 = vector.broadcast %lt3A : i32 to vector<832x32xi32>
    %lt3A_18 = arith.cmpi slt, %rem3A_14, %lt3A_17 : vector<832x32xi32>
    %lt3A_19 = arith.constant 0 : i32
    %lt3A_20 = arith.cmpi slt, %select_n3A, %lt3A_19 : i32
    %ne3A_21 = vector.broadcast %lt3A_20 : i1 to vector<832x32xi1>
    %ne3A_22 = vector.broadcast %ne3A_21 : vector<832x32xi1> to vector<832x32xi1>
    %ne3A_23 = arith.xori %lt3A_18, %ne3A_22 : vector<832x32xi1>
    %and3A = arith.andi %ne3A_23, %ne3A_16 : vector<832x32xi1>
    %add3A = vector.broadcast %select_n3A : i32 to vector<832x32xi32>
    %add3A_24 = arith.addi %rem3A_14, %add3A : vector<832x32xi32>
    %select_n3A_25 = arith.select %and3A, %add3A_24, %rem3A_14 : vector<832x32xi1>, vector<832x32xi32>
    %iota3A_26 = tpu.iota {dimensions = array<i32: 1>} : vector<832x32xi32>
    %eq3A_27 = arith.cmpi eq, %select_n3A_25, %iota3A_26 : vector<832x32xi32>
    %convert_element_type3A_28 = arith.extui %eq3A_27 : vector<832x32xi1> to vector<832x32xi32>
    %convert_element_type3A_29 = arith.sitofp %convert_element_type3A_28 : vector<832x32xi32> to vector<832x32xf32>
    %get3A_30 = arith.index_cast %arg0 : i32 to index
    %get3A_31 = arith.constant 0 : index
    %get3A_32 = arith.constant 0 : index
    %get3A_33 = vector.load %arg6[%get3A_30, %get3A_31, %get3A_32] : memref<16x832x64xf32, #tpu.memory_space<vmem>>, vector<1x832x64xf32>
    %get3A_34 = vector.shape_cast %get3A_33 : vector<1x832x64xf32> to vector<832x64xf32>
    %concatenate3A = tpu.concatenate %get3A_34, %convert_element_type3A_29 in 1 : vector<832x64xf32>, vector<832x32xf32> -> vector<832x96xf32>
    %get3A_35 = arith.constant 0 : index
    %get3A_36 = arith.constant 0 : index
    %get3A_37 = vector.load %arg11[%get3A_35, %get3A_36] : memref<832x1024xf32, #tpu.memory_space<vmem>>, vector<832x1024xf32>
    %dot_general3A = arith.constant dense<0.000000e+00> : vector<96x1024xf32>
    %dot_general3A_38 = tpu.matmul %concatenate3A, %get3A_37, %dot_general3A {dimension_numbers = #tpu.dot_dimension_numbers<[0], [0], [1], [1], [0, 1, 1, 1], [], []>, transpose_lhs_hint = false} : vector<832x96xf32>, vector<832x1024xf32>, vector<96x1024xf32> -> vector<96x1024xf32>
    %slice3A = vector.extract_strided_slice %dot_general3A_38 {offsets = [64, 0], sizes = [32, 1024], strides = [1, 1]} : vector<96x1024xf32> to vector<32x1024xf32>
    %mul3A_39 = arith.mulf %slice3A, %slice3A : vector<32x1024xf32>
    %reduce_sum3A = arith.constant dense<0.000000e+00> : vector<1024xf32>
    %reduce_sum3A_40 = vector.multi_reduction <add>, %mul3A_39, %reduce_sum3A [0] : vector<32x1024xf32> to vector<1024xf32>
    %broadcast_in_dim3A = vector.shape_cast %reduce_sum3A_40 : vector<1024xf32> to vector<1x1024xf32>
    %mul3A_41 = arith.mulf %mul3A, %mul3A : vector<832x1024xf32>
    %reduce_sum3A_42 = arith.constant dense<0.000000e+00> : vector<1024xf32>
    %reduce_sum3A_43 = vector.multi_reduction <add>, %mul3A_41, %reduce_sum3A_42 [0] : vector<832x1024xf32> to vector<1024xf32>
    %broadcast_in_dim3A_44 = vector.shape_cast %reduce_sum3A_43 : vector<1024xf32> to vector<1x1024xf32>
    %sub3A = arith.subf %broadcast_in_dim3A, %broadcast_in_dim3A_44 : vector<1x1024xf32>
    %mul3A_45 = arith.constant 5.000000e-01 : f32
    %mul3A_46 = vector.broadcast %mul3A_45 : f32 to vector<1x1024xf32>
    %mul3A_47 = arith.mulf %mul3A_46, %sub3A : vector<1x1024xf32>
    %slice3A_48 = vector.extract_strided_slice %dot_general3A_38 {offsets = [0, 0], sizes = [64, 1024], strides = [1, 1]} : vector<96x1024xf32> to vector<64x1024xf32>
    %get3A_49 = arith.constant 0 : index
    %get3A_50 = arith.constant 0 : index
    %get3A_51 = arith.constant 0 : index
    %get3A_52 = vector.load %arg7[%get3A_49, %get3A_50, %get3A_51] : memref<1x64x1xf32, #tpu.memory_space<vmem>>, vector<1x64x1xf32>
    %get3A_53 = vector.shape_cast %get3A_52 : vector<1x64x1xf32> to vector<64x1xf32>
    %add3A_54 = vector.broadcast %get3A_53 : vector<64x1xf32> to vector<64x1024xf32>
    %add3A_55 = arith.addf %slice3A_48, %add3A_54 : vector<64x1024xf32>
    %max3A = arith.constant 0.000000e+00 : f32
    %max3A_56 = vector.broadcast %max3A : f32 to vector<64x1024xf32>
    %max3A_57 = arith.maximumf %add3A_55, %max3A_56 : vector<64x1024xf32>
    %get3A_58 = arith.index_cast %arg0 : i32 to index
    %get3A_59 = arith.constant 0 : index
    %get3A_60 = arith.constant 0 : index
    %get3A_61 = vector.load %arg8[%get3A_58, %get3A_59, %get3A_60] : memref<16x64x64xf32, #tpu.memory_space<vmem>>, vector<1x64x64xf32>
    %get3A_62 = vector.shape_cast %get3A_61 : vector<1x64x64xf32> to vector<64x64xf32>
    %dot_general3A_63 = arith.constant dense<0.000000e+00> : vector<64x1024xf32>
    %dot_general3A_64 = tpu.matmul %get3A_62, %max3A_57, %dot_general3A_63 {dimension_numbers = #tpu.dot_dimension_numbers<[0], [0], [1], [1], [0, 1, 1, 1], [], []>, transpose_lhs_hint = false} : vector<64x64xf32>, vector<64x1024xf32>, vector<64x1024xf32> -> vector<64x1024xf32>
    %get3A_65 = arith.constant 0 : index
    %get3A_66 = arith.constant 0 : index
    %get3A_67 = arith.constant 0 : index
    %get3A_68 = vector.load %arg9[%get3A_65, %get3A_66, %get3A_67] : memref<1x64x1xf32, #tpu.memory_space<vmem>>, vector<1x64x1xf32>
    %get3A_69 = vector.shape_cast %get3A_68 : vector<1x64x1xf32> to vector<64x1xf32>
    %add3A_70 = vector.broadcast %get3A_69 : vector<64x1xf32> to vector<64x1024xf32>
    %add3A_71 = arith.addf %dot_general3A_64, %add3A_70 : vector<64x1024xf32>
    %max3A_72 = arith.constant 0.000000e+00 : f32
    %max3A_73 = vector.broadcast %max3A_72 : f32 to vector<64x1024xf32>
    %max3A_74 = arith.maximumf %add3A_71, %max3A_73 : vector<64x1024xf32>
    %reduce_sum3A_75 = arith.constant dense<0.000000e+00> : vector<1024xf32>
    %reduce_sum3A_76 = vector.multi_reduction <add>, %max3A_74, %reduce_sum3A_75 [0] : vector<64x1024xf32> to vector<1024xf32>
    %broadcast_in_dim3A_77 = vector.shape_cast %reduce_sum3A_76 : vector<1024xf32> to vector<1x1024xf32>
    %iota3A_78 = tpu.iota {dimensions = array<i32: 0>} : vector<16x1024xi32>
    %eq3A_79 = vector.broadcast %arg0 : i32 to vector<16x1024xi32>
    %eq3A_80 = arith.cmpi eq, %iota3A_78, %eq3A_79 : vector<16x1024xi32>
    %get3A_81 = arith.constant 0 : index
    %get3A_82 = arith.constant 0 : index
    %get3A_83 = vector.load %arg13[%get3A_81, %get3A_82] : memref<16x1024xf32, #tpu.memory_space<vmem>>, vector<16x1024xf32>
    %jit3A_84 = arith.constant 0.000000e+00 : f32
    %broadcast_in_dim3A_85 = vector.broadcast %jit3A_84 : f32 to vector<16x1024xf32>
    %select_n3A_86 = arith.select %eq3A_80, %get3A_83, %broadcast_in_dim3A_85 : vector<16x1024xi1>, vector<16x1024xf32>
    %reduce_sum3A_87 = arith.constant dense<0.000000e+00> : vector<1024xf32>
    %reduce_sum3A_88 = vector.multi_reduction <add>, %select_n3A_86, %reduce_sum3A_87 [0] : vector<16x1024xf32> to vector<1024xf32>
    %broadcast_in_dim3A_89 = vector.shape_cast %reduce_sum3A_88 : vector<1024xf32> to vector<1x1024xf32>
    %add3A_90 = arith.addf %mul3A_47, %broadcast_in_dim3A_77 : vector<1x1024xf32>
    %mul3A_91 = arith.mulf %broadcast_in_dim3A_89, %add3A_90 : vector<1x1024xf32>
    %eq3A_92 = arith.constant 0 : i32
    %eq3A_93 = arith.cmpi eq, %arg0, %eq3A_92 : i32
    %convert_element_type3A_94 = arith.extui %eq3A_93 : i1 to i32
    %cond3A_95 = arith.constant 0 : i32
    %cond3A_96 = arith.cmpi ne, %convert_element_type3A_94, %cond3A_95 : i32
    scf.if %cond3A_96 {
      %get3A_102 = arith.constant 0 : index
      %get3A_103 = arith.constant 0 : index
      %get3A_104 = vector.load %arg14[%get3A_102, %get3A_103] : memref<1x1024xf32, #tpu.memory_space<vmem>>, vector<1x1024xf32>
      %add3A_105 = arith.addf %get3A_104, %mul3A_91 : vector<1x1024xf32>
      %swap3A_106 = arith.constant 0 : index
      %swap3A_107 = arith.constant 0 : index
      %swap3A_108 = vector.load %arg10[%swap3A_106, %swap3A_107] : memref<1x1024xf32, #tpu.memory_space<vmem>>, vector<1x1024xf32>
      tpu.vector_store %arg10[%swap3A_106, %swap3A_107], %add3A_105 {strides = array<i32>} : memref<1x1024xf32, #tpu.memory_space<vmem>>, vector<1x1024xf32>,
    } else {
    }
    %ne3A_97 = arith.constant 0 : i32
    %ne3A_98 = arith.cmpi ne, %arg0, %ne3A_97 : i32
    %convert_element_type3A_99 = arith.extui %ne3A_98 : i1 to i32
    %cond3A_100 = arith.constant 0 : i32
    %cond3A_101 = arith.cmpi ne, %convert_element_type3A_99, %cond3A_100 : i32
    scf.if %cond3A_101 {
      %get3A_102 = arith.constant 0 : index
      %get3A_103 = arith.constant 0 : index
      %get3A_104 = vector.load %arg10[%get3A_102, %get3A_103] : memref<1x1024xf32, #tpu.memory_space<vmem>>, vector<1x1024xf32>
      %add3A_105 = arith.addf %get3A_104, %mul3A_91 : vector<1x1024xf32>
      %swap3A_106 = arith.constant 0 : index
      %swap3A_107 = arith.constant 0 : index
      %swap3A_108 = vector.load %arg10[%swap3A_106, %swap3A_107] : memref<1x1024xf32, #tpu.memory_space<vmem>>, vector<1x1024xf32>
      tpu.vector_store %arg10[%swap3A_106, %swap3A_107], %add3A_105 {strides = array<i32>} : memref<1x1024xf32, #tpu.memory_space<vmem>>, vector<1x1024xf32>,
    } else {
    }
    return
  }
  func.func @transform_0(%arg0: i32) -> (i32, i32, i32) {
    %c0_i32 = arith.constant 0 : i32
    %c0_i32_0 = arith.constant 0 : i32
    %c0_i32_1 = arith.constant 0 : i32
    return %arg0, %c0_i32, %c0_i32_0 : i32, i32, i32
  }
  func.func @transform_1(%arg0: i32) -> (i32, i32) {
    %c0_i32 = arith.constant 0 : i32
    %c0_i32_0 = arith.constant 0 : i32
    %c0_i32_1 = arith.constant 0 : i32
    return %c0_i32, %c0_i32_0 : i32, i32
  }
  func.func @transform_2(%arg0: i32) -> (i32, i32) {
    %c0_i32 = arith.constant 0 : i32
    %c0_i32_0 = arith.constant 0 : i32
    %c0_i32_1 = arith.constant 0 : i32
    return %c0_i32, %c0_i32_0 : i32, i32
  }
  func.func @transform_3(%arg0: i32) -> (i32, i32) {
    %c0_i32 = arith.constant 0 : i32
    %c0_i32_0 = arith.constant 0 : i32
    %c0_i32_1 = arith.constant 0 : i32
    return %c0_i32, %c0_i32_0 : i32, i32
  }
  func.func @transform_4(%arg0: i32) -> (i32, i32) {
    %c0_i32 = arith.constant 0 : i32
    %c0_i32_0 = arith.constant 0 : i32
    %c0_i32_1 = arith.constant 0 : i32
    return %c0_i32, %c0_i32_0 : i32, i32
  }
  func.func @transform_5(%arg0: i32) -> (i32, i32, i32) {
    %c0_i32 = arith.constant 0 : i32
    %c0_i32_0 = arith.constant 0 : i32
    %c0_i32_1 = arith.constant 0 : i32
    %c0_i32_2 = arith.constant 0 : i32
    return %c0_i32, %c0_i32_0, %c0_i32_1 : i32, i32, i32
  }
  func.func @transform_6(%arg0: i32) -> (i32, i32, i32) {
    %c0_i32 = arith.constant 0 : i32
    %c0_i32_0 = arith.constant 0 : i32
    %c0_i32_1 = arith.constant 0 : i32
    return %arg0, %c0_i32, %c0_i32_0 : i32, i32, i32
  }
  func.func @transform_7(%arg0: i32) -> (i32, i32, i32) {
    %c0_i32 = arith.constant 0 : i32
    %c0_i32_0 = arith.constant 0 : i32
    %c0_i32_1 = arith.constant 0 : i32
    %c0_i32_2 = arith.constant 0 : i32
    return %c0_i32, %c0_i32_0, %c0_i32_1 : i32, i32, i32
  }
  func.func @transform_8(%arg0: i32) -> (i32, i32, i32) {
    %c0_i32 = arith.constant 0 : i32
    %c0_i32_0 = arith.constant 0 : i32
    %c0_i32_1 = arith.constant 0 : i32
    return %arg0, %c0_i32, %c0_i32_0 : i32, i32, i32
  }
  func.func @transform_9(%arg0: i32) -> (i32, i32) {
    %c0_i32 = arith.constant 0 : i32
    %c0_i32_0 = arith.constant 0 : i32
    %c0_i32_1 = arith.constant 0 : i32
    return %c0_i32, %c0_i32_0 : i32, i32
  }
}

</mosaic_0001>

<sc_bundles>
// kernel: kernel.4.cloned.1.call-start
scs
__scs_entry_jumppad:
0x0: {  	(pc) =	sbr.rel $0x88, $3  }
0x1: {  	(tag) =	ssettag $0x0;
	lr =	simm.s32 $0x1  }
0x2: {  	[smem:$0x3F97] =	sst lr;
	_ =	strace $0xD0000000  }
0x3: {  	_ = 	snop  }
0x4: {  	_ = 	snop  }
0x5: {  	_ = 	snop  }
0x6: {  	_ = 	snop  }
0x7: {  	_ = 	snop  }
__scs_overlays_trampoline_lowered:
0x8: {  	[smem:$0x3FA6] =	sst s0  }
0x9: {  	[smem:$0x3FA7] =	sst s1  }
0xa: {  	[smem:$0x3FA8] =	sst s2  }
0xb: {  	[smem:$0x3FA9] =	sst s3  }
0xc: {  	[smem:$0x3FAA] =	sst s4  }
0xd: {  	[smem:$0x3FAB] =	sst s5  }
0xe: {  	[smem:$0x3FAC] =	sst s6  }
0xf: {  	[smem:$0x3FAD] =	sst s7  }
0x10: {  	[smem:$0x3FAE] =	sst s8  }
0x11: {  	[smem:$0x3FAF] =	sst s9;
	s0 =	simm.s32 @!p0 $0x0  }
0x12: {  	s1 =	sld [smem:$0x3F95];
	s0 =	simm.s32 @p0 $0x1  }
0x13: {  	[smem:$0x3FB0] =	sst s0;
	s0 =	simm.s32 @!p1 $0x0  }
0x14: {  	s2 =	sld [smem:$0x3F94];
	s0 =	simm.s32 @p1 $0x1  }
0x15: {  	[smem:$0x3FB1] =	sst s0;
	s0 =	simm.s32 @!p2 $0x0  }
0x16: {  	s3 =	sld [smem:$0x3FDB];
	s0 =	simm.s32 @p2 $0x1  }
0x17: {  	s4 =	simm.s32 $0x1BF5;
	[smem:$0x3FB3] =	sst s0  }
0x18: {  	s0 =	sld [smem:$0x3F96];
	_ =	swait.ge [sflag:s4], $0x0  }
0x19: {  	s7 =	sld [smem:$0x3F97]  }
0x1a: {  	s8 =	sadd.s32 $0xFFFFE003, lr  }
0x1b: {  	s9 =	sadd.s32 $0xFFFFFEF7, lr;
	s5 =	simm.s32 $0xFFFFFFFF;
	p2 =	slt.u32 s8, $0xFFFFF086  }
0x1c: {  	p1 =	slt.u32 s9, $0xF7A;
	s5 =	simm.s32 @!p2 $0x0  }
0x1d: {  	s5 =	simm.s32 @p1 $0x1;
	p0 =	seq.s32 s7, s2  }
0x1e: {  	s7 =	smul.u32 @!p0 $0xF7A, s2;
	p2 =	seq.s32 @!p0 s5, $0x0  }
0x1f: {  	s9 =	smul.u32 $0xF7A, s1;
	s8 =	simm.s32 @!p0 $0x1BF5;
	p2 =	por !p2, p0  }
0x20: {  	[sflag:s8] =	ssyncset.s32 @!p0 $0xFFFFF086;
	s6 =	sadd.s32 @!p0 s3, s7;
	s7 =	simm.s32 @!p0 $0x108  }
0x21: {  	s3 =	sadd.s32 s3, s9;
	s6 =	sadd.s32 @!p0 $0x88, s6;
	s7 =	simm.s32 @p2 $0x1082  }
0x22: {  	[simem:s7], [sflag:s8] =	dma.local @!p0 [hbm:s6], $0xF7A  }
0x23: {  	s9 =	sor.u32 $0xD0000000, s2;
	s6 =	simm.s32 $0x108;
	_ =	swait.ge @!p0 [sflag:s8], $0x0  }
0x24: {  	s3 =	sadd.s32 $0x88, s3;
	s6 =	simm.s32 @!p1 $0x1082;
	[sflag:s4] =	ssyncset.s32 $0xFFFFF086  }
0x25: {  	[simem:s6], [sflag:s4] =	dma.local [hbm:s3], $0xF7A  }
0x26: {  	[smem:$0x3F97] =	sst s1;
	(tag) =	ssettag s2;
	_ =	strace s9  }
0x27: {  	s1 =	sld [smem:$0x3FA7]  }
0x28: {  	s2 =	sld [smem:$0x3FA8]  }
0x29: {  	s4 =	sld [smem:$0x3FAA]  }
0x2a: {  	p0 =	seq.s32 s5, $0x0;
	s5 =	sld [smem:$0x3FAB]  }
0x2b: {  	s6 =	sld [smem:$0x3FAC]  }
0x2c: {  	s7 =	sld [smem:$0x3FAD]  }
0x2d: {  	s3 =	simm.s32 $0x108;
	s8 =	sld [smem:$0x3FAE]  }
0x2e: {  	s3 =	simm.s32 @!p0 $0x1082;
	s9 =	sld [smem:$0x3FAF]  }
0x2f: {  	lr =	sadd.s32 s0, s3;
	s0 =	sld [smem:$0x3FA6]  }
0x30: {  	s3 =	sld [smem:$0x3FA9]  }
0x31: {  	[smem:$0x3FB2] =	sst s10  }
0x32: {  	s10 =	sld [smem:$0x3FB0];
	_ =	sdelay $0x3  }
0x33: {  	p0 =	seq.s32 s10, $0x1;
	s10 =	sld [smem:$0x3FB2];
	_ =	sdelay $0x3  }
0x34: {  	[smem:$0x3FB2] =	sst s10  }
0x35: {  	s10 =	sld [smem:$0x3FB1];
	_ =	sdelay $0x3  }
0x36: {  	p1 =	seq.s32 s10, $0x1;
	s10 =	sld [smem:$0x3FB2];
	_ =	sdelay $0x3  }
0x37: {  	[smem:$0x3FB2] =	sst s10  }
0x38: {  	s10 =	sld [smem:$0x3FB3]  }
0x39: {  	_ = 	snop;
	(pc) =	sbr.ind lr, $3  }
0x3a: {  	_ = 	snop  }
0x3b: {  	_ = 	snop  }
0x3c: {  	p2 =	seq.s32 s10, $0x1;
	s10 =	sld [smem:$0x3FB2]  }
0x3d: {  	_ =	shalt  }
0x3e: {  	_ =	shalt  }
0x3f: {  	_ =	shalt  }
0x40: {  	_ =	shalt  }
0x41: {  	_ =	shalt  }
0x42: {  	_ =	shalt  }
0x43: {  	_ =	shalt  }
0x44: {  	_ =	shalt  }
0x45: {  	_ =	shalt  }
0x46: {  	_ =	shalt  }
0x47: {  	_ =	shalt  }
0x48: {  	_ =	shalt  }
0x49: {  	_ =	shalt  }
0x4a: {  	_ =	shalt  }
0x4b: {  	_ =	shalt  }
0x4c: {  	_ =	shalt  }
0x4d: {  	_ =	shalt  }
0x4e: {  	_ =	shalt  }
0x4f: {  	_ =	shalt  }
0x50: {  	_ =	shalt  }
0x51: {  	_ =	shalt  }
0x52: {  	_ =	shalt  }
0x53: {  	_ =	shalt  }
0x54: {  	_ =	shalt  }
0x55: {  	_ =	shalt  }
0x56: {  	_ =	shalt  }
0x57: {  	_ =	shalt  }
0x58: {  	_ =	shalt  }
0x59: {  	_ =	shalt  }
0x5a: {  	_ =	shalt  }
0x5b: {  	_ =	shalt  }
0x5c: {  	_ =	shalt  }
0x5d: {  	_ =	shalt  }
0x5e: {  	_ =	shalt  }
0x5f: {  	_ =	shalt  }
0x60: {  	_ =	shalt  }
0x61: {  	_ =	shalt  }
0x62: {  	_ =	shalt  }
0x63: {  	_ =	shalt  }
0x64: {  	_ =	shalt  }
0x65: {  	_ =	shalt  }
0x66: {  	_ =	shalt  }
0x67: {  	_ =	shalt  }
0x68: {  	_ =	shalt  }
0x69: {  	_ =	shalt  }
0x6a: {  	_ =	shalt  }
0x6b: {  	_ =	shalt  }
0x6c: {  	_ =	shalt  }
0x6d: {  	_ =	shalt  }
0x6e: {  	_ =	shalt  }
0x6f: {  	_ =	shalt  }
0x70: {  	_ =	shalt  }
0x71: {  	_ =	shalt  }
0x72: {  	_ =	shalt  }
0x73: {  	_ =	shalt  }
0x74: {  	_ =	shalt  }
0x75: {  	_ =	shalt  }
0x76: {  	_ =	shalt  }
0x77: {  	_ =	shalt  }
0x78: {  	_ =	shalt  }
0x79: {  	_ =	shalt  }
0x7a: {  	_ =	shalt  }
0x7b: {  	_ =	shalt  }
0x7c: {  	_ =	shalt  }
0x7d: {  	_ =	shalt  }
0x7e: {  	_ =	shalt  }
0x7f: {  	_ =	shalt  }
0x80: {  	_ =	shalt  }
0x81: {  	_ =	shalt  }
0x82: {  	_ =	shalt  }
0x83: {  	_ =	shalt  }
0x84: {  	_ =	shalt  }
0x85: {  	_ =	shalt  }
0x86: {  	_ =	shalt  }
0x87: {  	_ =	shalt  }
.Lfunc_end0:
.L_simem_size_0:
called_computation_lowered:
.L_overlay_start_0:
0x88: {  	s2 =	sld [smem:$0x3FD9]  }
0x89: {  	s3 =	sld [smem:$0x3FFE];
	_ =	sdelay $0x1  }
0x8a: {  	s1 =	srdreg.scid  }
0x8b: {  	s0 =	sand.u32 $0x1, s1  }
0x8c: {  	s17 =	sshll.u32 s0, $0xA;
	s2 =	sadd.s32 s3, s2  }
0x8d: {  	s2 =	sadd.s32 s2, s17  }
0x8e: {  	[smem:$0x3FBE] =	sst s2  }
0x8f: {  	_ = 	snop  }
0x90: {  	s2 =	sld [smem:$0x3FC4];
	(tm) =	ssettm $0x1  }
0x91: {  	s18 =	sld [smem:$0x3FFB];
	_ =	sdelay $0x3  }
0x92: {  	_ =	strace s18  }
0x93: {  	s3 =	sld [smem:$0x3FFC];
	_ =	sdelay $0x3  }
0x94: {  	_ =	strace s3  }
0x95: {  	s3 =	sld [smem:$0x3FFD];
	_ =	sdelay $0x3  }
0x96: {  	_ =	strace s3  }
0x97: {  	_ =	strace $0x8FFFFFFF  }
0x98: {  	s19 =	sld [smem:$0x3FDB];
	_ =	sdelay $0x1  }
0x99: {  	s4 =	simm.s32 $_scs_section_size  }
0x9a: {  	s5 =	simm.s32 $_size__tile_overlayer_lowered;
	s6 =	simm.s32 $_tile_overlayer_lowered  }
0x9b: {  	s22 =	simm.s32 $0x1BFF;
	s21 =	sshll.u32 s6, $0x1;
	s3 =	sadd.s32 s4, s19  }
0x9c: {  	s7 =	simm.s32 $0x0;
	s20 =	sshll.u32 s5, $0x1;
	s5 =	sadd.s32 s21, s3  }
0x9d: {  	[timem:s7], [sflag:s22] =	dma.local [hbm:s5], s20  }
0x9e: {  	_ =	swait.ge [sflag:s22], s20  }
0x9f: {  	s4 =	ssub.s32 $0x0, s20;
	[sflag:s22] =	ssyncset.done $0x0  }
0xa0: {  	[sflag:s22] =	ssyncadd.s32 s4;
	_ =	sdelay $0x1  }
0xa1: {  	s23 =	simm.s32 $0x1B8B  }
0xa2: {  	_ =	swait.ge [sflag:s23], $0x1  }
0xa3: {  	[sflag:s23] =	ssyncset.done $0x0  }
0xa4: {  	s25 =	simm.s32 $0x1B8E;
	s24 =	sld [smem:$0x3FFE];
	[sflag:s23] =	ssyncadd.s32 $0xFFFFFFFF  }
0xa5: {  	s26 =	simm.s32 $execute0_lowered;
	[smem:$0x3FD2] =	sst s25  }
0xa6: {  	s5 =	sshll.u32 s26, $0x1;
	_ =	strace $0x80000046;
	[dreg:$0x1] =	wrdreg $0xFFFFFFFF  }
0xa7: {  	s28 =	simm.s32 $_size_execute0_lowered;
	s3 =	sadd.s32 s3, s5;
	[dreg:$0x0] =	wrdreg $0x0  }
0xa8: {  	s5 =	sshll.u32 s28, $0x1;
	[dreg:$0x2] =	wrdreg s3  }
0xa9: {  	[dreg:$0x3] =	wrdreg s5  }
0xaa: {  	[dreg:$0x4] =	wrdreg $0xC0  }
0xab: {  	_ =	task [dreg:s7], $0x5FFFF  }
0xac: {  	[dreg:$0x1] =	wrdreg $0xFFFFFFFF  }
0xad: {  	[dreg:$0x0] =	wrdreg $0x60  }
0xae: {  	[dreg:$0x2] =	wrdreg s2  }
0xaf: {  	[dreg:$0x3] =	wrdreg s24  }
0xb0: {  	[dreg:$0x4] =	wrdreg $0x9  }
0xb1: {  	_ =	task.clear_ibuf [dreg:s7], $0x5FFFF;
	_ =	strace $0x90000046  }
0xb2: {  	s29 =	simm.s32 $0x9;
	_ =	strace $0x80000048  }
0xb3: {  	_ =	swait.ge [sflag:s29], $0x1  }
0xb4: {  	[sflag:s29] =	ssyncadd.s32 $0xFFFFFFFF  }
0xb5: {  	_ =	strace $0x90000048  }
0xb6: {  	_ =	sfence  }
0xb7: {  	s30 =	sld [smem:$0x0];
	_ =	sdelay $0x2  }
0xb8: {  	s31 =	sshll.u32 s1, $0xD;
	s1 =	sshrl.u32 s1, $0x2  }
0xb9: {  	s3 =	sand.u32 $0x4000, s31;
	s1 =	sadd.s32 s1, s30  }
0xba: {  	s0 =	sor.u32 s3, s0;
	s1 =	sshll.u32 s1, $0x11  }
0xbb: {  	s0 =	sor.u32 s1, s0  }
0xbc: {  	s0 =	sadd.s32 $0x8F2B, s0  }
0xbd: {  	[sflag:s0] =	ssyncadd.remote.s32 $0x1  }
0xbe: {  	_ =	sfence.sel $0xFFFF  }
0xbf: {  	[dreg:$0x0] =	wrdreg $0xFFFFFFFF;
	(pc) =	sbr.abs _section_cstart, $3  }
0xc0: {  	[dreg:$0x1] =	wrdreg $0xFFFFFFFF  }
0xc1: {  	_ =	task.clear_ibuf [dreg:s7], $0x2FFFF;
	_ =	strace $0x9FFFFFFF  }
0xc2: {  	(tm) =	ssettm $0x7FFFFFFF  }
0xc3: {  	_ =	shalt  }
tec
execute0_lowered:
.L_overlay_start_1:
0x0: {  	(tag) =	ssettag $0x1  }
0x1: {  	s1 =	srdreg.scid  }
0x2: {  	s7 =	rddreg [dreg:$0x0];
	s8 =	stileid.u32;
	s1 =	sand.u32 $0x1, s1  }
0x3: {  	s0 =	rddreg [dreg:$0x1];
	s2 =	sor.u32 s1, s8;
	s4 =	sshll.u32 s1, $0x6  }
0x4: {  	s3 =	simm.s32 $0x0;
	p0 =	seq.s32 s2, $0x0;
	s2 =	sadd.s32 s4, s0  }
0x5: {  	[smem:$0x7FF] =	sst s3;
	p1 =	seq.s32 s1, $0x1;
	s25 =	sadd.s32 $0x1400, s2  }
0x6: {  	_ =	strace $0x80000047;
	s26 =	sadd.s32 $0x1480, s2;
	[dreg:$0x5] =	wrdreg s25  }
0x7: {  	s23 =	ssub.s32 $0x2, s1;
	s28 =	sadd.s32 $0x1500, s2;
	[dreg:$0x6] =	wrdreg s26  }
0x8: {  	s1 =	sshll.u32 s1, $0x9;
	s29 =	sadd.s32 $0x1580, s2;
	[dreg:$0x7] =	wrdreg s28  }
0x9: {  	s6 =	sshrl.u32 s23, $0x1;
	s30 =	sadd.s32 $0x1600, s2;
	[dreg:$0x8] =	wrdreg s29  }
0xa: {  	s0 =	sadd.s32 s1, s0;
	s31 =	sadd.s32 $0x1680, s2;
	[dreg:$0x9] =	wrdreg s30  }
0xb: {  	s1 =	ssub.s32 s23, s6;
	s6 =	sadd.s32 $0x1700, s2;
	[dreg:$0xa] =	wrdreg s31  }
0xc: {  	s9 =	sadd.s32 $0x1800, s2;
	[dreg:$0xb] =	wrdreg s6  }
0xd: {  	s10 =	sadd.s32 $0x1880, s2;
	[dreg:$0xd] =	wrdreg s9  }
0xe: {  	s11 =	sadd.s32 $0x1900, s2;
	[dreg:$0xe] =	wrdreg s10  }
0xf: {  	s12 =	sadd.s32 $0x1980, s2;
	[dreg:$0xf] =	wrdreg s11  }
0x10: {  	s13 =	sadd.s32 $0x1A00, s2;
	[dreg:$0x10] =	wrdreg s12  }
0x11: {  	s14 =	sadd.s32 $0x1A80, s2;
	[dreg:$0x11] =	wrdreg s13  }
0x12: {  	s15 =	sadd.s32 $0x1B00, s2;
	[dreg:$0x12] =	wrdreg s14  }
0x13: {  	s16 =	sadd.s32 $0x1B80, s2;
	[dreg:$0x13] =	wrdreg s15  }
0x14: {  	s17 =	sadd.s32 $0x1C00, s2;
	[dreg:$0x14] =	wrdreg s16  }
0x15: {  	s18 =	sadd.s32 $0x1C80, s2;
	[dreg:$0x15] =	wrdreg s17  }
0x16: {  	s20 =	sadd.s32 $0x1D00, s2;
	[dreg:$0x16] =	wrdreg s18  }
0x17: {  	s21 =	sadd.s32 $0x1D80, s2;
	[dreg:$0x18] =	wrdreg s20  }
0x18: {  	s22 =	sadd.s32 $0x1E00, s2;
	[dreg:$0x19] =	wrdreg s21  }
0x19: {  	s23 =	sadd.s32 $0x1E80, s2;
	[dreg:$0x1a] =	wrdreg s22  }
0x1a: {  	s5 =	simm.s32 $0x1;
	s0 =	sadd.s32 $0x2200, s0;
	[dreg:$0x1b] =	wrdreg s23  }
0x1b: {  	p0 =	por !p0, !p1;
	s25 =	sadd.s32 $0x1F80, s2;
	[smem:$0x7FB] =	sst s0  }
0x1c: {  	p0 =	por !p0, !p0;
	s26 =	sadd.s32 $0x2000, s2;
	[dreg:$0x1d] =	wrdreg s25  }
0x1d: {  	s30 =	smax.u32 s1, $0x1;
	s5 =	simm.s32 @!p0 $0x0;
	[dreg:$0x1e] =	wrdreg s26  }
0x1e: {  	[smem:$0x7FC] =	sst s30;
	s24 =	ssub.s32 s8, s5;
	s8 =	sadd.s32 $0x1780, s2  }
0x1f: {  	[dreg:$0xc] =	wrdreg s8;
	s19 =	smul.u32 $0xD0000, s24;
	s24 =	sadd.s32 $0x1F00, s2  }
0x20: {  	s2 =	sadd.s32 $0x2080, s2;
	[dreg:$0x1c] =	wrdreg s24  }
0x21: {  	[dreg:$0x1f] =	wrdreg s2  }
0x22: {  	s28 =	sshrl.u32 s19, $0x3;
	[dreg:$0x17] =	wrdreg s19;
	s31 =	sadd.s32 $0x10000, s19  }
0x23: {  	s29 =	sadd.s32 s7, s28;
	[smem:$0x7FD] =	sst s31  }
0x24: {  	s8 =	simm.s32 $0x8000;
	s2 =	simm.s32 $0x0;
	[smem:$0x7FA] =	sst s29  }
.LBB2_1:
0x25: {  	[smem:$0x7F9] =	sst s2  }
0x26: {  	s0 =	rddreg [dreg:$0x5];
	s1 =	simm.s32 $0x18000  }
0x27: {  	[tilespmem:s1], [sflag:$0x5] =	stream.linear.gather [hbm4b:s0+s3], $0x200, $0x38;
	[tilespmem:$0x1B400] =	vst v63  }
0x28: {  	s6 =	rddreg [dreg:$0x6];
	s7 =	simm.s32 $0x18200  }
0x29: {  	[tilespmem:s7], [sflag:$0x5] =	stream.linear.gather [hbm4b:s6+s3], $0x200, $0x38;
	[tilespmem:$0x1B400] =	vst v63  }
0x2a: {  	s9 =	rddreg [dreg:$0x7];
	s10 =	simm.s32 $0x18400  }
0x2b: {  	[tilespmem:s10], [sflag:$0x5] =	stream.linear.gather [hbm4b:s9+s3], $0x200, $0x38;
	[tilespmem:$0x1B400] =	vst v63  }
0x2c: {  	s11 =	rddreg [dreg:$0x8];
	s12 =	simm.s32 $0x18600  }
0x2d: {  	[tilespmem:s12], [sflag:$0x5] =	stream.linear.gather [hbm4b:s11+s3], $0x200, $0x38;
	[tilespmem:$0x1B400] =	vst v63  }
0x2e: {  	s13 =	rddreg [dreg:$0x9];
	s14 =	simm.s32 $0x18800  }
0x2f: {  	[tilespmem:s14], [sflag:$0x5] =	stream.linear.gather [hbm4b:s13+s3], $0x200, $0x38;
	[tilespmem:$0x1B400] =	vst v63  }
0x30: {  	s15 =	rddreg [dreg:$0xa];
	s16 =	simm.s32 $0x18A00  }
0x31: {  	[tilespmem:s16], [sflag:$0x5] =	stream.linear.gather [hbm4b:s15+s3], $0x200, $0x38;
	[tilespmem:$0x1B400] =	vst v63  }
0x32: {  	s17 =	rddreg [dreg:$0xb];
	s18 =	simm.s32 $0x18C00  }
0x33: {  	[tilespmem:s18], [sflag:$0x5] =	stream.linear.gather [hbm4b:s17+s3], $0x200, $0x38;
	[tilespmem:$0x1B400] =	vst v63  }
0x34: {  	s19 =	rddreg [dreg:$0xc];
	s20 =	simm.s32 $0x18E00  }
0x35: {  	[tilespmem:s20], [sflag:$0x5] =	stream.linear.gather [hbm4b:s19+s3], $0x200, $0x38;
	[tilespmem:$0x1B400] =	vst v63  }
0x36: {  	s21 =	rddreg [dreg:$0xd];
	s22 =	simm.s32 $0x19000  }
0x37: {  	[tilespmem:s22], [sflag:$0x5] =	stream.linear.gather [hbm4b:s21+s3], $0x200, $0x38;
	[tilespmem:$0x1B400] =	vst v63  }
0x38: {  	s23 =	rddreg [dreg:$0xe];
	s24 =	simm.s32 $0x19200  }
0x39: {  	[tilespmem:s24], [sflag:$0x5] =	stream.linear.gather [hbm4b:s23+s3], $0x200, $0x38;
	[tilespmem:$0x1B400] =	vst v63  }
0x3a: {  	s25 =	rddreg [dreg:$0xf];
	s26 =	simm.s32 $0x19400  }
0x3b: {  	[tilespmem:s26], [sflag:$0x5] =	stream.linear.gather [hbm4b:s25+s3], $0x200, $0x38;
	[tilespmem:$0x1B400] =	vst v63  }
0x3c: {  	s28 =	rddreg [dreg:$0x10];
	s29 =	simm.s32 $0x19600  }
0x3d: {  	[tilespmem:s29], [sflag:$0x5] =	stream.linear.gather [hbm4b:s28+s3], $0x200, $0x38;
	[tilespmem:$0x1B400] =	vst v63  }
0x3e: {  	s30 =	rddreg [dreg:$0x11];
	s31 =	simm.s32 $0x19800  }
0x3f: {  	[tilespmem:s31], [sflag:$0x5] =	stream.linear.gather [hbm4b:s30+s3], $0x200, $0x38;
	[tilespmem:$0x1B400] =	vst v63  }
0x40: {  	s2 =	simm.s32 $0x19A00;
	s1 =	rddreg [dreg:$0x12]  }
0x41: {  	[tilespmem:s2], [sflag:$0x5] =	stream.linear.gather [hbm4b:s1+s3], $0x200, $0x38;
	[tilespmem:$0x1B400] =	vst v63  }
0x42: {  	s4 =	rddreg [dreg:$0x13];
	s5 =	simm.s32 $0x19C00  }
0x43: {  	[tilespmem:s5], [sflag:$0x5] =	stream.linear.gather [hbm4b:s4+s3], $0x200, $0x38;
	[tilespmem:$0x1B400] =	vst v63  }
0x44: {  	s6 =	rddreg [dreg:$0x14];
	s7 =	simm.s32 $0x19E00  }
0x45: {  	[tilespmem:s7], [sflag:$0x5] =	stream.linear.gather [hbm4b:s6+s3], $0x200, $0x38;
	[tilespmem:$0x1B400] =	vst v63  }
0x46: {  	s9 =	rddreg [dreg:$0x15];
	s10 =	simm.s32 $0x1A000  }
0x47: {  	[tilespmem:s10], [sflag:$0x5] =	stream.linear.gather [hbm4b:s9+s3], $0x200, $0x38;
	[tilespmem:$0x1B400] =	vst v63  }
0x48: {  	s11 =	rddreg [dreg:$0x16];
	s12 =	simm.s32 $0x1A200  }
0x49: {  	[tilespmem:s12], [sflag:$0x5] =	stream.linear.gather [hbm4b:s11+s3], $0x200, $0x38;
	[tilespmem:$0x1B400] =	vst v63  }
0x4a: {  	s13 =	rddreg [dreg:$0x18];
	s14 =	simm.s32 $0x1A400  }
0x4b: {  	[tilespmem:s14], [sflag:$0x5] =	stream.linear.gather [hbm4b:s13+s3], $0x200, $0x38;
	[tilespmem:$0x1B400] =	vst v63  }
0x4c: {  	s15 =	rddreg [dreg:$0x19];
	s16 =	simm.s32 $0x1A600  }
0x4d: {  	[tilespmem:s16], [sflag:$0x5] =	stream.linear.gather [hbm4b:s15+s3], $0x200, $0x38;
	[tilespmem:$0x1B400] =	vst v63  }
0x4e: {  	s17 =	rddreg [dreg:$0x1a];
	s18 =	simm.s32 $0x1A800  }
0x4f: {  	[tilespmem:s18], [sflag:$0x5] =	stream.linear.gather [hbm4b:s17+s3], $0x200, $0x38;
	[tilespmem:$0x1B400] =	vst v63  }
0x50: {  	s19 =	rddreg [dreg:$0x1b];
	s20 =	simm.s32 $0x1AA00  }
0x51: {  	[tilespmem:s20], [sflag:$0x5] =	stream.linear.gather [hbm4b:s19+s3], $0x200, $0x38;
	[tilespmem:$0x1B400] =	vst v63  }
0x52: {  	s21 =	rddreg [dreg:$0x1c];
	s22 =	simm.s32 $0x1AC00  }
0x53: {  	[tilespmem:s22], [sflag:$0x5] =	stream.linear.gather [hbm4b:s21+s3], $0x200, $0x38;
	[tilespmem:$0x1B400] =	vst v63  }
0x54: {  	s23 =	rddreg [dreg:$0x1d];
	s24 =	simm.s32 $0x1AE00  }
0x55: {  	[tilespmem:s24], [sflag:$0x5] =	stream.linear.gather [hbm4b:s23+s3], $0x200, $0x38;
	[tilespmem:$0x1B400] =	vst v63  }
0x56: {  	s25 =	rddreg [dreg:$0x1e];
	s26 =	simm.s32 $0x1B000  }
0x57: {  	[tilespmem:s26], [sflag:$0x5] =	stream.linear.gather [hbm4b:s25+s3], $0x200, $0x38;
	[tilespmem:$0x1B400] =	vst v63  }
0x58: {  	s28 =	rddreg [dreg:$0x1f];
	s29 =	simm.s32 $0x1B200;
	s30 =	simm.s32 $0x5  }
0x59: {  	[tilespmem:s29], [sflag:$0x5] =	stream.linear.gather [hbm4b:s28+s3], $0x200, $0x38;
	[tilespmem:$0x1B400] =	vst v63  }
0x5a: {  	_ =	swait.ge [sflag:s30], $0x200  }
0x5b: {  	[sflag:s30] =	ssyncset.done $0x0  }
0x5c: {  	[sflag:s30] =	ssyncadd.s32 $0xFFFFFE00  }
0x5d: {  	_ =	swait.ge [sflag:s30], $0x200  }
0x5e: {  	[sflag:s30] =	ssyncset.done $0x0  }
0x5f: {  	[sflag:s30] =	ssyncadd.s32 $0xFFFFFE00  }
0x60: {  	_ =	swait.ge [sflag:s30], $0x200  }
0x61: {  	[sflag:s30] =	ssyncset.done $0x0  }
0x62: {  	[sflag:s30] =	ssyncadd.s32 $0xFFFFFE00  }
0x63: {  	_ =	swait.ge [sflag:s30], $0x200  }
0x64: {  	[sflag:s30] =	ssyncset.done $0x0  }
0x65: {  	[sflag:s30] =	ssyncadd.s32 $0xFFFFFE00  }
0x66: {  	_ =	swait.ge [sflag:s30], $0x200  }
0x67: {  	[sflag:s30] =	ssyncset.done $0x0  }
0x68: {  	[sflag:s30] =	ssyncadd.s32 $0xFFFFFE00  }
0x69: {  	_ =	swait.ge [sflag:s30], $0x200  }
0x6a: {  	[sflag:s30] =	ssyncset.done $0x0  }
0x6b: {  	[sflag:s30] =	ssyncadd.s32 $0xFFFFFE00  }
0x6c: {  	_ =	swait.ge [sflag:s30], $0x200  }
0x6d: {  	[sflag:s30] =	ssyncset.done $0x0  }
0x6e: {  	[sflag:s30] =	ssyncadd.s32 $0xFFFFFE00  }
0x6f: {  	_ =	swait.ge [sflag:s30], $0x200  }
0x70: {  	[sflag:s30] =	ssyncset.done $0x0  }
0x71: {  	[sflag:s30] =	ssyncadd.s32 $0xFFFFFE00  }
0x72: {  	_ =	swait.ge [sflag:s30], $0x200  }
0x73: {  	[sflag:s30] =	ssyncset.done $0x0  }
0x74: {  	[sflag:s30] =	ssyncadd.s32 $0xFFFFFE00  }
0x75: {  	_ =	swait.ge [sflag:s30], $0x200  }
0x76: {  	[sflag:s30] =	ssyncset.done $0x0  }
0x77: {  	[sflag:s30] =	ssyncadd.s32 $0xFFFFFE00  }
0x78: {  	_ =	swait.ge [sflag:s30], $0x200  }
0x79: {  	[sflag:s30] =	ssyncset.done $0x0  }
0x7a: {  	[sflag:s30] =	ssyncadd.s32 $0xFFFFFE00  }
0x7b: {  	_ =	swait.ge [sflag:s30], $0x200  }
0x7c: {  	[sflag:s30] =	ssyncset.done $0x0  }
0x7d: {  	[sflag:s30] =	ssyncadd.s32 $0xFFFFFE00  }
0x7e: {  	_ =	swait.ge [sflag:s30], $0x200  }
0x7f: {  	[sflag:s30] =	ssyncset.done $0x0  }
0x80: {  	[sflag:s30] =	ssyncadd.s32 $0xFFFFFE00  }
0x81: {  	_ =	swait.ge [sflag:s30], $0x200  }
0x82: {  	[sflag:s30] =	ssyncset.done $0x0  }
0x83: {  	[sflag:s30] =	ssyncadd.s32 $0xFFFFFE00  }
0x84: {  	_ =	swait.ge [sflag:s30], $0x200  }
0x85: {  	[sflag:s30] =	ssyncset.done $0x0  }
0x86: {  	[sflag:s30] =	ssyncadd.s32 $0xFFFFFE00  }
0x87: {  	_ =	swait.ge [sflag:s30], $0x200  }
0x88: {  	[sflag:s30] =	ssyncset.done $0x0  }
0x89: {  	[sflag:s30] =	ssyncadd.s32 $0xFFFFFE00  }
0x8a: {  	_ =	swait.ge [sflag:s30], $0x200  }
0x8b: {  	[sflag:s30] =	ssyncset.done $0x0  }
0x8c: {  	[sflag:s30] =	ssyncadd.s32 $0xFFFFFE00  }
0x8d: {  	_ =	swait.ge [sflag:s30], $0x200  }
0x8e: {  	[sflag:s30] =	ssyncset.done $0x0  }
0x8f: {  	[sflag:s30] =	ssyncadd.s32 $0xFFFFFE00  }
0x90: {  	_ =	swait.ge [sflag:s30], $0x200  }
0x91: {  	[sflag:s30] =	ssyncset.done $0x0  }
0x92: {  	[sflag:s30] =	ssyncadd.s32 $0xFFFFFE00  }
0x93: {  	_ =	swait.ge [sflag:s30], $0x200  }
0x94: {  	[sflag:s30] =	ssyncset.done $0x0  }
0x95: {  	[sflag:s30] =	ssyncadd.s32 $0xFFFFFE00  }
0x96: {  	_ =	swait.ge [sflag:s30], $0x200  }
0x97: {  	[sflag:s30] =	ssyncset.done $0x0  }
0x98: {  	[sflag:s30] =	ssyncadd.s32 $0xFFFFFE00  }
0x99: {  	_ =	swait.ge [sflag:s30], $0x200  }
0x9a: {  	[sflag:s30] =	ssyncset.done $0x0  }
0x9b: {  	[sflag:s30] =	ssyncadd.s32 $0xFFFFFE00  }
0x9c: {  	_ =	swait.ge [sflag:s30], $0x200  }
0x9d: {  	[sflag:s30] =	ssyncset.done $0x0  }
0x9e: {  	[sflag:s30] =	ssyncadd.s32 $0xFFFFFE00  }
0x9f: {  	_ =	swait.ge [sflag:s30], $0x200  }
0xa0: {  	[sflag:s30] =	ssyncset.done $0x0  }
0xa1: {  	[sflag:s30] =	ssyncadd.s32 $0xFFFFFE00  }
0xa2: {  	_ =	swait.ge [sflag:s30], $0x200  }
0xa3: {  	[sflag:s30] =	ssyncset.done $0x0  }
0xa4: {  	[sflag:s30] =	ssyncadd.s32 $0xFFFFFE00  }
0xa5: {  	_ =	swait.ge [sflag:s30], $0x200  }
0xa6: {  	s31 =	sld [smem:$0x7FA]  }
0xa7: {  	[sflag:s30] =	ssyncset.done $0x0  }
0xa8: {  	s4 =	simm.s32 $0x0;
	[sflag:s30] =	ssyncadd.s32 $0xFFFFFE00  }
0xa9: {  	[tilespmem:s3], [sflag:$0x1] =	stream.linear.gather [hbm4b:s31+s3], $0x8000, $0x38;
	[tilespmem:$0x1B400] =	vst v63  }
.LBB2_2:
0xaa: {  	s0 =	sshllo.u32 s4, $0x1  }
0xab: {  	s2 =	simm.s32 $0x1;
	[smem:$0x7F5] =	sst s0  }
0xac: {  	p0 =	seq.s32 s4, $0x0;
	_ =	swait.ge [sflag:s2], $0x8000  }
0xad: {  	s0 =	sshll.u32 s0, $0xF;
	s1 =	rddreg [dreg:$0x17];
	[sflag:s2] =	ssyncset.done $0x0  }
0xae: {  	s29 =	sshll.u32 s4, $0xA;
	s0 =	sadd.s32 s1, s0;
	[sflag:s2] =	ssyncadd.s32 $0xFFFF8000  }
0xaf: {  	s20 =	simm.s32 $0x0;
	s1 =	sshrl.u32 s0, $0x3;
	s28 =	rddreg [dreg:$0x0]  }
0xb0: {  	[smem:$0x7F6] =	sst s1;
	s0 =	sadd.s32 s28, s1;
	s1 =	sand.u32 $0x3FFFFC00, s29  }
0xb1: {  	[tilespmem:s8], [sflag:$0x2] =	stream.linear.gather [hbm4b:s0+s3], $0x8000, $0x38;
	[tilespmem:$0x1B400] =	vst v63  }
0xb2: {  	s31 =	simm.s32 $0x0;
	s0 =	simm.s32 @!p0 $0x3;
	s30 =	sadd.s32 $0x18000, s1  }
0xb3: {  	s5 =	simm.s32 $0x0;
	_ =	swait.ge @!p0 [sflag:s0], $0x4000;
	[dreg:$0x3] =	wrdreg s30  }
0xb4: {  	s24 =	simm.s32 $0x0;
	[smem:$0x7F7] =	sst s4;
	[sflag:s0] =	ssyncset.done @!p0 $0x0  }
0xb5: {  	[smem:$0x7F8] =	sst s31;
	[sflag:s0] =	ssyncadd.s32 @!p0 $0xFFFFC000;
	p0 =	por $0x0, $0x0  }
.LBB2_3:
0xb6: {  	s1 =	rddreg [dreg:$0x3];
	s2 =	sand.u32 $0x180, s20  }
0xb7: {  	s0 =	sand.u32 $0x40, s20;
	s30 =	sadd.s32 s2, s1  }
0xb8: {  	s1 =	sadd.s32 s0, s30  }
0xb9: {  	v0 =	vld [tilespmem:s1+$0x0];
	_ =	sdelay $0x4  }
0xba: {  	v1 =	vshll.u32 v0, $0x3  }
0xbb: {  	v0 =	vand.u32 $0x7F, v0;
	v1 =	vand.u32 $0xFFFFFC00, v1  }
0xbc: {  	v0 =	vor.u32 v0, v1;
	_ =	sdelay $0x4  }
0xbd: {  	v1 =	vld.idx.msk [tilespmem:v0+s3+$0x0], $0xffff  }
0xbe: {  	v2 =	vor.u32 $0x80, v0  }
0xbf: {  	s1 =	sand.u32 $0xC00, s24  }
0xc0: {  	s25 =	sor.u32 $0x10000, s1  }
0xc1: {  	s2 =	sor.u32 s0, s25  }
0xc2: {  	[tilespmem:s2+$0x0] =	vst v1  }
0xc3: {  	v1 =	vld.idx.msk [tilespmem:v2+s3+$0x0], $0xffff  }
0xc4: {  	v62 =	vor.u32 $0x100, v0;
	_ =	sdelay $0x3  }
0xc5: {  	[tilespmem:s2+$0x80] =	vst v1  }
0xc6: {  	v1 =	vld.idx.msk [tilespmem:v62+s3+$0x0], $0xffff  }
0xc7: {  	v63 =	vor.u32 $0x180, v0;
	_ =	sdelay $0x3  }
0xc8: {  	[tilespmem:s2+$0x100] =	vst v1  }
0xc9: {  	v1 =	vld.idx.msk [tilespmem:v63+s3+$0x0], $0xffff  }
0xca: {  	v4 =	vor.u32 $0x200, v0;
	_ =	sdelay $0x3  }
0xcb: {  	[tilespmem:s2+$0x180] =	vst v1  }
0xcc: {  	s2 =	simm.s32 $0x1;
	v1 =	vld.idx.msk [tilespmem:v4+s3+$0x0], $0xffff  }
0xcd: {  	v5 =	vor.u32 $0x280, v0;
	s2 =	simm.s32 @!p0 $0x0  }
0xce: {  	s2 =	sshll.u32 s2, $0x6  }
0xcf: {  	s2 =	sadd.s32 s2, s24  }
0xd0: {  	s4 =	sor.u32 $0x200, s2  }
0xd1: {  	[tilespmem:s4+$0x10000] =	vst v1  }
0xd2: {  	v1 =	vld.idx.msk [tilespmem:v5+s3+$0x0], $0xffff  }
0xd3: {  	v6 =	vor.u32 $0x300, v0;
	_ =	sdelay $0x2  }
0xd4: {  	s26 =	sor.u32 $0x280, s2  }
0xd5: {  	[tilespmem:s26+$0x10000] =	vst v1  }
0xd6: {  	v1 =	vld.idx.msk [tilespmem:v6+s3+$0x0], $0xffff  }
0xd7: {  	v7 =	vor.u32 $0x380, v0;
	_ =	sdelay $0x2  }
0xd8: {  	s2 =	sor.u32 $0x300, s2  }
0xd9: {  	[tilespmem:s2+$0x10000] =	vst v1  }
0xda: {  	v1 =	vld.idx.msk [tilespmem:v7+s3+$0x0], $0xffff  }
0xdb: {  	v8 =	vadd.s32 $0x2000, v0;
	_ =	sdelay $0x1  }
0xdc: {  	s28 =	sor.u32 s20, s24  }
0xdd: {  	s2 =	sor.u32 $0x380, s28  }
0xde: {  	[tilespmem:s2+$0x10000] =	vst v1  }
0xdf: {  	v1 =	vld.idx.msk [tilespmem:v8+s3+$0x0], $0xffff  }
0xe0: {  	v9 =	vadd.s32 $0x2080, v0;
	_ =	sdelay $0x1  }
0xe1: {  	s29 =	sor.u32 $0x11000, s1  }
0xe2: {  	s2 =	sor.u32 s0, s29  }
0xe3: {  	[tilespmem:s2+$0x0] =	vst v1  }
0xe4: {  	v1 =	vld.idx.msk [tilespmem:v9+s3+$0x0], $0xffff  }
0xe5: {  	v10 =	vadd.s32 $0x2100, v0;
	_ =	sdelay $0x1  }
0xe6: {  	s31 =	sor.u32 $0x11080, s1  }
0xe7: {  	s2 =	sor.u32 s0, s31  }
0xe8: {  	[tilespmem:s2+$0x0] =	vst v1  }
0xe9: {  	v1 =	vld.idx.msk [tilespmem:v10+s3+$0x0], $0xffff  }
0xea: {  	v11 =	vadd.s32 $0x2180, v0;
	_ =	sdelay $0x1  }
0xeb: {  	[smem:$0x7EA] =	sst s31;
	s31 =	sor.u32 $0x11100, s1  }
0xec: {  	s4 =	sor.u32 s0, s31  }
0xed: {  	[tilespmem:s4+$0x0] =	vst v1  }
0xee: {  	v1 =	vld.idx.msk [tilespmem:v11+s3+$0x0], $0xffff  }
0xef: {  	v12 =	vadd.s32 $0x2200, v0;
	_ =	sdelay $0x1  }
0xf0: {  	s26 =	sor.u32 $0x11180, s1  }
0xf1: {  	s6 =	sor.u32 s0, s26  }
0xf2: {  	[tilespmem:s6+$0x0] =	vst v1  }
0xf3: {  	v1 =	vld.idx.msk [tilespmem:v12+s3+$0x0], $0xffff  }
0xf4: {  	v13 =	vadd.s32 $0x2280, v0;
	_ =	sdelay $0x1  }
0xf5: {  	s14 =	sor.u32 $0x11200, s1  }
0xf6: {  	s7 =	sor.u32 s0, s14  }
0xf7: {  	[tilespmem:s7+$0x0] =	vst v1  }
0xf8: {  	v1 =	vld.idx.msk [tilespmem:v13+s3+$0x0], $0xffff  }
0xf9: {  	v14 =	vadd.s32 $0x2300, v0;
	_ =	sdelay $0x1  }
0xfa: {  	s13 =	sor.u32 $0x11280, s1  }
0xfb: {  	s9 =	sor.u32 s0, s13  }
0xfc: {  	[tilespmem:s9+$0x0] =	vst v1  }
0xfd: {  	v1 =	vld.idx.msk [tilespmem:v14+s3+$0x0], $0xffff  }
0xfe: {  	v15 =	vadd.s32 $0x2380, v0;
	_ =	sdelay $0x1  }
0xff: {  	s9 =	sor.u32 $0x11300, s1  }
0x100: {  	s10 =	sor.u32 s0, s9  }
0x101: {  	[tilespmem:s10+$0x0] =	vst v1  }
0x102: {  	v1 =	vld.idx.msk [tilespmem:v15+s3+$0x0], $0xffff  }
0x103: {  	v16 =	vadd.s32 $0x4000, v0;
	_ =	sdelay $0x1  }
0x104: {  	s10 =	sor.u32 $0x11380, s1  }
0x105: {  	s11 =	sor.u32 s0, s10  }
0x106: {  	[tilespmem:s11+$0x0] =	vst v1  }
0x107: {  	v1 =	vld.idx.msk [tilespmem:v16+s3+$0x0], $0xffff  }
0x108: {  	v17 =	vadd.s32 $0x4080, v0;
	_ =	sdelay $0x1  }
0x109: {  	s7 =	sor.u32 $0x12000, s1  }
0x10a: {  	s12 =	sor.u32 s0, s7  }
0x10b: {  	[tilespmem:s12+$0x0] =	vst v1  }
0x10c: {  	v1 =	vld.idx.msk [tilespmem:v17+s3+$0x0], $0xffff  }
0x10d: {  	v18 =	vadd.s32 $0x4100, v0;
	_ =	sdelay $0x1  }
0x10e: {  	s6 =	sor.u32 $0x12080, s1  }
0x10f: {  	s15 =	sor.u32 s0, s6  }
0x110: {  	[tilespmem:s15+$0x0] =	vst v1  }
0x111: {  	v1 =	vld.idx.msk [tilespmem:v18+s3+$0x0], $0xffff  }
0x112: {  	v19 =	vadd.s32 $0x4180, v0;
	_ =	sdelay $0x1  }
0x113: {  	s11 =	sor.u32 $0x12100, s1  }
0x114: {  	s16 =	sor.u32 s0, s11  }
0x115: {  	[tilespmem:s16+$0x0] =	vst v1  }
0x116: {  	v1 =	vld.idx.msk [tilespmem:v19+s3+$0x0], $0xffff  }
0x117: {  	v20 =	vadd.s32 $0x4200, v0;
	_ =	sdelay $0x1  }
0x118: {  	s12 =	sor.u32 $0x12180, s1  }
0x119: {  	s17 =	sor.u32 s0, s12  }
0x11a: {  	[tilespmem:s17+$0x0] =	vst v1  }
0x11b: {  	v1 =	vld.idx.msk [tilespmem:v20+s3+$0x0], $0xffff  }
0x11c: {  	v21 =	vadd.s32 $0x4280, v0;
	_ =	sdelay $0x1  }
0x11d: {  	s15 =	sor.u32 $0x12200, s1  }
0x11e: {  	s18 =	sor.u32 s0, s15  }
0x11f: {  	[tilespmem:s18+$0x0] =	vst v1  }
0x120: {  	v1 =	vld.idx.msk [tilespmem:v21+s3+$0x0], $0xffff  }
0x121: {  	v22 =	vadd.s32 $0x4300, v0;
	_ =	sdelay $0x1  }
0x122: {  	s16 =	sor.u32 $0x12280, s1  }
0x123: {  	s19 =	sor.u32 s0, s16  }
0x124: {  	[tilespmem:s19+$0x0] =	vst v1  }
0x125: {  	v1 =	vld.idx.msk [tilespmem:v22+s3+$0x0], $0xffff  }
0x126: {  	v23 =	vadd.s32 $0x4380, v0;
	_ =	sdelay $0x1  }
0x127: {  	s18 =	sor.u32 $0x12300, s1  }
0x128: {  	s21 =	sor.u32 s0, s18  }
0x129: {  	[tilespmem:s21+$0x0] =	vst v1  }
0x12a: {  	v1 =	vld.idx.msk [tilespmem:v23+s3+$0x0], $0xffff  }
0x12b: {  	v24 =	vadd.s32 $0x6000, v0;
	_ =	sdelay $0x1  }
0x12c: {  	s19 =	sor.u32 $0x12380, s1  }
0x12d: {  	s22 =	sor.u32 s0, s19  }
0x12e: {  	[tilespmem:s22+$0x0] =	vst v1  }
0x12f: {  	v1 =	vld.idx.msk [tilespmem:v24+s3+$0x0], $0xffff  }
0x130: {  	v25 =	vadd.s32 $0x6080, v0;
	_ =	sdelay $0x1  }
0x131: {  	s21 =	sor.u32 $0x13000, s1  }
0x132: {  	s23 =	sor.u32 s0, s21  }
0x133: {  	[tilespmem:s23+$0x0] =	vst v1  }
0x134: {  	v1 =	vld.idx.msk [tilespmem:v25+s3+$0x0], $0xffff  }
0x135: {  	v26 =	vadd.s32 $0x6100, v0;
	_ =	sdelay $0x1  }
0x136: {  	s22 =	sor.u32 $0x13080, s1  }
0x137: {  	[smem:$0x7F0] =	sst s25;
	s25 =	sor.u32 s0, s22  }
0x138: {  	[tilespmem:s25+$0x0] =	vst v1  }
0x139: {  	v1 =	vld.idx.msk [tilespmem:v26+s3+$0x0], $0xffff  }
0x13a: {  	v27 =	vadd.s32 $0x6180, v0;
	_ =	sdelay $0x1  }
0x13b: {  	[smem:$0x7F2] =	sst s29;
	s29 =	sor.u32 $0x13100, s1  }
0x13c: {  	s28 =	sor.u32 s0, s29  }
0x13d: {  	[tilespmem:s28+$0x0] =	vst v1  }
0x13e: {  	v1 =	vld.idx.msk [tilespmem:v27+s3+$0x0], $0xffff  }
0x13f: {  	v28 =	vadd.s32 $0x6200, v0;
	_ =	sdelay $0x1  }
0x140: {  	s25 =	sor.u32 $0x13180, s1  }
0x141: {  	s17 =	sor.u32 s0, s25  }
0x142: {  	[tilespmem:s17+$0x0] =	vst v1  }
0x143: {  	v1 =	vld.idx.msk [tilespmem:v28+s3+$0x0], $0xffff  }
0x144: {  	v29 =	vadd.s32 $0x6280, v0;
	_ =	sdelay $0x1  }
0x145: {  	s23 =	sor.u32 $0x13200, s1  }
0x146: {  	s4 =	sor.u32 s0, s23  }
0x147: {  	[tilespmem:s4+$0x0] =	vst v1  }
0x148: {  	v1 =	vld.idx.msk [tilespmem:v29+s3+$0x0], $0xffff  }
0x149: {  	v30 =	vadd.s32 $0x6300, v0;
	_ =	sdelay $0x1  }
0x14a: {  	s28 =	sor.u32 $0x13280, s1  }
0x14b: {  	s4 =	sor.u32 s0, s28  }
0x14c: {  	[tilespmem:s4+$0x0] =	vst v1  }
0x14d: {  	v1 =	vld.idx.msk [tilespmem:v30+s3+$0x0], $0xffff  }
0x14e: {  	v0 =	vadd.s32 $0x6380, v0;
	_ =	sdelay $0x1  }
0x14f: {  	[smem:$0x7EB] =	sst s28;
	s28 =	sor.u32 $0x13300, s1  }
0x150: {  	[smem:$0x7ED] =	sst s28;
	s28 =	sor.u32 s0, s28  }
0x151: {  	[tilespmem:s28+$0x0] =	vst v1  }
0x152: {  	v0 =	vld.idx.msk [tilespmem:v0+s3+$0x0], $0xffff;
	_ =	sdelay $0x2  }
0x153: {  	s1 =	sor.u32 $0x13380, s1;
	s28 =	sadd.s32 $0x10, s20  }
0x154: {  	[smem:$0x7EE] =	sst s1;
	s1 =	sor.u32 s0, s1;
	s0 =	sand.u32 $0x50, s28  }
0x155: {  	s4 =	sadd.s32 s0, s30;
	[tilespmem:s1+$0x0] =	vst v0  }
0x156: {  	v0 =	vld [tilespmem:s4+$0x0];
	_ =	sdelay $0x4  }
0x157: {  	v31 =	vshll.u32 v0, $0x3  }
0x158: {  	v0 =	vand.u32 $0x7F, v0;
	v1 =	vand.u32 $0xFFFFFC00, v31  }
0x159: {  	v0 =	vor.u32 v0, v1;
	_ =	sdelay $0x4  }
0x15a: {  	v1 =	vld.idx.msk [tilespmem:v0+s3+$0x0], $0xffff  }
0x15b: {  	s2 =	sld [smem:$0x7F0];
	v32 =	vor.u32 $0x80, v0;
	_ =	sdelay $0x2  }
0x15c: {  	s17 =	sor.u32 s0, s2  }
0x15d: {  	[tilespmem:s17+$0x0] =	vst v1  }
0x15e: {  	v1 =	vld.idx.msk [tilespmem:v32+s3+$0x0], $0xffff  }
0x15f: {  	v33 =	vor.u32 $0x100, v0;
	_ =	sdelay $0x3  }
0x160: {  	[tilespmem:s17+$0x80] =	vst v1  }
0x161: {  	v1 =	vld.idx.msk [tilespmem:v33+s3+$0x0], $0xffff  }
0x162: {  	v34 =	vor.u32 $0x180, v0;
	_ =	sdelay $0x3  }
0x163: {  	[tilespmem:s17+$0x100] =	vst v1  }
0x164: {  	v1 =	vld.idx.msk [tilespmem:v34+s3+$0x0], $0xffff  }
0x165: {  	v35 =	vor.u32 $0x200, v0;
	_ =	sdelay $0x3  }
0x166: {  	[tilespmem:s17+$0x180] =	vst v1  }
0x167: {  	[smem:$0x7EF] =	sst s30;
	s30 =	sand.u32 $0x7, s5;
	v1 =	vld.idx.msk [tilespmem:v35+s3+$0x0], $0xffff  }
0x168: {  	s1 =	sshll.u32 s30, $0x4;
	v36 =	vor.u32 $0x280, v0  }
0x169: {  	s1 =	sadd.s32 s24, s1  }
0x16a: {  	[smem:$0x7F1] =	sst s1;
	s1 =	sadd.s32 $0x10, s1  }
0x16b: {  	s4 =	sor.u32 $0x200, s1  }
0x16c: {  	[tilespmem:s4+$0x10000] =	vst v1  }
0x16d: {  	v1 =	vld.idx.msk [tilespmem:v36+s3+$0x0], $0xffff  }
0x16e: {  	v37 =	vor.u32 $0x300, v0;
	_ =	sdelay $0x2  }
0x16f: {  	[smem:$0x7F3] =	sst s5;
	s5 =	sor.u32 $0x280, s1  }
0x170: {  	[tilespmem:s5+$0x10000] =	vst v1  }
0x171: {  	v1 =	vld.idx.msk [tilespmem:v37+s3+$0x0], $0xffff  }
0x172: {  	v38 =	vor.u32 $0x380, v0;
	_ =	sdelay $0x2  }
0x173: {  	s1 =	sor.u32 $0x300, s1  }
0x174: {  	[tilespmem:s1+$0x10000] =	vst v1  }
0x175: {  	v1 =	vld.idx.msk [tilespmem:v38+s3+$0x0], $0xffff  }
0x176: {  	v39 =	vadd.s32 $0x2000, v0;
	_ =	sdelay $0x1  }
0x177: {  	s17 =	sor.u32 s28, s24  }
0x178: {  	s1 =	sor.u32 $0x380, s17  }
0x179: {  	[tilespmem:s1+$0x10000] =	vst v1  }
0x17a: {  	v1 =	vld.idx.msk [tilespmem:v39+s3+$0x0], $0xffff  }
0x17b: {  	v40 =	vadd.s32 $0x2080, v0;
	s4 =	sld [smem:$0x7F2];
	_ =	sdelay $0x2  }
0x17c: {  	s28 =	sor.u32 s0, s4  }
0x17d: {  	[tilespmem:s28+$0x0] =	vst v1  }
0x17e: {  	v1 =	vld.idx.msk [tilespmem:v40+s3+$0x0], $0xffff  }
0x17f: {  	v41 =	vadd.s32 $0x2100, v0;
	s5 =	sld [smem:$0x7EA];
	_ =	sdelay $0x2  }
0x180: {  	s30 =	sor.u32 s0, s5  }
0x181: {  	[tilespmem:s30+$0x0] =	vst v1  }
0x182: {  	v1 =	vld.idx.msk [tilespmem:v41+s3+$0x0], $0xffff  }
0x183: {  	v42 =	vadd.s32 $0x2180, v0;
	_ =	sdelay $0x2  }
0x184: {  	s17 =	sor.u32 s0, s31  }
0x185: {  	[tilespmem:s17+$0x0] =	vst v1  }
0x186: {  	v1 =	vld.idx.msk [tilespmem:v42+s3+$0x0], $0xffff  }
0x187: {  	v43 =	vadd.s32 $0x2200, v0;
	_ =	sdelay $0x2  }
0x188: {  	s28 =	sor.u32 s0, s26  }
0x189: {  	[tilespmem:s28+$0x0] =	vst v1  }
0x18a: {  	v1 =	vld.idx.msk [tilespmem:v43+s3+$0x0], $0xffff  }
0x18b: {  	v44 =	vadd.s32 $0x2280, v0;
	_ =	sdelay $0x2  }
0x18c: {  	s30 =	sor.u32 s0, s14  }
0x18d: {  	[tilespmem:s30+$0x0] =	vst v1  }
0x18e: {  	v1 =	vld.idx.msk [tilespmem:v44+s3+$0x0], $0xffff  }
0x18f: {  	v45 =	vadd.s32 $0x2300, v0;
	_ =	sdelay $0x2  }
0x190: {  	s17 =	sor.u32 s0, s13  }
0x191: {  	[tilespmem:s17+$0x0] =	vst v1  }
0x192: {  	v1 =	vld.idx.msk [tilespmem:v45+s3+$0x0], $0xffff  }
0x193: {  	v46 =	vadd.s32 $0x2380, v0;
	_ =	sdelay $0x2  }
0x194: {  	s28 =	sor.u32 s0, s9  }
0x195: {  	[tilespmem:s28+$0x0] =	vst v1  }
0x196: {  	v1 =	vld.idx.msk [tilespmem:v46+s3+$0x0], $0xffff  }
0x197: {  	v47 =	vadd.s32 $0x4000, v0;
	_ =	sdelay $0x2  }
0x198: {  	s30 =	sor.u32 s0, s10  }
0x199: {  	[tilespmem:s30+$0x0] =	vst v1  }
0x19a: {  	v1 =	vld.idx.msk [tilespmem:v47+s3+$0x0], $0xffff  }
0x19b: {  	v48 =	vadd.s32 $0x4080, v0;
	_ =	sdelay $0x2  }
0x19c: {  	s17 =	sor.u32 s0, s7  }
0x19d: {  	[tilespmem:s17+$0x0] =	vst v1  }
0x19e: {  	v1 =	vld.idx.msk [tilespmem:v48+s3+$0x0], $0xffff  }
0x19f: {  	v49 =	vadd.s32 $0x4100, v0;
	_ =	sdelay $0x2  }
0x1a0: {  	s28 =	sor.u32 s0, s6  }
0x1a1: {  	[tilespmem:s28+$0x0] =	vst v1  }
0x1a2: {  	v1 =	vld.idx.msk [tilespmem:v49+s3+$0x0], $0xffff  }
0x1a3: {  	v50 =	vadd.s32 $0x4180, v0;
	_ =	sdelay $0x2  }
0x1a4: {  	s30 =	sor.u32 s0, s11  }
0x1a5: {  	[tilespmem:s30+$0x0] =	vst v1  }
0x1a6: {  	v1 =	vld.idx.msk [tilespmem:v50+s3+$0x0], $0xffff  }
0x1a7: {  	v51 =	vadd.s32 $0x4200, v0;
	_ =	sdelay $0x2  }
0x1a8: {  	s17 =	sor.u32 s0, s12  }
0x1a9: {  	[tilespmem:s17+$0x0] =	vst v1  }
0x1aa: {  	v1 =	vld.idx.msk [tilespmem:v51+s3+$0x0], $0xffff  }
0x1ab: {  	v52 =	vadd.s32 $0x4280, v0;
	_ =	sdelay $0x2  }
0x1ac: {  	s28 =	sor.u32 s0, s15  }
0x1ad: {  	[tilespmem:s28+$0x0] =	vst v1  }
0x1ae: {  	v1 =	vld.idx.msk [tilespmem:v52+s3+$0x0], $0xffff  }
0x1af: {  	v53 =	vadd.s32 $0x4300, v0;
	_ =	sdelay $0x2  }
0x1b0: {  	s30 =	sor.u32 s0, s16  }
0x1b1: {  	[tilespmem:s30+$0x0] =	vst v1  }
0x1b2: {  	v1 =	vld.idx.msk [tilespmem:v53+s3+$0x0], $0xffff  }
0x1b3: {  	v54 =	vadd.s32 $0x4380, v0;
	_ =	sdelay $0x2  }
0x1b4: {  	s17 =	sor.u32 s0, s18  }
0x1b5: {  	[tilespmem:s17+$0x0] =	vst v1  }
0x1b6: {  	v1 =	vld.idx.msk [tilespmem:v54+s3+$0x0], $0xffff  }
0x1b7: {  	v55 =	vadd.s32 $0x6000, v0;
	_ =	sdelay $0x2  }
0x1b8: {  	s28 =	sor.u32 s0, s19  }
0x1b9: {  	[tilespmem:s28+$0x0] =	vst v1  }
0x1ba: {  	v1 =	vld.idx.msk [tilespmem:v55+s3+$0x0], $0xffff  }
0x1bb: {  	v56 =	vadd.s32 $0x6080, v0;
	_ =	sdelay $0x2  }
0x1bc: {  	s30 =	sor.u32 s0, s21  }
0x1bd: {  	[tilespmem:s30+$0x0] =	vst v1  }
0x1be: {  	v1 =	vld.idx.msk [tilespmem:v56+s3+$0x0], $0xffff  }
0x1bf: {  	v57 =	vadd.s32 $0x6100, v0;
	_ =	sdelay $0x2  }
0x1c0: {  	s17 =	sor.u32 s0, s22  }
0x1c1: {  	[tilespmem:s17+$0x0] =	vst v1  }
0x1c2: {  	v1 =	vld.idx.msk [tilespmem:v57+s3+$0x0], $0xffff  }
0x1c3: {  	v58 =	vadd.s32 $0x6180, v0;
	_ =	sdelay $0x2  }
0x1c4: {  	s28 =	sor.u32 s0, s29  }
0x1c5: {  	[tilespmem:s28+$0x0] =	vst v1  }
0x1c6: {  	v1 =	vld.idx.msk [tilespmem:v58+s3+$0x0], $0xffff  }
0x1c7: {  	v59 =	vadd.s32 $0x6200, v0;
	_ =	sdelay $0x2  }
0x1c8: {  	s30 =	sor.u32 s0, s25  }
0x1c9: {  	[tilespmem:s30+$0x0] =	vst v1  }
0x1ca: {  	v1 =	vld.idx.msk [tilespmem:v59+s3+$0x0], $0xffff  }
0x1cb: {  	v60 =	vadd.s32 $0x6280, v0;
	_ =	sdelay $0x2  }
0x1cc: {  	s17 =	sor.u32 s0, s23  }
0x1cd: {  	[tilespmem:s17+$0x0] =	vst v1  }
0x1ce: {  	v1 =	vld.idx.msk [tilespmem:v60+s3+$0x0], $0xffff  }
0x1cf: {  	v61 =	vadd.s32 $0x6300, v0;
	s17 =	sld [smem:$0x7EB];
	_ =	sdelay $0x2  }
0x1d0: {  	[smem:$0x7EC] =	sst s23;
	s23 =	sor.u32 s0, s17  }
0x1d1: {  	[tilespmem:s23+$0x0] =	vst v1  }
0x1d2: {  	v1 =	vld.idx.msk [tilespmem:v61+s3+$0x0], $0xffff  }
0x1d3: {  	v0 =	vadd.s32 $0x6380, v0;
	s28 =	sld [smem:$0x7ED];
	_ =	sdelay $0x2  }
0x1d4: {  	s1 =	sor.u32 s0, s28  }
0x1d5: {  	[tilespmem:s1+$0x0] =	vst v1  }
0x1d6: {  	v0 =	vld.idx.msk [tilespmem:v0+s3+$0x0], $0xffff  }
0x1d7: {  	s30 =	sld [smem:$0x7EE]  }
0x1d8: {  	s28 =	sld [smem:$0x7EF]  }
0x1d9: {  	s1 =	sadd.s32 $0x20, s20  }
0x1da: {  	s23 =	sor.u32 s0, s30;
	s0 =	sand.u32 $0x60, s1  }
0x1db: {  	s30 =	sadd.s32 s0, s28;
	[tilespmem:s23+$0x0] =	vst v0  }
0x1dc: {  	v0 =	vld [tilespmem:s30+$0x0];
	_ =	sdelay $0x4  }
0x1dd: {  	v62 =	vshll.u32 v0, $0x3  }
0x1de: {  	v0 =	vand.u32 $0x7F, v0;
	v1 =	vand.u32 $0xFFFFFC00, v62  }
0x1df: {  	v0 =	vor.u32 v0, v1;
	_ =	sdelay $0x4  }
0x1e0: {  	v1 =	vld.idx.msk [tilespmem:v0+s3+$0x0], $0xffff  }
0x1e1: {  	v63 =	vor.u32 $0x80, v0;
	_ =	sdelay $0x2  }
0x1e2: {  	s23 =	sor.u32 s0, s2  }
0x1e3: {  	[tilespmem:s23+$0x0] =	vst v1  }
0x1e4: {  	v1 =	vld.idx.msk [tilespmem:v63+s3+$0x0], $0xffff  }
0x1e5: {  	v4 =	vor.u32 $0x100, v0;
	_ =	sdelay $0x3  }
0x1e6: {  	[tilespmem:s23+$0x80] =	vst v1  }
0x1e7: {  	v1 =	vld.idx.msk [tilespmem:v4+s3+$0x0], $0xffff  }
0x1e8: {  	v5 =	vor.u32 $0x180, v0;
	_ =	sdelay $0x3  }
0x1e9: {  	[tilespmem:s23+$0x100] =	vst v1  }
0x1ea: {  	v1 =	vld.idx.msk [tilespmem:v5+s3+$0x0], $0xffff;
	_ =	sdelay $0x2  }
0x1eb: {  	v6 =	vor.u32 $0x200, v0;
	_ =	sdelay $0x1  }
0x1ec: {  	[tilespmem:s23+$0x180] =	vst v1;
	s23 =	sld [smem:$0x7F8];
	_ =	sdelay $0x2  }
0x1ed: {  	v1 =	vld.idx.msk [tilespmem:v6+s3+$0x0], $0xffff;
	s30 =	sand.u32 $0x3, s23  }
0x1ee: {  	v7 =	vor.u32 $0x280, v0;
	s28 =	sshll.u32 s30, $0x5  }
0x1ef: {  	s28 =	sadd.s32 s24, s28  }
0x1f0: {  	s28 =	sadd.s32 $0x20, s28  }
0x1f1: {  	s2 =	sor.u32 $0x200, s28  }
0x1f2: {  	[tilespmem:s2+$0x10000] =	vst v1  }
0x1f3: {  	v1 =	vld.idx.msk [tilespmem:v7+s3+$0x0], $0xffff  }
0x1f4: {  	v8 =	vor.u32 $0x300, v0;
	_ =	sdelay $0x2  }
0x1f5: {  	s2 =	sor.u32 $0x280, s28  }
0x1f6: {  	[tilespmem:s2+$0x10000] =	vst v1  }
0x1f7: {  	v1 =	vld.idx.msk [tilespmem:v8+s3+$0x0], $0xffff  }
0x1f8: {  	v9 =	vor.u32 $0x380, v0;
	_ =	sdelay $0x2  }
0x1f9: {  	s28 =	sor.u32 $0x300, s28  }
0x1fa: {  	[tilespmem:s28+$0x10000] =	vst v1  }
0x1fb: {  	v1 =	vld.idx.msk [tilespmem:v9+s3+$0x0], $0xffff  }
0x1fc: {  	v10 =	vadd.s32 $0x2000, v0;
	_ =	sdelay $0x1  }
0x1fd: {  	s1 =	sor.u32 s1, s24  }
0x1fe: {  	s1 =	sor.u32 $0x380, s1  }
0x1ff: {  	[tilespmem:s1+$0x10000] =	vst v1  }
0x200: {  	v1 =	vld.idx.msk [tilespmem:v10+s3+$0x0], $0xffff  }
0x201: {  	v11 =	vadd.s32 $0x2080, v0;
	_ =	sdelay $0x2  }
0x202: {  	s28 =	sor.u32 s0, s4  }
0x203: {  	[tilespmem:s28+$0x0] =	vst v1  }
0x204: {  	v1 =	vld.idx.msk [tilespmem:v11+s3+$0x0], $0xffff  }
0x205: {  	v12 =	vadd.s32 $0x2100, v0;
	_ =	sdelay $0x2  }
0x206: {  	s30 =	sor.u32 s0, s5  }
0x207: {  	[tilespmem:s30+$0x0] =	vst v1  }
0x208: {  	v1 =	vld.idx.msk [tilespmem:v12+s3+$0x0], $0xffff  }
0x209: {  	v13 =	vadd.s32 $0x2180, v0;
	_ =	sdelay $0x2  }
0x20a: {  	s2 =	sor.u32 s0, s31  }
0x20b: {  	[tilespmem:s2+$0x0] =	vst v1  }
0x20c: {  	v1 =	vld.idx.msk [tilespmem:v13+s3+$0x0], $0xffff  }
0x20d: {  	v14 =	vadd.s32 $0x2200, v0;
	_ =	sdelay $0x2  }
0x20e: {  	s4 =	sor.u32 s0, s26  }
0x20f: {  	[tilespmem:s4+$0x0] =	vst v1  }
0x210: {  	v1 =	vld.idx.msk [tilespmem:v14+s3+$0x0], $0xffff  }
0x211: {  	v15 =	vadd.s32 $0x2280, v0;
	_ =	sdelay $0x2  }
0x212: {  	s28 =	sor.u32 s0, s14  }
0x213: {  	[tilespmem:s28+$0x0] =	vst v1  }
0x214: {  	v1 =	vld.idx.msk [tilespmem:v15+s3+$0x0], $0xffff  }
0x215: {  	v16 =	vadd.s32 $0x2300, v0;
	_ =	sdelay $0x2  }
0x216: {  	s30 =	sor.u32 s0, s13  }
0x217: {  	[tilespmem:s30+$0x0] =	vst v1  }
0x218: {  	v1 =	vld.idx.msk [tilespmem:v16+s3+$0x0], $0xffff  }
0x219: {  	v17 =	vadd.s32 $0x2380, v0;
	_ =	sdelay $0x2  }
0x21a: {  	s2 =	sor.u32 s0, s9  }
0x21b: {  	[tilespmem:s2+$0x0] =	vst v1  }
0x21c: {  	v1 =	vld.idx.msk [tilespmem:v17+s3+$0x0], $0xffff  }
0x21d: {  	v18 =	vadd.s32 $0x4000, v0;
	_ =	sdelay $0x2  }
0x21e: {  	s4 =	sor.u32 s0, s10  }
0x21f: {  	[tilespmem:s4+$0x0] =	vst v1  }
0x220: {  	v1 =	vld.idx.msk [tilespmem:v18+s3+$0x0], $0xffff  }
0x221: {  	v19 =	vadd.s32 $0x4080, v0;
	_ =	sdelay $0x2  }
0x222: {  	s28 =	sor.u32 s0, s7  }
0x223: {  	[tilespmem:s28+$0x0] =	vst v1  }
0x224: {  	v1 =	vld.idx.msk [tilespmem:v19+s3+$0x0], $0xffff  }
0x225: {  	v20 =	vadd.s32 $0x4100, v0;
	_ =	sdelay $0x2  }
0x226: {  	s30 =	sor.u32 s0, s6  }
0x227: {  	[tilespmem:s30+$0x0] =	vst v1  }
0x228: {  	v1 =	vld.idx.msk [tilespmem:v20+s3+$0x0], $0xffff  }
0x229: {  	v21 =	vadd.s32 $0x4180, v0;
	_ =	sdelay $0x2  }
0x22a: {  	s2 =	sor.u32 s0, s11  }
0x22b: {  	[tilespmem:s2+$0x0] =	vst v1  }
0x22c: {  	v1 =	vld.idx.msk [tilespmem:v21+s3+$0x0], $0xffff  }
0x22d: {  	v22 =	vadd.s32 $0x4200, v0;
	_ =	sdelay $0x2  }
0x22e: {  	s4 =	sor.u32 s0, s12  }
0x22f: {  	[tilespmem:s4+$0x0] =	vst v1  }
0x230: {  	v1 =	vld.idx.msk [tilespmem:v22+s3+$0x0], $0xffff  }
0x231: {  	v23 =	vadd.s32 $0x4280, v0;
	_ =	sdelay $0x2  }
0x232: {  	[smem:$0x7F4] =	sst s6;
	s6 =	sor.u32 s0, s15  }
0x233: {  	[tilespmem:s6+$0x0] =	vst v1  }
0x234: {  	v1 =	vld.idx.msk [tilespmem:v23+s3+$0x0], $0xffff  }
0x235: {  	v24 =	vadd.s32 $0x4300, v0;
	_ =	sdelay $0x2  }
0x236: {  	s28 =	sor.u32 s0, s16  }
0x237: {  	[tilespmem:s28+$0x0] =	vst v1  }
0x238: {  	v1 =	vld.idx.msk [tilespmem:v24+s3+$0x0], $0xffff  }
0x239: {  	v25 =	vadd.s32 $0x4380, v0;
	_ =	sdelay $0x2  }
0x23a: {  	s30 =	sor.u32 s0, s18  }
0x23b: {  	[tilespmem:s30+$0x0] =	vst v1  }
0x23c: {  	v1 =	vld.idx.msk [tilespmem:v25+s3+$0x0], $0xffff  }
0x23d: {  	v26 =	vadd.s32 $0x6000, v0;
	_ =	sdelay $0x2  }
0x23e: {  	s2 =	sor.u32 s0, s19  }
0x23f: {  	[tilespmem:s2+$0x0] =	vst v1  }
0x240: {  	v1 =	vld.idx.msk [tilespmem:v26+s3+$0x0], $0xffff  }
0x241: {  	v27 =	vadd.s32 $0x6080, v0;
	_ =	sdelay $0x2  }
0x242: {  	s4 =	sor.u32 s0, s21  }
0x243: {  	[tilespmem:s4+$0x0] =	vst v1  }
0x244: {  	v1 =	vld.idx.msk [tilespmem:v27+s3+$0x0], $0xffff  }
0x245: {  	v28 =	vadd.s32 $0x6100, v0;
	_ =	sdelay $0x2  }
0x246: {  	s6 =	sor.u32 s0, s22  }
0x247: {  	[tilespmem:s6+$0x0] =	vst v1  }
0x248: {  	v1 =	vld.idx.msk [tilespmem:v28+s3+$0x0], $0xffff  }
0x249: {  	v29 =	vadd.s32 $0x6180, v0;
	_ =	sdelay $0x2  }
0x24a: {  	s28 =	sor.u32 s0, s29  }
0x24b: {  	[tilespmem:s28+$0x0] =	vst v1  }
0x24c: {  	v1 =	vld.idx.msk [tilespmem:v29+s3+$0x0], $0xffff  }
0x24d: {  	v30 =	vadd.s32 $0x6200, v0;
	_ =	sdelay $0x2  }
0x24e: {  	s30 =	sor.u32 s0, s25  }
0x24f: {  	[tilespmem:s30+$0x0] =	vst v1  }
0x250: {  	v1 =	vld.idx.msk [tilespmem:v30+s3+$0x0], $0xffff  }
0x251: {  	v31 =	vadd.s32 $0x6280, v0;
	s6 =	sld [smem:$0x7EC];
	_ =	sdelay $0x2  }
0x252: {  	s2 =	sor.u32 s0, s6  }
0x253: {  	[tilespmem:s2+$0x0] =	vst v1  }
0x254: {  	v1 =	vld.idx.msk [tilespmem:v31+s3+$0x0], $0xffff  }
0x255: {  	v32 =	vadd.s32 $0x6300, v0;
	_ =	sdelay $0x2  }
0x256: {  	s4 =	sor.u32 s0, s17  }
0x257: {  	[tilespmem:s4+$0x0] =	vst v1  }
0x258: {  	v1 =	vld.idx.msk [tilespmem:v32+s3+$0x0], $0xffff  }
0x259: {  	v0 =	vadd.s32 $0x6380, v0;
	s4 =	sld [smem:$0x7ED];
	_ =	sdelay $0x2  }
0x25a: {  	s28 =	sor.u32 s0, s4  }
0x25b: {  	[tilespmem:s28+$0x0] =	vst v1  }
0x25c: {  	v0 =	vld.idx.msk [tilespmem:v0+s3+$0x0], $0xffff  }
0x25d: {  	s2 =	sld [smem:$0x7EE];
	_ =	sdelay $0x2  }
0x25e: {  	s30 =	sor.u32 s0, s2  }
0x25f: {  	[tilespmem:s30+$0x0] =	vst v0;
	s30 =	sld [smem:$0x7EF]  }
0x260: {  	s1 =	sadd.s32 $0x30, s20  }
0x261: {  	s0 =	sand.u32 $0x70, s1  }
0x262: {  	s28 =	sadd.s32 s0, s30  }
0x263: {  	v0 =	vld [tilespmem:s28+$0x0];
	_ =	sdelay $0x4  }
0x264: {  	v33 =	vshll.u32 v0, $0x3  }
0x265: {  	v0 =	vand.u32 $0x7F, v0;
	v1 =	vand.u32 $0xFFFFFC00, v33  }
0x266: {  	v0 =	vor.u32 v0, v1;
	_ =	sdelay $0x4  }
0x267: {  	v1 =	vld.idx.msk [tilespmem:v0+s3+$0x0], $0xffff  }
0x268: {  	s30 =	sld [smem:$0x7F0];
	v34 =	vor.u32 $0x80, v0;
	_ =	sdelay $0x2  }
0x269: {  	s28 =	sor.u32 s0, s30  }
0x26a: {  	[tilespmem:s28+$0x0] =	vst v1  }
0x26b: {  	v1 =	vld.idx.msk [tilespmem:v34+s3+$0x0], $0xffff  }
0x26c: {  	v35 =	vor.u32 $0x100, v0;
	_ =	sdelay $0x3  }
0x26d: {  	[tilespmem:s28+$0x80] =	vst v1  }
0x26e: {  	v1 =	vld.idx.msk [tilespmem:v35+s3+$0x0], $0xffff  }
0x26f: {  	v36 =	vor.u32 $0x180, v0;
	_ =	sdelay $0x3  }
0x270: {  	[tilespmem:s28+$0x100] =	vst v1  }
0x271: {  	v1 =	vld.idx.msk [tilespmem:v36+s3+$0x0], $0xffff  }
0x272: {  	v37 =	vor.u32 $0x200, v0;
	_ =	sdelay $0x3  }
0x273: {  	[tilespmem:s28+$0x180] =	vst v1  }
0x274: {  	s30 =	sld [smem:$0x7F1];
	v1 =	vld.idx.msk [tilespmem:v37+s3+$0x0], $0xffff  }
0x275: {  	v38 =	vor.u32 $0x280, v0;
	_ =	sdelay $0x1  }
0x276: {  	s28 =	sadd.s32 $0x30, s30  }
0x277: {  	s30 =	sor.u32 $0x200, s28  }
0x278: {  	[tilespmem:s30+$0x10000] =	vst v1  }
0x279: {  	v1 =	vld.idx.msk [tilespmem:v38+s3+$0x0], $0xffff  }
0x27a: {  	v39 =	vor.u32 $0x300, v0;
	_ =	sdelay $0x2  }
0x27b: {  	s30 =	sor.u32 $0x280, s28  }
0x27c: {  	[tilespmem:s30+$0x10000] =	vst v1  }
0x27d: {  	v1 =	vld.idx.msk [tilespmem:v39+s3+$0x0], $0xffff  }
0x27e: {  	v40 =	vor.u32 $0x380, v0;
	_ =	sdelay $0x2  }
0x27f: {  	s28 =	sor.u32 $0x300, s28  }
0x280: {  	[tilespmem:s28+$0x10000] =	vst v1  }
0x281: {  	v1 =	vld.idx.msk [tilespmem:v40+s3+$0x0], $0xffff  }
0x282: {  	v41 =	vadd.s32 $0x2000, v0;
	_ =	sdelay $0x1  }
0x283: {  	s1 =	sor.u32 s1, s24  }
0x284: {  	s1 =	sor.u32 $0x380, s1  }
0x285: {  	[tilespmem:s1+$0x10000] =	vst v1  }
0x286: {  	v1 =	vld.idx.msk [tilespmem:v41+s3+$0x0], $0xffff  }
0x287: {  	v42 =	vadd.s32 $0x2080, v0;
	s30 =	sld [smem:$0x7F2];
	_ =	sdelay $0x2  }
0x288: {  	s1 =	sor.u32 s0, s30  }
0x289: {  	[tilespmem:s1+$0x0] =	vst v1  }
0x28a: {  	v1 =	vld.idx.msk [tilespmem:v42+s3+$0x0], $0xffff  }
0x28b: {  	v43 =	vadd.s32 $0x2100, v0;
	_ =	sdelay $0x2  }
0x28c: {  	s28 =	sor.u32 s0, s5  }
0x28d: {  	[tilespmem:s28+$0x0] =	vst v1  }
0x28e: {  	v1 =	vld.idx.msk [tilespmem:v43+s3+$0x0], $0xffff  }
0x28f: {  	v44 =	vadd.s32 $0x2180, v0;
	_ =	sdelay $0x2  }
0x290: {  	s30 =	sor.u32 s0, s31  }
0x291: {  	[tilespmem:s30+$0x0] =	vst v1  }
0x292: {  	v1 =	vld.idx.msk [tilespmem:v44+s3+$0x0], $0xffff  }
0x293: {  	v45 =	vadd.s32 $0x2200, v0;
	_ =	sdelay $0x2  }
0x294: {  	s31 =	sor.u32 s0, s26  }
0x295: {  	[tilespmem:s31+$0x0] =	vst v1  }
0x296: {  	v1 =	vld.idx.msk [tilespmem:v45+s3+$0x0], $0xffff  }
0x297: {  	v46 =	vadd.s32 $0x2280, v0;
	_ =	sdelay $0x2  }
0x298: {  	s26 =	sor.u32 s0, s14  }
0x299: {  	[tilespmem:s26+$0x0] =	vst v1  }
0x29a: {  	v1 =	vld.idx.msk [tilespmem:v46+s3+$0x0], $0xffff  }
0x29b: {  	v47 =	vadd.s32 $0x2300, v0;
	_ =	sdelay $0x2  }
0x29c: {  	s28 =	sor.u32 s0, s13  }
0x29d: {  	[tilespmem:s28+$0x0] =	vst v1  }
0x29e: {  	v1 =	vld.idx.msk [tilespmem:v47+s3+$0x0], $0xffff  }
0x29f: {  	v48 =	vadd.s32 $0x2380, v0;
	_ =	sdelay $0x2  }
0x2a0: {  	s30 =	sor.u32 s0, s9  }
0x2a1: {  	[tilespmem:s30+$0x0] =	vst v1  }
0x2a2: {  	v1 =	vld.idx.msk [tilespmem:v48+s3+$0x0], $0xffff  }
0x2a3: {  	v49 =	vadd.s32 $0x4000, v0;
	_ =	sdelay $0x2  }
0x2a4: {  	s31 =	sor.u32 s0, s10  }
0x2a5: {  	[tilespmem:s31+$0x0] =	vst v1  }
0x2a6: {  	v1 =	vld.idx.msk [tilespmem:v49+s3+$0x0], $0xffff  }
0x2a7: {  	v50 =	vadd.s32 $0x4080, v0;
	_ =	sdelay $0x2  }
0x2a8: {  	s9 =	sor.u32 s0, s7  }
0x2a9: {  	[tilespmem:s9+$0x0] =	vst v1  }
0x2aa: {  	v1 =	vld.idx.msk [tilespmem:v50+s3+$0x0], $0xffff  }
0x2ab: {  	v51 =	vadd.s32 $0x4100, v0;
	s10 =	sld [smem:$0x7F4];
	_ =	sdelay $0x2  }
0x2ac: {  	s1 =	sor.u32 s0, s10  }
0x2ad: {  	[tilespmem:s1+$0x0] =	vst v1  }
0x2ae: {  	v1 =	vld.idx.msk [tilespmem:v51+s3+$0x0], $0xffff  }
0x2af: {  	v52 =	vadd.s32 $0x4180, v0;
	_ =	sdelay $0x2  }
0x2b0: {  	s13 =	sor.u32 s0, s11  }
0x2b1: {  	[tilespmem:s13+$0x0] =	vst v1  }
0x2b2: {  	v1 =	vld.idx.msk [tilespmem:v52+s3+$0x0], $0xffff  }
0x2b3: {  	v53 =	vadd.s32 $0x4200, v0;
	_ =	sdelay $0x2  }
0x2b4: {  	s14 =	sor.u32 s0, s12  }
0x2b5: {  	[tilespmem:s14+$0x0] =	vst v1  }
0x2b6: {  	v1 =	vld.idx.msk [tilespmem:v53+s3+$0x0], $0xffff  }
0x2b7: {  	v54 =	vadd.s32 $0x4280, v0;
	_ =	sdelay $0x2  }
0x2b8: {  	s15 =	sor.u32 s0, s15  }
0x2b9: {  	[tilespmem:s15+$0x0] =	vst v1  }
0x2ba: {  	v1 =	vld.idx.msk [tilespmem:v54+s3+$0x0], $0xffff  }
0x2bb: {  	v55 =	vadd.s32 $0x4300, v0;
	_ =	sdelay $0x2  }
0x2bc: {  	s16 =	sor.u32 s0, s16  }
0x2bd: {  	[tilespmem:s16+$0x0] =	vst v1  }
0x2be: {  	v1 =	vld.idx.msk [tilespmem:v55+s3+$0x0], $0xffff  }
0x2bf: {  	v56 =	vadd.s32 $0x4380, v0;
	_ =	sdelay $0x2  }
0x2c0: {  	s18 =	sor.u32 s0, s18  }
0x2c1: {  	[tilespmem:s18+$0x0] =	vst v1  }
0x2c2: {  	v1 =	vld.idx.msk [tilespmem:v56+s3+$0x0], $0xffff  }
0x2c3: {  	v57 =	vadd.s32 $0x6000, v0;
	_ =	sdelay $0x2  }
0x2c4: {  	s19 =	sor.u32 s0, s19  }
0x2c5: {  	[tilespmem:s19+$0x0] =	vst v1  }
0x2c6: {  	v1 =	vld.idx.msk [tilespmem:v57+s3+$0x0], $0xffff  }
0x2c7: {  	v58 =	vadd.s32 $0x6080, v0;
	_ =	sdelay $0x2  }
0x2c8: {  	s21 =	sor.u32 s0, s21  }
0x2c9: {  	[tilespmem:s21+$0x0] =	vst v1  }
0x2ca: {  	v1 =	vld.idx.msk [tilespmem:v58+s3+$0x0], $0xffff  }
0x2cb: {  	v59 =	vadd.s32 $0x6100, v0;
	_ =	sdelay $0x2  }
0x2cc: {  	s22 =	sor.u32 s0, s22  }
0x2cd: {  	[tilespmem:s22+$0x0] =	vst v1  }
0x2ce: {  	v1 =	vld.idx.msk [tilespmem:v59+s3+$0x0], $0xffff  }
0x2cf: {  	v60 =	vadd.s32 $0x6180, v0;
	_ =	sdelay $0x2  }
0x2d0: {  	s26 =	sor.u32 s0, s29  }
0x2d1: {  	[tilespmem:s26+$0x0] =	vst v1  }
0x2d2: {  	v1 =	vld.idx.msk [tilespmem:v60+s3+$0x0], $0xffff  }
0x2d3: {  	v61 =	vadd.s32 $0x6200, v0;
	_ =	sdelay $0x2  }
0x2d4: {  	s28 =	sor.u32 s0, s25  }
0x2d5: {  	[tilespmem:s28+$0x0] =	vst v1  }
0x2d6: {  	v1 =	vld.idx.msk [tilespmem:v61+s3+$0x0], $0xffff  }
0x2d7: {  	v62 =	vadd.s32 $0x6280, v0;
	_ =	sdelay $0x2  }
0x2d8: {  	s29 =	sor.u32 s0, s6  }
0x2d9: {  	[tilespmem:s29+$0x0] =	vst v1  }
0x2da: {  	v1 =	vld.idx.msk [tilespmem:v62+s3+$0x0], $0xffff  }
0x2db: {  	v63 =	vadd.s32 $0x6300, v0;
	_ =	sdelay $0x2  }
0x2dc: {  	s30 =	sor.u32 s0, s17  }
0x2dd: {  	[tilespmem:s30+$0x0] =	vst v1  }
0x2de: {  	v1 =	vld.idx.msk [tilespmem:v63+s3+$0x0], $0xffff  }
0x2df: {  	v0 =	vadd.s32 $0x6380, v0;
	_ =	sdelay $0x2  }
0x2e0: {  	s31 =	sor.u32 s0, s4  }
0x2e1: {  	[tilespmem:s31+$0x0] =	vst v1  }
0x2e2: {  	p1 =	sne.s32 s24, $0xE00;
	v0 =	vld.idx.msk [tilespmem:v0+s3+$0x0], $0xffff  }
.Ltmp0:
0x2e3: {  	_ = 	snop;
	(pc) =	sbr.rel @p1 .LBB2_3-.Ltmp0, $4  }
0x2e4: {  	s5 =	sld [smem:$0x7F3]  }
0x2e5: {  	s23 =	sadd.s32 $0x2, s23  }
0x2e6: {  	p0 =	por !p0, !p0;
	[smem:$0x7F8] =	sst s23;
	s0 =	sor.u32 s0, s2  }
0x2e7: {  	s20 =	sadd.s32 $0x40, s20;
	s24 =	sadd.s32 $0x200, s24;
	s5 =	sadd.s32 $0x4, s5;
	[tilespmem:s0+$0x0] =	vst v0  }
0x2e8: {  	s6 =	sld [smem:$0x7F7];
	_ =	sdelay $0x1  }
0x2e9: {  	s1 =	rddreg [dreg:$0x17]  }
0x2ea: {  	s2 =	sld [smem:$0x7FB];
	s0 =	sshll.u32 s6, $0x10  }
0x2eb: {  	s1 =	sadd.s32 s1, s0  }
0x2ec: {  	s28 =	simm.s32 $0x1000;
	s4 =	simm.s32 $0x2000;
	s1 =	sshrl.u32 s1, $0x3  }
0x2ed: {  	s5 =	simm.s32 $0x10000;
	s29 =	simm.s32 $0x2;
	s1 =	sadd.s32 s1, s2  }
0x2ee: {  	[hbm4b:s1+s28] =	stream.strided.scatter [tilespmem:s5], [sflag:$0x3], $0x4000, s4, s28, $0x38;
	[tilespmem:$0x1B400] =	vst v63  }
0x2ef: {  	_ =	swait.ge [sflag:s29], $0x8000  }
0x2f0: {  	s1 =	sld [smem:$0x7FD];
	_ =	sdelay $0x1  }
0x2f1: {  	p0 =	seq.s32 s6, $0xC;
	[sflag:s29] =	ssyncset.done $0x0  }
0x2f2: {  	[sflag:s29] =	ssyncadd.s32 $0xFFFF8000;
	s0 =	sadd.s32 @!p0 s0, s1  }
0x2f3: {  	s1 =	rddreg [dreg:$0x0];
	s0 =	sshrl.u32 @!p0 s0, $0x3  }
0x2f4: {  	p1 =	seq.s32 @!p0 s6, $0x0;
	s0 =	sadd.s32 @!p0 s1, s0;
	s1 =	simm.s32 @!p0 $0x0  }
0x2f5: {  	[tilespmem:s1], [sflag:$0x1] =	stream.linear.gather @!p0 [hbm4b:s0+s1], $0x8000, $0x38;
	[tilespmem:$0x1B400] =	vst v63  }
0x2f6: {  	p0 =	por p0, !p1  }
0x2f7: {  	s0 =	simm.s32 @p0 $0x4  }
0x2f8: {  	_ =	swait.ge @p0 [sflag:s0], $0x4000  }
0x2f9: {  	s30 =	sld [smem:$0x7F5];
	_ =	sdelay $0x1  }
0x2fa: {  	[sflag:s0] =	ssyncset.done @p0 $0x0  }
0x2fb: {  	[sflag:s0] =	ssyncadd.s32 @p0 $0xFFFFC000;
	s0 =	sshll.u32 s30, $0x9  }
0x2fc: {  	s19 =	simm.s32 $0x0;
	s31 =	simm.s32 $0x0;
	s0 =	sand.u32 $0x3FFFFE00, s0  }
0x2fd: {  	s23 =	simm.s32 $0x0;
	[smem:$0x7E9] =	sst s31;
	s0 =	sadd.s32 $0x18000, s0  }
0x2fe: {  	s5 =	simm.s32 $0x0;
	p0 =	por $0x0, $0x0;
	[dreg:$0x4] =	wrdreg s0  }
.LBB2_5:
0x2ff: {  	s1 =	rddreg [dreg:$0x4];
	s2 =	sand.u32 $0x180, s19  }
0x300: {  	s0 =	sand.u32 $0x40, s19;
	s29 =	sadd.s32 s2, s1  }
0x301: {  	s1 =	sadd.s32 s0, s29  }
0x302: {  	v0 =	vld [tilespmem:s1+$0x0];
	_ =	sdelay $0x4  }
0x303: {  	v1 =	vshll.u32 v0, $0x3  }
0x304: {  	v0 =	vand.u32 $0x7F, v0;
	v1 =	vand.u32 $0xFFFFFC00, v1  }
0x305: {  	v0 =	vor.u32 v0, v1;
	_ =	sdelay $0x4  }
0x306: {  	v1 =	vld.idx.msk [tilespmem:v0+s8+$0x0], $0xffff  }
0x307: {  	v2 =	vor.u32 $0x80, v0  }
0x308: {  	s1 =	sand.u32 $0xC00, s23  }
0x309: {  	s9 =	sor.u32 $0x14000, s1  }
0x30a: {  	s2 =	sor.u32 s0, s9  }
0x30b: {  	[tilespmem:s2+$0x0] =	vst v1  }
0x30c: {  	v1 =	vld.idx.msk [tilespmem:v2+s8+$0x0], $0xffff  }
0x30d: {  	v62 =	vor.u32 $0x100, v0;
	_ =	sdelay $0x3  }
0x30e: {  	[tilespmem:s2+$0x80] =	vst v1  }
0x30f: {  	v1 =	vld.idx.msk [tilespmem:v62+s8+$0x0], $0xffff  }
0x310: {  	v63 =	vor.u32 $0x180, v0;
	_ =	sdelay $0x3  }
0x311: {  	[tilespmem:s2+$0x100] =	vst v1  }
0x312: {  	v1 =	vld.idx.msk [tilespmem:v63+s8+$0x0], $0xffff  }
0x313: {  	v4 =	vor.u32 $0x200, v0;
	_ =	sdelay $0x3  }
0x314: {  	[tilespmem:s2+$0x180] =	vst v1  }
0x315: {  	s2 =	simm.s32 $0x1;
	v1 =	vld.idx.msk [tilespmem:v4+s8+$0x0], $0xffff  }
0x316: {  	v5 =	vor.u32 $0x280, v0;
	s2 =	simm.s32 @!p0 $0x0  }
0x317: {  	s2 =	sshll.u32 s2, $0x6  }
0x318: {  	s2 =	sadd.s32 s2, s23  }
0x319: {  	s4 =	sor.u32 $0x200, s2  }
0x31a: {  	[tilespmem:s4+$0x14000] =	vst v1  }
0x31b: {  	v1 =	vld.idx.msk [tilespmem:v5+s8+$0x0], $0xffff  }
0x31c: {  	v6 =	vor.u32 $0x300, v0;
	_ =	sdelay $0x2  }
0x31d: {  	s10 =	sor.u32 $0x280, s2  }
0x31e: {  	[tilespmem:s10+$0x14000] =	vst v1  }
0x31f: {  	v1 =	vld.idx.msk [tilespmem:v6+s8+$0x0], $0xffff  }
0x320: {  	v7 =	vor.u32 $0x380, v0;
	_ =	sdelay $0x2  }
0x321: {  	s2 =	sor.u32 $0x300, s2  }
0x322: {  	[tilespmem:s2+$0x14000] =	vst v1  }
0x323: {  	v1 =	vld.idx.msk [tilespmem:v7+s8+$0x0], $0xffff  }
0x324: {  	v8 =	vadd.s32 $0x2000, v0;
	_ =	sdelay $0x1  }
0x325: {  	s11 =	sor.u32 s19, s23  }
0x326: {  	s2 =	sor.u32 $0x380, s11  }
0x327: {  	[tilespmem:s2+$0x14000] =	vst v1  }
0x328: {  	v1 =	vld.idx.msk [tilespmem:v8+s8+$0x0], $0xffff  }
0x329: {  	v9 =	vadd.s32 $0x2080, v0;
	_ =	sdelay $0x1  }
0x32a: {  	s12 =	sor.u32 $0x15000, s1  }
0x32b: {  	s2 =	sor.u32 s0, s12  }
0x32c: {  	[tilespmem:s2+$0x0] =	vst v1  }
0x32d: {  	v1 =	vld.idx.msk [tilespmem:v9+s8+$0x0], $0xffff  }
0x32e: {  	v10 =	vadd.s32 $0x2100, v0;
	_ =	sdelay $0x1  }
0x32f: {  	s13 =	sor.u32 $0x15080, s1  }
0x330: {  	s2 =	sor.u32 s0, s13  }
0x331: {  	[tilespmem:s2+$0x0] =	vst v1  }
0x332: {  	v1 =	vld.idx.msk [tilespmem:v10+s8+$0x0], $0xffff  }
0x333: {  	v11 =	vadd.s32 $0x2180, v0;
	_ =	sdelay $0x1  }
0x334: {  	s30 =	sor.u32 $0x15100, s1  }
0x335: {  	s14 =	sor.u32 s0, s30  }
0x336: {  	[tilespmem:s14+$0x0] =	vst v1  }
0x337: {  	v1 =	vld.idx.msk [tilespmem:v11+s8+$0x0], $0xffff  }
0x338: {  	v12 =	vadd.s32 $0x2200, v0;
	_ =	sdelay $0x1  }
0x339: {  	s25 =	sor.u32 $0x15180, s1  }
0x33a: {  	s15 =	sor.u32 s0, s25  }
0x33b: {  	[tilespmem:s15+$0x0] =	vst v1  }
0x33c: {  	v1 =	vld.idx.msk [tilespmem:v12+s8+$0x0], $0xffff  }
0x33d: {  	v13 =	vadd.s32 $0x2280, v0;
	_ =	sdelay $0x1  }
0x33e: {  	s14 =	sor.u32 $0x15200, s1  }
0x33f: {  	s16 =	sor.u32 s0, s14  }
0x340: {  	[tilespmem:s16+$0x0] =	vst v1  }
0x341: {  	v1 =	vld.idx.msk [tilespmem:v13+s8+$0x0], $0xffff  }
0x342: {  	v14 =	vadd.s32 $0x2300, v0;
	_ =	sdelay $0x1  }
0x343: {  	[smem:$0x7DE] =	sst s13;
	s13 =	sor.u32 $0x15280, s1  }
0x344: {  	s17 =	sor.u32 s0, s13  }
0x345: {  	[tilespmem:s17+$0x0] =	vst v1  }
0x346: {  	v1 =	vld.idx.msk [tilespmem:v14+s8+$0x0], $0xffff  }
0x347: {  	v15 =	vadd.s32 $0x2380, v0;
	_ =	sdelay $0x1  }
0x348: {  	[smem:$0x7E4] =	sst s9;
	s9 =	sor.u32 $0x15300, s1  }
0x349: {  	s18 =	sor.u32 s0, s9  }
0x34a: {  	[tilespmem:s18+$0x0] =	vst v1  }
0x34b: {  	v1 =	vld.idx.msk [tilespmem:v15+s8+$0x0], $0xffff  }
0x34c: {  	v16 =	vadd.s32 $0x4000, v0;
	_ =	sdelay $0x1  }
0x34d: {  	s10 =	sor.u32 $0x15380, s1  }
0x34e: {  	s20 =	sor.u32 s0, s10  }
0x34f: {  	[tilespmem:s20+$0x0] =	vst v1  }
0x350: {  	v1 =	vld.idx.msk [tilespmem:v16+s8+$0x0], $0xffff  }
0x351: {  	v17 =	vadd.s32 $0x4080, v0;
	_ =	sdelay $0x1  }
0x352: {  	s7 =	sor.u32 $0x16000, s1  }
0x353: {  	s21 =	sor.u32 s0, s7  }
0x354: {  	[tilespmem:s21+$0x0] =	vst v1  }
0x355: {  	v1 =	vld.idx.msk [tilespmem:v17+s8+$0x0], $0xffff  }
0x356: {  	v18 =	vadd.s32 $0x4100, v0;
	_ =	sdelay $0x1  }
0x357: {  	s6 =	sor.u32 $0x16080, s1  }
0x358: {  	s22 =	sor.u32 s0, s6  }
0x359: {  	[tilespmem:s22+$0x0] =	vst v1  }
0x35a: {  	v1 =	vld.idx.msk [tilespmem:v18+s8+$0x0], $0xffff  }
0x35b: {  	v19 =	vadd.s32 $0x4180, v0;
	_ =	sdelay $0x1  }
0x35c: {  	s11 =	sor.u32 $0x16100, s1  }
0x35d: {  	s24 =	sor.u32 s0, s11  }
0x35e: {  	[tilespmem:s24+$0x0] =	vst v1  }
0x35f: {  	v1 =	vld.idx.msk [tilespmem:v19+s8+$0x0], $0xffff  }
0x360: {  	v20 =	vadd.s32 $0x4200, v0;
	_ =	sdelay $0x1  }
0x361: {  	[smem:$0x7E6] =	sst s12;
	s12 =	sor.u32 $0x16180, s1  }
0x362: {  	s26 =	sor.u32 s0, s12  }
0x363: {  	[tilespmem:s26+$0x0] =	vst v1  }
0x364: {  	v1 =	vld.idx.msk [tilespmem:v20+s8+$0x0], $0xffff  }
0x365: {  	v21 =	vadd.s32 $0x4280, v0;
	_ =	sdelay $0x1  }
0x366: {  	s15 =	sor.u32 $0x16200, s1  }
0x367: {  	s28 =	sor.u32 s0, s15  }
0x368: {  	[tilespmem:s28+$0x0] =	vst v1  }
0x369: {  	v1 =	vld.idx.msk [tilespmem:v21+s8+$0x0], $0xffff  }
0x36a: {  	v22 =	vadd.s32 $0x4300, v0;
	_ =	sdelay $0x1  }
0x36b: {  	s16 =	sor.u32 $0x16280, s1  }
0x36c: {  	s31 =	sor.u32 s0, s16  }
0x36d: {  	[tilespmem:s31+$0x0] =	vst v1  }
0x36e: {  	v1 =	vld.idx.msk [tilespmem:v22+s8+$0x0], $0xffff  }
0x36f: {  	v23 =	vadd.s32 $0x4380, v0;
	_ =	sdelay $0x1  }
0x370: {  	s18 =	sor.u32 $0x16300, s1  }
0x371: {  	s4 =	sor.u32 s0, s18  }
0x372: {  	[tilespmem:s4+$0x0] =	vst v1  }
0x373: {  	v1 =	vld.idx.msk [tilespmem:v23+s8+$0x0], $0xffff  }
0x374: {  	v24 =	vadd.s32 $0x6000, v0;
	_ =	sdelay $0x1  }
0x375: {  	s20 =	sor.u32 $0x16380, s1  }
0x376: {  	s17 =	sor.u32 s0, s20  }
0x377: {  	[tilespmem:s17+$0x0] =	vst v1  }
0x378: {  	v1 =	vld.idx.msk [tilespmem:v24+s8+$0x0], $0xffff  }
0x379: {  	v25 =	vadd.s32 $0x6080, v0;
	_ =	sdelay $0x1  }
0x37a: {  	s28 =	sor.u32 $0x17000, s1  }
0x37b: {  	s21 =	sor.u32 s0, s28  }
0x37c: {  	[tilespmem:s21+$0x0] =	vst v1  }
0x37d: {  	v1 =	vld.idx.msk [tilespmem:v25+s8+$0x0], $0xffff  }
0x37e: {  	v26 =	vadd.s32 $0x6100, v0;
	_ =	sdelay $0x1  }
0x37f: {  	s24 =	sor.u32 $0x17080, s1  }
0x380: {  	s22 =	sor.u32 s0, s24  }
0x381: {  	[tilespmem:s22+$0x0] =	vst v1  }
0x382: {  	v1 =	vld.idx.msk [tilespmem:v26+s8+$0x0], $0xffff  }
0x383: {  	v27 =	vadd.s32 $0x6180, v0;
	_ =	sdelay $0x1  }
0x384: {  	s31 =	sor.u32 $0x17100, s1  }
0x385: {  	s26 =	sor.u32 s0, s31  }
0x386: {  	[tilespmem:s26+$0x0] =	vst v1  }
0x387: {  	v1 =	vld.idx.msk [tilespmem:v27+s8+$0x0], $0xffff  }
0x388: {  	v28 =	vadd.s32 $0x6200, v0;
	_ =	sdelay $0x1  }
0x389: {  	s22 =	sor.u32 $0x17180, s1  }
0x38a: {  	s17 =	sor.u32 s0, s22  }
0x38b: {  	[tilespmem:s17+$0x0] =	vst v1  }
0x38c: {  	v1 =	vld.idx.msk [tilespmem:v28+s8+$0x0], $0xffff  }
0x38d: {  	v29 =	vadd.s32 $0x6280, v0;
	_ =	sdelay $0x1  }
0x38e: {  	s21 =	sor.u32 $0x17200, s1  }
0x38f: {  	s4 =	sor.u32 s0, s21  }
0x390: {  	[tilespmem:s4+$0x0] =	vst v1  }
0x391: {  	v1 =	vld.idx.msk [tilespmem:v29+s8+$0x0], $0xffff  }
0x392: {  	v30 =	vadd.s32 $0x6300, v0;
	_ =	sdelay $0x1  }
0x393: {  	s26 =	sor.u32 $0x17280, s1  }
0x394: {  	s4 =	sor.u32 s0, s26  }
0x395: {  	[tilespmem:s4+$0x0] =	vst v1  }
0x396: {  	v1 =	vld.idx.msk [tilespmem:v30+s8+$0x0], $0xffff  }
0x397: {  	v0 =	vadd.s32 $0x6380, v0;
	_ =	sdelay $0x1  }
0x398: {  	[smem:$0x7DF] =	sst s26;
	s26 =	sor.u32 $0x17300, s1  }
0x399: {  	[smem:$0x7E1] =	sst s26;
	s26 =	sor.u32 s0, s26  }
0x39a: {  	[tilespmem:s26+$0x0] =	vst v1  }
0x39b: {  	v0 =	vld.idx.msk [tilespmem:v0+s8+$0x0], $0xffff;
	_ =	sdelay $0x2  }
0x39c: {  	s1 =	sor.u32 $0x17380, s1;
	s26 =	sadd.s32 $0x10, s19  }
0x39d: {  	[smem:$0x7E2] =	sst s1;
	s1 =	sor.u32 s0, s1;
	s0 =	sand.u32 $0x50, s26  }
0x39e: {  	s4 =	sadd.s32 s0, s29;
	[tilespmem:s1+$0x0] =	vst v0  }
0x39f: {  	v0 =	vld [tilespmem:s4+$0x0];
	_ =	sdelay $0x4  }
0x3a0: {  	v31 =	vshll.u32 v0, $0x3  }
0x3a1: {  	v0 =	vand.u32 $0x7F, v0;
	v1 =	vand.u32 $0xFFFFFC00, v31  }
0x3a2: {  	v0 =	vor.u32 v0, v1;
	_ =	sdelay $0x4  }
0x3a3: {  	v1 =	vld.idx.msk [tilespmem:v0+s8+$0x0], $0xffff  }
0x3a4: {  	s2 =	sld [smem:$0x7E4];
	v32 =	vor.u32 $0x80, v0;
	_ =	sdelay $0x2  }
0x3a5: {  	s17 =	sor.u32 s0, s2  }
0x3a6: {  	[tilespmem:s17+$0x0] =	vst v1  }
0x3a7: {  	v1 =	vld.idx.msk [tilespmem:v32+s8+$0x0], $0xffff  }
0x3a8: {  	v33 =	vor.u32 $0x100, v0;
	_ =	sdelay $0x3  }
0x3a9: {  	[tilespmem:s17+$0x80] =	vst v1  }
0x3aa: {  	v1 =	vld.idx.msk [tilespmem:v33+s8+$0x0], $0xffff  }
0x3ab: {  	v34 =	vor.u32 $0x180, v0;
	_ =	sdelay $0x3  }
0x3ac: {  	[tilespmem:s17+$0x100] =	vst v1  }
0x3ad: {  	v1 =	vld.idx.msk [tilespmem:v34+s8+$0x0], $0xffff  }
0x3ae: {  	v35 =	vor.u32 $0x200, v0;
	_ =	sdelay $0x3  }
0x3af: {  	[tilespmem:s17+$0x180] =	vst v1  }
0x3b0: {  	[smem:$0x7E3] =	sst s29;
	s29 =	sand.u32 $0x7, s5;
	v1 =	vld.idx.msk [tilespmem:v35+s8+$0x0], $0xffff  }
0x3b1: {  	s1 =	sshll.u32 s29, $0x4;
	v36 =	vor.u32 $0x280, v0  }
0x3b2: {  	s1 =	sadd.s32 s23, s1  }
0x3b3: {  	[smem:$0x7E5] =	sst s1;
	s1 =	sadd.s32 $0x10, s1  }
0x3b4: {  	s4 =	sor.u32 $0x200, s1  }
0x3b5: {  	[tilespmem:s4+$0x14000] =	vst v1  }
0x3b6: {  	v1 =	vld.idx.msk [tilespmem:v36+s8+$0x0], $0xffff  }
0x3b7: {  	v37 =	vor.u32 $0x300, v0;
	_ =	sdelay $0x2  }
0x3b8: {  	[smem:$0x7E7] =	sst s5;
	s5 =	sor.u32 $0x280, s1  }
0x3b9: {  	[tilespmem:s5+$0x14000] =	vst v1  }
0x3ba: {  	v1 =	vld.idx.msk [tilespmem:v37+s8+$0x0], $0xffff  }
0x3bb: {  	v38 =	vor.u32 $0x380, v0;
	_ =	sdelay $0x2  }
0x3bc: {  	s1 =	sor.u32 $0x300, s1  }
0x3bd: {  	[tilespmem:s1+$0x14000] =	vst v1  }
0x3be: {  	v1 =	vld.idx.msk [tilespmem:v38+s8+$0x0], $0xffff  }
0x3bf: {  	v39 =	vadd.s32 $0x2000, v0;
	_ =	sdelay $0x1  }
0x3c0: {  	s17 =	sor.u32 s26, s23  }
0x3c1: {  	s1 =	sor.u32 $0x380, s17  }
0x3c2: {  	[tilespmem:s1+$0x14000] =	vst v1  }
0x3c3: {  	v1 =	vld.idx.msk [tilespmem:v39+s8+$0x0], $0xffff  }
0x3c4: {  	v40 =	vadd.s32 $0x2080, v0;
	s4 =	sld [smem:$0x7E6];
	_ =	sdelay $0x2  }
0x3c5: {  	s26 =	sor.u32 s0, s4  }
0x3c6: {  	[tilespmem:s26+$0x0] =	vst v1  }
0x3c7: {  	v1 =	vld.idx.msk [tilespmem:v40+s8+$0x0], $0xffff  }
0x3c8: {  	v41 =	vadd.s32 $0x2100, v0;
	s5 =	sld [smem:$0x7DE];
	_ =	sdelay $0x2  }
0x3c9: {  	s29 =	sor.u32 s0, s5  }
0x3ca: {  	[tilespmem:s29+$0x0] =	vst v1  }
0x3cb: {  	v1 =	vld.idx.msk [tilespmem:v41+s8+$0x0], $0xffff  }
0x3cc: {  	v42 =	vadd.s32 $0x2180, v0;
	_ =	sdelay $0x2  }
0x3cd: {  	s17 =	sor.u32 s0, s30  }
0x3ce: {  	[tilespmem:s17+$0x0] =	vst v1  }
0x3cf: {  	v1 =	vld.idx.msk [tilespmem:v42+s8+$0x0], $0xffff  }
0x3d0: {  	v43 =	vadd.s32 $0x2200, v0;
	_ =	sdelay $0x2  }
0x3d1: {  	s26 =	sor.u32 s0, s25  }
0x3d2: {  	[tilespmem:s26+$0x0] =	vst v1  }
0x3d3: {  	v1 =	vld.idx.msk [tilespmem:v43+s8+$0x0], $0xffff  }
0x3d4: {  	v44 =	vadd.s32 $0x2280, v0;
	_ =	sdelay $0x2  }
0x3d5: {  	s29 =	sor.u32 s0, s14  }
0x3d6: {  	[tilespmem:s29+$0x0] =	vst v1  }
0x3d7: {  	v1 =	vld.idx.msk [tilespmem:v44+s8+$0x0], $0xffff  }
0x3d8: {  	v45 =	vadd.s32 $0x2300, v0;
	_ =	sdelay $0x2  }
0x3d9: {  	s17 =	sor.u32 s0, s13  }
0x3da: {  	[tilespmem:s17+$0x0] =	vst v1  }
0x3db: {  	v1 =	vld.idx.msk [tilespmem:v45+s8+$0x0], $0xffff  }
0x3dc: {  	v46 =	vadd.s32 $0x2380, v0;
	_ =	sdelay $0x2  }
0x3dd: {  	s26 =	sor.u32 s0, s9  }
0x3de: {  	[tilespmem:s26+$0x0] =	vst v1  }
0x3df: {  	v1 =	vld.idx.msk [tilespmem:v46+s8+$0x0], $0xffff  }
0x3e0: {  	v47 =	vadd.s32 $0x4000, v0;
	_ =	sdelay $0x2  }
0x3e1: {  	s29 =	sor.u32 s0, s10  }
0x3e2: {  	[tilespmem:s29+$0x0] =	vst v1  }
0x3e3: {  	v1 =	vld.idx.msk [tilespmem:v47+s8+$0x0], $0xffff  }
0x3e4: {  	v48 =	vadd.s32 $0x4080, v0;
	_ =	sdelay $0x2  }
0x3e5: {  	s17 =	sor.u32 s0, s7  }
0x3e6: {  	[tilespmem:s17+$0x0] =	vst v1  }
0x3e7: {  	v1 =	vld.idx.msk [tilespmem:v48+s8+$0x0], $0xffff  }
0x3e8: {  	v49 =	vadd.s32 $0x4100, v0;
	_ =	sdelay $0x2  }
0x3e9: {  	s26 =	sor.u32 s0, s6  }
0x3ea: {  	[tilespmem:s26+$0x0] =	vst v1  }
0x3eb: {  	v1 =	vld.idx.msk [tilespmem:v49+s8+$0x0], $0xffff  }
0x3ec: {  	v50 =	vadd.s32 $0x4180, v0;
	_ =	sdelay $0x2  }
0x3ed: {  	s29 =	sor.u32 s0, s11  }
0x3ee: {  	[tilespmem:s29+$0x0] =	vst v1  }
0x3ef: {  	v1 =	vld.idx.msk [tilespmem:v50+s8+$0x0], $0xffff  }
0x3f0: {  	v51 =	vadd.s32 $0x4200, v0;
	_ =	sdelay $0x2  }
0x3f1: {  	s17 =	sor.u32 s0, s12  }
0x3f2: {  	[tilespmem:s17+$0x0] =	vst v1  }
0x3f3: {  	v1 =	vld.idx.msk [tilespmem:v51+s8+$0x0], $0xffff  }
0x3f4: {  	v52 =	vadd.s32 $0x4280, v0;
	_ =	sdelay $0x2  }
0x3f5: {  	s26 =	sor.u32 s0, s15  }
0x3f6: {  	[tilespmem:s26+$0x0] =	vst v1  }
0x3f7: {  	v1 =	vld.idx.msk [tilespmem:v52+s8+$0x0], $0xffff  }
0x3f8: {  	v53 =	vadd.s32 $0x4300, v0;
	_ =	sdelay $0x2  }
0x3f9: {  	s29 =	sor.u32 s0, s16  }
0x3fa: {  	[tilespmem:s29+$0x0] =	vst v1  }
0x3fb: {  	v1 =	vld.idx.msk [tilespmem:v53+s8+$0x0], $0xffff  }
0x3fc: {  	v54 =	vadd.s32 $0x4380, v0;
	_ =	sdelay $0x2  }
0x3fd: {  	s17 =	sor.u32 s0, s18  }
0x3fe: {  	[tilespmem:s17+$0x0] =	vst v1  }
0x3ff: {  	v1 =	vld.idx.msk [tilespmem:v54+s8+$0x0], $0xffff  }
0x400: {  	v55 =	vadd.s32 $0x6000, v0;
	_ =	sdelay $0x2  }
0x401: {  	s26 =	sor.u32 s0, s20  }
0x402: {  	[tilespmem:s26+$0x0] =	vst v1  }
0x403: {  	v1 =	vld.idx.msk [tilespmem:v55+s8+$0x0], $0xffff  }
0x404: {  	v56 =	vadd.s32 $0x6080, v0;
	_ =	sdelay $0x2  }
0x405: {  	s29 =	sor.u32 s0, s28  }
0x406: {  	[tilespmem:s29+$0x0] =	vst v1  }
0x407: {  	v1 =	vld.idx.msk [tilespmem:v56+s8+$0x0], $0xffff  }
0x408: {  	v57 =	vadd.s32 $0x6100, v0;
	_ =	sdelay $0x2  }
0x409: {  	s17 =	sor.u32 s0, s24  }
0x40a: {  	[tilespmem:s17+$0x0] =	vst v1  }
0x40b: {  	v1 =	vld.idx.msk [tilespmem:v57+s8+$0x0], $0xffff  }
0x40c: {  	v58 =	vadd.s32 $0x6180, v0;
	_ =	sdelay $0x2  }
0x40d: {  	s26 =	sor.u32 s0, s31  }
0x40e: {  	[tilespmem:s26+$0x0] =	vst v1  }
0x40f: {  	v1 =	vld.idx.msk [tilespmem:v58+s8+$0x0], $0xffff  }
0x410: {  	v59 =	vadd.s32 $0x6200, v0;
	_ =	sdelay $0x2  }
0x411: {  	s29 =	sor.u32 s0, s22  }
0x412: {  	[tilespmem:s29+$0x0] =	vst v1  }
0x413: {  	v1 =	vld.idx.msk [tilespmem:v59+s8+$0x0], $0xffff  }
0x414: {  	v60 =	vadd.s32 $0x6280, v0;
	_ =	sdelay $0x2  }
0x415: {  	s17 =	sor.u32 s0, s21  }
0x416: {  	[tilespmem:s17+$0x0] =	vst v1  }
0x417: {  	v1 =	vld.idx.msk [tilespmem:v60+s8+$0x0], $0xffff  }
0x418: {  	v61 =	vadd.s32 $0x6300, v0;
	s17 =	sld [smem:$0x7DF];
	_ =	sdelay $0x2  }
0x419: {  	[smem:$0x7E0] =	sst s21;
	s21 =	sor.u32 s0, s17  }
0x41a: {  	[tilespmem:s21+$0x0] =	vst v1  }
0x41b: {  	v1 =	vld.idx.msk [tilespmem:v61+s8+$0x0], $0xffff  }
0x41c: {  	v0 =	vadd.s32 $0x6380, v0;
	s26 =	sld [smem:$0x7E1];
	_ =	sdelay $0x2  }
0x41d: {  	s1 =	sor.u32 s0, s26  }
0x41e: {  	[tilespmem:s1+$0x0] =	vst v1  }
0x41f: {  	v0 =	vld.idx.msk [tilespmem:v0+s8+$0x0], $0xffff  }
0x420: {  	s29 =	sld [smem:$0x7E2]  }
0x421: {  	s26 =	sld [smem:$0x7E3]  }
0x422: {  	s1 =	sadd.s32 $0x20, s19  }
0x423: {  	s21 =	sor.u32 s0, s29;
	s0 =	sand.u32 $0x60, s1  }
0x424: {  	s29 =	sadd.s32 s0, s26;
	[tilespmem:s21+$0x0] =	vst v0  }
0x425: {  	v0 =	vld [tilespmem:s29+$0x0];
	_ =	sdelay $0x4  }
0x426: {  	v62 =	vshll.u32 v0, $0x3  }
0x427: {  	v0 =	vand.u32 $0x7F, v0;
	v1 =	vand.u32 $0xFFFFFC00, v62  }
0x428: {  	v0 =	vor.u32 v0, v1;
	_ =	sdelay $0x4  }
0x429: {  	v1 =	vld.idx.msk [tilespmem:v0+s8+$0x0], $0xffff  }
0x42a: {  	v63 =	vor.u32 $0x80, v0;
	_ =	sdelay $0x2  }
0x42b: {  	s21 =	sor.u32 s0, s2  }
0x42c: {  	[tilespmem:s21+$0x0] =	vst v1  }
0x42d: {  	v1 =	vld.idx.msk [tilespmem:v63+s8+$0x0], $0xffff  }
0x42e: {  	v4 =	vor.u32 $0x100, v0;
	_ =	sdelay $0x3  }
0x42f: {  	[tilespmem:s21+$0x80] =	vst v1  }
0x430: {  	v1 =	vld.idx.msk [tilespmem:v4+s8+$0x0], $0xffff  }
0x431: {  	v5 =	vor.u32 $0x180, v0;
	_ =	sdelay $0x3  }
0x432: {  	[tilespmem:s21+$0x100] =	vst v1  }
0x433: {  	v1 =	vld.idx.msk [tilespmem:v5+s8+$0x0], $0xffff;
	_ =	sdelay $0x2  }
0x434: {  	v6 =	vor.u32 $0x200, v0;
	_ =	sdelay $0x1  }
0x435: {  	[tilespmem:s21+$0x180] =	vst v1;
	s21 =	sld [smem:$0x7E9];
	_ =	sdelay $0x2  }
0x436: {  	v1 =	vld.idx.msk [tilespmem:v6+s8+$0x0], $0xffff;
	s29 =	sand.u32 $0x3, s21  }
0x437: {  	v7 =	vor.u32 $0x280, v0;
	s26 =	sshll.u32 s29, $0x5  }
0x438: {  	s26 =	sadd.s32 s23, s26  }
0x439: {  	s26 =	sadd.s32 $0x20, s26  }
0x43a: {  	s2 =	sor.u32 $0x200, s26  }
0x43b: {  	[tilespmem:s2+$0x14000] =	vst v1  }
0x43c: {  	v1 =	vld.idx.msk [tilespmem:v7+s8+$0x0], $0xffff  }
0x43d: {  	v8 =	vor.u32 $0x300, v0;
	_ =	sdelay $0x2  }
0x43e: {  	s2 =	sor.u32 $0x280, s26  }
0x43f: {  	[tilespmem:s2+$0x14000] =	vst v1  }
0x440: {  	v1 =	vld.idx.msk [tilespmem:v8+s8+$0x0], $0xffff  }
0x441: {  	v9 =	vor.u32 $0x380, v0;
	_ =	sdelay $0x2  }
0x442: {  	s26 =	sor.u32 $0x300, s26  }
0x443: {  	[tilespmem:s26+$0x14000] =	vst v1  }
0x444: {  	v1 =	vld.idx.msk [tilespmem:v9+s8+$0x0], $0xffff  }
0x445: {  	v10 =	vadd.s32 $0x2000, v0;
	_ =	sdelay $0x1  }
0x446: {  	s1 =	sor.u32 s1, s23  }
0x447: {  	s1 =	sor.u32 $0x380, s1  }
0x448: {  	[tilespmem:s1+$0x14000] =	vst v1  }
0x449: {  	v1 =	vld.idx.msk [tilespmem:v10+s8+$0x0], $0xffff  }
0x44a: {  	v11 =	vadd.s32 $0x2080, v0;
	_ =	sdelay $0x2  }
0x44b: {  	s26 =	sor.u32 s0, s4  }
0x44c: {  	[tilespmem:s26+$0x0] =	vst v1  }
0x44d: {  	v1 =	vld.idx.msk [tilespmem:v11+s8+$0x0], $0xffff  }
0x44e: {  	v12 =	vadd.s32 $0x2100, v0;
	_ =	sdelay $0x2  }
0x44f: {  	s29 =	sor.u32 s0, s5  }
0x450: {  	[tilespmem:s29+$0x0] =	vst v1  }
0x451: {  	v1 =	vld.idx.msk [tilespmem:v12+s8+$0x0], $0xffff  }
0x452: {  	v13 =	vadd.s32 $0x2180, v0;
	_ =	sdelay $0x2  }
0x453: {  	s2 =	sor.u32 s0, s30  }
0x454: {  	[tilespmem:s2+$0x0] =	vst v1  }
0x455: {  	v1 =	vld.idx.msk [tilespmem:v13+s8+$0x0], $0xffff  }
0x456: {  	v14 =	vadd.s32 $0x2200, v0;
	_ =	sdelay $0x2  }
0x457: {  	s4 =	sor.u32 s0, s25  }
0x458: {  	[tilespmem:s4+$0x0] =	vst v1  }
0x459: {  	v1 =	vld.idx.msk [tilespmem:v14+s8+$0x0], $0xffff  }
0x45a: {  	v15 =	vadd.s32 $0x2280, v0;
	_ =	sdelay $0x2  }
0x45b: {  	s26 =	sor.u32 s0, s14  }
0x45c: {  	[tilespmem:s26+$0x0] =	vst v1  }
0x45d: {  	v1 =	vld.idx.msk [tilespmem:v15+s8+$0x0], $0xffff  }
0x45e: {  	v16 =	vadd.s32 $0x2300, v0;
	_ =	sdelay $0x2  }
0x45f: {  	s29 =	sor.u32 s0, s13  }
0x460: {  	[tilespmem:s29+$0x0] =	vst v1  }
0x461: {  	v1 =	vld.idx.msk [tilespmem:v16+s8+$0x0], $0xffff  }
0x462: {  	v17 =	vadd.s32 $0x2380, v0;
	_ =	sdelay $0x2  }
0x463: {  	s2 =	sor.u32 s0, s9  }
0x464: {  	[tilespmem:s2+$0x0] =	vst v1  }
0x465: {  	v1 =	vld.idx.msk [tilespmem:v17+s8+$0x0], $0xffff  }
0x466: {  	v18 =	vadd.s32 $0x4000, v0;
	_ =	sdelay $0x2  }
0x467: {  	s4 =	sor.u32 s0, s10  }
0x468: {  	[tilespmem:s4+$0x0] =	vst v1  }
0x469: {  	v1 =	vld.idx.msk [tilespmem:v18+s8+$0x0], $0xffff  }
0x46a: {  	v19 =	vadd.s32 $0x4080, v0;
	_ =	sdelay $0x2  }
0x46b: {  	s26 =	sor.u32 s0, s7  }
0x46c: {  	[tilespmem:s26+$0x0] =	vst v1  }
0x46d: {  	v1 =	vld.idx.msk [tilespmem:v19+s8+$0x0], $0xffff  }
0x46e: {  	v20 =	vadd.s32 $0x4100, v0;
	_ =	sdelay $0x2  }
0x46f: {  	s29 =	sor.u32 s0, s6  }
0x470: {  	[tilespmem:s29+$0x0] =	vst v1  }
0x471: {  	v1 =	vld.idx.msk [tilespmem:v20+s8+$0x0], $0xffff  }
0x472: {  	v21 =	vadd.s32 $0x4180, v0;
	_ =	sdelay $0x2  }
0x473: {  	s2 =	sor.u32 s0, s11  }
0x474: {  	[tilespmem:s2+$0x0] =	vst v1  }
0x475: {  	v1 =	vld.idx.msk [tilespmem:v21+s8+$0x0], $0xffff  }
0x476: {  	v22 =	vadd.s32 $0x4200, v0;
	_ =	sdelay $0x2  }
0x477: {  	s4 =	sor.u32 s0, s12  }
0x478: {  	[tilespmem:s4+$0x0] =	vst v1  }
0x479: {  	v1 =	vld.idx.msk [tilespmem:v22+s8+$0x0], $0xffff  }
0x47a: {  	v23 =	vadd.s32 $0x4280, v0;
	_ =	sdelay $0x2  }
0x47b: {  	[smem:$0x7E8] =	sst s6;
	s6 =	sor.u32 s0, s15  }
0x47c: {  	[tilespmem:s6+$0x0] =	vst v1  }
0x47d: {  	v1 =	vld.idx.msk [tilespmem:v23+s8+$0x0], $0xffff  }
0x47e: {  	v24 =	vadd.s32 $0x4300, v0;
	_ =	sdelay $0x2  }
0x47f: {  	s26 =	sor.u32 s0, s16  }
0x480: {  	[tilespmem:s26+$0x0] =	vst v1  }
0x481: {  	v1 =	vld.idx.msk [tilespmem:v24+s8+$0x0], $0xffff  }
0x482: {  	v25 =	vadd.s32 $0x4380, v0;
	_ =	sdelay $0x2  }
0x483: {  	s29 =	sor.u32 s0, s18  }
0x484: {  	[tilespmem:s29+$0x0] =	vst v1  }
0x485: {  	v1 =	vld.idx.msk [tilespmem:v25+s8+$0x0], $0xffff  }
0x486: {  	v26 =	vadd.s32 $0x6000, v0;
	_ =	sdelay $0x2  }
0x487: {  	s2 =	sor.u32 s0, s20  }
0x488: {  	[tilespmem:s2+$0x0] =	vst v1  }
0x489: {  	v1 =	vld.idx.msk [tilespmem:v26+s8+$0x0], $0xffff  }
0x48a: {  	v27 =	vadd.s32 $0x6080, v0;
	_ =	sdelay $0x2  }
0x48b: {  	s4 =	sor.u32 s0, s28  }
0x48c: {  	[tilespmem:s4+$0x0] =	vst v1  }
0x48d: {  	v1 =	vld.idx.msk [tilespmem:v27+s8+$0x0], $0xffff  }
0x48e: {  	v28 =	vadd.s32 $0x6100, v0;
	_ =	sdelay $0x2  }
0x48f: {  	s6 =	sor.u32 s0, s24  }
0x490: {  	[tilespmem:s6+$0x0] =	vst v1  }
0x491: {  	v1 =	vld.idx.msk [tilespmem:v28+s8+$0x0], $0xffff  }
0x492: {  	v29 =	vadd.s32 $0x6180, v0;
	_ =	sdelay $0x2  }
0x493: {  	s26 =	sor.u32 s0, s31  }
0x494: {  	[tilespmem:s26+$0x0] =	vst v1  }
0x495: {  	v1 =	vld.idx.msk [tilespmem:v29+s8+$0x0], $0xffff  }
0x496: {  	v30 =	vadd.s32 $0x6200, v0;
	_ =	sdelay $0x2  }
0x497: {  	s29 =	sor.u32 s0, s22  }
0x498: {  	[tilespmem:s29+$0x0] =	vst v1  }
0x499: {  	v1 =	vld.idx.msk [tilespmem:v30+s8+$0x0], $0xffff  }
0x49a: {  	v31 =	vadd.s32 $0x6280, v0;
	s6 =	sld [smem:$0x7E0];
	_ =	sdelay $0x2  }
0x49b: {  	s2 =	sor.u32 s0, s6  }
0x49c: {  	[tilespmem:s2+$0x0] =	vst v1  }
0x49d: {  	v1 =	vld.idx.msk [tilespmem:v31+s8+$0x0], $0xffff  }
0x49e: {  	v32 =	vadd.s32 $0x6300, v0;
	_ =	sdelay $0x2  }
0x49f: {  	s4 =	sor.u32 s0, s17  }
0x4a0: {  	[tilespmem:s4+$0x0] =	vst v1  }
0x4a1: {  	v1 =	vld.idx.msk [tilespmem:v32+s8+$0x0], $0xffff  }
0x4a2: {  	v0 =	vadd.s32 $0x6380, v0;
	s4 =	sld [smem:$0x7E1];
	_ =	sdelay $0x2  }
0x4a3: {  	s26 =	sor.u32 s0, s4  }
0x4a4: {  	[tilespmem:s26+$0x0] =	vst v1  }
0x4a5: {  	v0 =	vld.idx.msk [tilespmem:v0+s8+$0x0], $0xffff  }
0x4a6: {  	s2 =	sld [smem:$0x7E2];
	_ =	sdelay $0x2  }
0x4a7: {  	s29 =	sor.u32 s0, s2  }
0x4a8: {  	[tilespmem:s29+$0x0] =	vst v0;
	s29 =	sld [smem:$0x7E3]  }
0x4a9: {  	s1 =	sadd.s32 $0x30, s19  }
0x4aa: {  	s0 =	sand.u32 $0x70, s1  }
0x4ab: {  	s26 =	sadd.s32 s0, s29  }
0x4ac: {  	v0 =	vld [tilespmem:s26+$0x0];
	_ =	sdelay $0x4  }
0x4ad: {  	v33 =	vshll.u32 v0, $0x3  }
0x4ae: {  	v0 =	vand.u32 $0x7F, v0;
	v1 =	vand.u32 $0xFFFFFC00, v33  }
0x4af: {  	v0 =	vor.u32 v0, v1;
	_ =	sdelay $0x4  }
0x4b0: {  	v1 =	vld.idx.msk [tilespmem:v0+s8+$0x0], $0xffff  }
0x4b1: {  	s29 =	sld [smem:$0x7E4];
	v34 =	vor.u32 $0x80, v0;
	_ =	sdelay $0x2  }
0x4b2: {  	s26 =	sor.u32 s0, s29  }
0x4b3: {  	[tilespmem:s26+$0x0] =	vst v1  }
0x4b4: {  	v1 =	vld.idx.msk [tilespmem:v34+s8+$0x0], $0xffff  }
0x4b5: {  	v35 =	vor.u32 $0x100, v0;
	_ =	sdelay $0x3  }
0x4b6: {  	[tilespmem:s26+$0x80] =	vst v1  }
0x4b7: {  	v1 =	vld.idx.msk [tilespmem:v35+s8+$0x0], $0xffff  }
0x4b8: {  	v36 =	vor.u32 $0x180, v0;
	_ =	sdelay $0x3  }
0x4b9: {  	[tilespmem:s26+$0x100] =	vst v1  }
0x4ba: {  	v1 =	vld.idx.msk [tilespmem:v36+s8+$0x0], $0xffff  }
0x4bb: {  	v37 =	vor.u32 $0x200, v0;
	_ =	sdelay $0x3  }
0x4bc: {  	[tilespmem:s26+$0x180] =	vst v1  }
0x4bd: {  	s29 =	sld [smem:$0x7E5];
	v1 =	vld.idx.msk [tilespmem:v37+s8+$0x0], $0xffff  }
0x4be: {  	v38 =	vor.u32 $0x280, v0;
	_ =	sdelay $0x1  }
0x4bf: {  	s26 =	sadd.s32 $0x30, s29  }
0x4c0: {  	s29 =	sor.u32 $0x200, s26  }
0x4c1: {  	[tilespmem:s29+$0x14000] =	vst v1  }
0x4c2: {  	v1 =	vld.idx.msk [tilespmem:v38+s8+$0x0], $0xffff  }
0x4c3: {  	v39 =	vor.u32 $0x300, v0;
	_ =	sdelay $0x2  }
0x4c4: {  	s29 =	sor.u32 $0x280, s26  }
0x4c5: {  	[tilespmem:s29+$0x14000] =	vst v1  }
0x4c6: {  	v1 =	vld.idx.msk [tilespmem:v39+s8+$0x0], $0xffff  }
0x4c7: {  	v40 =	vor.u32 $0x380, v0;
	_ =	sdelay $0x2  }
0x4c8: {  	s26 =	sor.u32 $0x300, s26  }
0x4c9: {  	[tilespmem:s26+$0x14000] =	vst v1  }
0x4ca: {  	v1 =	vld.idx.msk [tilespmem:v40+s8+$0x0], $0xffff  }
0x4cb: {  	v41 =	vadd.s32 $0x2000, v0;
	_ =	sdelay $0x1  }
0x4cc: {  	s1 =	sor.u32 s1, s23  }
0x4cd: {  	s1 =	sor.u32 $0x380, s1  }
0x4ce: {  	[tilespmem:s1+$0x14000] =	vst v1  }
0x4cf: {  	v1 =	vld.idx.msk [tilespmem:v41+s8+$0x0], $0xffff  }
0x4d0: {  	v42 =	vadd.s32 $0x2080, v0;
	s29 =	sld [smem:$0x7E6];
	_ =	sdelay $0x2  }
0x4d1: {  	s1 =	sor.u32 s0, s29  }
0x4d2: {  	[tilespmem:s1+$0x0] =	vst v1  }
0x4d3: {  	v1 =	vld.idx.msk [tilespmem:v42+s8+$0x0], $0xffff  }
0x4d4: {  	v43 =	vadd.s32 $0x2100, v0;
	_ =	sdelay $0x2  }
0x4d5: {  	s26 =	sor.u32 s0, s5  }
0x4d6: {  	[tilespmem:s26+$0x0] =	vst v1  }
0x4d7: {  	v1 =	vld.idx.msk [tilespmem:v43+s8+$0x0], $0xffff  }
0x4d8: {  	v44 =	vadd.s32 $0x2180, v0;
	_ =	sdelay $0x2  }
0x4d9: {  	s29 =	sor.u32 s0, s30  }
0x4da: {  	[tilespmem:s29+$0x0] =	vst v1  }
0x4db: {  	v1 =	vld.idx.msk [tilespmem:v44+s8+$0x0], $0xffff  }
0x4dc: {  	v45 =	vadd.s32 $0x2200, v0;
	_ =	sdelay $0x2  }
0x4dd: {  	s30 =	sor.u32 s0, s25  }
0x4de: {  	[tilespmem:s30+$0x0] =	vst v1  }
0x4df: {  	v1 =	vld.idx.msk [tilespmem:v45+s8+$0x0], $0xffff  }
0x4e0: {  	v46 =	vadd.s32 $0x2280, v0;
	_ =	sdelay $0x2  }
0x4e1: {  	s25 =	sor.u32 s0, s14  }
0x4e2: {  	[tilespmem:s25+$0x0] =	vst v1  }
0x4e3: {  	v1 =	vld.idx.msk [tilespmem:v46+s8+$0x0], $0xffff  }
0x4e4: {  	v47 =	vadd.s32 $0x2300, v0;
	_ =	sdelay $0x2  }
0x4e5: {  	s26 =	sor.u32 s0, s13  }
0x4e6: {  	[tilespmem:s26+$0x0] =	vst v1  }
0x4e7: {  	v1 =	vld.idx.msk [tilespmem:v47+s8+$0x0], $0xffff  }
0x4e8: {  	v48 =	vadd.s32 $0x2380, v0;
	_ =	sdelay $0x2  }
0x4e9: {  	s29 =	sor.u32 s0, s9  }
0x4ea: {  	[tilespmem:s29+$0x0] =	vst v1  }
0x4eb: {  	v1 =	vld.idx.msk [tilespmem:v48+s8+$0x0], $0xffff  }
0x4ec: {  	v49 =	vadd.s32 $0x4000, v0;
	_ =	sdelay $0x2  }
0x4ed: {  	s30 =	sor.u32 s0, s10  }
0x4ee: {  	[tilespmem:s30+$0x0] =	vst v1  }
0x4ef: {  	v1 =	vld.idx.msk [tilespmem:v49+s8+$0x0], $0xffff  }
0x4f0: {  	v50 =	vadd.s32 $0x4080, v0;
	_ =	sdelay $0x2  }
0x4f1: {  	s9 =	sor.u32 s0, s7  }
0x4f2: {  	[tilespmem:s9+$0x0] =	vst v1  }
0x4f3: {  	v1 =	vld.idx.msk [tilespmem:v50+s8+$0x0], $0xffff  }
0x4f4: {  	v51 =	vadd.s32 $0x4100, v0;
	s10 =	sld [smem:$0x7E8];
	_ =	sdelay $0x2  }
0x4f5: {  	s1 =	sor.u32 s0, s10  }
0x4f6: {  	[tilespmem:s1+$0x0] =	vst v1  }
0x4f7: {  	v1 =	vld.idx.msk [tilespmem:v51+s8+$0x0], $0xffff  }
0x4f8: {  	v52 =	vadd.s32 $0x4180, v0;
	_ =	sdelay $0x2  }
0x4f9: {  	s11 =	sor.u32 s0, s11  }
0x4fa: {  	[tilespmem:s11+$0x0] =	vst v1  }
0x4fb: {  	v1 =	vld.idx.msk [tilespmem:v52+s8+$0x0], $0xffff  }
0x4fc: {  	v53 =	vadd.s32 $0x4200, v0;
	_ =	sdelay $0x2  }
0x4fd: {  	s13 =	sor.u32 s0, s12  }
0x4fe: {  	[tilespmem:s13+$0x0] =	vst v1  }
0x4ff: {  	v1 =	vld.idx.msk [tilespmem:v53+s8+$0x0], $0xffff  }
0x500: {  	v54 =	vadd.s32 $0x4280, v0;
	_ =	sdelay $0x2  }
0x501: {  	s14 =	sor.u32 s0, s15  }
0x502: {  	[tilespmem:s14+$0x0] =	vst v1  }
0x503: {  	v1 =	vld.idx.msk [tilespmem:v54+s8+$0x0], $0xffff  }
0x504: {  	v55 =	vadd.s32 $0x4300, v0;
	_ =	sdelay $0x2  }
0x505: {  	s15 =	sor.u32 s0, s16  }
0x506: {  	[tilespmem:s15+$0x0] =	vst v1  }
0x507: {  	v1 =	vld.idx.msk [tilespmem:v55+s8+$0x0], $0xffff  }
0x508: {  	v56 =	vadd.s32 $0x4380, v0;
	_ =	sdelay $0x2  }
0x509: {  	s16 =	sor.u32 s0, s18  }
0x50a: {  	[tilespmem:s16+$0x0] =	vst v1  }
0x50b: {  	v1 =	vld.idx.msk [tilespmem:v56+s8+$0x0], $0xffff  }
0x50c: {  	v57 =	vadd.s32 $0x6000, v0;
	_ =	sdelay $0x2  }
0x50d: {  	s18 =	sor.u32 s0, s20  }
0x50e: {  	[tilespmem:s18+$0x0] =	vst v1  }
0x50f: {  	v1 =	vld.idx.msk [tilespmem:v57+s8+$0x0], $0xffff  }
0x510: {  	v58 =	vadd.s32 $0x6080, v0;
	_ =	sdelay $0x2  }
0x511: {  	s20 =	sor.u32 s0, s28  }
0x512: {  	[tilespmem:s20+$0x0] =	vst v1  }
0x513: {  	v1 =	vld.idx.msk [tilespmem:v58+s8+$0x0], $0xffff  }
0x514: {  	v59 =	vadd.s32 $0x6100, v0;
	_ =	sdelay $0x2  }
0x515: {  	s25 =	sor.u32 s0, s24  }
0x516: {  	[tilespmem:s25+$0x0] =	vst v1  }
0x517: {  	v1 =	vld.idx.msk [tilespmem:v59+s8+$0x0], $0xffff  }
0x518: {  	v60 =	vadd.s32 $0x6180, v0;
	_ =	sdelay $0x2  }
0x519: {  	s26 =	sor.u32 s0, s31  }
0x51a: {  	[tilespmem:s26+$0x0] =	vst v1  }
0x51b: {  	v1 =	vld.idx.msk [tilespmem:v60+s8+$0x0], $0xffff  }
0x51c: {  	v61 =	vadd.s32 $0x6200, v0;
	_ =	sdelay $0x2  }
0x51d: {  	s28 =	sor.u32 s0, s22  }
0x51e: {  	[tilespmem:s28+$0x0] =	vst v1  }
0x51f: {  	v1 =	vld.idx.msk [tilespmem:v61+s8+$0x0], $0xffff  }
0x520: {  	v62 =	vadd.s32 $0x6280, v0;
	_ =	sdelay $0x2  }
0x521: {  	s29 =	sor.u32 s0, s6  }
0x522: {  	[tilespmem:s29+$0x0] =	vst v1  }
0x523: {  	v1 =	vld.idx.msk [tilespmem:v62+s8+$0x0], $0xffff  }
0x524: {  	v63 =	vadd.s32 $0x6300, v0;
	_ =	sdelay $0x2  }
0x525: {  	s30 =	sor.u32 s0, s17  }
0x526: {  	[tilespmem:s30+$0x0] =	vst v1  }
0x527: {  	v1 =	vld.idx.msk [tilespmem:v63+s8+$0x0], $0xffff  }
0x528: {  	v0 =	vadd.s32 $0x6380, v0;
	_ =	sdelay $0x2  }
0x529: {  	s31 =	sor.u32 s0, s4  }
0x52a: {  	[tilespmem:s31+$0x0] =	vst v1  }
0x52b: {  	p1 =	sne.s32 s23, $0xE00;
	v0 =	vld.idx.msk [tilespmem:v0+s8+$0x0], $0xffff  }
.Ltmp1:
0x52c: {  	_ = 	snop;
	(pc) =	sbr.rel @p1 .LBB2_5-.Ltmp1, $4  }
0x52d: {  	s5 =	sld [smem:$0x7E7]  }
0x52e: {  	s21 =	sadd.s32 $0x2, s21  }
0x52f: {  	p0 =	por !p0, !p0;
	[smem:$0x7E9] =	sst s21;
	s0 =	sor.u32 s0, s2  }
0x530: {  	s19 =	sadd.s32 $0x40, s19;
	s23 =	sadd.s32 $0x200, s23;
	s5 =	sadd.s32 $0x4, s5;
	[tilespmem:s0+$0x0] =	vst v0  }
0x531: {  	s0 =	sld [smem:$0x7FB]  }
0x532: {  	s1 =	sld [smem:$0x7F6];
	_ =	sdelay $0x1  }
0x533: {  	s30 =	simm.s32 $0x1000;
	s31 =	sld [smem:$0x7F7]  }
0x534: {  	s2 =	simm.s32 $0x2000;
	s4 =	simm.s32 $0x14000;
	s0 =	sadd.s32 s1, s0  }
0x535: {  	[hbm4b:s0+s30] =	stream.strided.scatter [tilespmem:s4], [sflag:$0x4], $0x4000, s2, s30, $0x38;
	[tilespmem:$0x1B400] =	vst v63  }
0x536: {  	s4 =	sadd.s32 $0x1, s31  }
0x537: {  	p0 =	sne.s32 s4, $0xD  }
.Ltmp2:
0x538: {  	_ = 	snop;
	(pc) =	sbr.rel @p0 .LBB2_2-.Ltmp2, $1  }
0x539: {  	_ =	sdelay $0x3  }
0x53a: {  	s0 =	simm.s32 $0x3  }
0x53b: {  	_ =	swait.ge [sflag:s0], $0x4000  }
0x53c: {  	[sflag:s0] =	ssyncset.done $0x0  }
0x53d: {  	s1 =	simm.s32 $0x4;
	[sflag:s0] =	ssyncadd.s32 $0xFFFFC000  }
0x53e: {  	_ =	swait.ge [sflag:s1], $0x4000  }
0x53f: {  	s2 =	sld [smem:$0x7F9]  }
0x540: {  	s31 =	sld [smem:$0x7FC];
	_ =	sdelay $0x1  }
0x541: {  	s2 =	sadd.s32 $0x1, s2  }
0x542: {  	p0 =	sne.s32 s2, s31  }
.Ltmp3:
0x543: {  	_ = 	snop;
	(pc) =	sbr.rel @p0 .LBB2_1-.Ltmp3, $3  }
0x544: {  	_ =	sdelay $0x1  }
0x545: {  	[sflag:s1] =	ssyncset.done $0x0  }
0x546: {  	[sflag:s1] =	ssyncadd.s32 $0xFFFFC000  }
0x547: {  	_ =	sfence.sel $0x180000  }
0x548: {  	[bflag:$0x0] =	sbarrier.arrive $0xFFFF  }
0x549: {  	_ =	strace $0x90000047  }
0x54a: {  	s0 =	stileid.u32;
	[bflag:$0x2] =	sbarrier.arrive $0xFFFF  }
0x54b: {  	p0 =	sne.s32 s0, $0x0;
	s0 =	rddreg [dreg:$0x2]  }
0x54c: {  	s0 =	sadd.s32 @!p0 $0x100000, s0  }
0x54d: {  	[sflag:s0] =	ssyncadd.tile.s32 @!p0 $0x1;
	_ =	shalt  }
.Lfunc_end2:
_tile_overlayer_lowered:
.L_overlay_start_2:
0x54e: {  	(tag) =	ssettag $0x2  }
0x54f: {  	s0 =	rddreg [dreg:$0x0];
	s2 =	stileid.u32  }
0x550: {  	s1 =	rddreg [dreg:$0x1];
	p0 =	sne.s32 s2, $0x0  }
0x551: {  	s3 =	rddreg [dreg:$0x2];
	[bflag:$0x3] =	sbarrier.arrive $0xFFFF;
	s2 =	simm.s32 @!p0 $0x1C06  }
0x552: {  	[timem:s3], [sflag:s2] =	dma.local @!p0 [hbm:s0], s1  }
0x553: {  	s0 =	simm.s32 @!p0 $0x6  }
0x554: {  	_ =	swait.ge @!p0 [sflag:s0], s1  }
0x555: {  	s1 =	ssub.s32 @!p0 $0x0, s1;
	[sflag:s0] =	ssyncset.done @!p0 $0x0  }
0x556: {  	[sflag:s0] =	ssyncadd.s32 @!p0 s1  }
0x557: {  	[bflag:$0x3] =	sbarrier.arrive $0xFFFF  }
0x558: {  	_ =	shalt  }

</sc_bundles>
